<compile_context>
chip_gen: v7x
topology: tpu7x:2x2x1
jax: 0.10.2.dev20260603
libtpu: 0.0.44.dev20260713+nightly
codegen_flags: <defaults>
</compile_context>

<pallas_src>
import functools

import jax
import jax.numpy as jnp
from jax import lax
from jax.experimental import pallas as pl
from jax.experimental.pallas import tpu as pltpu
from jax.experimental.pallas import tpu_sc as plsc

B, L, D, F = 16, 512, 256, 256
T = 2048
ROWS = B * T

NC, NS = 2, 16
NW = NC * NS
RPW = ROWS // NW
CH = 64
NCH = RPW // CH
NBUF = 6
PRE = 4
VPC = CH // 16



def _ln_relu(y, scale, bias, ones_col):
    yb = y.astype(jnp.bfloat16)
    s1 = jnp.dot(yb, ones_col, preferred_element_type=jnp.float32)[:, 0:1]
    s2 = jnp.dot(yb * yb, ones_col, preferred_element_type=jnp.float32)[:, 0:1]
    mu = s1 * (1.0 / F)
    var = s2 * (1.0 / F) - mu * mu
    return jnp.maximum((y - mu) * lax.rsqrt(var + 1e-5) * scale + bias, 0.0)


def _conv3(h, w, bias):
    z = jnp.zeros((1, h.shape[1]), h.dtype)
    hprev = jnp.concatenate([z, h[:-1]], axis=0)
    hnext = jnp.concatenate([h[1:], z], axis=0)
    y = (jnp.dot(hprev, w[0], preferred_element_type=jnp.float32)
         + jnp.dot(h, w[1], preferred_element_type=jnp.float32)
         + jnp.dot(hnext, w[2], preferred_element_type=jnp.float32))
    return y + bias


PB = 16


def _pred_body(x_ref, w1_ref, b1_ref, s1_ref, g1_ref, w2_ref, b2_ref, s2_ref,
               g2_ref, lw_ref, lb_ref, out_ref):
    ones_col = jnp.ones((F, 128), jnp.bfloat16)
    for sb in range(PB):
        xb = x_ref[sb].astype(jnp.bfloat16)
        h = _ln_relu(_conv3(xb, w1_ref[...], b1_ref[...]), s1_ref[...],
                     g1_ref[...], ones_col)
        h = _ln_relu(_conv3(h.astype(jnp.bfloat16), w2_ref[...], b2_ref[...]),
                     s2_ref[...], g2_ref[...], ones_col)
        dpo = jnp.dot(h.astype(jnp.bfloat16), lw_ref[...],
                      preferred_element_type=jnp.float32)[:, 0:1]
        dpo = jnp.maximum(dpo + lb_ref[0, 0], 0.0)
        out_ref[sb] = dpo.reshape(1, L)


def _predictor(x, w1, b1, s1, g1, w2, b2, s2, g2, lw, lb):
    full = lambda a: pl.BlockSpec(a.shape, lambda b: (0,) * a.ndim)
    return pl.pallas_call(
        _pred_body,
        grid=(B // PB,),
        in_specs=[pl.BlockSpec((PB, L, D), lambda b: (b, 0, 0)),
                  full(w1), full(b1), full(s1), full(g1),
                  full(w2), full(b2), full(s2), full(g2),
                  full(lw), full(lb)],
        out_specs=pl.BlockSpec((PB, 1, L), lambda b: (b, 0, 0)),
        out_shape=jax.ShapeDtypeStruct((B, 1, L), jnp.float32),
    )(x, w1, b1, s1, g1, w2, b2, s2, g2, lw, lb)



def _sc_body(x_hbm, tgt_hbm, mel_hbm, out_hbm, tgt_v, cum_v, idx_v, mel_v,
             bufa, gsem, ssem):
    wid = lax.axis_index("s") * NC + lax.axis_index("c")
    b = wid // 2
    half = wid % 2
    bufs = lambda i: bufa.at[pl.ds(i * CH, CH)]
    zbuf = bufa.at[pl.ds(NBUF * CH, CH)]
    gsems = lambda i: gsem.at[i]
    ssems = lambda i: ssem.at[i]

    def t_start(cnk):
        return (2 * cnk + half) * CH

    pltpu.sync_copy(tgt_hbm.at[b], tgt_v)
    pltpu.sync_copy(mel_hbm, mel_v)
    mel_last = (mel_v[...][0] - 1).astype(jnp.float32)
    lane = lax.broadcasted_iota(jnp.int32, (16,), 0)

    def cs_body(i, carry):
        v = tgt_v[pl.ds(i * 16, 16)].astype(jnp.float32)
        cum_v[pl.ds(i * 16, 16)] = v
        for s in (1, 2, 4, 8):
            g = plsc.load_gather(cum_v, [jnp.maximum(lane - s, 0) + i * 16])
            v = v + jnp.where(lane >= s, g, 0.0)
            cum_v[pl.ds(i * 16, 16)] = v
        v = v + carry
        cum_v[pl.ds(i * 16, 16)] = v
        return v[15]

    total = lax.fori_loop(0, L // 16, cs_body, jnp.float32(0))

    def n_real(cnk):
        ts = jnp.float32(0) + t_start(cnk).astype(jnp.float32)
        return jnp.where(total > mel_last, jnp.float32(CH),
                         jnp.clip(total - ts, 0.0, jnp.float32(CH))
                         ).astype(jnp.int32)

    def search_chunk(cnk):
        def bs(j, carry):
            te = jnp.minimum(
                (t_start(cnk) + j * 16 + lane).astype(jnp.float32), mel_last)
            lo = jnp.zeros((16,), jnp.int32)
            for h in (256, 128, 64, 32, 16, 8, 4, 2, 1):
                cval = plsc.load_gather(cum_v, [lo + (h - 1)])
                lo = lo + jnp.where(cval <= te, h, 0)
            idx_v[pl.ds(cnk * CH + j * 16, 16)] = jnp.minimum(lo, L - 1) + b * L
            return carry
        lax.fori_loop(0, VPC, bs, 0)

    def gather(cnk, i):
        return pltpu.async_copy(
            x_hbm.at[idx_v.at[pl.ds(cnk * CH, CH)]], bufs(i), gsems(i))

    def out_slice(cnk):
        return out_hbm.at[pl.ds(b * T + t_start(cnk), CH)]

    def zero_tail(buf, zstart):
        def zrow(r, carry):
            for k in range(D // 16):
                buf[r, pl.ds(k * 16, 16)] = jnp.zeros((16,), jnp.float32)
            return carry
        lax.fori_loop(zstart, CH, zrow, 0)

    def wait_store(cnk, i):
        pltpu.make_async_copy(bufs(i), out_slice(cnk), ssems(i)).wait()

    def fetch(cnk, i):
        @pl.when(n_real(cnk) > 0)
        def _():
            search_chunk(cnk)
            gather(cnk, i)

    for cnk in range(PRE):
        fetch(cnk, cnk % NBUF)
    zero_tail(zbuf, 0)

    def step(cnk, carry):
        i = cnk % NBUF
        nxt = cnk + PRE

        @pl.when(nxt < NCH)
        def _():
            prev = nxt - NBUF

            @pl.when(prev >= 0)
            def _():
                wait_store(prev, prev % NBUF)
            fetch(nxt, nxt % NBUF)

        nrc = n_real(cnk)

        @pl.when(nrc > 0)
        def _():
            pltpu.make_async_copy(
                x_hbm.at[idx_v.at[pl.ds(cnk * CH, CH)]], bufs(i),
                gsems(i)).wait()
            zero_tail(bufs(i), nrc)
            pltpu.async_copy(bufs(i), out_slice(cnk), ssems(i))

        @pl.when(nrc <= 0)
        def _():
            pltpu.async_copy(zbuf, out_slice(cnk), ssems(i))
        return carry

    lax.fori_loop(0, NCH, step, 0)
    def drain(cnk, carry):
        wait_store(cnk, cnk % NBUF)
        return carry
    lax.fori_loop(NCH - NBUF, NCH, drain, 0)


@functools.cache
def _make_sc_expand():
    return pl.kernel(
        _sc_body,
        mesh=plsc.VectorSubcoreMesh(core_axis_name="c", subcore_axis_name="s"),
        compiler_params=pltpu.CompilerParams(needs_layout_passes=False,
                                             disable_bounds_checks=True),
        out_type=jax.ShapeDtypeStruct((ROWS, D), jnp.float32),
        scratch_types=[
            pltpu.VMEM((L,), jnp.int32),
            pltpu.VMEM((L,), jnp.float32),
            pltpu.VMEM((RPW,), jnp.int32),
            pltpu.VMEM((16,), jnp.int32),
            pltpu.VMEM(((NBUF + 1) * CH, D), jnp.float32),
            pltpu.SemaphoreType.DMA((NBUF,)),
            pltpu.SemaphoreType.DMA((NBUF,)),
        ],
    )


def _sc_expand(x_flat, tgt_flat, mel16):
    return _make_sc_expand()(x_flat, tgt_flat, mel16)



def kernel(x, alpha, target, mel_max_length, conv1_w, conv1_b, ln1_scale,
           ln1_bias, conv2_w, conv2_b, ln2_scale, ln2_bias, lin_w, lin_b):
    del alpha
    mel16 = jnp.full((16,), mel_max_length, jnp.int32)
    output = _sc_expand(x.reshape(B * L, D), target,
                        mel16).reshape(B, T, D)

    w1 = jnp.transpose(conv1_w, (2, 1, 0)).astype(jnp.bfloat16)
    w2 = jnp.transpose(conv2_w, (2, 1, 0)).astype(jnp.bfloat16)
    lw = jnp.pad(lin_w, ((0, 0), (0, 127))).astype(jnp.bfloat16)
    dpo = _predictor(
        x, w1, conv1_b.reshape(1, F), ln1_scale.reshape(1, F),
        ln1_bias.reshape(1, F), w2, conv2_b.reshape(1, F),
        ln2_scale.reshape(1, F), ln2_bias.reshape(1, F),
        lw, lin_b.reshape(1, 1)).reshape(B, L)
    return output, dpo

# --- scband reference (transcript-rebuilt; emitter-appended) ---
"""Pipeline reference for scband-length-regulator-31671088840716 (READ-ONLY COPY).

The authoritative reference and input builder live on the scoring server;
editing this copy changes nothing except your own understanding.
"""

import jax, jax.numpy as jnp
import numpy as np


def _layer_norm(x, scale, bias, eps=1e-5):
    mu = jnp.mean(x, axis=-1, keepdims=True)
    var = jnp.var(x, axis=-1, keepdims=True)
    return (x - mu) / jnp.sqrt(var + eps) * scale + bias


def _conv1d(x, w, b, pad):
    # x: [B, L, C] -> conv over L. w: [O, I, K]
    y = jax.lax.conv_general_dilated(x.transpose(0, 2, 1), w, (1,), [(pad, pad)],
                                     dimension_numbers=('NCH', 'OIH', 'NCH'))
    return y.transpose(0, 2, 1) + b


def setup_inputs(seed: int = 0) -> dict:
    key = jax.random.key(seed)
    ks = jax.random.split(key, 8)
    B, L, D, F, K = 16, 512, 256, 256, 3
    x = jax.random.normal(ks[0], (B, L, D), dtype=jnp.float32)
    target = jax.random.randint(ks[1], (B, L), 0, 5, dtype=jnp.int64 if jax.config.jax_enable_x64 else jnp.int32)
    return {
        'x': x,
        'alpha': 1,
        'target': target,
        'mel_max_length': 2048,
        'conv1_w': jax.random.normal(ks[2], (F, D, K), jnp.float32) * np.float32(1.0 / np.sqrt(D * K)),
        'conv1_b': jnp.zeros((F,), jnp.float32),
        'ln1_scale': jnp.ones((F,), jnp.float32),
        'ln1_bias': jnp.zeros((F,), jnp.float32),
        'conv2_w': jax.random.normal(ks[3], (F, F, K), jnp.float32) * np.float32(1.0 / np.sqrt(F * K)),
        'conv2_b': jnp.zeros((F,), jnp.float32),
        'ln2_scale': jnp.ones((F,), jnp.float32),
        'ln2_bias': jnp.zeros((F,), jnp.float32),
        'lin_w': jax.random.normal(ks[4], (F, 1), jnp.float32) * np.float32(1.0 / np.sqrt(F)),
        'lin_b': jnp.zeros((1,), jnp.float32),
    }


def reference(x, alpha, target, mel_max_length, conv1_w, conv1_b, ln1_scale, ln1_bias,
              conv2_w, conv2_b, ln2_scale, ln2_bias, lin_w, lin_b):
    # VariancePredictor (eval mode, dropout off): conv -> LN -> relu -> conv -> LN -> relu -> linear -> relu
    h = jax.nn.relu(_layer_norm(_conv1d(x, conv1_w, conv1_b, 1), ln1_scale, ln1_bias))
    h = jax.nn.relu(_layer_norm(_conv1d(h, conv2_w, conv2_b, 1), ln2_scale, ln2_bias))
    duration_predictor_output = jax.nn.relu(h @ lin_w + lin_b)[..., 0]  # [B, L]

    # LR with target durations: build alignment [B, T_mel, L] via cumsum (equivalent to
    # create_alignment loop followed by F.pad to mel_max_length; rows past total duration are 0)
    cum = jnp.cumsum(target, axis=1)          # [B, L] exclusive end
    starts = cum - target                      # [B, L] inclusive start
    t = jnp.minimum(jnp.arange(2048), mel_max_length - 1)[None, :, None]
    alignment = ((t >= starts[:, None, :]) & (t < cum[:, None, :])).astype(x.dtype)  # [B, T, L]
    output = alignment @ x                     # [B, T_mel, D]
    return (output, duration_predictor_output)

if __name__ == "__main__":
    import jax
    _d = setup_inputs()
    print(jax.jit(kernel)(*tuple(_d.values())))

</pallas_src>

<mosaic_0001>
#map = affine_map<(d0, d1) -> (0, 0)>
#map1 = affine_map<(d0, d1) -> (0)>
module attributes {stable_mosaic.version = 14 : i64} {
  func.func @_sc_body(%arg0: i32, %arg1: i32, %arg2: memref<8192x256xf32, #tpu.memory_space<hbm>>, %arg3: memref<16x512xi32, #tpu.memory_space<hbm>>, %arg4: memref<16xi32, #tpu.memory_space<hbm>>, %arg5: memref<32768x256xf32, #tpu.memory_space<hbm>>, %arg6: memref<512xi32, #tpu.memory_space<vmem>>, %arg7: memref<512xf32, #tpu.memory_space<vmem>>, %arg8: memref<1024xi32, #tpu.memory_space<vmem>>, %arg9: memref<16xi32, #tpu.memory_space<vmem>>, %arg10: memref<448x256xf32, #tpu.memory_space<vmem>>, %arg11: memref<6x!tpu.dma_semaphore, #tpu.memory_space<semaphore_mem>>, %arg12: memref<6x!tpu.dma_semaphore, #tpu.memory_space<semaphore_mem>>) attributes {dimension_semantics = [#tpu.dimension_semantics<core_parallel>, #tpu.dimension_semantics<subcore_parallel>], iteration_bounds = array<i64: 2, 16>, scalar_prefetch = 0 : i64, scratch_operands = 7 : i64, tpu.core_type = #tpu.core_type<sc_vector_subcore>, window_params = [{transform_indices = #map}, {transform_indices = #map}, {transform_indices = #map1}, {transform_indices = #map}]} {
    %mul3A = arith.constant 2 : i32
    %mul3A_0 = arith.muli %arg1, %mul3A : i32
    %add3A = arith.addi %mul3A_0, %arg0 : i32
    %jit3A = arith.constant 2 : i32
    %div3A = arith.divsi %add3A, %jit3A : i32
    %sign3A = arith.constant 0 : i32
    %sign3A_1 = arith.cmpi sgt, %add3A, %sign3A : i32
    %sign3A_2 = arith.extui %sign3A_1 : i1 to i32
    %sign3A_3 = arith.constant 0 : i32
    %sign3A_4 = arith.cmpi slt, %add3A, %sign3A_3 : i32
    %sign3A_5 = arith.extui %sign3A_4 : i1 to i32
    %sign3A_6 = arith.subi %sign3A_2, %sign3A_5 : i32
    %sign3A_7 = arith.constant 0 : i32
    %sign3A_8 = arith.cmpi sgt, %jit3A, %sign3A_7 : i32
    %sign3A_9 = arith.extui %sign3A_8 : i1 to i32
    %sign3A_10 = arith.constant 0 : i32
    %sign3A_11 = arith.cmpi slt, %jit3A, %sign3A_10 : i32
    %sign3A_12 = arith.extui %sign3A_11 : i1 to i32
    %sign3A_13 = arith.subi %sign3A_9, %sign3A_12 : i32
    %ne3A = arith.cmpi ne, %sign3A_6, %sign3A_13 : i32
    %rem3A = arith.remsi %add3A, %jit3A : i32
    %ne3A_14 = arith.constant 0 : i32
    %ne3A_15 = arith.cmpi ne, %rem3A, %ne3A_14 : i32
    %and3A = arith.andi %ne3A, %ne3A_15 : i1
    %sub3A = arith.constant 1 : i32
    %sub3A_16 = arith.subi %div3A, %sub3A : i32
    %select_n3A = arith.select %and3A, %sub3A_16, %div3A : i32
    %jit3A_17 = arith.constant 2 : i32
    %eq3A = arith.constant 0 : i32
    %eq3A_18 = arith.cmpi eq, %jit3A_17, %eq3A : i32
    %jit3A_19 = arith.constant 1 : i32
    %select_n3A_20 = arith.select %eq3A_18, %jit3A_19, %jit3A_17 : i32
    %rem3A_21 = arith.remsi %add3A, %select_n3A_20 : i32
    %ne3A_22 = arith.constant 0 : i32
    %ne3A_23 = arith.cmpi ne, %rem3A_21, %ne3A_22 : i32
    %lt3A = arith.constant 0 : i32
    %lt3A_24 = arith.cmpi slt, %rem3A_21, %lt3A : i32
    %lt3A_25 = arith.constant 0 : i32
    %lt3A_26 = arith.cmpi slt, %select_n3A_20, %lt3A_25 : i32
    %ne3A_27 = arith.xori %lt3A_24, %lt3A_26 : i1
    %and3A_28 = arith.andi %ne3A_27, %ne3A_23 : i1
    %add3A_29 = arith.addi %rem3A_21, %select_n3A_20 : i32
    %select_n3A_30 = arith.select %and3A_28, %add3A_29, %rem3A_21 : i32
    "tpu.region"() ({
      %run_scoped3A = tpu.sem_alloc : memref<!tpu.dma_semaphore, #tpu.memory_space<semaphore_mem>>
      %dma_start3A = arith.constant 0 : i32
      %dma_start3A_138 = tpu.memref_slice %arg3[%select_n3A, %dma_start3A] : memref<16x512xi32, #tpu.memory_space<hbm>> -> memref<1x512xi32, #tpu.memory_space<hbm>>
      %dma_start3A_139 = tpu.memref_squeeze %dma_start3A_138 : memref<1x512xi32, #tpu.memory_space<hbm>> -> memref<512xi32, #tpu.memory_space<hbm>>
      %dma_start3A_140 = arith.constant 0 : i32
      %dma_start3A_141 = tpu.memref_slice %arg3[%select_n3A, %dma_start3A_140] : memref<16x512xi32, #tpu.memory_space<hbm>> -> memref<1x512xi32, #tpu.memory_space<hbm>>
      %dma_start3A_142 = tpu.memref_squeeze %dma_start3A_141 : memref<1x512xi32, #tpu.memory_space<hbm>> -> memref<512xi32, #tpu.memory_space<hbm>>
      tpu.enqueue_dma source(%dma_start3A_142 : memref<512xi32, #tpu.memory_space<hbm>>) target(%arg6 : memref<512xi32, #tpu.memory_space<vmem>>) target_semaphore(%run_scoped3A : memref<!tpu.dma_semaphore, #tpu.memory_space<semaphore_mem>>)
      %dma_wait3A = arith.constant 0 : i32
      %dma_wait3A_143 = tpu.memref_slice %arg3[%select_n3A, %dma_wait3A] : memref<16x512xi32, #tpu.memory_space<hbm>> -> memref<1x512xi32, #tpu.memory_space<hbm>>
      %dma_wait3A_144 = tpu.memref_squeeze %dma_wait3A_143 : memref<1x512xi32, #tpu.memory_space<hbm>> -> memref<512xi32, #tpu.memory_space<hbm>>
      %dma_wait3A_145 = arith.constant 0 : i32
      %dma_wait3A_146 = tpu.memref_slice %arg3[%select_n3A, %dma_wait3A_145] : memref<16x512xi32, #tpu.memory_space<hbm>> -> memref<1x512xi32, #tpu.memory_space<hbm>>
      %dma_wait3A_147 = tpu.memref_squeeze %dma_wait3A_146 : memref<1x512xi32, #tpu.memory_space<hbm>> -> memref<512xi32, #tpu.memory_space<hbm>>
      tpu.wait_dma2 semaphore(%run_scoped3A : memref<!tpu.dma_semaphore, #tpu.memory_space<semaphore_mem>>) src(%dma_wait3A_147 : memref<512xi32, #tpu.memory_space<hbm>>) dst(%arg6 : memref<512xi32, #tpu.memory_space<vmem>>)
      tpu.yield
    }) : () -> ()
    "tpu.region"() ({
      %run_scoped3A = tpu.sem_alloc : memref<!tpu.dma_semaphore, #tpu.memory_space<semaphore_mem>>
      tpu.enqueue_dma source(%arg4 : memref<16xi32, #tpu.memory_space<hbm>>) target(%arg9 : memref<16xi32, #tpu.memory_space<vmem>>) target_semaphore(%run_scoped3A : memref<!tpu.dma_semaphore, #tpu.memory_space<semaphore_mem>>)
      tpu.wait_dma2 semaphore(%run_scoped3A : memref<!tpu.dma_semaphore, #tpu.memory_space<semaphore_mem>>) src(%arg4 : memref<16xi32, #tpu.memory_space<hbm>>) dst(%arg9 : memref<16xi32, #tpu.memory_space<vmem>>)
      tpu.yield
    }) : () -> ()
    %get3A = arith.constant 0 : index
    %get3A_31 = tpu.vector_load %arg9[%get3A] {strides = array<i32>} : memref<16xi32, #tpu.memory_space<vmem>>, vector<16xi32>,
    %slice3A = vector.extract_strided_slice %get3A_31 {offsets = [0], sizes = [1], strides = [1]} : vector<16xi32> to vector<1xi32>
    %squeeze3A = vector.extract %slice3A[0] : i32 from vector<1xi32>
    %sub3A_32 = arith.constant 1 : i32
    %sub3A_33 = arith.subi %squeeze3A, %sub3A_32 : i32
    %convert_element_type3A = arith.sitofp %sub3A_33 : i32 to f32
    %iota3A = tpu.iota {dimensions = array<i32: 0>} : vector<16xi32>
    %scan3A = arith.constant 0.000000e+00 : f32
    %scan3A_34 = arith.constant 0 : i32
    %scan3A_35 = arith.constant 32 : i32
    %scan3A_36 = arith.addi %scan3A_34, %scan3A_35 : i32
    %scan3A_37 = arith.constant 1 : i32
    %scan3A_38 = scf.for %scan3A_138 = %scan3A_34 to %scan3A_36 step %scan3A_37 iter_args(%scan3A_139 = %scan3A) -> (f32)  : i32 {
      %mul3A_140 = arith.constant 16 : i32
      %mul3A_141 = arith.muli %scan3A_138, %mul3A_140 : i32
      %get3A_142 = arith.index_cast %mul3A_141 : i32 to index
      %get3A_143 = tpu.vector_load %arg6[%get3A_142] {strides = array<i32>} : memref<512xi32, #tpu.memory_space<vmem>>, vector<16xi32>,
      %convert_element_type3A_144 = arith.sitofp %get3A_143 : vector<16xi32> to vector<16xf32>
      %mul3A_145 = arith.constant 16 : i32
      %mul3A_146 = arith.muli %scan3A_138, %mul3A_145 : i32
      %swap3A = arith.index_cast %mul3A_146 : i32 to index
      %swap3A_147 = tpu.vector_load %arg7[%swap3A] {strides = array<i32>} : memref<512xf32, #tpu.memory_space<vmem>>, vector<16xf32>,
      tpu.vector_store %arg7[%swap3A], %convert_element_type3A_144 {strides = array<i32>} : memref<512xf32, #tpu.memory_space<vmem>>, vector<16xf32>,
      %sub3A_148 = arith.constant 1 : i32
      %sub3A_149 = vector.broadcast %sub3A_148 : i32 to vector<16xi32>
      %sub3A_150 = arith.subi %iota3A, %sub3A_149 : vector<16xi32>
      %max3A_151 = arith.constant 0 : i32
      %max3A_152 = vector.broadcast %max3A_151 : i32 to vector<16xi32>
      %max3A_153 = arith.maxsi %sub3A_150, %max3A_152 : vector<16xi32>
      %mul3A_154 = arith.constant 16 : i32
      %mul3A_155 = arith.muli %scan3A_138, %mul3A_154 : i32
      %add3A_156 = vector.broadcast %mul3A_155 : i32 to vector<16xi32>
      %add3A_157 = arith.addi %max3A_153, %add3A_156 : vector<16xi32>
      %gather3A = tpu.vector_load_idx %arg7[%add3A_157] : memref<512xf32, #tpu.memory_space<vmem>>[vector<16xi32>], vector<16xf32>,
      %ge3A = arith.constant 1 : i32
      %ge3A_158 = vector.broadcast %ge3A : i32 to vector<16xi32>
      %ge3A_159 = arith.cmpi sge, %iota3A, %ge3A_158 : vector<16xi32>
      %jit3A_160 = arith.constant 0.000000e+00 : f32
      %broadcast_in_dim3A = vector.broadcast %jit3A_160 : f32 to vector<16xf32>
      %select_n3A_161 = arith.select %ge3A_159, %gather3A, %broadcast_in_dim3A : vector<16xi1>, vector<16xf32>
      %add3A_162 = arith.addf %convert_element_type3A_144, %select_n3A_161 : vector<16xf32>
      %mul3A_163 = arith.constant 16 : i32
      %mul3A_164 = arith.muli %scan3A_138, %mul3A_163 : i32
      %swap3A_165 = arith.index_cast %mul3A_164 : i32 to index
      %swap3A_166 = tpu.vector_load %arg7[%swap3A_165] {strides = array<i32>} : memref<512xf32, #tpu.memory_space<vmem>>, vector<16xf32>,
      tpu.vector_store %arg7[%swap3A_165], %add3A_162 {strides = array<i32>} : memref<512xf32, #tpu.memory_space<vmem>>, vector<16xf32>,
      %sub3A_167 = arith.constant 2 : i32
      %sub3A_168 = vector.broadcast %sub3A_167 : i32 to vector<16xi32>
      %sub3A_169 = arith.subi %iota3A, %sub3A_168 : vector<16xi32>
      %max3A_170 = arith.constant 0 : i32
      %max3A_171 = vector.broadcast %max3A_170 : i32 to vector<16xi32>
      %max3A_172 = arith.maxsi %sub3A_169, %max3A_171 : vector<16xi32>
      %mul3A_173 = arith.constant 16 : i32
      %mul3A_174 = arith.muli %scan3A_138, %mul3A_173 : i32
      %add3A_175 = vector.broadcast %mul3A_174 : i32 to vector<16xi32>
      %add3A_176 = arith.addi %max3A_172, %add3A_175 : vector<16xi32>
      %gather3A_177 = tpu.vector_load_idx %arg7[%add3A_176] : memref<512xf32, #tpu.memory_space<vmem>>[vector<16xi32>], vector<16xf32>,
      %ge3A_178 = arith.constant 2 : i32
      %ge3A_179 = vector.broadcast %ge3A_178 : i32 to vector<16xi32>
      %ge3A_180 = arith.cmpi sge, %iota3A, %ge3A_179 : vector<16xi32>
      %jit3A_181 = arith.constant 0.000000e+00 : f32
      %broadcast_in_dim3A_182 = vector.broadcast %jit3A_181 : f32 to vector<16xf32>
      %select_n3A_183 = arith.select %ge3A_180, %gather3A_177, %broadcast_in_dim3A_182 : vector<16xi1>, vector<16xf32>
      %add3A_184 = arith.addf %add3A_162, %select_n3A_183 : vector<16xf32>
      %mul3A_185 = arith.constant 16 : i32
      %mul3A_186 = arith.muli %scan3A_138, %mul3A_185 : i32
      %swap3A_187 = arith.index_cast %mul3A_186 : i32 to index
      %swap3A_188 = tpu.vector_load %arg7[%swap3A_187] {strides = array<i32>} : memref<512xf32, #tpu.memory_space<vmem>>, vector<16xf32>,
      tpu.vector_store %arg7[%swap3A_187], %add3A_184 {strides = array<i32>} : memref<512xf32, #tpu.memory_space<vmem>>, vector<16xf32>,
      %sub3A_189 = arith.constant 4 : i32
      %sub3A_190 = vector.broadcast %sub3A_189 : i32 to vector<16xi32>
      %sub3A_191 = arith.subi %iota3A, %sub3A_190 : vector<16xi32>
      %max3A_192 = arith.constant 0 : i32
      %max3A_193 = vector.broadcast %max3A_192 : i32 to vector<16xi32>
      %max3A_194 = arith.maxsi %sub3A_191, %max3A_193 : vector<16xi32>
      %mul3A_195 = arith.constant 16 : i32
      %mul3A_196 = arith.muli %scan3A_138, %mul3A_195 : i32
      %add3A_197 = vector.broadcast %mul3A_196 : i32 to vector<16xi32>
      %add3A_198 = arith.addi %max3A_194, %add3A_197 : vector<16xi32>
      %gather3A_199 = tpu.vector_load_idx %arg7[%add3A_198] : memref<512xf32, #tpu.memory_space<vmem>>[vector<16xi32>], vector<16xf32>,
      %ge3A_200 = arith.constant 4 : i32
      %ge3A_201 = vector.broadcast %ge3A_200 : i32 to vector<16xi32>
      %ge3A_202 = arith.cmpi sge, %iota3A, %ge3A_201 : vector<16xi32>
      %jit3A_203 = arith.constant 0.000000e+00 : f32
      %broadcast_in_dim3A_204 = vector.broadcast %jit3A_203 : f32 to vector<16xf32>
      %select_n3A_205 = arith.select %ge3A_202, %gather3A_199, %broadcast_in_dim3A_204 : vector<16xi1>, vector<16xf32>
      %add3A_206 = arith.addf %add3A_184, %select_n3A_205 : vector<16xf32>
      %mul3A_207 = arith.constant 16 : i32
      %mul3A_208 = arith.muli %scan3A_138, %mul3A_207 : i32
      %swap3A_209 = arith.index_cast %mul3A_208 : i32 to index
      %swap3A_210 = tpu.vector_load %arg7[%swap3A_209] {strides = array<i32>} : memref<512xf32, #tpu.memory_space<vmem>>, vector<16xf32>,
      tpu.vector_store %arg7[%swap3A_209], %add3A_206 {strides = array<i32>} : memref<512xf32, #tpu.memory_space<vmem>>, vector<16xf32>,
      %sub3A_211 = arith.constant 8 : i32
      %sub3A_212 = vector.broadcast %sub3A_211 : i32 to vector<16xi32>
      %sub3A_213 = arith.subi %iota3A, %sub3A_212 : vector<16xi32>
      %max3A_214 = arith.constant 0 : i32
      %max3A_215 = vector.broadcast %max3A_214 : i32 to vector<16xi32>
      %max3A_216 = arith.maxsi %sub3A_213, %max3A_215 : vector<16xi32>
      %mul3A_217 = arith.constant 16 : i32
      %mul3A_218 = arith.muli %scan3A_138, %mul3A_217 : i32
      %add3A_219 = vector.broadcast %mul3A_218 : i32 to vector<16xi32>
      %add3A_220 = arith.addi %max3A_216, %add3A_219 : vector<16xi32>
      %gather3A_221 = tpu.vector_load_idx %arg7[%add3A_220] : memref<512xf32, #tpu.memory_space<vmem>>[vector<16xi32>], vector<16xf32>,
      %ge3A_222 = arith.constant 8 : i32
      %ge3A_223 = vector.broadcast %ge3A_222 : i32 to vector<16xi32>
      %ge3A_224 = arith.cmpi sge, %iota3A, %ge3A_223 : vector<16xi32>
      %jit3A_225 = arith.constant 0.000000e+00 : f32
      %broadcast_in_dim3A_226 = vector.broadcast %jit3A_225 : f32 to vector<16xf32>
      %select_n3A_227 = arith.select %ge3A_224, %gather3A_221, %broadcast_in_dim3A_226 : vector<16xi1>, vector<16xf32>
      %add3A_228 = arith.addf %add3A_206, %select_n3A_227 : vector<16xf32>
      %mul3A_229 = arith.constant 16 : i32
      %mul3A_230 = arith.muli %scan3A_138, %mul3A_229 : i32
      %swap3A_231 = arith.index_cast %mul3A_230 : i32 to index
      %swap3A_232 = tpu.vector_load %arg7[%swap3A_231] {strides = array<i32>} : memref<512xf32, #tpu.memory_space<vmem>>, vector<16xf32>,
      tpu.vector_store %arg7[%swap3A_231], %add3A_228 {strides = array<i32>} : memref<512xf32, #tpu.memory_space<vmem>>, vector<16xf32>,
      %add3A_233 = vector.broadcast %scan3A_139 : f32 to vector<16xf32>
      %add3A_234 = arith.addf %add3A_228, %add3A_233 : vector<16xf32>
      %mul3A_235 = arith.constant 16 : i32
      %mul3A_236 = arith.muli %scan3A_138, %mul3A_235 : i32
      %swap3A_237 = arith.index_cast %mul3A_236 : i32 to index
      %swap3A_238 = tpu.vector_load %arg7[%swap3A_237] {strides = array<i32>} : memref<512xf32, #tpu.memory_space<vmem>>, vector<16xf32>,
      tpu.vector_store %arg7[%swap3A_237], %add3A_234 {strides = array<i32>} : memref<512xf32, #tpu.memory_space<vmem>>, vector<16xf32>,
      %slice3A_239 = vector.extract_strided_slice %add3A_234 {offsets = [15], sizes = [1], strides = [1]} : vector<16xf32> to vector<1xf32>
      %squeeze3A_240 = vector.extract %slice3A_239[0] : f32 from vector<1xf32>
      scf.yield %squeeze3A_240 : f32
    }
    %scan3A_39 = arith.constant 32 : i32
    %add3A_40 = arith.constant 0 : i32
    %add3A_41 = arith.addi %add3A_40, %select_n3A_30 : i32
    %mul3A_42 = arith.constant 64 : i32
    %mul3A_43 = arith.muli %add3A_41, %mul3A_42 : i32
    %convert_element_type3A_44 = arith.sitofp %mul3A_43 : i32 to f32
    %add3A_45 = arith.constant 0.000000e+00 : f32
    %add3A_46 = arith.addf %add3A_45, %convert_element_type3A_44 : f32
    %gt3A = arith.cmpf ogt, %scan3A_38, %convert_element_type3A : f32
    %sub3A_47 = arith.subf %scan3A_38, %add3A_46 : f32
    %jit3A_48 = arith.constant 0.000000e+00 : f32
    %jit3A_49 = arith.constant 6.400000e+01 : f32
    %max3A = arith.maximumf %jit3A_48, %sub3A_47 : f32
    %min3A = arith.minimumf %jit3A_49, %max3A : f32
    %jit3A_50 = arith.constant 6.400000e+01 : f32
    %select_n3A_51 = arith.select %gt3A, %jit3A_50, %min3A : f32
    %convert_element_type3A_52 = arith.fptosi %select_n3A_51 : f32 to i32
    %gt3A_53 = arith.constant 0 : i32
    %gt3A_54 = arith.cmpi sgt, %convert_element_type3A_52, %gt3A_53 : i32
    %convert_element_type3A_55 = arith.extui %gt3A_54 : i1 to i32
    %cond3A = arith.constant 0 : i32
    %cond3A_56 = arith.cmpi ne, %convert_element_type3A_55, %cond3A : i32
    scf.if %cond3A_56 {
      %scan3A_138 = arith.constant 0 : i32
      %scan3A_139 = arith.constant 0 : i32
      %scan3A_140 = arith.constant 4 : i32
      %scan3A_141 = arith.addi %scan3A_139, %scan3A_140 : i32
      %scan3A_142 = arith.constant 1 : i32
      scf.for %scan3A_154 = %scan3A_139 to %scan3A_141 step %scan3A_142  : i32 {
        %add3A_155 = arith.constant 0 : i32
        %add3A_156 = arith.addi %add3A_155, %select_n3A_30 : i32
        %mul3A_157 = arith.constant 64 : i32
        %mul3A_158 = arith.muli %add3A_156, %mul3A_157 : i32
        %mul3A_159 = arith.constant 16 : i32
        %mul3A_160 = arith.muli %scan3A_154, %mul3A_159 : i32
        %add3A_161 = arith.addi %mul3A_158, %mul3A_160 : i32
        %add3A_162 = vector.broadcast %add3A_161 : i32 to vector<16xi32>
        %add3A_163 = arith.addi %add3A_162, %iota3A : vector<16xi32>
        %convert_element_type3A_164 = arith.sitofp %add3A_163 : vector<16xi32> to vector<16xf32>
        %min3A_165 = vector.broadcast %convert_element_type3A : f32 to vector<16xf32>
        %min3A_166 = arith.minimumf %convert_element_type3A_164, %min3A_165 : vector<16xf32>
        %broadcast_in_dim3A = arith.constant 0 : i32
        %broadcast_in_dim3A_167 = vector.broadcast %broadcast_in_dim3A : i32 to vector<16xi32>
        %add3A_168 = arith.constant 255 : i32
        %add3A_169 = vector.broadcast %add3A_168 : i32 to vector<16xi32>
        %add3A_170 = arith.addi %broadcast_in_dim3A_167, %add3A_169 : vector<16xi32>
        %gather3A = tpu.vector_load_idx %arg7[%add3A_170] : memref<512xf32, #tpu.memory_space<vmem>>[vector<16xi32>], vector<16xf32>,
        %le3A = arith.cmpf ole, %gather3A, %min3A_166 : vector<16xf32>
        %jit3A_171 = arith.constant 256 : i32
        %jit3A_172 = arith.constant 0 : i32
        %broadcast_in_dim3A_173 = vector.broadcast %jit3A_171 : i32 to vector<16xi32>
        %broadcast_in_dim3A_174 = vector.broadcast %jit3A_172 : i32 to vector<16xi32>
        %select_n3A_175 = arith.select %le3A, %broadcast_in_dim3A_173, %broadcast_in_dim3A_174 : vector<16xi1>, vector<16xi32>
        %add3A_176 = arith.addi %broadcast_in_dim3A_167, %select_n3A_175 : vector<16xi32>
        %add3A_177 = arith.constant 127 : i32
        %add3A_178 = vector.broadcast %add3A_177 : i32 to vector<16xi32>
        %add3A_179 = arith.addi %add3A_176, %add3A_178 : vector<16xi32>
        %gather3A_180 = tpu.vector_load_idx %arg7[%add3A_179] : memref<512xf32, #tpu.memory_space<vmem>>[vector<16xi32>], vector<16xf32>,
        %le3A_181 = arith.cmpf ole, %gather3A_180, %min3A_166 : vector<16xf32>
        %jit3A_182 = arith.constant 128 : i32
        %jit3A_183 = arith.constant 0 : i32
        %broadcast_in_dim3A_184 = vector.broadcast %jit3A_182 : i32 to vector<16xi32>
        %broadcast_in_dim3A_185 = vector.broadcast %jit3A_183 : i32 to vector<16xi32>
        %select_n3A_186 = arith.select %le3A_181, %broadcast_in_dim3A_184, %broadcast_in_dim3A_185 : vector<16xi1>, vector<16xi32>
        %add3A_187 = arith.addi %add3A_176, %select_n3A_186 : vector<16xi32>
        %add3A_188 = arith.constant 63 : i32
        %add3A_189 = vector.broadcast %add3A_188 : i32 to vector<16xi32>
        %add3A_190 = arith.addi %add3A_187, %add3A_189 : vector<16xi32>
        %gather3A_191 = tpu.vector_load_idx %arg7[%add3A_190] : memref<512xf32, #tpu.memory_space<vmem>>[vector<16xi32>], vector<16xf32>,
        %le3A_192 = arith.cmpf ole, %gather3A_191, %min3A_166 : vector<16xf32>
        %jit3A_193 = arith.constant 64 : i32
        %jit3A_194 = arith.constant 0 : i32
        %broadcast_in_dim3A_195 = vector.broadcast %jit3A_193 : i32 to vector<16xi32>
        %broadcast_in_dim3A_196 = vector.broadcast %jit3A_194 : i32 to vector<16xi32>
        %select_n3A_197 = arith.select %le3A_192, %broadcast_in_dim3A_195, %broadcast_in_dim3A_196 : vector<16xi1>, vector<16xi32>
        %add3A_198 = arith.addi %add3A_187, %select_n3A_197 : vector<16xi32>
        %add3A_199 = arith.constant 31 : i32
        %add3A_200 = vector.broadcast %add3A_199 : i32 to vector<16xi32>
        %add3A_201 = arith.addi %add3A_198, %add3A_200 : vector<16xi32>
        %gather3A_202 = tpu.vector_load_idx %arg7[%add3A_201] : memref<512xf32, #tpu.memory_space<vmem>>[vector<16xi32>], vector<16xf32>,
        %le3A_203 = arith.cmpf ole, %gather3A_202, %min3A_166 : vector<16xf32>
        %jit3A_204 = arith.constant 32 : i32
        %jit3A_205 = arith.constant 0 : i32
        %broadcast_in_dim3A_206 = vector.broadcast %jit3A_204 : i32 to vector<16xi32>
        %broadcast_in_dim3A_207 = vector.broadcast %jit3A_205 : i32 to vector<16xi32>
        %select_n3A_208 = arith.select %le3A_203, %broadcast_in_dim3A_206, %broadcast_in_dim3A_207 : vector<16xi1>, vector<16xi32>
        %add3A_209 = arith.addi %add3A_198, %select_n3A_208 : vector<16xi32>
        %add3A_210 = arith.constant 15 : i32
        %add3A_211 = vector.broadcast %add3A_210 : i32 to vector<16xi32>
        %add3A_212 = arith.addi %add3A_209, %add3A_211 : vector<16xi32>
        %gather3A_213 = tpu.vector_load_idx %arg7[%add3A_212] : memref<512xf32, #tpu.memory_space<vmem>>[vector<16xi32>], vector<16xf32>,
        %le3A_214 = arith.cmpf ole, %gather3A_213, %min3A_166 : vector<16xf32>
        %jit3A_215 = arith.constant 16 : i32
        %jit3A_216 = arith.constant 0 : i32
        %broadcast_in_dim3A_217 = vector.broadcast %jit3A_215 : i32 to vector<16xi32>
        %broadcast_in_dim3A_218 = vector.broadcast %jit3A_216 : i32 to vector<16xi32>
        %select_n3A_219 = arith.select %le3A_214, %broadcast_in_dim3A_217, %broadcast_in_dim3A_218 : vector<16xi1>, vector<16xi32>
        %add3A_220 = arith.addi %add3A_209, %select_n3A_219 : vector<16xi32>
        %add3A_221 = arith.constant 7 : i32
        %add3A_222 = vector.broadcast %add3A_221 : i32 to vector<16xi32>
        %add3A_223 = arith.addi %add3A_220, %add3A_222 : vector<16xi32>
        %gather3A_224 = tpu.vector_load_idx %arg7[%add3A_223] : memref<512xf32, #tpu.memory_space<vmem>>[vector<16xi32>], vector<16xf32>,
        %le3A_225 = arith.cmpf ole, %gather3A_224, %min3A_166 : vector<16xf32>
        %jit3A_226 = arith.constant 8 : i32
        %jit3A_227 = arith.constant 0 : i32
        %broadcast_in_dim3A_228 = vector.broadcast %jit3A_226 : i32 to vector<16xi32>
        %broadcast_in_dim3A_229 = vector.broadcast %jit3A_227 : i32 to vector<16xi32>
        %select_n3A_230 = arith.select %le3A_225, %broadcast_in_dim3A_228, %broadcast_in_dim3A_229 : vector<16xi1>, vector<16xi32>
        %add3A_231 = arith.addi %add3A_220, %select_n3A_230 : vector<16xi32>
        %add3A_232 = arith.constant 3 : i32
        %add3A_233 = vector.broadcast %add3A_232 : i32 to vector<16xi32>
        %add3A_234 = arith.addi %add3A_231, %add3A_233 : vector<16xi32>
        %gather3A_235 = tpu.vector_load_idx %arg7[%add3A_234] : memref<512xf32, #tpu.memory_space<vmem>>[vector<16xi32>], vector<16xf32>,
        %le3A_236 = arith.cmpf ole, %gather3A_235, %min3A_166 : vector<16xf32>
        %jit3A_237 = arith.constant 4 : i32
        %jit3A_238 = arith.constant 0 : i32
        %broadcast_in_dim3A_239 = vector.broadcast %jit3A_237 : i32 to vector<16xi32>
        %broadcast_in_dim3A_240 = vector.broadcast %jit3A_238 : i32 to vector<16xi32>
        %select_n3A_241 = arith.select %le3A_236, %broadcast_in_dim3A_239, %broadcast_in_dim3A_240 : vector<16xi1>, vector<16xi32>
        %add3A_242 = arith.addi %add3A_231, %select_n3A_241 : vector<16xi32>
        %add3A_243 = arith.constant 1 : i32
        %add3A_244 = vector.broadcast %add3A_243 : i32 to vector<16xi32>
        %add3A_245 = arith.addi %add3A_242, %add3A_244 : vector<16xi32>
        %gather3A_246 = tpu.vector_load_idx %arg7[%add3A_245] : memref<512xf32, #tpu.memory_space<vmem>>[vector<16xi32>], vector<16xf32>,
        %le3A_247 = arith.cmpf ole, %gather3A_246, %min3A_166 : vector<16xf32>
        %jit3A_248 = arith.constant 2 : i32
        %jit3A_249 = arith.constant 0 : i32
        %broadcast_in_dim3A_250 = vector.broadcast %jit3A_248 : i32 to vector<16xi32>
        %broadcast_in_dim3A_251 = vector.broadcast %jit3A_249 : i32 to vector<16xi32>
        %select_n3A_252 = arith.select %le3A_247, %broadcast_in_dim3A_250, %broadcast_in_dim3A_251 : vector<16xi1>, vector<16xi32>
        %add3A_253 = arith.addi %add3A_242, %select_n3A_252 : vector<16xi32>
        %add3A_254 = arith.constant 0 : i32
        %add3A_255 = vector.broadcast %add3A_254 : i32 to vector<16xi32>
        %add3A_256 = arith.addi %add3A_253, %add3A_255 : vector<16xi32>
        %gather3A_257 = tpu.vector_load_idx %arg7[%add3A_256] : memref<512xf32, #tpu.memory_space<vmem>>[vector<16xi32>], vector<16xf32>,
        %le3A_258 = arith.cmpf ole, %gather3A_257, %min3A_166 : vector<16xf32>
        %jit3A_259 = arith.constant 1 : i32
        %jit3A_260 = arith.constant 0 : i32
        %broadcast_in_dim3A_261 = vector.broadcast %jit3A_259 : i32 to vector<16xi32>
        %broadcast_in_dim3A_262 = vector.broadcast %jit3A_260 : i32 to vector<16xi32>
        %select_n3A_263 = arith.select %le3A_258, %broadcast_in_dim3A_261, %broadcast_in_dim3A_262 : vector<16xi1>, vector<16xi32>
        %add3A_264 = arith.addi %add3A_253, %select_n3A_263 : vector<16xi32>
        %min3A_265 = arith.constant 511 : i32
        %min3A_266 = vector.broadcast %min3A_265 : i32 to vector<16xi32>
        %min3A_267 = arith.minsi %add3A_264, %min3A_266 : vector<16xi32>
        %mul3A_268 = arith.constant 512 : i32
        %mul3A_269 = arith.muli %select_n3A, %mul3A_268 : i32
        %add3A_270 = vector.broadcast %mul3A_269 : i32 to vector<16xi32>
        %add3A_271 = arith.addi %min3A_267, %add3A_270 : vector<16xi32>
        %mul3A_272 = arith.constant 16 : i32
        %mul3A_273 = arith.muli %scan3A_154, %mul3A_272 : i32
        %add3A_274 = arith.constant 0 : i32
        %add3A_275 = arith.addi %add3A_274, %mul3A_273 : i32
        %swap3A = arith.index_cast %add3A_275 : i32 to index
        %swap3A_276 = tpu.vector_load %arg8[%swap3A] {strides = array<i32>} : memref<1024xi32, #tpu.memory_space<vmem>>, vector<16xi32>,
        tpu.vector_store %arg8[%swap3A], %add3A_271 {strides = array<i32>} : memref<1024xi32, #tpu.memory_space<vmem>>, vector<16xi32>,
      }
      %scan3A_143 = arith.constant 4 : i32
      %dma_start3A = arith.constant 0 : i32
      %dma_start3A_144 = arith.constant 0 : i32
      %dma_start3A_145 = arith.constant 0 : i32
      %dma_start3A_146 = tpu.memref_slice %arg10[%dma_start3A_144, %dma_start3A_145] : memref<448x256xf32, #tpu.memory_space<vmem>> -> memref<64x256xf32, #tpu.memory_space<vmem>>
      %dma_start3A_147 = arith.constant 0 : i32
      %dma_start3A_148 = tpu.memref_slice %arg8[%dma_start3A_147] : memref<1024xi32, #tpu.memory_space<vmem>> -> memref<64xi32, #tpu.memory_space<vmem>>
      %dma_start3A_149 = arith.constant 0 : i32
      %dma_start3A_150 = arith.constant 0 : i32
      %dma_start3A_151 = tpu.memref_slice %arg2[%dma_start3A_149, %dma_start3A_150] : memref<8192x256xf32, #tpu.memory_space<hbm>> -> memref<8192x256xf32, #tpu.memory_space<hbm>>
      %dma_start3A_152 = tpu.memref_slice %arg11[%dma_start3A] : memref<6x!tpu.dma_semaphore, #tpu.memory_space<semaphore_mem>> -> memref<1x!tpu.dma_semaphore, #tpu.memory_space<semaphore_mem>>
      %dma_start3A_153 = tpu.memref_squeeze %dma_start3A_152 : memref<1x!tpu.dma_semaphore, #tpu.memory_space<semaphore_mem>> -> memref<!tpu.dma_semaphore, #tpu.memory_space<semaphore_mem>>
      tpu.enqueue_indirect_dma source(%dma_start3A_151 : memref<8192x256xf32, #tpu.memory_space<hbm>>) target(%dma_start3A_146 : memref<64x256xf32, #tpu.memory_space<vmem>>) offsets(%dma_start3A_148 : memref<64xi32, #tpu.memory_space<vmem>>) semaphore(%dma_start3A_153 : memref<!tpu.dma_semaphore, #tpu.memory_space<semaphore_mem>>)
    } else {
    }
    %add3A_57 = arith.constant 2 : i32
    %add3A_58 = arith.addi %add3A_57, %select_n3A_30 : i32
    %mul3A_59 = arith.constant 64 : i32
    %mul3A_60 = arith.muli %add3A_58, %mul3A_59 : i32
    %convert_element_type3A_61 = arith.sitofp %mul3A_60 : i32 to f32
    %add3A_62 = arith.constant 0.000000e+00 : f32
    %add3A_63 = arith.addf %add3A_62, %convert_element_type3A_61 : f32
    %gt3A_64 = arith.cmpf ogt, %scan3A_38, %convert_element_type3A : f32
    %sub3A_65 = arith.subf %scan3A_38, %add3A_63 : f32
    %jit3A_66 = arith.constant 0.000000e+00 : f32
    %jit3A_67 = arith.constant 6.400000e+01 : f32
    %max3A_68 = arith.maximumf %jit3A_66, %sub3A_65 : f32
    %min3A_69 = arith.minimumf %jit3A_67, %max3A_68 : f32
    %jit3A_70 = arith.constant 6.400000e+01 : f32
    %select_n3A_71 = arith.select %gt3A_64, %jit3A_70, %min3A_69 : f32
    %convert_element_type3A_72 = arith.fptosi %select_n3A_71 : f32 to i32
    %gt3A_73 = arith.constant 0 : i32
    %gt3A_74 = arith.cmpi sgt, %convert_element_type3A_72, %gt3A_73 : i32
    %convert_element_type3A_75 = arith.extui %gt3A_74 : i1 to i32
    %cond3A_76 = arith.constant 0 : i32
    %cond3A_77 = arith.cmpi ne, %convert_element_type3A_75, %cond3A_76 : i32
    scf.if %cond3A_77 {
      %scan3A_138 = arith.constant 0 : i32
      %scan3A_139 = arith.constant 0 : i32
      %scan3A_140 = arith.constant 4 : i32
      %scan3A_141 = arith.addi %scan3A_139, %scan3A_140 : i32
      %scan3A_142 = arith.constant 1 : i32
      scf.for %scan3A_154 = %scan3A_139 to %scan3A_141 step %scan3A_142  : i32 {
        %add3A_155 = arith.constant 2 : i32
        %add3A_156 = arith.addi %add3A_155, %select_n3A_30 : i32
        %mul3A_157 = arith.constant 64 : i32
        %mul3A_158 = arith.muli %add3A_156, %mul3A_157 : i32
        %mul3A_159 = arith.constant 16 : i32
        %mul3A_160 = arith.muli %scan3A_154, %mul3A_159 : i32
        %add3A_161 = arith.addi %mul3A_158, %mul3A_160 : i32
        %add3A_162 = vector.broadcast %add3A_161 : i32 to vector<16xi32>
        %add3A_163 = arith.addi %add3A_162, %iota3A : vector<16xi32>
        %convert_element_type3A_164 = arith.sitofp %add3A_163 : vector<16xi32> to vector<16xf32>
        %min3A_165 = vector.broadcast %convert_element_type3A : f32 to vector<16xf32>
        %min3A_166 = arith.minimumf %convert_element_type3A_164, %min3A_165 : vector<16xf32>
        %broadcast_in_dim3A = arith.constant 0 : i32
        %broadcast_in_dim3A_167 = vector.broadcast %broadcast_in_dim3A : i32 to vector<16xi32>
        %add3A_168 = arith.constant 255 : i32
        %add3A_169 = vector.broadcast %add3A_168 : i32 to vector<16xi32>
        %add3A_170 = arith.addi %broadcast_in_dim3A_167, %add3A_169 : vector<16xi32>
        %gather3A = tpu.vector_load_idx %arg7[%add3A_170] : memref<512xf32, #tpu.memory_space<vmem>>[vector<16xi32>], vector<16xf32>,
        %le3A = arith.cmpf ole, %gather3A, %min3A_166 : vector<16xf32>
        %jit3A_171 = arith.constant 256 : i32
        %jit3A_172 = arith.constant 0 : i32
        %broadcast_in_dim3A_173 = vector.broadcast %jit3A_171 : i32 to vector<16xi32>
        %broadcast_in_dim3A_174 = vector.broadcast %jit3A_172 : i32 to vector<16xi32>
        %select_n3A_175 = arith.select %le3A, %broadcast_in_dim3A_173, %broadcast_in_dim3A_174 : vector<16xi1>, vector<16xi32>
        %add3A_176 = arith.addi %broadcast_in_dim3A_167, %select_n3A_175 : vector<16xi32>
        %add3A_177 = arith.constant 127 : i32
        %add3A_178 = vector.broadcast %add3A_177 : i32 to vector<16xi32>
        %add3A_179 = arith.addi %add3A_176, %add3A_178 : vector<16xi32>
        %gather3A_180 = tpu.vector_load_idx %arg7[%add3A_179] : memref<512xf32, #tpu.memory_space<vmem>>[vector<16xi32>], vector<16xf32>,
        %le3A_181 = arith.cmpf ole, %gather3A_180, %min3A_166 : vector<16xf32>
        %jit3A_182 = arith.constant 128 : i32
        %jit3A_183 = arith.constant 0 : i32
        %broadcast_in_dim3A_184 = vector.broadcast %jit3A_182 : i32 to vector<16xi32>
        %broadcast_in_dim3A_185 = vector.broadcast %jit3A_183 : i32 to vector<16xi32>
        %select_n3A_186 = arith.select %le3A_181, %broadcast_in_dim3A_184, %broadcast_in_dim3A_185 : vector<16xi1>, vector<16xi32>
        %add3A_187 = arith.addi %add3A_176, %select_n3A_186 : vector<16xi32>
        %add3A_188 = arith.constant 63 : i32
        %add3A_189 = vector.broadcast %add3A_188 : i32 to vector<16xi32>
        %add3A_190 = arith.addi %add3A_187, %add3A_189 : vector<16xi32>
        %gather3A_191 = tpu.vector_load_idx %arg7[%add3A_190] : memref<512xf32, #tpu.memory_space<vmem>>[vector<16xi32>], vector<16xf32>,
        %le3A_192 = arith.cmpf ole, %gather3A_191, %min3A_166 : vector<16xf32>
        %jit3A_193 = arith.constant 64 : i32
        %jit3A_194 = arith.constant 0 : i32
        %broadcast_in_dim3A_195 = vector.broadcast %jit3A_193 : i32 to vector<16xi32>
        %broadcast_in_dim3A_196 = vector.broadcast %jit3A_194 : i32 to vector<16xi32>
        %select_n3A_197 = arith.select %le3A_192, %broadcast_in_dim3A_195, %broadcast_in_dim3A_196 : vector<16xi1>, vector<16xi32>
        %add3A_198 = arith.addi %add3A_187, %select_n3A_197 : vector<16xi32>
        %add3A_199 = arith.constant 31 : i32
        %add3A_200 = vector.broadcast %add3A_199 : i32 to vector<16xi32>
        %add3A_201 = arith.addi %add3A_198, %add3A_200 : vector<16xi32>
        %gather3A_202 = tpu.vector_load_idx %arg7[%add3A_201] : memref<512xf32, #tpu.memory_space<vmem>>[vector<16xi32>], vector<16xf32>,
        %le3A_203 = arith.cmpf ole, %gather3A_202, %min3A_166 : vector<16xf32>
        %jit3A_204 = arith.constant 32 : i32
        %jit3A_205 = arith.constant 0 : i32
        %broadcast_in_dim3A_206 = vector.broadcast %jit3A_204 : i32 to vector<16xi32>
        %broadcast_in_dim3A_207 = vector.broadcast %jit3A_205 : i32 to vector<16xi32>
        %select_n3A_208 = arith.select %le3A_203, %broadcast_in_dim3A_206, %broadcast_in_dim3A_207 : vector<16xi1>, vector<16xi32>
        %add3A_209 = arith.addi %add3A_198, %select_n3A_208 : vector<16xi32>
        %add3A_210 = arith.constant 15 : i32
        %add3A_211 = vector.broadcast %add3A_210 : i32 to vector<16xi32>
        %add3A_212 = arith.addi %add3A_209, %add3A_211 : vector<16xi32>
        %gather3A_213 = tpu.vector_load_idx %arg7[%add3A_212] : memref<512xf32, #tpu.memory_space<vmem>>[vector<16xi32>], vector<16xf32>,
        %le3A_214 = arith.cmpf ole, %gather3A_213, %min3A_166 : vector<16xf32>
        %jit3A_215 = arith.constant 16 : i32
        %jit3A_216 = arith.constant 0 : i32
        %broadcast_in_dim3A_217 = vector.broadcast %jit3A_215 : i32 to vector<16xi32>
        %broadcast_in_dim3A_218 = vector.broadcast %jit3A_216 : i32 to vector<16xi32>
        %select_n3A_219 = arith.select %le3A_214, %broadcast_in_dim3A_217, %broadcast_in_dim3A_218 : vector<16xi1>, vector<16xi32>
        %add3A_220 = arith.addi %add3A_209, %select_n3A_219 : vector<16xi32>
        %add3A_221 = arith.constant 7 : i32
        %add3A_222 = vector.broadcast %add3A_221 : i32 to vector<16xi32>
        %add3A_223 = arith.addi %add3A_220, %add3A_222 : vector<16xi32>
        %gather3A_224 = tpu.vector_load_idx %arg7[%add3A_223] : memref<512xf32, #tpu.memory_space<vmem>>[vector<16xi32>], vector<16xf32>,
        %le3A_225 = arith.cmpf ole, %gather3A_224, %min3A_166 : vector<16xf32>
        %jit3A_226 = arith.constant 8 : i32
        %jit3A_227 = arith.constant 0 : i32
        %broadcast_in_dim3A_228 = vector.broadcast %jit3A_226 : i32 to vector<16xi32>
        %broadcast_in_dim3A_229 = vector.broadcast %jit3A_227 : i32 to vector<16xi32>
        %select_n3A_230 = arith.select %le3A_225, %broadcast_in_dim3A_228, %broadcast_in_dim3A_229 : vector<16xi1>, vector<16xi32>
        %add3A_231 = arith.addi %add3A_220, %select_n3A_230 : vector<16xi32>
        %add3A_232 = arith.constant 3 : i32
        %add3A_233 = vector.broadcast %add3A_232 : i32 to vector<16xi32>
        %add3A_234 = arith.addi %add3A_231, %add3A_233 : vector<16xi32>
        %gather3A_235 = tpu.vector_load_idx %arg7[%add3A_234] : memref<512xf32, #tpu.memory_space<vmem>>[vector<16xi32>], vector<16xf32>,
        %le3A_236 = arith.cmpf ole, %gather3A_235, %min3A_166 : vector<16xf32>
        %jit3A_237 = arith.constant 4 : i32
        %jit3A_238 = arith.constant 0 : i32
        %broadcast_in_dim3A_239 = vector.broadcast %jit3A_237 : i32 to vector<16xi32>
        %broadcast_in_dim3A_240 = vector.broadcast %jit3A_238 : i32 to vector<16xi32>
        %select_n3A_241 = arith.select %le3A_236, %broadcast_in_dim3A_239, %broadcast_in_dim3A_240 : vector<16xi1>, vector<16xi32>
        %add3A_242 = arith.addi %add3A_231, %select_n3A_241 : vector<16xi32>
        %add3A_243 = arith.constant 1 : i32
        %add3A_244 = vector.broadcast %add3A_243 : i32 to vector<16xi32>
        %add3A_245 = arith.addi %add3A_242, %add3A_244 : vector<16xi32>
        %gather3A_246 = tpu.vector_load_idx %arg7[%add3A_245] : memref<512xf32, #tpu.memory_space<vmem>>[vector<16xi32>], vector<16xf32>,
        %le3A_247 = arith.cmpf ole, %gather3A_246, %min3A_166 : vector<16xf32>
        %jit3A_248 = arith.constant 2 : i32
        %jit3A_249 = arith.constant 0 : i32
        %broadcast_in_dim3A_250 = vector.broadcast %jit3A_248 : i32 to vector<16xi32>
        %broadcast_in_dim3A_251 = vector.broadcast %jit3A_249 : i32 to vector<16xi32>
        %select_n3A_252 = arith.select %le3A_247, %broadcast_in_dim3A_250, %broadcast_in_dim3A_251 : vector<16xi1>, vector<16xi32>
        %add3A_253 = arith.addi %add3A_242, %select_n3A_252 : vector<16xi32>
        %add3A_254 = arith.constant 0 : i32
        %add3A_255 = vector.broadcast %add3A_254 : i32 to vector<16xi32>
        %add3A_256 = arith.addi %add3A_253, %add3A_255 : vector<16xi32>
        %gather3A_257 = tpu.vector_load_idx %arg7[%add3A_256] : memref<512xf32, #tpu.memory_space<vmem>>[vector<16xi32>], vector<16xf32>,
        %le3A_258 = arith.cmpf ole, %gather3A_257, %min3A_166 : vector<16xf32>
        %jit3A_259 = arith.constant 1 : i32
        %jit3A_260 = arith.constant 0 : i32
        %broadcast_in_dim3A_261 = vector.broadcast %jit3A_259 : i32 to vector<16xi32>
        %broadcast_in_dim3A_262 = vector.broadcast %jit3A_260 : i32 to vector<16xi32>
        %select_n3A_263 = arith.select %le3A_258, %broadcast_in_dim3A_261, %broadcast_in_dim3A_262 : vector<16xi1>, vector<16xi32>
        %add3A_264 = arith.addi %add3A_253, %select_n3A_263 : vector<16xi32>
        %min3A_265 = arith.constant 511 : i32
        %min3A_266 = vector.broadcast %min3A_265 : i32 to vector<16xi32>
        %min3A_267 = arith.minsi %add3A_264, %min3A_266 : vector<16xi32>
        %mul3A_268 = arith.constant 512 : i32
        %mul3A_269 = arith.muli %select_n3A, %mul3A_268 : i32
        %add3A_270 = vector.broadcast %mul3A_269 : i32 to vector<16xi32>
        %add3A_271 = arith.addi %min3A_267, %add3A_270 : vector<16xi32>
        %mul3A_272 = arith.constant 16 : i32
        %mul3A_273 = arith.muli %scan3A_154, %mul3A_272 : i32
        %add3A_274 = arith.constant 64 : i32
        %add3A_275 = arith.addi %add3A_274, %mul3A_273 : i32
        %swap3A = arith.index_cast %add3A_275 : i32 to index
        %swap3A_276 = tpu.vector_load %arg8[%swap3A] {strides = array<i32>} : memref<1024xi32, #tpu.memory_space<vmem>>, vector<16xi32>,
        tpu.vector_store %arg8[%swap3A], %add3A_271 {strides = array<i32>} : memref<1024xi32, #tpu.memory_space<vmem>>, vector<16xi32>,
      }
      %scan3A_143 = arith.constant 4 : i32
      %dma_start3A = arith.constant 1 : i32
      %dma_start3A_144 = arith.constant 64 : i32
      %dma_start3A_145 = arith.constant 0 : i32
      %dma_start3A_146 = tpu.memref_slice %arg10[%dma_start3A_144, %dma_start3A_145] : memref<448x256xf32, #tpu.memory_space<vmem>> -> memref<64x256xf32, #tpu.memory_space<vmem>>
      %dma_start3A_147 = arith.constant 64 : i32
      %dma_start3A_148 = tpu.memref_slice %arg8[%dma_start3A_147] : memref<1024xi32, #tpu.memory_space<vmem>> -> memref<64xi32, #tpu.memory_space<vmem>>
      %dma_start3A_149 = arith.constant 0 : i32
      %dma_start3A_150 = arith.constant 0 : i32
      %dma_start3A_151 = tpu.memref_slice %arg2[%dma_start3A_149, %dma_start3A_150] : memref<8192x256xf32, #tpu.memory_space<hbm>> -> memref<8192x256xf32, #tpu.memory_space<hbm>>
      %dma_start3A_152 = tpu.memref_slice %arg11[%dma_start3A] : memref<6x!tpu.dma_semaphore, #tpu.memory_space<semaphore_mem>> -> memref<1x!tpu.dma_semaphore, #tpu.memory_space<semaphore_mem>>
      %dma_start3A_153 = tpu.memref_squeeze %dma_start3A_152 : memref<1x!tpu.dma_semaphore, #tpu.memory_space<semaphore_mem>> -> memref<!tpu.dma_semaphore, #tpu.memory_space<semaphore_mem>>
      tpu.enqueue_indirect_dma source(%dma_start3A_151 : memref<8192x256xf32, #tpu.memory_space<hbm>>) target(%dma_start3A_146 : memref<64x256xf32, #tpu.memory_space<vmem>>) offsets(%dma_start3A_148 : memref<64xi32, #tpu.memory_space<vmem>>) semaphore(%dma_start3A_153 : memref<!tpu.dma_semaphore, #tpu.memory_space<semaphore_mem>>)
    } else {
    }
    %add3A_78 = arith.constant 4 : i32
    %add3A_79 = arith.addi %add3A_78, %select_n3A_30 : i32
    %mul3A_80 = arith.constant 64 : i32
    %mul3A_81 = arith.muli %add3A_79, %mul3A_80 : i32
    %convert_element_type3A_82 = arith.sitofp %mul3A_81 : i32 to f32
    %add3A_83 = arith.constant 0.000000e+00 : f32
    %add3A_84 = arith.addf %add3A_83, %convert_element_type3A_82 : f32
    %gt3A_85 = arith.cmpf ogt, %scan3A_38, %convert_element_type3A : f32
    %sub3A_86 = arith.subf %scan3A_38, %add3A_84 : f32
    %jit3A_87 = arith.constant 0.000000e+00 : f32
    %jit3A_88 = arith.constant 6.400000e+01 : f32
    %max3A_89 = arith.maximumf %jit3A_87, %sub3A_86 : f32
    %min3A_90 = arith.minimumf %jit3A_88, %max3A_89 : f32
    %jit3A_91 = arith.constant 6.400000e+01 : f32
    %select_n3A_92 = arith.select %gt3A_85, %jit3A_91, %min3A_90 : f32
    %convert_element_type3A_93 = arith.fptosi %select_n3A_92 : f32 to i32
    %gt3A_94 = arith.constant 0 : i32
    %gt3A_95 = arith.cmpi sgt, %convert_element_type3A_93, %gt3A_94 : i32
    %convert_element_type3A_96 = arith.extui %gt3A_95 : i1 to i32
    %cond3A_97 = arith.constant 0 : i32
    %cond3A_98 = arith.cmpi ne, %convert_element_type3A_96, %cond3A_97 : i32
    scf.if %cond3A_98 {
      %scan3A_138 = arith.constant 0 : i32
      %scan3A_139 = arith.constant 0 : i32
      %scan3A_140 = arith.constant 4 : i32
      %scan3A_141 = arith.addi %scan3A_139, %scan3A_140 : i32
      %scan3A_142 = arith.constant 1 : i32
      scf.for %scan3A_154 = %scan3A_139 to %scan3A_141 step %scan3A_142  : i32 {
        %add3A_155 = arith.constant 4 : i32
        %add3A_156 = arith.addi %add3A_155, %select_n3A_30 : i32
        %mul3A_157 = arith.constant 64 : i32
        %mul3A_158 = arith.muli %add3A_156, %mul3A_157 : i32
        %mul3A_159 = arith.constant 16 : i32
        %mul3A_160 = arith.muli %scan3A_154, %mul3A_159 : i32
        %add3A_161 = arith.addi %mul3A_158, %mul3A_160 : i32
        %add3A_162 = vector.broadcast %add3A_161 : i32 to vector<16xi32>
        %add3A_163 = arith.addi %add3A_162, %iota3A : vector<16xi32>
        %convert_element_type3A_164 = arith.sitofp %add3A_163 : vector<16xi32> to vector<16xf32>
        %min3A_165 = vector.broadcast %convert_element_type3A : f32 to vector<16xf32>
        %min3A_166 = arith.minimumf %convert_element_type3A_164, %min3A_165 : vector<16xf32>
        %broadcast_in_dim3A = arith.constant 0 : i32
        %broadcast_in_dim3A_167 = vector.broadcast %broadcast_in_dim3A : i32 to vector<16xi32>
        %add3A_168 = arith.constant 255 : i32
        %add3A_169 = vector.broadcast %add3A_168 : i32 to vector<16xi32>
        %add3A_170 = arith.addi %broadcast_in_dim3A_167, %add3A_169 : vector<16xi32>
        %gather3A = tpu.vector_load_idx %arg7[%add3A_170] : memref<512xf32, #tpu.memory_space<vmem>>[vector<16xi32>], vector<16xf32>,
        %le3A = arith.cmpf ole, %gather3A, %min3A_166 : vector<16xf32>
        %jit3A_171 = arith.constant 256 : i32
        %jit3A_172 = arith.constant 0 : i32
        %broadcast_in_dim3A_173 = vector.broadcast %jit3A_171 : i32 to vector<16xi32>
        %broadcast_in_dim3A_174 = vector.broadcast %jit3A_172 : i32 to vector<16xi32>
        %select_n3A_175 = arith.select %le3A, %broadcast_in_dim3A_173, %broadcast_in_dim3A_174 : vector<16xi1>, vector<16xi32>
        %add3A_176 = arith.addi %broadcast_in_dim3A_167, %select_n3A_175 : vector<16xi32>
        %add3A_177 = arith.constant 127 : i32
        %add3A_178 = vector.broadcast %add3A_177 : i32 to vector<16xi32>
        %add3A_179 = arith.addi %add3A_176, %add3A_178 : vector<16xi32>
        %gather3A_180 = tpu.vector_load_idx %arg7[%add3A_179] : memref<512xf32, #tpu.memory_space<vmem>>[vector<16xi32>], vector<16xf32>,
        %le3A_181 = arith.cmpf ole, %gather3A_180, %min3A_166 : vector<16xf32>
        %jit3A_182 = arith.constant 128 : i32
        %jit3A_183 = arith.constant 0 : i32
        %broadcast_in_dim3A_184 = vector.broadcast %jit3A_182 : i32 to vector<16xi32>
        %broadcast_in_dim3A_185 = vector.broadcast %jit3A_183 : i32 to vector<16xi32>
        %select_n3A_186 = arith.select %le3A_181, %broadcast_in_dim3A_184, %broadcast_in_dim3A_185 : vector<16xi1>, vector<16xi32>
        %add3A_187 = arith.addi %add3A_176, %select_n3A_186 : vector<16xi32>
        %add3A_188 = arith.constant 63 : i32
        %add3A_189 = vector.broadcast %add3A_188 : i32 to vector<16xi32>
        %add3A_190 = arith.addi %add3A_187, %add3A_189 : vector<16xi32>
        %gather3A_191 = tpu.vector_load_idx %arg7[%add3A_190] : memref<512xf32, #tpu.memory_space<vmem>>[vector<16xi32>], vector<16xf32>,
        %le3A_192 = arith.cmpf ole, %gather3A_191, %min3A_166 : vector<16xf32>
        %jit3A_193 = arith.constant 64 : i32
        %jit3A_194 = arith.constant 0 : i32
        %broadcast_in_dim3A_195 = vector.broadcast %jit3A_193 : i32 to vector<16xi32>
        %broadcast_in_dim3A_196 = vector.broadcast %jit3A_194 : i32 to vector<16xi32>
        %select_n3A_197 = arith.select %le3A_192, %broadcast_in_dim3A_195, %broadcast_in_dim3A_196 : vector<16xi1>, vector<16xi32>
        %add3A_198 = arith.addi %add3A_187, %select_n3A_197 : vector<16xi32>
        %add3A_199 = arith.constant 31 : i32
        %add3A_200 = vector.broadcast %add3A_199 : i32 to vector<16xi32>
        %add3A_201 = arith.addi %add3A_198, %add3A_200 : vector<16xi32>
        %gather3A_202 = tpu.vector_load_idx %arg7[%add3A_201] : memref<512xf32, #tpu.memory_space<vmem>>[vector<16xi32>], vector<16xf32>,
        %le3A_203 = arith.cmpf ole, %gather3A_202, %min3A_166 : vector<16xf32>
        %jit3A_204 = arith.constant 32 : i32
        %jit3A_205 = arith.constant 0 : i32
        %broadcast_in_dim3A_206 = vector.broadcast %jit3A_204 : i32 to vector<16xi32>
        %broadcast_in_dim3A_207 = vector.broadcast %jit3A_205 : i32 to vector<16xi32>
        %select_n3A_208 = arith.select %le3A_203, %broadcast_in_dim3A_206, %broadcast_in_dim3A_207 : vector<16xi1>, vector<16xi32>
        %add3A_209 = arith.addi %add3A_198, %select_n3A_208 : vector<16xi32>
        %add3A_210 = arith.constant 15 : i32
        %add3A_211 = vector.broadcast %add3A_210 : i32 to vector<16xi32>
        %add3A_212 = arith.addi %add3A_209, %add3A_211 : vector<16xi32>
        %gather3A_213 = tpu.vector_load_idx %arg7[%add3A_212] : memref<512xf32, #tpu.memory_space<vmem>>[vector<16xi32>], vector<16xf32>,
        %le3A_214 = arith.cmpf ole, %gather3A_213, %min3A_166 : vector<16xf32>
        %jit3A_215 = arith.constant 16 : i32
        %jit3A_216 = arith.constant 0 : i32
        %broadcast_in_dim3A_217 = vector.broadcast %jit3A_215 : i32 to vector<16xi32>
        %broadcast_in_dim3A_218 = vector.broadcast %jit3A_216 : i32 to vector<16xi32>
        %select_n3A_219 = arith.select %le3A_214, %broadcast_in_dim3A_217, %broadcast_in_dim3A_218 : vector<16xi1>, vector<16xi32>
        %add3A_220 = arith.addi %add3A_209, %select_n3A_219 : vector<16xi32>
        %add3A_221 = arith.constant 7 : i32
        %add3A_222 = vector.broadcast %add3A_221 : i32 to vector<16xi32>
        %add3A_223 = arith.addi %add3A_220, %add3A_222 : vector<16xi32>
        %gather3A_224 = tpu.vector_load_idx %arg7[%add3A_223] : memref<512xf32, #tpu.memory_space<vmem>>[vector<16xi32>], vector<16xf32>,
        %le3A_225 = arith.cmpf ole, %gather3A_224, %min3A_166 : vector<16xf32>
        %jit3A_226 = arith.constant 8 : i32
        %jit3A_227 = arith.constant 0 : i32
        %broadcast_in_dim3A_228 = vector.broadcast %jit3A_226 : i32 to vector<16xi32>
        %broadcast_in_dim3A_229 = vector.broadcast %jit3A_227 : i32 to vector<16xi32>
        %select_n3A_230 = arith.select %le3A_225, %broadcast_in_dim3A_228, %broadcast_in_dim3A_229 : vector<16xi1>, vector<16xi32>
        %add3A_231 = arith.addi %add3A_220, %select_n3A_230 : vector<16xi32>
        %add3A_232 = arith.constant 3 : i32
        %add3A_233 = vector.broadcast %add3A_232 : i32 to vector<16xi32>
        %add3A_234 = arith.addi %add3A_231, %add3A_233 : vector<16xi32>
        %gather3A_235 = tpu.vector_load_idx %arg7[%add3A_234] : memref<512xf32, #tpu.memory_space<vmem>>[vector<16xi32>], vector<16xf32>,
        %le3A_236 = arith.cmpf ole, %gather3A_235, %min3A_166 : vector<16xf32>
        %jit3A_237 = arith.constant 4 : i32
        %jit3A_238 = arith.constant 0 : i32
        %broadcast_in_dim3A_239 = vector.broadcast %jit3A_237 : i32 to vector<16xi32>
        %broadcast_in_dim3A_240 = vector.broadcast %jit3A_238 : i32 to vector<16xi32>
        %select_n3A_241 = arith.select %le3A_236, %broadcast_in_dim3A_239, %broadcast_in_dim3A_240 : vector<16xi1>, vector<16xi32>
        %add3A_242 = arith.addi %add3A_231, %select_n3A_241 : vector<16xi32>
        %add3A_243 = arith.constant 1 : i32
        %add3A_244 = vector.broadcast %add3A_243 : i32 to vector<16xi32>
        %add3A_245 = arith.addi %add3A_242, %add3A_244 : vector<16xi32>
        %gather3A_246 = tpu.vector_load_idx %arg7[%add3A_245] : memref<512xf32, #tpu.memory_space<vmem>>[vector<16xi32>], vector<16xf32>,
        %le3A_247 = arith.cmpf ole, %gather3A_246, %min3A_166 : vector<16xf32>
        %jit3A_248 = arith.constant 2 : i32
        %jit3A_249 = arith.constant 0 : i32
        %broadcast_in_dim3A_250 = vector.broadcast %jit3A_248 : i32 to vector<16xi32>
        %broadcast_in_dim3A_251 = vector.broadcast %jit3A_249 : i32 to vector<16xi32>
        %select_n3A_252 = arith.select %le3A_247, %broadcast_in_dim3A_250, %broadcast_in_dim3A_251 : vector<16xi1>, vector<16xi32>
        %add3A_253 = arith.addi %add3A_242, %select_n3A_252 : vector<16xi32>
        %add3A_254 = arith.constant 0 : i32
        %add3A_255 = vector.broadcast %add3A_254 : i32 to vector<16xi32>
        %add3A_256 = arith.addi %add3A_253, %add3A_255 : vector<16xi32>
        %gather3A_257 = tpu.vector_load_idx %arg7[%add3A_256] : memref<512xf32, #tpu.memory_space<vmem>>[vector<16xi32>], vector<16xf32>,
        %le3A_258 = arith.cmpf ole, %gather3A_257, %min3A_166 : vector<16xf32>
        %jit3A_259 = arith.constant 1 : i32
        %jit3A_260 = arith.constant 0 : i32
        %broadcast_in_dim3A_261 = vector.broadcast %jit3A_259 : i32 to vector<16xi32>
        %broadcast_in_dim3A_262 = vector.broadcast %jit3A_260 : i32 to vector<16xi32>
        %select_n3A_263 = arith.select %le3A_258, %broadcast_in_dim3A_261, %broadcast_in_dim3A_262 : vector<16xi1>, vector<16xi32>
        %add3A_264 = arith.addi %add3A_253, %select_n3A_263 : vector<16xi32>
        %min3A_265 = arith.constant 511 : i32
        %min3A_266 = vector.broadcast %min3A_265 : i32 to vector<16xi32>
        %min3A_267 = arith.minsi %add3A_264, %min3A_266 : vector<16xi32>
        %mul3A_268 = arith.constant 512 : i32
        %mul3A_269 = arith.muli %select_n3A, %mul3A_268 : i32
        %add3A_270 = vector.broadcast %mul3A_269 : i32 to vector<16xi32>
        %add3A_271 = arith.addi %min3A_267, %add3A_270 : vector<16xi32>
        %mul3A_272 = arith.constant 16 : i32
        %mul3A_273 = arith.muli %scan3A_154, %mul3A_272 : i32
        %add3A_274 = arith.constant 128 : i32
        %add3A_275 = arith.addi %add3A_274, %mul3A_273 : i32
        %swap3A = arith.index_cast %add3A_275 : i32 to index
        %swap3A_276 = tpu.vector_load %arg8[%swap3A] {strides = array<i32>} : memref<1024xi32, #tpu.memory_space<vmem>>, vector<16xi32>,
        tpu.vector_store %arg8[%swap3A], %add3A_271 {strides = array<i32>} : memref<1024xi32, #tpu.memory_space<vmem>>, vector<16xi32>,
      }
      %scan3A_143 = arith.constant 4 : i32
      %dma_start3A = arith.constant 2 : i32
      %dma_start3A_144 = arith.constant 128 : i32
      %dma_start3A_145 = arith.constant 0 : i32
      %dma_start3A_146 = tpu.memref_slice %arg10[%dma_start3A_144, %dma_start3A_145] : memref<448x256xf32, #tpu.memory_space<vmem>> -> memref<64x256xf32, #tpu.memory_space<vmem>>
      %dma_start3A_147 = arith.constant 128 : i32
      %dma_start3A_148 = tpu.memref_slice %arg8[%dma_start3A_147] : memref<1024xi32, #tpu.memory_space<vmem>> -> memref<64xi32, #tpu.memory_space<vmem>>
      %dma_start3A_149 = arith.constant 0 : i32
      %dma_start3A_150 = arith.constant 0 : i32
      %dma_start3A_151 = tpu.memref_slice %arg2[%dma_start3A_149, %dma_start3A_150] : memref<8192x256xf32, #tpu.memory_space<hbm>> -> memref<8192x256xf32, #tpu.memory_space<hbm>>
      %dma_start3A_152 = tpu.memref_slice %arg11[%dma_start3A] : memref<6x!tpu.dma_semaphore, #tpu.memory_space<semaphore_mem>> -> memref<1x!tpu.dma_semaphore, #tpu.memory_space<semaphore_mem>>
      %dma_start3A_153 = tpu.memref_squeeze %dma_start3A_152 : memref<1x!tpu.dma_semaphore, #tpu.memory_space<semaphore_mem>> -> memref<!tpu.dma_semaphore, #tpu.memory_space<semaphore_mem>>
      tpu.enqueue_indirect_dma source(%dma_start3A_151 : memref<8192x256xf32, #tpu.memory_space<hbm>>) target(%dma_start3A_146 : memref<64x256xf32, #tpu.memory_space<vmem>>) offsets(%dma_start3A_148 : memref<64xi32, #tpu.memory_space<vmem>>) semaphore(%dma_start3A_153 : memref<!tpu.dma_semaphore, #tpu.memory_space<semaphore_mem>>)
    } else {
    }
    %add3A_99 = arith.constant 6 : i32
    %add3A_100 = arith.addi %add3A_99, %select_n3A_30 : i32
    %mul3A_101 = arith.constant 64 : i32
    %mul3A_102 = arith.muli %add3A_100, %mul3A_101 : i32
    %convert_element_type3A_103 = arith.sitofp %mul3A_102 : i32 to f32
    %add3A_104 = arith.constant 0.000000e+00 : f32
    %add3A_105 = arith.addf %add3A_104, %convert_element_type3A_103 : f32
    %gt3A_106 = arith.cmpf ogt, %scan3A_38, %convert_element_type3A : f32
    %sub3A_107 = arith.subf %scan3A_38, %add3A_105 : f32
    %jit3A_108 = arith.constant 0.000000e+00 : f32
    %jit3A_109 = arith.constant 6.400000e+01 : f32
    %max3A_110 = arith.maximumf %jit3A_108, %sub3A_107 : f32
    %min3A_111 = arith.minimumf %jit3A_109, %max3A_110 : f32
    %jit3A_112 = arith.constant 6.400000e+01 : f32
    %select_n3A_113 = arith.select %gt3A_106, %jit3A_112, %min3A_111 : f32
    %convert_element_type3A_114 = arith.fptosi %select_n3A_113 : f32 to i32
    %gt3A_115 = arith.constant 0 : i32
    %gt3A_116 = arith.cmpi sgt, %convert_element_type3A_114, %gt3A_115 : i32
    %convert_element_type3A_117 = arith.extui %gt3A_116 : i1 to i32
    %cond3A_118 = arith.constant 0 : i32
    %cond3A_119 = arith.cmpi ne, %convert_element_type3A_117, %cond3A_118 : i32
    scf.if %cond3A_119 {
      %scan3A_138 = arith.constant 0 : i32
      %scan3A_139 = arith.constant 0 : i32
      %scan3A_140 = arith.constant 4 : i32
      %scan3A_141 = arith.addi %scan3A_139, %scan3A_140 : i32
      %scan3A_142 = arith.constant 1 : i32
      scf.for %scan3A_154 = %scan3A_139 to %scan3A_141 step %scan3A_142  : i32 {
        %add3A_155 = arith.constant 6 : i32
        %add3A_156 = arith.addi %add3A_155, %select_n3A_30 : i32
        %mul3A_157 = arith.constant 64 : i32
        %mul3A_158 = arith.muli %add3A_156, %mul3A_157 : i32
        %mul3A_159 = arith.constant 16 : i32
        %mul3A_160 = arith.muli %scan3A_154, %mul3A_159 : i32
        %add3A_161 = arith.addi %mul3A_158, %mul3A_160 : i32
        %add3A_162 = vector.broadcast %add3A_161 : i32 to vector<16xi32>
        %add3A_163 = arith.addi %add3A_162, %iota3A : vector<16xi32>
        %convert_element_type3A_164 = arith.sitofp %add3A_163 : vector<16xi32> to vector<16xf32>
        %min3A_165 = vector.broadcast %convert_element_type3A : f32 to vector<16xf32>
        %min3A_166 = arith.minimumf %convert_element_type3A_164, %min3A_165 : vector<16xf32>
        %broadcast_in_dim3A = arith.constant 0 : i32
        %broadcast_in_dim3A_167 = vector.broadcast %broadcast_in_dim3A : i32 to vector<16xi32>
        %add3A_168 = arith.constant 255 : i32
        %add3A_169 = vector.broadcast %add3A_168 : i32 to vector<16xi32>
        %add3A_170 = arith.addi %broadcast_in_dim3A_167, %add3A_169 : vector<16xi32>
        %gather3A = tpu.vector_load_idx %arg7[%add3A_170] : memref<512xf32, #tpu.memory_space<vmem>>[vector<16xi32>], vector<16xf32>,
        %le3A = arith.cmpf ole, %gather3A, %min3A_166 : vector<16xf32>
        %jit3A_171 = arith.constant 256 : i32
        %jit3A_172 = arith.constant 0 : i32
        %broadcast_in_dim3A_173 = vector.broadcast %jit3A_171 : i32 to vector<16xi32>
        %broadcast_in_dim3A_174 = vector.broadcast %jit3A_172 : i32 to vector<16xi32>
        %select_n3A_175 = arith.select %le3A, %broadcast_in_dim3A_173, %broadcast_in_dim3A_174 : vector<16xi1>, vector<16xi32>
        %add3A_176 = arith.addi %broadcast_in_dim3A_167, %select_n3A_175 : vector<16xi32>
        %add3A_177 = arith.constant 127 : i32
        %add3A_178 = vector.broadcast %add3A_177 : i32 to vector<16xi32>
        %add3A_179 = arith.addi %add3A_176, %add3A_178 : vector<16xi32>
        %gather3A_180 = tpu.vector_load_idx %arg7[%add3A_179] : memref<512xf32, #tpu.memory_space<vmem>>[vector<16xi32>], vector<16xf32>,
        %le3A_181 = arith.cmpf ole, %gather3A_180, %min3A_166 : vector<16xf32>
        %jit3A_182 = arith.constant 128 : i32
        %jit3A_183 = arith.constant 0 : i32
        %broadcast_in_dim3A_184 = vector.broadcast %jit3A_182 : i32 to vector<16xi32>
        %broadcast_in_dim3A_185 = vector.broadcast %jit3A_183 : i32 to vector<16xi32>
        %select_n3A_186 = arith.select %le3A_181, %broadcast_in_dim3A_184, %broadcast_in_dim3A_185 : vector<16xi1>, vector<16xi32>
        %add3A_187 = arith.addi %add3A_176, %select_n3A_186 : vector<16xi32>
        %add3A_188 = arith.constant 63 : i32
        %add3A_189 = vector.broadcast %add3A_188 : i32 to vector<16xi32>
        %add3A_190 = arith.addi %add3A_187, %add3A_189 : vector<16xi32>
        %gather3A_191 = tpu.vector_load_idx %arg7[%add3A_190] : memref<512xf32, #tpu.memory_space<vmem>>[vector<16xi32>], vector<16xf32>,
        %le3A_192 = arith.cmpf ole, %gather3A_191, %min3A_166 : vector<16xf32>
        %jit3A_193 = arith.constant 64 : i32
        %jit3A_194 = arith.constant 0 : i32
        %broadcast_in_dim3A_195 = vector.broadcast %jit3A_193 : i32 to vector<16xi32>
        %broadcast_in_dim3A_196 = vector.broadcast %jit3A_194 : i32 to vector<16xi32>
        %select_n3A_197 = arith.select %le3A_192, %broadcast_in_dim3A_195, %broadcast_in_dim3A_196 : vector<16xi1>, vector<16xi32>
        %add3A_198 = arith.addi %add3A_187, %select_n3A_197 : vector<16xi32>
        %add3A_199 = arith.constant 31 : i32
        %add3A_200 = vector.broadcast %add3A_199 : i32 to vector<16xi32>
        %add3A_201 = arith.addi %add3A_198, %add3A_200 : vector<16xi32>
        %gather3A_202 = tpu.vector_load_idx %arg7[%add3A_201] : memref<512xf32, #tpu.memory_space<vmem>>[vector<16xi32>], vector<16xf32>,
        %le3A_203 = arith.cmpf ole, %gather3A_202, %min3A_166 : vector<16xf32>
        %jit3A_204 = arith.constant 32 : i32
        %jit3A_205 = arith.constant 0 : i32
        %broadcast_in_dim3A_206 = vector.broadcast %jit3A_204 : i32 to vector<16xi32>
        %broadcast_in_dim3A_207 = vector.broadcast %jit3A_205 : i32 to vector<16xi32>
        %select_n3A_208 = arith.select %le3A_203, %broadcast_in_dim3A_206, %broadcast_in_dim3A_207 : vector<16xi1>, vector<16xi32>
        %add3A_209 = arith.addi %add3A_198, %select_n3A_208 : vector<16xi32>
        %add3A_210 = arith.constant 15 : i32
        %add3A_211 = vector.broadcast %add3A_210 : i32 to vector<16xi32>
        %add3A_212 = arith.addi %add3A_209, %add3A_211 : vector<16xi32>
        %gather3A_213 = tpu.vector_load_idx %arg7[%add3A_212] : memref<512xf32, #tpu.memory_space<vmem>>[vector<16xi32>], vector<16xf32>,
        %le3A_214 = arith.cmpf ole, %gather3A_213, %min3A_166 : vector<16xf32>
        %jit3A_215 = arith.constant 16 : i32
        %jit3A_216 = arith.constant 0 : i32
        %broadcast_in_dim3A_217 = vector.broadcast %jit3A_215 : i32 to vector<16xi32>
        %broadcast_in_dim3A_218 = vector.broadcast %jit3A_216 : i32 to vector<16xi32>
        %select_n3A_219 = arith.select %le3A_214, %broadcast_in_dim3A_217, %broadcast_in_dim3A_218 : vector<16xi1>, vector<16xi32>
        %add3A_220 = arith.addi %add3A_209, %select_n3A_219 : vector<16xi32>
        %add3A_221 = arith.constant 7 : i32
        %add3A_222 = vector.broadcast %add3A_221 : i32 to vector<16xi32>
        %add3A_223 = arith.addi %add3A_220, %add3A_222 : vector<16xi32>
        %gather3A_224 = tpu.vector_load_idx %arg7[%add3A_223] : memref<512xf32, #tpu.memory_space<vmem>>[vector<16xi32>], vector<16xf32>,
        %le3A_225 = arith.cmpf ole, %gather3A_224, %min3A_166 : vector<16xf32>
        %jit3A_226 = arith.constant 8 : i32
        %jit3A_227 = arith.constant 0 : i32
        %broadcast_in_dim3A_228 = vector.broadcast %jit3A_226 : i32 to vector<16xi32>
        %broadcast_in_dim3A_229 = vector.broadcast %jit3A_227 : i32 to vector<16xi32>
        %select_n3A_230 = arith.select %le3A_225, %broadcast_in_dim3A_228, %broadcast_in_dim3A_229 : vector<16xi1>, vector<16xi32>
        %add3A_231 = arith.addi %add3A_220, %select_n3A_230 : vector<16xi32>
        %add3A_232 = arith.constant 3 : i32
        %add3A_233 = vector.broadcast %add3A_232 : i32 to vector<16xi32>
        %add3A_234 = arith.addi %add3A_231, %add3A_233 : vector<16xi32>
        %gather3A_235 = tpu.vector_load_idx %arg7[%add3A_234] : memref<512xf32, #tpu.memory_space<vmem>>[vector<16xi32>], vector<16xf32>,
        %le3A_236 = arith.cmpf ole, %gather3A_235, %min3A_166 : vector<16xf32>
        %jit3A_237 = arith.constant 4 : i32
        %jit3A_238 = arith.constant 0 : i32
        %broadcast_in_dim3A_239 = vector.broadcast %jit3A_237 : i32 to vector<16xi32>
        %broadcast_in_dim3A_240 = vector.broadcast %jit3A_238 : i32 to vector<16xi32>
        %select_n3A_241 = arith.select %le3A_236, %broadcast_in_dim3A_239, %broadcast_in_dim3A_240 : vector<16xi1>, vector<16xi32>
        %add3A_242 = arith.addi %add3A_231, %select_n3A_241 : vector<16xi32>
        %add3A_243 = arith.constant 1 : i32
        %add3A_244 = vector.broadcast %add3A_243 : i32 to vector<16xi32>
        %add3A_245 = arith.addi %add3A_242, %add3A_244 : vector<16xi32>
        %gather3A_246 = tpu.vector_load_idx %arg7[%add3A_245] : memref<512xf32, #tpu.memory_space<vmem>>[vector<16xi32>], vector<16xf32>,
        %le3A_247 = arith.cmpf ole, %gather3A_246, %min3A_166 : vector<16xf32>
        %jit3A_248 = arith.constant 2 : i32
        %jit3A_249 = arith.constant 0 : i32
        %broadcast_in_dim3A_250 = vector.broadcast %jit3A_248 : i32 to vector<16xi32>
        %broadcast_in_dim3A_251 = vector.broadcast %jit3A_249 : i32 to vector<16xi32>
        %select_n3A_252 = arith.select %le3A_247, %broadcast_in_dim3A_250, %broadcast_in_dim3A_251 : vector<16xi1>, vector<16xi32>
        %add3A_253 = arith.addi %add3A_242, %select_n3A_252 : vector<16xi32>
        %add3A_254 = arith.constant 0 : i32
        %add3A_255 = vector.broadcast %add3A_254 : i32 to vector<16xi32>
        %add3A_256 = arith.addi %add3A_253, %add3A_255 : vector<16xi32>
        %gather3A_257 = tpu.vector_load_idx %arg7[%add3A_256] : memref<512xf32, #tpu.memory_space<vmem>>[vector<16xi32>], vector<16xf32>,
        %le3A_258 = arith.cmpf ole, %gather3A_257, %min3A_166 : vector<16xf32>
        %jit3A_259 = arith.constant 1 : i32
        %jit3A_260 = arith.constant 0 : i32
        %broadcast_in_dim3A_261 = vector.broadcast %jit3A_259 : i32 to vector<16xi32>
        %broadcast_in_dim3A_262 = vector.broadcast %jit3A_260 : i32 to vector<16xi32>
        %select_n3A_263 = arith.select %le3A_258, %broadcast_in_dim3A_261, %broadcast_in_dim3A_262 : vector<16xi1>, vector<16xi32>
        %add3A_264 = arith.addi %add3A_253, %select_n3A_263 : vector<16xi32>
        %min3A_265 = arith.constant 511 : i32
        %min3A_266 = vector.broadcast %min3A_265 : i32 to vector<16xi32>
        %min3A_267 = arith.minsi %add3A_264, %min3A_266 : vector<16xi32>
        %mul3A_268 = arith.constant 512 : i32
        %mul3A_269 = arith.muli %select_n3A, %mul3A_268 : i32
        %add3A_270 = vector.broadcast %mul3A_269 : i32 to vector<16xi32>
        %add3A_271 = arith.addi %min3A_267, %add3A_270 : vector<16xi32>
        %mul3A_272 = arith.constant 16 : i32
        %mul3A_273 = arith.muli %scan3A_154, %mul3A_272 : i32
        %add3A_274 = arith.constant 192 : i32
        %add3A_275 = arith.addi %add3A_274, %mul3A_273 : i32
        %swap3A = arith.index_cast %add3A_275 : i32 to index
        %swap3A_276 = tpu.vector_load %arg8[%swap3A] {strides = array<i32>} : memref<1024xi32, #tpu.memory_space<vmem>>, vector<16xi32>,
        tpu.vector_store %arg8[%swap3A], %add3A_271 {strides = array<i32>} : memref<1024xi32, #tpu.memory_space<vmem>>, vector<16xi32>,
      }
      %scan3A_143 = arith.constant 4 : i32
      %dma_start3A = arith.constant 3 : i32
      %dma_start3A_144 = arith.constant 192 : i32
      %dma_start3A_145 = arith.constant 0 : i32
      %dma_start3A_146 = tpu.memref_slice %arg10[%dma_start3A_144, %dma_start3A_145] : memref<448x256xf32, #tpu.memory_space<vmem>> -> memref<64x256xf32, #tpu.memory_space<vmem>>
      %dma_start3A_147 = arith.constant 192 : i32
      %dma_start3A_148 = tpu.memref_slice %arg8[%dma_start3A_147] : memref<1024xi32, #tpu.memory_space<vmem>> -> memref<64xi32, #tpu.memory_space<vmem>>
      %dma_start3A_149 = arith.constant 0 : i32
      %dma_start3A_150 = arith.constant 0 : i32
      %dma_start3A_151 = tpu.memref_slice %arg2[%dma_start3A_149, %dma_start3A_150] : memref<8192x256xf32, #tpu.memory_space<hbm>> -> memref<8192x256xf32, #tpu.memory_space<hbm>>
      %dma_start3A_152 = tpu.memref_slice %arg11[%dma_start3A] : memref<6x!tpu.dma_semaphore, #tpu.memory_space<semaphore_mem>> -> memref<1x!tpu.dma_semaphore, #tpu.memory_space<semaphore_mem>>
      %dma_start3A_153 = tpu.memref_squeeze %dma_start3A_152 : memref<1x!tpu.dma_semaphore, #tpu.memory_space<semaphore_mem>> -> memref<!tpu.dma_semaphore, #tpu.memory_space<semaphore_mem>>
      tpu.enqueue_indirect_dma source(%dma_start3A_151 : memref<8192x256xf32, #tpu.memory_space<hbm>>) target(%dma_start3A_146 : memref<64x256xf32, #tpu.memory_space<vmem>>) offsets(%dma_start3A_148 : memref<64xi32, #tpu.memory_space<vmem>>) semaphore(%dma_start3A_153 : memref<!tpu.dma_semaphore, #tpu.memory_space<semaphore_mem>>)
    } else {
    }
    %scan3A_120 = arith.constant 0 : i32
    %scan3A_121 = arith.constant 0 : i32
    %scan3A_122 = arith.constant 64 : i32
    %scan3A_123 = arith.addi %scan3A_121, %scan3A_122 : i32
    %scan3A_124 = arith.constant 1 : i32
    scf.for %scan3A_138 = %scan3A_121 to %scan3A_123 step %scan3A_124  : i32 {
      %broadcast_in_dim3A = arith.constant 0.000000e+00 : f32
      %broadcast_in_dim3A_139 = vector.broadcast %broadcast_in_dim3A : f32 to vector<16xf32>
      %swap3A = arith.constant 384 : i32
      %swap3A_140 = arith.constant 0 : i32
      %swap3A_141 = tpu.memref_slice %arg10[%swap3A, %swap3A_140] : memref<448x256xf32, #tpu.memory_space<vmem>> -> memref<64x256xf32, #tpu.memory_space<vmem>>
      %swap3A_142 = arith.index_cast %scan3A_138 : i32 to index
      %swap3A_143 = arith.constant 0 : index
      %swap3A_144 = tpu.vector_load %swap3A_141[%swap3A_142, %swap3A_143] {strides = array<i32>} : memref<64x256xf32, #tpu.memory_space<vmem>>, vector<16xf32>,
      tpu.vector_store %swap3A_141[%swap3A_142, %swap3A_143], %broadcast_in_dim3A_139 {strides = array<i32>} : memref<64x256xf32, #tpu.memory_space<vmem>>, vector<16xf32>,
      %broadcast_in_dim3A_145 = arith.constant 0.000000e+00 : f32
      %broadcast_in_dim3A_146 = vector.broadcast %broadcast_in_dim3A_145 : f32 to vector<16xf32>
      %swap3A_147 = arith.constant 384 : i32
      %swap3A_148 = arith.constant 0 : i32
      %swap3A_149 = tpu.memref_slice %arg10[%swap3A_147, %swap3A_148] : memref<448x256xf32, #tpu.memory_space<vmem>> -> memref<64x256xf32, #tpu.memory_space<vmem>>
      %swap3A_150 = arith.index_cast %scan3A_138 : i32 to index
      %swap3A_151 = arith.constant 16 : index
      %swap3A_152 = tpu.vector_load %swap3A_149[%swap3A_150, %swap3A_151] {strides = array<i32>} : memref<64x256xf32, #tpu.memory_space<vmem>>, vector<16xf32>,
      tpu.vector_store %swap3A_149[%swap3A_150, %swap3A_151], %broadcast_in_dim3A_146 {strides = array<i32>} : memref<64x256xf32, #tpu.memory_space<vmem>>, vector<16xf32>,
      %broadcast_in_dim3A_153 = arith.constant 0.000000e+00 : f32
      %broadcast_in_dim3A_154 = vector.broadcast %broadcast_in_dim3A_153 : f32 to vector<16xf32>
      %swap3A_155 = arith.constant 384 : i32
      %swap3A_156 = arith.constant 0 : i32
      %swap3A_157 = tpu.memref_slice %arg10[%swap3A_155, %swap3A_156] : memref<448x256xf32, #tpu.memory_space<vmem>> -> memref<64x256xf32, #tpu.memory_space<vmem>>
      %swap3A_158 = arith.index_cast %scan3A_138 : i32 to index
      %swap3A_159 = arith.constant 32 : index
      %swap3A_160 = tpu.vector_load %swap3A_157[%swap3A_158, %swap3A_159] {strides = array<i32>} : memref<64x256xf32, #tpu.memory_space<vmem>>, vector<16xf32>,
      tpu.vector_store %swap3A_157[%swap3A_158, %swap3A_159], %broadcast_in_dim3A_154 {strides = array<i32>} : memref<64x256xf32, #tpu.memory_space<vmem>>, vector<16xf32>,
      %broadcast_in_dim3A_161 = arith.constant 0.000000e+00 : f32
      %broadcast_in_dim3A_162 = vector.broadcast %broadcast_in_dim3A_161 : f32 to vector<16xf32>
      %swap3A_163 = arith.constant 384 : i32
      %swap3A_164 = arith.constant 0 : i32
      %swap3A_165 = tpu.memref_slice %arg10[%swap3A_163, %swap3A_164] : memref<448x256xf32, #tpu.memory_space<vmem>> -> memref<64x256xf32, #tpu.memory_space<vmem>>
      %swap3A_166 = arith.index_cast %scan3A_138 : i32 to index
      %swap3A_167 = arith.constant 48 : index
      %swap3A_168 = tpu.vector_load %swap3A_165[%swap3A_166, %swap3A_167] {strides = array<i32>} : memref<64x256xf32, #tpu.memory_space<vmem>>, vector<16xf32>,
      tpu.vector_store %swap3A_165[%swap3A_166, %swap3A_167], %broadcast_in_dim3A_162 {strides = array<i32>} : memref<64x256xf32, #tpu.memory_space<vmem>>, vector<16xf32>,
      %broadcast_in_dim3A_169 = arith.constant 0.000000e+00 : f32
      %broadcast_in_dim3A_170 = vector.broadcast %broadcast_in_dim3A_169 : f32 to vector<16xf32>
      %swap3A_171 = arith.constant 384 : i32
      %swap3A_172 = arith.constant 0 : i32
      %swap3A_173 = tpu.memref_slice %arg10[%swap3A_171, %swap3A_172] : memref<448x256xf32, #tpu.memory_space<vmem>> -> memref<64x256xf32, #tpu.memory_space<vmem>>
      %swap3A_174 = arith.index_cast %scan3A_138 : i32 to index
      %swap3A_175 = arith.constant 64 : index
      %swap3A_176 = tpu.vector_load %swap3A_173[%swap3A_174, %swap3A_175] {strides = array<i32>} : memref<64x256xf32, #tpu.memory_space<vmem>>, vector<16xf32>,
      tpu.vector_store %swap3A_173[%swap3A_174, %swap3A_175], %broadcast_in_dim3A_170 {strides = array<i32>} : memref<64x256xf32, #tpu.memory_space<vmem>>, vector<16xf32>,
      %broadcast_in_dim3A_177 = arith.constant 0.000000e+00 : f32
      %broadcast_in_dim3A_178 = vector.broadcast %broadcast_in_dim3A_177 : f32 to vector<16xf32>
      %swap3A_179 = arith.constant 384 : i32
      %swap3A_180 = arith.constant 0 : i32
      %swap3A_181 = tpu.memref_slice %arg10[%swap3A_179, %swap3A_180] : memref<448x256xf32, #tpu.memory_space<vmem>> -> memref<64x256xf32, #tpu.memory_space<vmem>>
      %swap3A_182 = arith.index_cast %scan3A_138 : i32 to index
      %swap3A_183 = arith.constant 80 : index
      %swap3A_184 = tpu.vector_load %swap3A_181[%swap3A_182, %swap3A_183] {strides = array<i32>} : memref<64x256xf32, #tpu.memory_space<vmem>>, vector<16xf32>,
      tpu.vector_store %swap3A_181[%swap3A_182, %swap3A_183], %broadcast_in_dim3A_178 {strides = array<i32>} : memref<64x256xf32, #tpu.memory_space<vmem>>, vector<16xf32>,
      %broadcast_in_dim3A_185 = arith.constant 0.000000e+00 : f32
      %broadcast_in_dim3A_186 = vector.broadcast %broadcast_in_dim3A_185 : f32 to vector<16xf32>
      %swap3A_187 = arith.constant 384 : i32
      %swap3A_188 = arith.constant 0 : i32
      %swap3A_189 = tpu.memref_slice %arg10[%swap3A_187, %swap3A_188] : memref<448x256xf32, #tpu.memory_space<vmem>> -> memref<64x256xf32, #tpu.memory_space<vmem>>
      %swap3A_190 = arith.index_cast %scan3A_138 : i32 to index
      %swap3A_191 = arith.constant 96 : index
      %swap3A_192 = tpu.vector_load %swap3A_189[%swap3A_190, %swap3A_191] {strides = array<i32>} : memref<64x256xf32, #tpu.memory_space<vmem>>, vector<16xf32>,
      tpu.vector_store %swap3A_189[%swap3A_190, %swap3A_191], %broadcast_in_dim3A_186 {strides = array<i32>} : memref<64x256xf32, #tpu.memory_space<vmem>>, vector<16xf32>,
      %broadcast_in_dim3A_193 = arith.constant 0.000000e+00 : f32
      %broadcast_in_dim3A_194 = vector.broadcast %broadcast_in_dim3A_193 : f32 to vector<16xf32>
      %swap3A_195 = arith.constant 384 : i32
      %swap3A_196 = arith.constant 0 : i32
      %swap3A_197 = tpu.memref_slice %arg10[%swap3A_195, %swap3A_196] : memref<448x256xf32, #tpu.memory_space<vmem>> -> memref<64x256xf32, #tpu.memory_space<vmem>>
      %swap3A_198 = arith.index_cast %scan3A_138 : i32 to index
      %swap3A_199 = arith.constant 112 : index
      %swap3A_200 = tpu.vector_load %swap3A_197[%swap3A_198, %swap3A_199] {strides = array<i32>} : memref<64x256xf32, #tpu.memory_space<vmem>>, vector<16xf32>,
      tpu.vector_store %swap3A_197[%swap3A_198, %swap3A_199], %broadcast_in_dim3A_194 {strides = array<i32>} : memref<64x256xf32, #tpu.memory_space<vmem>>, vector<16xf32>,
      %broadcast_in_dim3A_201 = arith.constant 0.000000e+00 : f32
      %broadcast_in_dim3A_202 = vector.broadcast %broadcast_in_dim3A_201 : f32 to vector<16xf32>
      %swap3A_203 = arith.constant 384 : i32
      %swap3A_204 = arith.constant 0 : i32
      %swap3A_205 = tpu.memref_slice %arg10[%swap3A_203, %swap3A_204] : memref<448x256xf32, #tpu.memory_space<vmem>> -> memref<64x256xf32, #tpu.memory_space<vmem>>
      %swap3A_206 = arith.index_cast %scan3A_138 : i32 to index
      %swap3A_207 = arith.constant 128 : index
      %swap3A_208 = tpu.vector_load %swap3A_205[%swap3A_206, %swap3A_207] {strides = array<i32>} : memref<64x256xf32, #tpu.memory_space<vmem>>, vector<16xf32>,
      tpu.vector_store %swap3A_205[%swap3A_206, %swap3A_207], %broadcast_in_dim3A_202 {strides = array<i32>} : memref<64x256xf32, #tpu.memory_space<vmem>>, vector<16xf32>,
      %broadcast_in_dim3A_209 = arith.constant 0.000000e+00 : f32
      %broadcast_in_dim3A_210 = vector.broadcast %broadcast_in_dim3A_209 : f32 to vector<16xf32>
      %swap3A_211 = arith.constant 384 : i32
      %swap3A_212 = arith.constant 0 : i32
      %swap3A_213 = tpu.memref_slice %arg10[%swap3A_211, %swap3A_212] : memref<448x256xf32, #tpu.memory_space<vmem>> -> memref<64x256xf32, #tpu.memory_space<vmem>>
      %swap3A_214 = arith.index_cast %scan3A_138 : i32 to index
      %swap3A_215 = arith.constant 144 : index
      %swap3A_216 = tpu.vector_load %swap3A_213[%swap3A_214, %swap3A_215] {strides = array<i32>} : memref<64x256xf32, #tpu.memory_space<vmem>>, vector<16xf32>,
      tpu.vector_store %swap3A_213[%swap3A_214, %swap3A_215], %broadcast_in_dim3A_210 {strides = array<i32>} : memref<64x256xf32, #tpu.memory_space<vmem>>, vector<16xf32>,
      %broadcast_in_dim3A_217 = arith.constant 0.000000e+00 : f32
      %broadcast_in_dim3A_218 = vector.broadcast %broadcast_in_dim3A_217 : f32 to vector<16xf32>
      %swap3A_219 = arith.constant 384 : i32
      %swap3A_220 = arith.constant 0 : i32
      %swap3A_221 = tpu.memref_slice %arg10[%swap3A_219, %swap3A_220] : memref<448x256xf32, #tpu.memory_space<vmem>> -> memref<64x256xf32, #tpu.memory_space<vmem>>
      %swap3A_222 = arith.index_cast %scan3A_138 : i32 to index
      %swap3A_223 = arith.constant 160 : index
      %swap3A_224 = tpu.vector_load %swap3A_221[%swap3A_222, %swap3A_223] {strides = array<i32>} : memref<64x256xf32, #tpu.memory_space<vmem>>, vector<16xf32>,
      tpu.vector_store %swap3A_221[%swap3A_222, %swap3A_223], %broadcast_in_dim3A_218 {strides = array<i32>} : memref<64x256xf32, #tpu.memory_space<vmem>>, vector<16xf32>,
      %broadcast_in_dim3A_225 = arith.constant 0.000000e+00 : f32
      %broadcast_in_dim3A_226 = vector.broadcast %broadcast_in_dim3A_225 : f32 to vector<16xf32>
      %swap3A_227 = arith.constant 384 : i32
      %swap3A_228 = arith.constant 0 : i32
      %swap3A_229 = tpu.memref_slice %arg10[%swap3A_227, %swap3A_228] : memref<448x256xf32, #tpu.memory_space<vmem>> -> memref<64x256xf32, #tpu.memory_space<vmem>>
      %swap3A_230 = arith.index_cast %scan3A_138 : i32 to index
      %swap3A_231 = arith.constant 176 : index
      %swap3A_232 = tpu.vector_load %swap3A_229[%swap3A_230, %swap3A_231] {strides = array<i32>} : memref<64x256xf32, #tpu.memory_space<vmem>>, vector<16xf32>,
      tpu.vector_store %swap3A_229[%swap3A_230, %swap3A_231], %broadcast_in_dim3A_226 {strides = array<i32>} : memref<64x256xf32, #tpu.memory_space<vmem>>, vector<16xf32>,
      %broadcast_in_dim3A_233 = arith.constant 0.000000e+00 : f32
      %broadcast_in_dim3A_234 = vector.broadcast %broadcast_in_dim3A_233 : f32 to vector<16xf32>
      %swap3A_235 = arith.constant 384 : i32
      %swap3A_236 = arith.constant 0 : i32
      %swap3A_237 = tpu.memref_slice %arg10[%swap3A_235, %swap3A_236] : memref<448x256xf32, #tpu.memory_space<vmem>> -> memref<64x256xf32, #tpu.memory_space<vmem>>
      %swap3A_238 = arith.index_cast %scan3A_138 : i32 to index
      %swap3A_239 = arith.constant 192 : index
      %swap3A_240 = tpu.vector_load %swap3A_237[%swap3A_238, %swap3A_239] {strides = array<i32>} : memref<64x256xf32, #tpu.memory_space<vmem>>, vector<16xf32>,
      tpu.vector_store %swap3A_237[%swap3A_238, %swap3A_239], %broadcast_in_dim3A_234 {strides = array<i32>} : memref<64x256xf32, #tpu.memory_space<vmem>>, vector<16xf32>,
      %broadcast_in_dim3A_241 = arith.constant 0.000000e+00 : f32
      %broadcast_in_dim3A_242 = vector.broadcast %broadcast_in_dim3A_241 : f32 to vector<16xf32>
      %swap3A_243 = arith.constant 384 : i32
      %swap3A_244 = arith.constant 0 : i32
      %swap3A_245 = tpu.memref_slice %arg10[%swap3A_243, %swap3A_244] : memref<448x256xf32, #tpu.memory_space<vmem>> -> memref<64x256xf32, #tpu.memory_space<vmem>>
      %swap3A_246 = arith.index_cast %scan3A_138 : i32 to index
      %swap3A_247 = arith.constant 208 : index
      %swap3A_248 = tpu.vector_load %swap3A_245[%swap3A_246, %swap3A_247] {strides = array<i32>} : memref<64x256xf32, #tpu.memory_space<vmem>>, vector<16xf32>,
      tpu.vector_store %swap3A_245[%swap3A_246, %swap3A_247], %broadcast_in_dim3A_242 {strides = array<i32>} : memref<64x256xf32, #tpu.memory_space<vmem>>, vector<16xf32>,
      %broadcast_in_dim3A_249 = arith.constant 0.000000e+00 : f32
      %broadcast_in_dim3A_250 = vector.broadcast %broadcast_in_dim3A_249 : f32 to vector<16xf32>
      %swap3A_251 = arith.constant 384 : i32
      %swap3A_252 = arith.constant 0 : i32
      %swap3A_253 = tpu.memref_slice %arg10[%swap3A_251, %swap3A_252] : memref<448x256xf32, #tpu.memory_space<vmem>> -> memref<64x256xf32, #tpu.memory_space<vmem>>
      %swap3A_254 = arith.index_cast %scan3A_138 : i32 to index
      %swap3A_255 = arith.constant 224 : index
      %swap3A_256 = tpu.vector_load %swap3A_253[%swap3A_254, %swap3A_255] {strides = array<i32>} : memref<64x256xf32, #tpu.memory_space<vmem>>, vector<16xf32>,
      tpu.vector_store %swap3A_253[%swap3A_254, %swap3A_255], %broadcast_in_dim3A_250 {strides = array<i32>} : memref<64x256xf32, #tpu.memory_space<vmem>>, vector<16xf32>,
      %broadcast_in_dim3A_257 = arith.constant 0.000000e+00 : f32
      %broadcast_in_dim3A_258 = vector.broadcast %broadcast_in_dim3A_257 : f32 to vector<16xf32>
      %swap3A_259 = arith.constant 384 : i32
      %swap3A_260 = arith.constant 0 : i32
      %swap3A_261 = tpu.memref_slice %arg10[%swap3A_259, %swap3A_260] : memref<448x256xf32, #tpu.memory_space<vmem>> -> memref<64x256xf32, #tpu.memory_space<vmem>>
      %swap3A_262 = arith.index_cast %scan3A_138 : i32 to index
      %swap3A_263 = arith.constant 240 : index
      %swap3A_264 = tpu.vector_load %swap3A_261[%swap3A_262, %swap3A_263] {strides = array<i32>} : memref<64x256xf32, #tpu.memory_space<vmem>>, vector<16xf32>,
      tpu.vector_store %swap3A_261[%swap3A_262, %swap3A_263], %broadcast_in_dim3A_258 {strides = array<i32>} : memref<64x256xf32, #tpu.memory_space<vmem>>, vector<16xf32>,
    }
    %scan3A_125 = arith.constant 64 : i32
    %scan3A_126 = arith.constant 0 : i32
    %scan3A_127 = arith.constant 0 : i32
    %scan3A_128 = arith.constant 16 : i32
    %scan3A_129 = arith.addi %scan3A_127, %scan3A_128 : i32
    %scan3A_130 = arith.constant 1 : i32
    scf.for %scan3A_138 = %scan3A_127 to %scan3A_129 step %scan3A_130  : i32 {
      %jit3A_139 = arith.constant 6 : i32
      %eq3A_140 = arith.constant 0 : i32
      %eq3A_141 = arith.cmpi eq, %jit3A_139, %eq3A_140 : i32
      %jit3A_142 = arith.constant 1 : i32
      %select_n3A_143 = arith.select %eq3A_141, %jit3A_142, %jit3A_139 : i32
      %rem3A_144 = arith.remsi %scan3A_138, %select_n3A_143 : i32
      %ne3A_145 = arith.constant 0 : i32
      %ne3A_146 = arith.cmpi ne, %rem3A_144, %ne3A_145 : i32
      %lt3A_147 = arith.constant 0 : i32
      %lt3A_148 = arith.cmpi slt, %rem3A_144, %lt3A_147 : i32
      %lt3A_149 = arith.constant 0 : i32
      %lt3A_150 = arith.cmpi slt, %select_n3A_143, %lt3A_149 : i32
      %ne3A_151 = arith.xori %lt3A_148, %lt3A_150 : i1
      %and3A_152 = arith.andi %ne3A_151, %ne3A_146 : i1
      %add3A_153 = arith.addi %rem3A_144, %select_n3A_143 : i32
      %select_n3A_154 = arith.select %and3A_152, %add3A_153, %rem3A_144 : i32
      %add3A_155 = arith.constant 4 : i32
      %add3A_156 = arith.addi %scan3A_138, %add3A_155 : i32
      %lt3A_157 = arith.constant 16 : i32
      %lt3A_158 = arith.cmpi slt, %add3A_156, %lt3A_157 : i32
      %convert_element_type3A_159 = arith.extui %lt3A_158 : i1 to i32
      %cond3A_160 = arith.constant 0 : i32
      %cond3A_161 = arith.cmpi ne, %convert_element_type3A_159, %cond3A_160 : i32
      scf.if %cond3A_161 {
        %sub3A_188 = arith.constant 6 : i32
        %sub3A_189 = arith.subi %add3A_156, %sub3A_188 : i32
        %ge3A = arith.constant 0 : i32
        %ge3A_190 = arith.cmpi sge, %sub3A_189, %ge3A : i32
        %convert_element_type3A_191 = arith.extui %ge3A_190 : i1 to i32
        %cond3A_192 = arith.constant 0 : i32
        %cond3A_193 = arith.cmpi ne, %convert_element_type3A_191, %cond3A_192 : i32
        scf.if %cond3A_193 {
          %jit3A_232 = arith.constant 6 : i32
          %eq3A_233 = arith.constant 0 : i32
          %eq3A_234 = arith.cmpi eq, %jit3A_232, %eq3A_233 : i32
          %jit3A_235 = arith.constant 1 : i32
          %select_n3A_236 = arith.select %eq3A_234, %jit3A_235, %jit3A_232 : i32
          %rem3A_237 = arith.remsi %sub3A_189, %select_n3A_236 : i32
          %ne3A_238 = arith.constant 0 : i32
          %ne3A_239 = arith.cmpi ne, %rem3A_237, %ne3A_238 : i32
          %lt3A_240 = arith.constant 0 : i32
          %lt3A_241 = arith.cmpi slt, %rem3A_237, %lt3A_240 : i32
          %lt3A_242 = arith.constant 0 : i32
          %lt3A_243 = arith.cmpi slt, %select_n3A_236, %lt3A_242 : i32
          %ne3A_244 = arith.xori %lt3A_241, %lt3A_243 : i1
          %and3A_245 = arith.andi %ne3A_244, %ne3A_239 : i1
          %add3A_246 = arith.addi %rem3A_237, %select_n3A_236 : i32
          %select_n3A_247 = arith.select %and3A_245, %add3A_246, %rem3A_237 : i32
          %mul3A_248 = arith.constant 64 : i32
          %mul3A_249 = arith.muli %select_n3A_247, %mul3A_248 : i32
          %mul3A_250 = arith.constant 2048 : i32
          %mul3A_251 = arith.muli %select_n3A, %mul3A_250 : i32
          %mul3A_252 = arith.constant 2 : i32
          %mul3A_253 = arith.muli %mul3A_252, %sub3A_189 : i32
          %add3A_254 = arith.addi %mul3A_253, %select_n3A_30 : i32
          %mul3A_255 = arith.constant 64 : i32
          %mul3A_256 = arith.muli %add3A_254, %mul3A_255 : i32
          %add3A_257 = arith.addi %mul3A_251, %mul3A_256 : i32
          %dma_wait3A = arith.constant 0 : i32
          %dma_wait3A_258 = tpu.memref_slice %arg10[%mul3A_249, %dma_wait3A] : memref<448x256xf32, #tpu.memory_space<vmem>> -> memref<64x256xf32, #tpu.memory_space<vmem>>
          %dma_wait3A_259 = arith.constant 0 : i32
          %dma_wait3A_260 = tpu.memref_slice %arg5[%add3A_257, %dma_wait3A_259] : memref<32768x256xf32, #tpu.memory_space<hbm>> -> memref<64x256xf32, #tpu.memory_space<hbm>>
          %dma_wait3A_261 = tpu.memref_slice %arg12[%select_n3A_247] : memref<6x!tpu.dma_semaphore, #tpu.memory_space<semaphore_mem>> -> memref<1x!tpu.dma_semaphore, #tpu.memory_space<semaphore_mem>>
          %dma_wait3A_262 = tpu.memref_squeeze %dma_wait3A_261 : memref<1x!tpu.dma_semaphore, #tpu.memory_space<semaphore_mem>> -> memref<!tpu.dma_semaphore, #tpu.memory_space<semaphore_mem>>
          %dma_wait3A_263 = arith.constant 0 : i32
          %dma_wait3A_264 = tpu.memref_slice %arg5[%add3A_257, %dma_wait3A_263] : memref<32768x256xf32, #tpu.memory_space<hbm>> -> memref<64x256xf32, #tpu.memory_space<hbm>>
          %dma_wait3A_265 = arith.constant 0 : i32
          %dma_wait3A_266 = tpu.memref_slice %arg10[%mul3A_249, %dma_wait3A_265] : memref<448x256xf32, #tpu.memory_space<vmem>> -> memref<64x256xf32, #tpu.memory_space<vmem>>
          tpu.wait_dma2 semaphore(%dma_wait3A_262 : memref<!tpu.dma_semaphore, #tpu.memory_space<semaphore_mem>>) src(%dma_wait3A_266 : memref<64x256xf32, #tpu.memory_space<vmem>>) dst(%dma_wait3A_264 : memref<64x256xf32, #tpu.memory_space<hbm>>)
        } else {
        }
        %jit3A_194 = arith.constant 6 : i32
        %eq3A_195 = arith.constant 0 : i32
        %eq3A_196 = arith.cmpi eq, %jit3A_194, %eq3A_195 : i32
        %jit3A_197 = arith.constant 1 : i32
        %select_n3A_198 = arith.select %eq3A_196, %jit3A_197, %jit3A_194 : i32
        %rem3A_199 = arith.remsi %add3A_156, %select_n3A_198 : i32
        %ne3A_200 = arith.constant 0 : i32
        %ne3A_201 = arith.cmpi ne, %rem3A_199, %ne3A_200 : i32
        %lt3A_202 = arith.constant 0 : i32
        %lt3A_203 = arith.cmpi slt, %rem3A_199, %lt3A_202 : i32
        %lt3A_204 = arith.constant 0 : i32
        %lt3A_205 = arith.cmpi slt, %select_n3A_198, %lt3A_204 : i32
        %ne3A_206 = arith.xori %lt3A_203, %lt3A_205 : i1
        %and3A_207 = arith.andi %ne3A_206, %ne3A_201 : i1
        %add3A_208 = arith.addi %rem3A_199, %select_n3A_198 : i32
        %select_n3A_209 = arith.select %and3A_207, %add3A_208, %rem3A_199 : i32
        %mul3A_210 = arith.constant 2 : i32
        %mul3A_211 = arith.muli %mul3A_210, %add3A_156 : i32
        %add3A_212 = arith.addi %mul3A_211, %select_n3A_30 : i32
        %mul3A_213 = arith.constant 64 : i32
        %mul3A_214 = arith.muli %add3A_212, %mul3A_213 : i32
        %convert_element_type3A_215 = arith.sitofp %mul3A_214 : i32 to f32
        %add3A_216 = arith.constant 0.000000e+00 : f32
        %add3A_217 = arith.addf %add3A_216, %convert_element_type3A_215 : f32
        %gt3A_218 = arith.cmpf ogt, %scan3A_38, %convert_element_type3A : f32
        %sub3A_219 = arith.subf %scan3A_38, %add3A_217 : f32
        %jit3A_220 = arith.constant 0.000000e+00 : f32
        %jit3A_221 = arith.constant 6.400000e+01 : f32
        %max3A_222 = arith.maximumf %jit3A_220, %sub3A_219 : f32
        %min3A_223 = arith.minimumf %jit3A_221, %max3A_222 : f32
        %jit3A_224 = arith.constant 6.400000e+01 : f32
        %select_n3A_225 = arith.select %gt3A_218, %jit3A_224, %min3A_223 : f32
        %convert_element_type3A_226 = arith.fptosi %select_n3A_225 : f32 to i32
        %gt3A_227 = arith.constant 0 : i32
        %gt3A_228 = arith.cmpi sgt, %convert_element_type3A_226, %gt3A_227 : i32
        %convert_element_type3A_229 = arith.extui %gt3A_228 : i1 to i32
        %cond3A_230 = arith.constant 0 : i32
        %cond3A_231 = arith.cmpi ne, %convert_element_type3A_229, %cond3A_230 : i32
        scf.if %cond3A_231 {
          %scan3A_232 = arith.constant 0 : i32
          %scan3A_233 = arith.constant 0 : i32
          %scan3A_234 = arith.constant 4 : i32
          %scan3A_235 = arith.addi %scan3A_233, %scan3A_234 : i32
          %scan3A_236 = arith.constant 1 : i32
          scf.for %scan3A_249 = %scan3A_233 to %scan3A_235 step %scan3A_236  : i32 {
            %mul3A_250 = arith.constant 2 : i32
            %mul3A_251 = arith.muli %mul3A_250, %add3A_156 : i32
            %add3A_252 = arith.addi %mul3A_251, %select_n3A_30 : i32
            %mul3A_253 = arith.constant 64 : i32
            %mul3A_254 = arith.muli %add3A_252, %mul3A_253 : i32
            %mul3A_255 = arith.constant 16 : i32
            %mul3A_256 = arith.muli %scan3A_249, %mul3A_255 : i32
            %add3A_257 = arith.addi %mul3A_254, %mul3A_256 : i32
            %add3A_258 = vector.broadcast %add3A_257 : i32 to vector<16xi32>
            %add3A_259 = arith.addi %add3A_258, %iota3A : vector<16xi32>
            %convert_element_type3A_260 = arith.sitofp %add3A_259 : vector<16xi32> to vector<16xf32>
            %min3A_261 = vector.broadcast %convert_element_type3A : f32 to vector<16xf32>
            %min3A_262 = arith.minimumf %convert_element_type3A_260, %min3A_261 : vector<16xf32>
            %broadcast_in_dim3A = arith.constant 0 : i32
            %broadcast_in_dim3A_263 = vector.broadcast %broadcast_in_dim3A : i32 to vector<16xi32>
            %add3A_264 = arith.constant 255 : i32
            %add3A_265 = vector.broadcast %add3A_264 : i32 to vector<16xi32>
            %add3A_266 = arith.addi %broadcast_in_dim3A_263, %add3A_265 : vector<16xi32>
            %gather3A = tpu.vector_load_idx %arg7[%add3A_266] : memref<512xf32, #tpu.memory_space<vmem>>[vector<16xi32>], vector<16xf32>,
            %le3A_267 = arith.cmpf ole, %gather3A, %min3A_262 : vector<16xf32>
            %jit3A_268 = arith.constant 256 : i32
            %jit3A_269 = arith.constant 0 : i32
            %broadcast_in_dim3A_270 = vector.broadcast %jit3A_268 : i32 to vector<16xi32>
            %broadcast_in_dim3A_271 = vector.broadcast %jit3A_269 : i32 to vector<16xi32>
            %select_n3A_272 = arith.select %le3A_267, %broadcast_in_dim3A_270, %broadcast_in_dim3A_271 : vector<16xi1>, vector<16xi32>
            %add3A_273 = arith.addi %broadcast_in_dim3A_263, %select_n3A_272 : vector<16xi32>
            %add3A_274 = arith.constant 127 : i32
            %add3A_275 = vector.broadcast %add3A_274 : i32 to vector<16xi32>
            %add3A_276 = arith.addi %add3A_273, %add3A_275 : vector<16xi32>
            %gather3A_277 = tpu.vector_load_idx %arg7[%add3A_276] : memref<512xf32, #tpu.memory_space<vmem>>[vector<16xi32>], vector<16xf32>,
            %le3A_278 = arith.cmpf ole, %gather3A_277, %min3A_262 : vector<16xf32>
            %jit3A_279 = arith.constant 128 : i32
            %jit3A_280 = arith.constant 0 : i32
            %broadcast_in_dim3A_281 = vector.broadcast %jit3A_279 : i32 to vector<16xi32>
            %broadcast_in_dim3A_282 = vector.broadcast %jit3A_280 : i32 to vector<16xi32>
            %select_n3A_283 = arith.select %le3A_278, %broadcast_in_dim3A_281, %broadcast_in_dim3A_282 : vector<16xi1>, vector<16xi32>
            %add3A_284 = arith.addi %add3A_273, %select_n3A_283 : vector<16xi32>
            %add3A_285 = arith.constant 63 : i32
            %add3A_286 = vector.broadcast %add3A_285 : i32 to vector<16xi32>
            %add3A_287 = arith.addi %add3A_284, %add3A_286 : vector<16xi32>
            %gather3A_288 = tpu.vector_load_idx %arg7[%add3A_287] : memref<512xf32, #tpu.memory_space<vmem>>[vector<16xi32>], vector<16xf32>,
            %le3A_289 = arith.cmpf ole, %gather3A_288, %min3A_262 : vector<16xf32>
            %jit3A_290 = arith.constant 64 : i32
            %jit3A_291 = arith.constant 0 : i32
            %broadcast_in_dim3A_292 = vector.broadcast %jit3A_290 : i32 to vector<16xi32>
            %broadcast_in_dim3A_293 = vector.broadcast %jit3A_291 : i32 to vector<16xi32>
            %select_n3A_294 = arith.select %le3A_289, %broadcast_in_dim3A_292, %broadcast_in_dim3A_293 : vector<16xi1>, vector<16xi32>
            %add3A_295 = arith.addi %add3A_284, %select_n3A_294 : vector<16xi32>
            %add3A_296 = arith.constant 31 : i32
            %add3A_297 = vector.broadcast %add3A_296 : i32 to vector<16xi32>
            %add3A_298 = arith.addi %add3A_295, %add3A_297 : vector<16xi32>
            %gather3A_299 = tpu.vector_load_idx %arg7[%add3A_298] : memref<512xf32, #tpu.memory_space<vmem>>[vector<16xi32>], vector<16xf32>,
            %le3A_300 = arith.cmpf ole, %gather3A_299, %min3A_262 : vector<16xf32>
            %jit3A_301 = arith.constant 32 : i32
            %jit3A_302 = arith.constant 0 : i32
            %broadcast_in_dim3A_303 = vector.broadcast %jit3A_301 : i32 to vector<16xi32>
            %broadcast_in_dim3A_304 = vector.broadcast %jit3A_302 : i32 to vector<16xi32>
            %select_n3A_305 = arith.select %le3A_300, %broadcast_in_dim3A_303, %broadcast_in_dim3A_304 : vector<16xi1>, vector<16xi32>
            %add3A_306 = arith.addi %add3A_295, %select_n3A_305 : vector<16xi32>
            %add3A_307 = arith.constant 15 : i32
            %add3A_308 = vector.broadcast %add3A_307 : i32 to vector<16xi32>
            %add3A_309 = arith.addi %add3A_306, %add3A_308 : vector<16xi32>
            %gather3A_310 = tpu.vector_load_idx %arg7[%add3A_309] : memref<512xf32, #tpu.memory_space<vmem>>[vector<16xi32>], vector<16xf32>,
            %le3A_311 = arith.cmpf ole, %gather3A_310, %min3A_262 : vector<16xf32>
            %jit3A_312 = arith.constant 16 : i32
            %jit3A_313 = arith.constant 0 : i32
            %broadcast_in_dim3A_314 = vector.broadcast %jit3A_312 : i32 to vector<16xi32>
            %broadcast_in_dim3A_315 = vector.broadcast %jit3A_313 : i32 to vector<16xi32>
            %select_n3A_316 = arith.select %le3A_311, %broadcast_in_dim3A_314, %broadcast_in_dim3A_315 : vector<16xi1>, vector<16xi32>
            %add3A_317 = arith.addi %add3A_306, %select_n3A_316 : vector<16xi32>
            %add3A_318 = arith.constant 7 : i32
            %add3A_319 = vector.broadcast %add3A_318 : i32 to vector<16xi32>
            %add3A_320 = arith.addi %add3A_317, %add3A_319 : vector<16xi32>
            %gather3A_321 = tpu.vector_load_idx %arg7[%add3A_320] : memref<512xf32, #tpu.memory_space<vmem>>[vector<16xi32>], vector<16xf32>,
            %le3A_322 = arith.cmpf ole, %gather3A_321, %min3A_262 : vector<16xf32>
            %jit3A_323 = arith.constant 8 : i32
            %jit3A_324 = arith.constant 0 : i32
            %broadcast_in_dim3A_325 = vector.broadcast %jit3A_323 : i32 to vector<16xi32>
            %broadcast_in_dim3A_326 = vector.broadcast %jit3A_324 : i32 to vector<16xi32>
            %select_n3A_327 = arith.select %le3A_322, %broadcast_in_dim3A_325, %broadcast_in_dim3A_326 : vector<16xi1>, vector<16xi32>
            %add3A_328 = arith.addi %add3A_317, %select_n3A_327 : vector<16xi32>
            %add3A_329 = arith.constant 3 : i32
            %add3A_330 = vector.broadcast %add3A_329 : i32 to vector<16xi32>
            %add3A_331 = arith.addi %add3A_328, %add3A_330 : vector<16xi32>
            %gather3A_332 = tpu.vector_load_idx %arg7[%add3A_331] : memref<512xf32, #tpu.memory_space<vmem>>[vector<16xi32>], vector<16xf32>,
            %le3A_333 = arith.cmpf ole, %gather3A_332, %min3A_262 : vector<16xf32>
            %jit3A_334 = arith.constant 4 : i32
            %jit3A_335 = arith.constant 0 : i32
            %broadcast_in_dim3A_336 = vector.broadcast %jit3A_334 : i32 to vector<16xi32>
            %broadcast_in_dim3A_337 = vector.broadcast %jit3A_335 : i32 to vector<16xi32>
            %select_n3A_338 = arith.select %le3A_333, %broadcast_in_dim3A_336, %broadcast_in_dim3A_337 : vector<16xi1>, vector<16xi32>
            %add3A_339 = arith.addi %add3A_328, %select_n3A_338 : vector<16xi32>
            %add3A_340 = arith.constant 1 : i32
            %add3A_341 = vector.broadcast %add3A_340 : i32 to vector<16xi32>
            %add3A_342 = arith.addi %add3A_339, %add3A_341 : vector<16xi32>
            %gather3A_343 = tpu.vector_load_idx %arg7[%add3A_342] : memref<512xf32, #tpu.memory_space<vmem>>[vector<16xi32>], vector<16xf32>,
            %le3A_344 = arith.cmpf ole, %gather3A_343, %min3A_262 : vector<16xf32>
            %jit3A_345 = arith.constant 2 : i32
            %jit3A_346 = arith.constant 0 : i32
            %broadcast_in_dim3A_347 = vector.broadcast %jit3A_345 : i32 to vector<16xi32>
            %broadcast_in_dim3A_348 = vector.broadcast %jit3A_346 : i32 to vector<16xi32>
            %select_n3A_349 = arith.select %le3A_344, %broadcast_in_dim3A_347, %broadcast_in_dim3A_348 : vector<16xi1>, vector<16xi32>
            %add3A_350 = arith.addi %add3A_339, %select_n3A_349 : vector<16xi32>
            %add3A_351 = arith.constant 0 : i32
            %add3A_352 = vector.broadcast %add3A_351 : i32 to vector<16xi32>
            %add3A_353 = arith.addi %add3A_350, %add3A_352 : vector<16xi32>
            %gather3A_354 = tpu.vector_load_idx %arg7[%add3A_353] : memref<512xf32, #tpu.memory_space<vmem>>[vector<16xi32>], vector<16xf32>,
            %le3A_355 = arith.cmpf ole, %gather3A_354, %min3A_262 : vector<16xf32>
            %jit3A_356 = arith.constant 1 : i32
            %jit3A_357 = arith.constant 0 : i32
            %broadcast_in_dim3A_358 = vector.broadcast %jit3A_356 : i32 to vector<16xi32>
            %broadcast_in_dim3A_359 = vector.broadcast %jit3A_357 : i32 to vector<16xi32>
            %select_n3A_360 = arith.select %le3A_355, %broadcast_in_dim3A_358, %broadcast_in_dim3A_359 : vector<16xi1>, vector<16xi32>
            %add3A_361 = arith.addi %add3A_350, %select_n3A_360 : vector<16xi32>
            %min3A_362 = arith.constant 511 : i32
            %min3A_363 = vector.broadcast %min3A_362 : i32 to vector<16xi32>
            %min3A_364 = arith.minsi %add3A_361, %min3A_363 : vector<16xi32>
            %mul3A_365 = arith.constant 512 : i32
            %mul3A_366 = arith.muli %select_n3A, %mul3A_365 : i32
            %add3A_367 = vector.broadcast %mul3A_366 : i32 to vector<16xi32>
            %add3A_368 = arith.addi %min3A_364, %add3A_367 : vector<16xi32>
            %mul3A_369 = arith.constant 64 : i32
            %mul3A_370 = arith.muli %add3A_156, %mul3A_369 : i32
            %mul3A_371 = arith.constant 16 : i32
            %mul3A_372 = arith.muli %scan3A_249, %mul3A_371 : i32
            %add3A_373 = arith.addi %mul3A_370, %mul3A_372 : i32
            %swap3A = arith.index_cast %add3A_373 : i32 to index
            %swap3A_374 = tpu.vector_load %arg8[%swap3A] {strides = array<i32>} : memref<1024xi32, #tpu.memory_space<vmem>>, vector<16xi32>,
            tpu.vector_store %arg8[%swap3A], %add3A_368 {strides = array<i32>} : memref<1024xi32, #tpu.memory_space<vmem>>, vector<16xi32>,
          }
          %scan3A_237 = arith.constant 4 : i32
          %mul3A_238 = arith.constant 64 : i32
          %mul3A_239 = arith.muli %add3A_156, %mul3A_238 : i32
          %mul3A_240 = arith.constant 64 : i32
          %mul3A_241 = arith.muli %select_n3A_209, %mul3A_240 : i32
          %dma_start3A = arith.constant 0 : i32
          %dma_start3A_242 = tpu.memref_slice %arg10[%mul3A_241, %dma_start3A] : memref<448x256xf32, #tpu.memory_space<vmem>> -> memref<64x256xf32, #tpu.memory_space<vmem>>
          %dma_start3A_243 = tpu.memref_slice %arg8[%mul3A_239] : memref<1024xi32, #tpu.memory_space<vmem>> -> memref<64xi32, #tpu.memory_space<vmem>>
          %dma_start3A_244 = arith.constant 0 : i32
          %dma_start3A_245 = arith.constant 0 : i32
          %dma_start3A_246 = tpu.memref_slice %arg2[%dma_start3A_244, %dma_start3A_245] : memref<8192x256xf32, #tpu.memory_space<hbm>> -> memref<8192x256xf32, #tpu.memory_space<hbm>>
          %dma_start3A_247 = tpu.memref_slice %arg11[%select_n3A_209] : memref<6x!tpu.dma_semaphore, #tpu.memory_space<semaphore_mem>> -> memref<1x!tpu.dma_semaphore, #tpu.memory_space<semaphore_mem>>
          %dma_start3A_248 = tpu.memref_squeeze %dma_start3A_247 : memref<1x!tpu.dma_semaphore, #tpu.memory_space<semaphore_mem>> -> memref<!tpu.dma_semaphore, #tpu.memory_space<semaphore_mem>>
          tpu.enqueue_indirect_dma source(%dma_start3A_246 : memref<8192x256xf32, #tpu.memory_space<hbm>>) target(%dma_start3A_242 : memref<64x256xf32, #tpu.memory_space<vmem>>) offsets(%dma_start3A_243 : memref<64xi32, #tpu.memory_space<vmem>>) semaphore(%dma_start3A_248 : memref<!tpu.dma_semaphore, #tpu.memory_space<semaphore_mem>>)
        } else {
        }
      } else {
      }
      %mul3A_162 = arith.constant 2 : i32
      %mul3A_163 = arith.muli %mul3A_162, %scan3A_138 : i32
      %add3A_164 = arith.addi %mul3A_163, %select_n3A_30 : i32
      %mul3A_165 = arith.constant 64 : i32
      %mul3A_166 = arith.muli %add3A_164, %mul3A_165 : i32
      %convert_element_type3A_167 = arith.sitofp %mul3A_166 : i32 to f32
      %add3A_168 = arith.constant 0.000000e+00 : f32
      %add3A_169 = arith.addf %add3A_168, %convert_element_type3A_167 : f32
      %gt3A_170 = arith.cmpf ogt, %scan3A_38, %convert_element_type3A : f32
      %sub3A_171 = arith.subf %scan3A_38, %add3A_169 : f32
      %jit3A_172 = arith.constant 0.000000e+00 : f32
      %jit3A_173 = arith.constant 6.400000e+01 : f32
      %max3A_174 = arith.maximumf %jit3A_172, %sub3A_171 : f32
      %min3A_175 = arith.minimumf %jit3A_173, %max3A_174 : f32
      %jit3A_176 = arith.constant 6.400000e+01 : f32
      %select_n3A_177 = arith.select %gt3A_170, %jit3A_176, %min3A_175 : f32
      %convert_element_type3A_178 = arith.fptosi %select_n3A_177 : f32 to i32
      %gt3A_179 = arith.constant 0 : i32
      %gt3A_180 = arith.cmpi sgt, %convert_element_type3A_178, %gt3A_179 : i32
      %convert_element_type3A_181 = arith.extui %gt3A_180 : i1 to i32
      %cond3A_182 = arith.constant 0 : i32
      %cond3A_183 = arith.cmpi ne, %convert_element_type3A_181, %cond3A_182 : i32
      scf.if %cond3A_183 {
        %mul3A_188 = arith.constant 64 : i32
        %mul3A_189 = arith.muli %scan3A_138, %mul3A_188 : i32
        %mul3A_190 = arith.constant 64 : i32
        %mul3A_191 = arith.muli %select_n3A_154, %mul3A_190 : i32
        %dma_wait3A = arith.constant 0 : i32
        %dma_wait3A_192 = tpu.memref_slice %arg10[%mul3A_191, %dma_wait3A] : memref<448x256xf32, #tpu.memory_space<vmem>> -> memref<64x256xf32, #tpu.memory_space<vmem>>
        %dma_wait3A_193 = tpu.memref_slice %arg8[%mul3A_189] : memref<1024xi32, #tpu.memory_space<vmem>> -> memref<64xi32, #tpu.memory_space<vmem>>
        %dma_wait3A_194 = arith.constant 0 : i32
        %dma_wait3A_195 = arith.constant 0 : i32
        %dma_wait3A_196 = tpu.memref_slice %arg2[%dma_wait3A_194, %dma_wait3A_195] : memref<8192x256xf32, #tpu.memory_space<hbm>> -> memref<8192x256xf32, #tpu.memory_space<hbm>>
        %dma_wait3A_197 = tpu.memref_slice %arg11[%select_n3A_154] : memref<6x!tpu.dma_semaphore, #tpu.memory_space<semaphore_mem>> -> memref<1x!tpu.dma_semaphore, #tpu.memory_space<semaphore_mem>>
        %dma_wait3A_198 = tpu.memref_squeeze %dma_wait3A_197 : memref<1x!tpu.dma_semaphore, #tpu.memory_space<semaphore_mem>> -> memref<!tpu.dma_semaphore, #tpu.memory_space<semaphore_mem>>
        tpu.wait_indirect_dma semaphore(%dma_wait3A_198 : memref<!tpu.dma_semaphore, #tpu.memory_space<semaphore_mem>>) src(%dma_wait3A_196 : memref<8192x256xf32, #tpu.memory_space<hbm>>) dst(%dma_wait3A_192 : memref<64x256xf32, #tpu.memory_space<vmem>>)
        %mul3A_199 = arith.constant 64 : i32
        %mul3A_200 = arith.muli %select_n3A_154, %mul3A_199 : i32
        %while3A = arith.constant 0 : i32
        %while3A_201 = arith.constant 64 : i32
        %while3A_202 = arith.subi %while3A_201, %convert_element_type3A_178 : i32
        %while3A_203 = arith.addi %convert_element_type3A_178, %while3A_202 : i32
        %while3A_204 = arith.constant 1 : i32
        %while3A_205 = arith.divsi %while3A_202, %while3A_204 : i32
        %while3A_206 = arith.muli %while3A_205, %while3A_204 : i32
        %while3A_207 = arith.addi %convert_element_type3A_178, %while3A_206 : i32
        %while3A_208 = arith.constant 1 : i32
        scf.for %while3A_229 = %convert_element_type3A_178 to %while3A_207 step %while3A_208  : i32 {
          %broadcast_in_dim3A = arith.constant 0.000000e+00 : f32
          %broadcast_in_dim3A_230 = vector.broadcast %broadcast_in_dim3A : f32 to vector<16xf32>
          %swap3A = arith.constant 0 : i32
          %swap3A_231 = tpu.memref_slice %arg10[%mul3A_200, %swap3A] : memref<448x256xf32, #tpu.memory_space<vmem>> -> memref<64x256xf32, #tpu.memory_space<vmem>>
          %swap3A_232 = arith.index_cast %while3A_229 : i32 to index
          %swap3A_233 = arith.constant 0 : index
          %swap3A_234 = tpu.vector_load %swap3A_231[%swap3A_232, %swap3A_233] {strides = array<i32>} : memref<64x256xf32, #tpu.memory_space<vmem>>, vector<16xf32>,
          tpu.vector_store %swap3A_231[%swap3A_232, %swap3A_233], %broadcast_in_dim3A_230 {strides = array<i32>} : memref<64x256xf32, #tpu.memory_space<vmem>>, vector<16xf32>,
          %broadcast_in_dim3A_235 = arith.constant 0.000000e+00 : f32
          %broadcast_in_dim3A_236 = vector.broadcast %broadcast_in_dim3A_235 : f32 to vector<16xf32>
          %swap3A_237 = arith.constant 0 : i32
          %swap3A_238 = tpu.memref_slice %arg10[%mul3A_200, %swap3A_237] : memref<448x256xf32, #tpu.memory_space<vmem>> -> memref<64x256xf32, #tpu.memory_space<vmem>>
          %swap3A_239 = arith.index_cast %while3A_229 : i32 to index
          %swap3A_240 = arith.constant 16 : index
          %swap3A_241 = tpu.vector_load %swap3A_238[%swap3A_239, %swap3A_240] {strides = array<i32>} : memref<64x256xf32, #tpu.memory_space<vmem>>, vector<16xf32>,
          tpu.vector_store %swap3A_238[%swap3A_239, %swap3A_240], %broadcast_in_dim3A_236 {strides = array<i32>} : memref<64x256xf32, #tpu.memory_space<vmem>>, vector<16xf32>,
          %broadcast_in_dim3A_242 = arith.constant 0.000000e+00 : f32
          %broadcast_in_dim3A_243 = vector.broadcast %broadcast_in_dim3A_242 : f32 to vector<16xf32>
          %swap3A_244 = arith.constant 0 : i32
          %swap3A_245 = tpu.memref_slice %arg10[%mul3A_200, %swap3A_244] : memref<448x256xf32, #tpu.memory_space<vmem>> -> memref<64x256xf32, #tpu.memory_space<vmem>>
          %swap3A_246 = arith.index_cast %while3A_229 : i32 to index
          %swap3A_247 = arith.constant 32 : index
          %swap3A_248 = tpu.vector_load %swap3A_245[%swap3A_246, %swap3A_247] {strides = array<i32>} : memref<64x256xf32, #tpu.memory_space<vmem>>, vector<16xf32>,
          tpu.vector_store %swap3A_245[%swap3A_246, %swap3A_247], %broadcast_in_dim3A_243 {strides = array<i32>} : memref<64x256xf32, #tpu.memory_space<vmem>>, vector<16xf32>,
          %broadcast_in_dim3A_249 = arith.constant 0.000000e+00 : f32
          %broadcast_in_dim3A_250 = vector.broadcast %broadcast_in_dim3A_249 : f32 to vector<16xf32>
          %swap3A_251 = arith.constant 0 : i32
          %swap3A_252 = tpu.memref_slice %arg10[%mul3A_200, %swap3A_251] : memref<448x256xf32, #tpu.memory_space<vmem>> -> memref<64x256xf32, #tpu.memory_space<vmem>>
          %swap3A_253 = arith.index_cast %while3A_229 : i32 to index
          %swap3A_254 = arith.constant 48 : index
          %swap3A_255 = tpu.vector_load %swap3A_252[%swap3A_253, %swap3A_254] {strides = array<i32>} : memref<64x256xf32, #tpu.memory_space<vmem>>, vector<16xf32>,
          tpu.vector_store %swap3A_252[%swap3A_253, %swap3A_254], %broadcast_in_dim3A_250 {strides = array<i32>} : memref<64x256xf32, #tpu.memory_space<vmem>>, vector<16xf32>,
          %broadcast_in_dim3A_256 = arith.constant 0.000000e+00 : f32
          %broadcast_in_dim3A_257 = vector.broadcast %broadcast_in_dim3A_256 : f32 to vector<16xf32>
          %swap3A_258 = arith.constant 0 : i32
          %swap3A_259 = tpu.memref_slice %arg10[%mul3A_200, %swap3A_258] : memref<448x256xf32, #tpu.memory_space<vmem>> -> memref<64x256xf32, #tpu.memory_space<vmem>>
          %swap3A_260 = arith.index_cast %while3A_229 : i32 to index
          %swap3A_261 = arith.constant 64 : index
          %swap3A_262 = tpu.vector_load %swap3A_259[%swap3A_260, %swap3A_261] {strides = array<i32>} : memref<64x256xf32, #tpu.memory_space<vmem>>, vector<16xf32>,
          tpu.vector_store %swap3A_259[%swap3A_260, %swap3A_261], %broadcast_in_dim3A_257 {strides = array<i32>} : memref<64x256xf32, #tpu.memory_space<vmem>>, vector<16xf32>,
          %broadcast_in_dim3A_263 = arith.constant 0.000000e+00 : f32
          %broadcast_in_dim3A_264 = vector.broadcast %broadcast_in_dim3A_263 : f32 to vector<16xf32>
          %swap3A_265 = arith.constant 0 : i32
          %swap3A_266 = tpu.memref_slice %arg10[%mul3A_200, %swap3A_265] : memref<448x256xf32, #tpu.memory_space<vmem>> -> memref<64x256xf32, #tpu.memory_space<vmem>>
          %swap3A_267 = arith.index_cast %while3A_229 : i32 to index
          %swap3A_268 = arith.constant 80 : index
          %swap3A_269 = tpu.vector_load %swap3A_266[%swap3A_267, %swap3A_268] {strides = array<i32>} : memref<64x256xf32, #tpu.memory_space<vmem>>, vector<16xf32>,
          tpu.vector_store %swap3A_266[%swap3A_267, %swap3A_268], %broadcast_in_dim3A_264 {strides = array<i32>} : memref<64x256xf32, #tpu.memory_space<vmem>>, vector<16xf32>,
          %broadcast_in_dim3A_270 = arith.constant 0.000000e+00 : f32
          %broadcast_in_dim3A_271 = vector.broadcast %broadcast_in_dim3A_270 : f32 to vector<16xf32>
          %swap3A_272 = arith.constant 0 : i32
          %swap3A_273 = tpu.memref_slice %arg10[%mul3A_200, %swap3A_272] : memref<448x256xf32, #tpu.memory_space<vmem>> -> memref<64x256xf32, #tpu.memory_space<vmem>>
          %swap3A_274 = arith.index_cast %while3A_229 : i32 to index
          %swap3A_275 = arith.constant 96 : index
          %swap3A_276 = tpu.vector_load %swap3A_273[%swap3A_274, %swap3A_275] {strides = array<i32>} : memref<64x256xf32, #tpu.memory_space<vmem>>, vector<16xf32>,
          tpu.vector_store %swap3A_273[%swap3A_274, %swap3A_275], %broadcast_in_dim3A_271 {strides = array<i32>} : memref<64x256xf32, #tpu.memory_space<vmem>>, vector<16xf32>,
          %broadcast_in_dim3A_277 = arith.constant 0.000000e+00 : f32
          %broadcast_in_dim3A_278 = vector.broadcast %broadcast_in_dim3A_277 : f32 to vector<16xf32>
          %swap3A_279 = arith.constant 0 : i32
          %swap3A_280 = tpu.memref_slice %arg10[%mul3A_200, %swap3A_279] : memref<448x256xf32, #tpu.memory_space<vmem>> -> memref<64x256xf32, #tpu.memory_space<vmem>>
          %swap3A_281 = arith.index_cast %while3A_229 : i32 to index
          %swap3A_282 = arith.constant 112 : index
          %swap3A_283 = tpu.vector_load %swap3A_280[%swap3A_281, %swap3A_282] {strides = array<i32>} : memref<64x256xf32, #tpu.memory_space<vmem>>, vector<16xf32>,
          tpu.vector_store %swap3A_280[%swap3A_281, %swap3A_282], %broadcast_in_dim3A_278 {strides = array<i32>} : memref<64x256xf32, #tpu.memory_space<vmem>>, vector<16xf32>,
          %broadcast_in_dim3A_284 = arith.constant 0.000000e+00 : f32
          %broadcast_in_dim3A_285 = vector.broadcast %broadcast_in_dim3A_284 : f32 to vector<16xf32>
          %swap3A_286 = arith.constant 0 : i32
          %swap3A_287 = tpu.memref_slice %arg10[%mul3A_200, %swap3A_286] : memref<448x256xf32, #tpu.memory_space<vmem>> -> memref<64x256xf32, #tpu.memory_space<vmem>>
          %swap3A_288 = arith.index_cast %while3A_229 : i32 to index
          %swap3A_289 = arith.constant 128 : index
          %swap3A_290 = tpu.vector_load %swap3A_287[%swap3A_288, %swap3A_289] {strides = array<i32>} : memref<64x256xf32, #tpu.memory_space<vmem>>, vector<16xf32>,
          tpu.vector_store %swap3A_287[%swap3A_288, %swap3A_289], %broadcast_in_dim3A_285 {strides = array<i32>} : memref<64x256xf32, #tpu.memory_space<vmem>>, vector<16xf32>,
          %broadcast_in_dim3A_291 = arith.constant 0.000000e+00 : f32
          %broadcast_in_dim3A_292 = vector.broadcast %broadcast_in_dim3A_291 : f32 to vector<16xf32>
          %swap3A_293 = arith.constant 0 : i32
          %swap3A_294 = tpu.memref_slice %arg10[%mul3A_200, %swap3A_293] : memref<448x256xf32, #tpu.memory_space<vmem>> -> memref<64x256xf32, #tpu.memory_space<vmem>>
          %swap3A_295 = arith.index_cast %while3A_229 : i32 to index
          %swap3A_296 = arith.constant 144 : index
          %swap3A_297 = tpu.vector_load %swap3A_294[%swap3A_295, %swap3A_296] {strides = array<i32>} : memref<64x256xf32, #tpu.memory_space<vmem>>, vector<16xf32>,
          tpu.vector_store %swap3A_294[%swap3A_295, %swap3A_296], %broadcast_in_dim3A_292 {strides = array<i32>} : memref<64x256xf32, #tpu.memory_space<vmem>>, vector<16xf32>,
          %broadcast_in_dim3A_298 = arith.constant 0.000000e+00 : f32
          %broadcast_in_dim3A_299 = vector.broadcast %broadcast_in_dim3A_298 : f32 to vector<16xf32>
          %swap3A_300 = arith.constant 0 : i32
          %swap3A_301 = tpu.memref_slice %arg10[%mul3A_200, %swap3A_300] : memref<448x256xf32, #tpu.memory_space<vmem>> -> memref<64x256xf32, #tpu.memory_space<vmem>>
          %swap3A_302 = arith.index_cast %while3A_229 : i32 to index
          %swap3A_303 = arith.constant 160 : index
          %swap3A_304 = tpu.vector_load %swap3A_301[%swap3A_302, %swap3A_303] {strides = array<i32>} : memref<64x256xf32, #tpu.memory_space<vmem>>, vector<16xf32>,
          tpu.vector_store %swap3A_301[%swap3A_302, %swap3A_303], %broadcast_in_dim3A_299 {strides = array<i32>} : memref<64x256xf32, #tpu.memory_space<vmem>>, vector<16xf32>,
          %broadcast_in_dim3A_305 = arith.constant 0.000000e+00 : f32
          %broadcast_in_dim3A_306 = vector.broadcast %broadcast_in_dim3A_305 : f32 to vector<16xf32>
          %swap3A_307 = arith.constant 0 : i32
          %swap3A_308 = tpu.memref_slice %arg10[%mul3A_200, %swap3A_307] : memref<448x256xf32, #tpu.memory_space<vmem>> -> memref<64x256xf32, #tpu.memory_space<vmem>>
          %swap3A_309 = arith.index_cast %while3A_229 : i32 to index
          %swap3A_310 = arith.constant 176 : index
          %swap3A_311 = tpu.vector_load %swap3A_308[%swap3A_309, %swap3A_310] {strides = array<i32>} : memref<64x256xf32, #tpu.memory_space<vmem>>, vector<16xf32>,
          tpu.vector_store %swap3A_308[%swap3A_309, %swap3A_310], %broadcast_in_dim3A_306 {strides = array<i32>} : memref<64x256xf32, #tpu.memory_space<vmem>>, vector<16xf32>,
          %broadcast_in_dim3A_312 = arith.constant 0.000000e+00 : f32
          %broadcast_in_dim3A_313 = vector.broadcast %broadcast_in_dim3A_312 : f32 to vector<16xf32>
          %swap3A_314 = arith.constant 0 : i32
          %swap3A_315 = tpu.memref_slice %arg10[%mul3A_200, %swap3A_314] : memref<448x256xf32, #tpu.memory_space<vmem>> -> memref<64x256xf32, #tpu.memory_space<vmem>>
          %swap3A_316 = arith.index_cast %while3A_229 : i32 to index
          %swap3A_317 = arith.constant 192 : index
          %swap3A_318 = tpu.vector_load %swap3A_315[%swap3A_316, %swap3A_317] {strides = array<i32>} : memref<64x256xf32, #tpu.memory_space<vmem>>, vector<16xf32>,
          tpu.vector_store %swap3A_315[%swap3A_316, %swap3A_317], %broadcast_in_dim3A_313 {strides = array<i32>} : memref<64x256xf32, #tpu.memory_space<vmem>>, vector<16xf32>,
          %broadcast_in_dim3A_319 = arith.constant 0.000000e+00 : f32
          %broadcast_in_dim3A_320 = vector.broadcast %broadcast_in_dim3A_319 : f32 to vector<16xf32>
          %swap3A_321 = arith.constant 0 : i32
          %swap3A_322 = tpu.memref_slice %arg10[%mul3A_200, %swap3A_321] : memref<448x256xf32, #tpu.memory_space<vmem>> -> memref<64x256xf32, #tpu.memory_space<vmem>>
          %swap3A_323 = arith.index_cast %while3A_229 : i32 to index
          %swap3A_324 = arith.constant 208 : index
          %swap3A_325 = tpu.vector_load %swap3A_322[%swap3A_323, %swap3A_324] {strides = array<i32>} : memref<64x256xf32, #tpu.memory_space<vmem>>, vector<16xf32>,
          tpu.vector_store %swap3A_322[%swap3A_323, %swap3A_324], %broadcast_in_dim3A_320 {strides = array<i32>} : memref<64x256xf32, #tpu.memory_space<vmem>>, vector<16xf32>,
          %broadcast_in_dim3A_326 = arith.constant 0.000000e+00 : f32
          %broadcast_in_dim3A_327 = vector.broadcast %broadcast_in_dim3A_326 : f32 to vector<16xf32>
          %swap3A_328 = arith.constant 0 : i32
          %swap3A_329 = tpu.memref_slice %arg10[%mul3A_200, %swap3A_328] : memref<448x256xf32, #tpu.memory_space<vmem>> -> memref<64x256xf32, #tpu.memory_space<vmem>>
          %swap3A_330 = arith.index_cast %while3A_229 : i32 to index
          %swap3A_331 = arith.constant 224 : index
          %swap3A_332 = tpu.vector_load %swap3A_329[%swap3A_330, %swap3A_331] {strides = array<i32>} : memref<64x256xf32, #tpu.memory_space<vmem>>, vector<16xf32>,
          tpu.vector_store %swap3A_329[%swap3A_330, %swap3A_331], %broadcast_in_dim3A_327 {strides = array<i32>} : memref<64x256xf32, #tpu.memory_space<vmem>>, vector<16xf32>,
          %broadcast_in_dim3A_333 = arith.constant 0.000000e+00 : f32
          %broadcast_in_dim3A_334 = vector.broadcast %broadcast_in_dim3A_333 : f32 to vector<16xf32>
          %swap3A_335 = arith.constant 0 : i32
          %swap3A_336 = tpu.memref_slice %arg10[%mul3A_200, %swap3A_335] : memref<448x256xf32, #tpu.memory_space<vmem>> -> memref<64x256xf32, #tpu.memory_space<vmem>>
          %swap3A_337 = arith.index_cast %while3A_229 : i32 to index
          %swap3A_338 = arith.constant 240 : index
          %swap3A_339 = tpu.vector_load %swap3A_336[%swap3A_337, %swap3A_338] {strides = array<i32>} : memref<64x256xf32, #tpu.memory_space<vmem>>, vector<16xf32>,
          tpu.vector_store %swap3A_336[%swap3A_337, %swap3A_338], %broadcast_in_dim3A_334 {strides = array<i32>} : memref<64x256xf32, #tpu.memory_space<vmem>>, vector<16xf32>,
        }
        %while3A_209 = arith.constant 1 : i32
        scf.for %while3A_229 = %while3A_207 to %while3A_203 step %while3A_209  : i32 {
          %broadcast_in_dim3A = arith.constant 0.000000e+00 : f32
          %broadcast_in_dim3A_230 = vector.broadcast %broadcast_in_dim3A : f32 to vector<16xf32>
          %swap3A = arith.constant 0 : i32
          %swap3A_231 = tpu.memref_slice %arg10[%mul3A_200, %swap3A] : memref<448x256xf32, #tpu.memory_space<vmem>> -> memref<64x256xf32, #tpu.memory_space<vmem>>
          %swap3A_232 = arith.index_cast %while3A_229 : i32 to index
          %swap3A_233 = arith.constant 0 : index
          %swap3A_234 = tpu.vector_load %swap3A_231[%swap3A_232, %swap3A_233] {strides = array<i32>} : memref<64x256xf32, #tpu.memory_space<vmem>>, vector<16xf32>,
          tpu.vector_store %swap3A_231[%swap3A_232, %swap3A_233], %broadcast_in_dim3A_230 {strides = array<i32>} : memref<64x256xf32, #tpu.memory_space<vmem>>, vector<16xf32>,
          %broadcast_in_dim3A_235 = arith.constant 0.000000e+00 : f32
          %broadcast_in_dim3A_236 = vector.broadcast %broadcast_in_dim3A_235 : f32 to vector<16xf32>
          %swap3A_237 = arith.constant 0 : i32
          %swap3A_238 = tpu.memref_slice %arg10[%mul3A_200, %swap3A_237] : memref<448x256xf32, #tpu.memory_space<vmem>> -> memref<64x256xf32, #tpu.memory_space<vmem>>
          %swap3A_239 = arith.index_cast %while3A_229 : i32 to index
          %swap3A_240 = arith.constant 16 : index
          %swap3A_241 = tpu.vector_load %swap3A_238[%swap3A_239, %swap3A_240] {strides = array<i32>} : memref<64x256xf32, #tpu.memory_space<vmem>>, vector<16xf32>,
          tpu.vector_store %swap3A_238[%swap3A_239, %swap3A_240], %broadcast_in_dim3A_236 {strides = array<i32>} : memref<64x256xf32, #tpu.memory_space<vmem>>, vector<16xf32>,
          %broadcast_in_dim3A_242 = arith.constant 0.000000e+00 : f32
          %broadcast_in_dim3A_243 = vector.broadcast %broadcast_in_dim3A_242 : f32 to vector<16xf32>
          %swap3A_244 = arith.constant 0 : i32
          %swap3A_245 = tpu.memref_slice %arg10[%mul3A_200, %swap3A_244] : memref<448x256xf32, #tpu.memory_space<vmem>> -> memref<64x256xf32, #tpu.memory_space<vmem>>
          %swap3A_246 = arith.index_cast %while3A_229 : i32 to index
          %swap3A_247 = arith.constant 32 : index
          %swap3A_248 = tpu.vector_load %swap3A_245[%swap3A_246, %swap3A_247] {strides = array<i32>} : memref<64x256xf32, #tpu.memory_space<vmem>>, vector<16xf32>,
          tpu.vector_store %swap3A_245[%swap3A_246, %swap3A_247], %broadcast_in_dim3A_243 {strides = array<i32>} : memref<64x256xf32, #tpu.memory_space<vmem>>, vector<16xf32>,
          %broadcast_in_dim3A_249 = arith.constant 0.000000e+00 : f32
          %broadcast_in_dim3A_250 = vector.broadcast %broadcast_in_dim3A_249 : f32 to vector<16xf32>
          %swap3A_251 = arith.constant 0 : i32
          %swap3A_252 = tpu.memref_slice %arg10[%mul3A_200, %swap3A_251] : memref<448x256xf32, #tpu.memory_space<vmem>> -> memref<64x256xf32, #tpu.memory_space<vmem>>
          %swap3A_253 = arith.index_cast %while3A_229 : i32 to index
          %swap3A_254 = arith.constant 48 : index
          %swap3A_255 = tpu.vector_load %swap3A_252[%swap3A_253, %swap3A_254] {strides = array<i32>} : memref<64x256xf32, #tpu.memory_space<vmem>>, vector<16xf32>,
          tpu.vector_store %swap3A_252[%swap3A_253, %swap3A_254], %broadcast_in_dim3A_250 {strides = array<i32>} : memref<64x256xf32, #tpu.memory_space<vmem>>, vector<16xf32>,
          %broadcast_in_dim3A_256 = arith.constant 0.000000e+00 : f32
          %broadcast_in_dim3A_257 = vector.broadcast %broadcast_in_dim3A_256 : f32 to vector<16xf32>
          %swap3A_258 = arith.constant 0 : i32
          %swap3A_259 = tpu.memref_slice %arg10[%mul3A_200, %swap3A_258] : memref<448x256xf32, #tpu.memory_space<vmem>> -> memref<64x256xf32, #tpu.memory_space<vmem>>
          %swap3A_260 = arith.index_cast %while3A_229 : i32 to index
          %swap3A_261 = arith.constant 64 : index
          %swap3A_262 = tpu.vector_load %swap3A_259[%swap3A_260, %swap3A_261] {strides = array<i32>} : memref<64x256xf32, #tpu.memory_space<vmem>>, vector<16xf32>,
          tpu.vector_store %swap3A_259[%swap3A_260, %swap3A_261], %broadcast_in_dim3A_257 {strides = array<i32>} : memref<64x256xf32, #tpu.memory_space<vmem>>, vector<16xf32>,
          %broadcast_in_dim3A_263 = arith.constant 0.000000e+00 : f32
          %broadcast_in_dim3A_264 = vector.broadcast %broadcast_in_dim3A_263 : f32 to vector<16xf32>
          %swap3A_265 = arith.constant 0 : i32
          %swap3A_266 = tpu.memref_slice %arg10[%mul3A_200, %swap3A_265] : memref<448x256xf32, #tpu.memory_space<vmem>> -> memref<64x256xf32, #tpu.memory_space<vmem>>
          %swap3A_267 = arith.index_cast %while3A_229 : i32 to index
          %swap3A_268 = arith.constant 80 : index
          %swap3A_269 = tpu.vector_load %swap3A_266[%swap3A_267, %swap3A_268] {strides = array<i32>} : memref<64x256xf32, #tpu.memory_space<vmem>>, vector<16xf32>,
          tpu.vector_store %swap3A_266[%swap3A_267, %swap3A_268], %broadcast_in_dim3A_264 {strides = array<i32>} : memref<64x256xf32, #tpu.memory_space<vmem>>, vector<16xf32>,
          %broadcast_in_dim3A_270 = arith.constant 0.000000e+00 : f32
          %broadcast_in_dim3A_271 = vector.broadcast %broadcast_in_dim3A_270 : f32 to vector<16xf32>
          %swap3A_272 = arith.constant 0 : i32
          %swap3A_273 = tpu.memref_slice %arg10[%mul3A_200, %swap3A_272] : memref<448x256xf32, #tpu.memory_space<vmem>> -> memref<64x256xf32, #tpu.memory_space<vmem>>
          %swap3A_274 = arith.index_cast %while3A_229 : i32 to index
          %swap3A_275 = arith.constant 96 : index
          %swap3A_276 = tpu.vector_load %swap3A_273[%swap3A_274, %swap3A_275] {strides = array<i32>} : memref<64x256xf32, #tpu.memory_space<vmem>>, vector<16xf32>,
          tpu.vector_store %swap3A_273[%swap3A_274, %swap3A_275], %broadcast_in_dim3A_271 {strides = array<i32>} : memref<64x256xf32, #tpu.memory_space<vmem>>, vector<16xf32>,
          %broadcast_in_dim3A_277 = arith.constant 0.000000e+00 : f32
          %broadcast_in_dim3A_278 = vector.broadcast %broadcast_in_dim3A_277 : f32 to vector<16xf32>
          %swap3A_279 = arith.constant 0 : i32
          %swap3A_280 = tpu.memref_slice %arg10[%mul3A_200, %swap3A_279] : memref<448x256xf32, #tpu.memory_space<vmem>> -> memref<64x256xf32, #tpu.memory_space<vmem>>
          %swap3A_281 = arith.index_cast %while3A_229 : i32 to index
          %swap3A_282 = arith.constant 112 : index
          %swap3A_283 = tpu.vector_load %swap3A_280[%swap3A_281, %swap3A_282] {strides = array<i32>} : memref<64x256xf32, #tpu.memory_space<vmem>>, vector<16xf32>,
          tpu.vector_store %swap3A_280[%swap3A_281, %swap3A_282], %broadcast_in_dim3A_278 {strides = array<i32>} : memref<64x256xf32, #tpu.memory_space<vmem>>, vector<16xf32>,
          %broadcast_in_dim3A_284 = arith.constant 0.000000e+00 : f32
          %broadcast_in_dim3A_285 = vector.broadcast %broadcast_in_dim3A_284 : f32 to vector<16xf32>
          %swap3A_286 = arith.constant 0 : i32
          %swap3A_287 = tpu.memref_slice %arg10[%mul3A_200, %swap3A_286] : memref<448x256xf32, #tpu.memory_space<vmem>> -> memref<64x256xf32, #tpu.memory_space<vmem>>
          %swap3A_288 = arith.index_cast %while3A_229 : i32 to index
          %swap3A_289 = arith.constant 128 : index
          %swap3A_290 = tpu.vector_load %swap3A_287[%swap3A_288, %swap3A_289] {strides = array<i32>} : memref<64x256xf32, #tpu.memory_space<vmem>>, vector<16xf32>,
          tpu.vector_store %swap3A_287[%swap3A_288, %swap3A_289], %broadcast_in_dim3A_285 {strides = array<i32>} : memref<64x256xf32, #tpu.memory_space<vmem>>, vector<16xf32>,
          %broadcast_in_dim3A_291 = arith.constant 0.000000e+00 : f32
          %broadcast_in_dim3A_292 = vector.broadcast %broadcast_in_dim3A_291 : f32 to vector<16xf32>
          %swap3A_293 = arith.constant 0 : i32
          %swap3A_294 = tpu.memref_slice %arg10[%mul3A_200, %swap3A_293] : memref<448x256xf32, #tpu.memory_space<vmem>> -> memref<64x256xf32, #tpu.memory_space<vmem>>
          %swap3A_295 = arith.index_cast %while3A_229 : i32 to index
          %swap3A_296 = arith.constant 144 : index
          %swap3A_297 = tpu.vector_load %swap3A_294[%swap3A_295, %swap3A_296] {strides = array<i32>} : memref<64x256xf32, #tpu.memory_space<vmem>>, vector<16xf32>,
          tpu.vector_store %swap3A_294[%swap3A_295, %swap3A_296], %broadcast_in_dim3A_292 {strides = array<i32>} : memref<64x256xf32, #tpu.memory_space<vmem>>, vector<16xf32>,
          %broadcast_in_dim3A_298 = arith.constant 0.000000e+00 : f32
          %broadcast_in_dim3A_299 = vector.broadcast %broadcast_in_dim3A_298 : f32 to vector<16xf32>
          %swap3A_300 = arith.constant 0 : i32
          %swap3A_301 = tpu.memref_slice %arg10[%mul3A_200, %swap3A_300] : memref<448x256xf32, #tpu.memory_space<vmem>> -> memref<64x256xf32, #tpu.memory_space<vmem>>
          %swap3A_302 = arith.index_cast %while3A_229 : i32 to index
          %swap3A_303 = arith.constant 160 : index
          %swap3A_304 = tpu.vector_load %swap3A_301[%swap3A_302, %swap3A_303] {strides = array<i32>} : memref<64x256xf32, #tpu.memory_space<vmem>>, vector<16xf32>,
          tpu.vector_store %swap3A_301[%swap3A_302, %swap3A_303], %broadcast_in_dim3A_299 {strides = array<i32>} : memref<64x256xf32, #tpu.memory_space<vmem>>, vector<16xf32>,
          %broadcast_in_dim3A_305 = arith.constant 0.000000e+00 : f32
          %broadcast_in_dim3A_306 = vector.broadcast %broadcast_in_dim3A_305 : f32 to vector<16xf32>
          %swap3A_307 = arith.constant 0 : i32
          %swap3A_308 = tpu.memref_slice %arg10[%mul3A_200, %swap3A_307] : memref<448x256xf32, #tpu.memory_space<vmem>> -> memref<64x256xf32, #tpu.memory_space<vmem>>
          %swap3A_309 = arith.index_cast %while3A_229 : i32 to index
          %swap3A_310 = arith.constant 176 : index
          %swap3A_311 = tpu.vector_load %swap3A_308[%swap3A_309, %swap3A_310] {strides = array<i32>} : memref<64x256xf32, #tpu.memory_space<vmem>>, vector<16xf32>,
          tpu.vector_store %swap3A_308[%swap3A_309, %swap3A_310], %broadcast_in_dim3A_306 {strides = array<i32>} : memref<64x256xf32, #tpu.memory_space<vmem>>, vector<16xf32>,
          %broadcast_in_dim3A_312 = arith.constant 0.000000e+00 : f32
          %broadcast_in_dim3A_313 = vector.broadcast %broadcast_in_dim3A_312 : f32 to vector<16xf32>
          %swap3A_314 = arith.constant 0 : i32
          %swap3A_315 = tpu.memref_slice %arg10[%mul3A_200, %swap3A_314] : memref<448x256xf32, #tpu.memory_space<vmem>> -> memref<64x256xf32, #tpu.memory_space<vmem>>
          %swap3A_316 = arith.index_cast %while3A_229 : i32 to index
          %swap3A_317 = arith.constant 192 : index
          %swap3A_318 = tpu.vector_load %swap3A_315[%swap3A_316, %swap3A_317] {strides = array<i32>} : memref<64x256xf32, #tpu.memory_space<vmem>>, vector<16xf32>,
          tpu.vector_store %swap3A_315[%swap3A_316, %swap3A_317], %broadcast_in_dim3A_313 {strides = array<i32>} : memref<64x256xf32, #tpu.memory_space<vmem>>, vector<16xf32>,
          %broadcast_in_dim3A_319 = arith.constant 0.000000e+00 : f32
          %broadcast_in_dim3A_320 = vector.broadcast %broadcast_in_dim3A_319 : f32 to vector<16xf32>
          %swap3A_321 = arith.constant 0 : i32
          %swap3A_322 = tpu.memref_slice %arg10[%mul3A_200, %swap3A_321] : memref<448x256xf32, #tpu.memory_space<vmem>> -> memref<64x256xf32, #tpu.memory_space<vmem>>
          %swap3A_323 = arith.index_cast %while3A_229 : i32 to index
          %swap3A_324 = arith.constant 208 : index
          %swap3A_325 = tpu.vector_load %swap3A_322[%swap3A_323, %swap3A_324] {strides = array<i32>} : memref<64x256xf32, #tpu.memory_space<vmem>>, vector<16xf32>,
          tpu.vector_store %swap3A_322[%swap3A_323, %swap3A_324], %broadcast_in_dim3A_320 {strides = array<i32>} : memref<64x256xf32, #tpu.memory_space<vmem>>, vector<16xf32>,
          %broadcast_in_dim3A_326 = arith.constant 0.000000e+00 : f32
          %broadcast_in_dim3A_327 = vector.broadcast %broadcast_in_dim3A_326 : f32 to vector<16xf32>
          %swap3A_328 = arith.constant 0 : i32
          %swap3A_329 = tpu.memref_slice %arg10[%mul3A_200, %swap3A_328] : memref<448x256xf32, #tpu.memory_space<vmem>> -> memref<64x256xf32, #tpu.memory_space<vmem>>
          %swap3A_330 = arith.index_cast %while3A_229 : i32 to index
          %swap3A_331 = arith.constant 224 : index
          %swap3A_332 = tpu.vector_load %swap3A_329[%swap3A_330, %swap3A_331] {strides = array<i32>} : memref<64x256xf32, #tpu.memory_space<vmem>>, vector<16xf32>,
          tpu.vector_store %swap3A_329[%swap3A_330, %swap3A_331], %broadcast_in_dim3A_327 {strides = array<i32>} : memref<64x256xf32, #tpu.memory_space<vmem>>, vector<16xf32>,
          %broadcast_in_dim3A_333 = arith.constant 0.000000e+00 : f32
          %broadcast_in_dim3A_334 = vector.broadcast %broadcast_in_dim3A_333 : f32 to vector<16xf32>
          %swap3A_335 = arith.constant 0 : i32
          %swap3A_336 = tpu.memref_slice %arg10[%mul3A_200, %swap3A_335] : memref<448x256xf32, #tpu.memory_space<vmem>> -> memref<64x256xf32, #tpu.memory_space<vmem>>
          %swap3A_337 = arith.index_cast %while3A_229 : i32 to index
          %swap3A_338 = arith.constant 240 : index
          %swap3A_339 = tpu.vector_load %swap3A_336[%swap3A_337, %swap3A_338] {strides = array<i32>} : memref<64x256xf32, #tpu.memory_space<vmem>>, vector<16xf32>,
          tpu.vector_store %swap3A_336[%swap3A_337, %swap3A_338], %broadcast_in_dim3A_334 {strides = array<i32>} : memref<64x256xf32, #tpu.memory_space<vmem>>, vector<16xf32>,
        }
        %mul3A_210 = arith.constant 64 : i32
        %mul3A_211 = arith.muli %select_n3A_154, %mul3A_210 : i32
        %mul3A_212 = arith.constant 2048 : i32
        %mul3A_213 = arith.muli %select_n3A, %mul3A_212 : i32
        %mul3A_214 = arith.constant 2 : i32
        %mul3A_215 = arith.muli %mul3A_214, %scan3A_138 : i32
        %add3A_216 = arith.addi %mul3A_215, %select_n3A_30 : i32
        %mul3A_217 = arith.constant 64 : i32
        %mul3A_218 = arith.muli %add3A_216, %mul3A_217 : i32
        %add3A_219 = arith.addi %mul3A_213, %mul3A_218 : i32
        %dma_start3A = arith.constant 0 : i32
        %dma_start3A_220 = tpu.memref_slice %arg10[%mul3A_211, %dma_start3A] : memref<448x256xf32, #tpu.memory_space<vmem>> -> memref<64x256xf32, #tpu.memory_space<vmem>>
        %dma_start3A_221 = arith.constant 0 : i32
        %dma_start3A_222 = tpu.memref_slice %arg5[%add3A_219, %dma_start3A_221] : memref<32768x256xf32, #tpu.memory_space<hbm>> -> memref<64x256xf32, #tpu.memory_space<hbm>>
        %dma_start3A_223 = tpu.memref_slice %arg12[%select_n3A_154] : memref<6x!tpu.dma_semaphore, #tpu.memory_space<semaphore_mem>> -> memref<1x!tpu.dma_semaphore, #tpu.memory_space<semaphore_mem>>
        %dma_start3A_224 = tpu.memref_squeeze %dma_start3A_223 : memref<1x!tpu.dma_semaphore, #tpu.memory_space<semaphore_mem>> -> memref<!tpu.dma_semaphore, #tpu.memory_space<semaphore_mem>>
        %dma_start3A_225 = arith.constant 0 : i32
        %dma_start3A_226 = tpu.memref_slice %arg5[%add3A_219, %dma_start3A_225] : memref<32768x256xf32, #tpu.memory_space<hbm>> -> memref<64x256xf32, #tpu.memory_space<hbm>>
        %dma_start3A_227 = arith.constant 0 : i32
        %dma_start3A_228 = tpu.memref_slice %arg10[%mul3A_211, %dma_start3A_227] : memref<448x256xf32, #tpu.memory_space<vmem>> -> memref<64x256xf32, #tpu.memory_space<vmem>>
        tpu.enqueue_dma source(%dma_start3A_228 : memref<64x256xf32, #tpu.memory_space<vmem>>) target(%dma_start3A_226 : memref<64x256xf32, #tpu.memory_space<hbm>>) target_semaphore(%dma_start3A_224 : memref<!tpu.dma_semaphore, #tpu.memory_space<semaphore_mem>>)
      } else {
      }
      %le3A = arith.constant 0 : i32
      %le3A_184 = arith.cmpi sle, %convert_element_type3A_178, %le3A : i32
      %convert_element_type3A_185 = arith.extui %le3A_184 : i1 to i32
      %cond3A_186 = arith.constant 0 : i32
      %cond3A_187 = arith.cmpi ne, %convert_element_type3A_185, %cond3A_186 : i32
      scf.if %cond3A_187 {
        %mul3A_188 = arith.constant 2048 : i32
        %mul3A_189 = arith.muli %select_n3A, %mul3A_188 : i32
        %mul3A_190 = arith.constant 2 : i32
        %mul3A_191 = arith.muli %mul3A_190, %scan3A_138 : i32
        %add3A_192 = arith.addi %mul3A_191, %select_n3A_30 : i32
        %mul3A_193 = arith.constant 64 : i32
        %mul3A_194 = arith.muli %add3A_192, %mul3A_193 : i32
        %add3A_195 = arith.addi %mul3A_189, %mul3A_194 : i32
        %dma_start3A = arith.constant 384 : i32
        %dma_start3A_196 = arith.constant 0 : i32
        %dma_start3A_197 = tpu.memref_slice %arg10[%dma_start3A, %dma_start3A_196] : memref<448x256xf32, #tpu.memory_space<vmem>> -> memref<64x256xf32, #tpu.memory_space<vmem>>
        %dma_start3A_198 = arith.constant 0 : i32
        %dma_start3A_199 = tpu.memref_slice %arg5[%add3A_195, %dma_start3A_198] : memref<32768x256xf32, #tpu.memory_space<hbm>> -> memref<64x256xf32, #tpu.memory_space<hbm>>
        %dma_start3A_200 = tpu.memref_slice %arg12[%select_n3A_154] : memref<6x!tpu.dma_semaphore, #tpu.memory_space<semaphore_mem>> -> memref<1x!tpu.dma_semaphore, #tpu.memory_space<semaphore_mem>>
        %dma_start3A_201 = tpu.memref_squeeze %dma_start3A_200 : memref<1x!tpu.dma_semaphore, #tpu.memory_space<semaphore_mem>> -> memref<!tpu.dma_semaphore, #tpu.memory_space<semaphore_mem>>
        %dma_start3A_202 = arith.constant 0 : i32
        %dma_start3A_203 = tpu.memref_slice %arg5[%add3A_195, %dma_start3A_202] : memref<32768x256xf32, #tpu.memory_space<hbm>> -> memref<64x256xf32, #tpu.memory_space<hbm>>
        %dma_start3A_204 = arith.constant 384 : i32
        %dma_start3A_205 = arith.constant 0 : i32
        %dma_start3A_206 = tpu.memref_slice %arg10[%dma_start3A_204, %dma_start3A_205] : memref<448x256xf32, #tpu.memory_space<vmem>> -> memref<64x256xf32, #tpu.memory_space<vmem>>
        tpu.enqueue_dma source(%dma_start3A_206 : memref<64x256xf32, #tpu.memory_space<vmem>>) target(%dma_start3A_203 : memref<64x256xf32, #tpu.memory_space<hbm>>) target_semaphore(%dma_start3A_201 : memref<!tpu.dma_semaphore, #tpu.memory_space<semaphore_mem>>)
      } else {
      }
    }
    %scan3A_131 = arith.constant 16 : i32
    %scan3A_132 = arith.constant 0 : i32
    %scan3A_133 = arith.constant 10 : i32
    %scan3A_134 = arith.constant 6 : i32
    %scan3A_135 = arith.addi %scan3A_133, %scan3A_134 : i32
    %scan3A_136 = arith.constant 1 : i32
    scf.for %scan3A_138 = %scan3A_133 to %scan3A_135 step %scan3A_136  : i32 {
      %jit3A_139 = arith.constant 6 : i32
      %eq3A_140 = arith.constant 0 : i32
      %eq3A_141 = arith.cmpi eq, %jit3A_139, %eq3A_140 : i32
      %jit3A_142 = arith.constant 1 : i32
      %select_n3A_143 = arith.select %eq3A_141, %jit3A_142, %jit3A_139 : i32
      %rem3A_144 = arith.remsi %scan3A_138, %select_n3A_143 : i32
      %ne3A_145 = arith.constant 0 : i32
      %ne3A_146 = arith.cmpi ne, %rem3A_144, %ne3A_145 : i32
      %lt3A_147 = arith.constant 0 : i32
      %lt3A_148 = arith.cmpi slt, %rem3A_144, %lt3A_147 : i32
      %lt3A_149 = arith.constant 0 : i32
      %lt3A_150 = arith.cmpi slt, %select_n3A_143, %lt3A_149 : i32
      %ne3A_151 = arith.xori %lt3A_148, %lt3A_150 : i1
      %and3A_152 = arith.andi %ne3A_151, %ne3A_146 : i1
      %add3A_153 = arith.addi %rem3A_144, %select_n3A_143 : i32
      %select_n3A_154 = arith.select %and3A_152, %add3A_153, %rem3A_144 : i32
      %mul3A_155 = arith.constant 64 : i32
      %mul3A_156 = arith.muli %select_n3A_154, %mul3A_155 : i32
      %mul3A_157 = arith.constant 2048 : i32
      %mul3A_158 = arith.muli %select_n3A, %mul3A_157 : i32
      %mul3A_159 = arith.constant 2 : i32
      %mul3A_160 = arith.muli %mul3A_159, %scan3A_138 : i32
      %add3A_161 = arith.addi %mul3A_160, %select_n3A_30 : i32
      %mul3A_162 = arith.constant 64 : i32
      %mul3A_163 = arith.muli %add3A_161, %mul3A_162 : i32
      %add3A_164 = arith.addi %mul3A_158, %mul3A_163 : i32
      %dma_wait3A = arith.constant 0 : i32
      %dma_wait3A_165 = tpu.memref_slice %arg10[%mul3A_156, %dma_wait3A] : memref<448x256xf32, #tpu.memory_space<vmem>> -> memref<64x256xf32, #tpu.memory_space<vmem>>
      %dma_wait3A_166 = arith.constant 0 : i32
      %dma_wait3A_167 = tpu.memref_slice %arg5[%add3A_164, %dma_wait3A_166] : memref<32768x256xf32, #tpu.memory_space<hbm>> -> memref<64x256xf32, #tpu.memory_space<hbm>>
      %dma_wait3A_168 = tpu.memref_slice %arg12[%select_n3A_154] : memref<6x!tpu.dma_semaphore, #tpu.memory_space<semaphore_mem>> -> memref<1x!tpu.dma_semaphore, #tpu.memory_space<semaphore_mem>>
      %dma_wait3A_169 = tpu.memref_squeeze %dma_wait3A_168 : memref<1x!tpu.dma_semaphore, #tpu.memory_space<semaphore_mem>> -> memref<!tpu.dma_semaphore, #tpu.memory_space<semaphore_mem>>
      %dma_wait3A_170 = arith.constant 0 : i32
      %dma_wait3A_171 = tpu.memref_slice %arg5[%add3A_164, %dma_wait3A_170] : memref<32768x256xf32, #tpu.memory_space<hbm>> -> memref<64x256xf32, #tpu.memory_space<hbm>>
      %dma_wait3A_172 = arith.constant 0 : i32
      %dma_wait3A_173 = tpu.memref_slice %arg10[%mul3A_156, %dma_wait3A_172] : memref<448x256xf32, #tpu.memory_space<vmem>> -> memref<64x256xf32, #tpu.memory_space<vmem>>
      tpu.wait_dma2 semaphore(%dma_wait3A_169 : memref<!tpu.dma_semaphore, #tpu.memory_space<semaphore_mem>>) src(%dma_wait3A_173 : memref<64x256xf32, #tpu.memory_space<vmem>>) dst(%dma_wait3A_171 : memref<64x256xf32, #tpu.memory_space<hbm>>)
    }
    %scan3A_137 = arith.constant 6 : i32
    return
  }
}

module attributes {stable_mosaic.version = 14 : i64} {
  func.func @_pred_body(%arg0: i32, %arg1: memref<16x512x256xf32, #tpu.memory_space<vmem>>, %arg2: memref<3x256x256xbf16, #tpu.memory_space<vmem>>, %arg3: memref<1x256xf32, #tpu.memory_space<vmem>>, %arg4: memref<1x256xf32, #tpu.memory_space<vmem>>, %arg5: memref<1x256xf32, #tpu.memory_space<vmem>>, %arg6: memref<3x256x256xbf16, #tpu.memory_space<vmem>>, %arg7: memref<1x256xf32, #tpu.memory_space<vmem>>, %arg8: memref<1x256xf32, #tpu.memory_space<vmem>>, %arg9: memref<1x256xf32, #tpu.memory_space<vmem>>, %arg10: memref<256x128xbf16, #tpu.memory_space<vmem>>, %arg11: memref<1x1xf32, #tpu.memory_space<vmem>>, %arg12: memref<16x1x512xf32, #tpu.memory_space<vmem>>) attributes {dimension_semantics = [#tpu.dimension_semantics<arbitrary>], iteration_bounds = array<i64: 1>, scalar_prefetch = 0 : i64, scratch_operands = 0 : i64, tpu.core_type = #tpu.core_type<tc>, window_params = [{transform_indices = @transform_0, window_bounds = array<i64: 16, 512, 256>}, {pipeline_mode = #tpu.pipeline_mode<synchronous>, transform_indices = @transform_1, window_bounds = array<i64: 3, 256, 256>}, {pipeline_mode = #tpu.pipeline_mode<synchronous>, transform_indices = @transform_2, window_bounds = array<i64: 1, 256>}, {pipeline_mode = #tpu.pipeline_mode<synchronous>, transform_indices = @transform_3, window_bounds = array<i64: 1, 256>}, {pipeline_mode = #tpu.pipeline_mode<synchronous>, transform_indices = @transform_4, window_bounds = array<i64: 1, 256>}, {pipeline_mode = #tpu.pipeline_mode<synchronous>, transform_indices = @transform_5, window_bounds = array<i64: 3, 256, 256>}, {pipeline_mode = #tpu.pipeline_mode<synchronous>, transform_indices = @transform_6, window_bounds = array<i64: 1, 256>}, {pipeline_mode = #tpu.pipeline_mode<synchronous>, transform_indices = @transform_7, window_bounds = array<i64: 1, 256>}, {pipeline_mode = #tpu.pipeline_mode<synchronous>, transform_indices = @transform_8, window_bounds = array<i64: 1, 256>}, {pipeline_mode = #tpu.pipeline_mode<synchronous>, transform_indices = @transform_9, window_bounds = array<i64: 256, 128>}, {pipeline_mode = #tpu.pipeline_mode<synchronous>, transform_indices = @transform_10, window_bounds = array<i64: 1, 1>}, {transform_indices = @transform_11, window_bounds = array<i64: 16, 1, 512>}]} {
    %broadcast_in_dim3A = arith.constant 1.000000e+00 : bf16
    %broadcast_in_dim3A_0 = vector.broadcast %broadcast_in_dim3A : bf16 to vector<256x128xbf16>
    %get3A = arith.constant 0 : index
    %get3A_1 = arith.constant 0 : index
    %get3A_2 = arith.constant 0 : index
    %get3A_3 = vector.load %arg1[%get3A, %get3A_1, %get3A_2] : memref<16x512x256xf32, #tpu.memory_space<vmem>>, vector<1x512x256xf32>
    %get3A_4 = vector.shape_cast %get3A_3 : vector<1x512x256xf32> to vector<512x256xf32>
    %convert_element_type3A = arith.truncf %get3A_4 : vector<512x256xf32> to vector<512x256xbf16>
    %get3A_5 = arith.constant 0 : index
    %get3A_6 = arith.constant 0 : index
    %get3A_7 = arith.constant 0 : index
    %get3A_8 = vector.load %arg2[%get3A_5, %get3A_6, %get3A_7] : memref<3x256x256xbf16, #tpu.memory_space<vmem>>, vector<3x256x256xbf16>
    %get3A_9 = arith.constant 0 : index
    %get3A_10 = arith.constant 0 : index
    %get3A_11 = vector.load %arg3[%get3A_9, %get3A_10] : memref<1x256xf32, #tpu.memory_space<vmem>>, vector<1x256xf32>
    %broadcast_in_dim3A_12 = arith.constant 0.000000e+00 : bf16
    %broadcast_in_dim3A_13 = vector.broadcast %broadcast_in_dim3A_12 : bf16 to vector<1x256xbf16>
    %slice3A = vector.extract_strided_slice %convert_element_type3A {offsets = [0, 0], sizes = [511, 256], strides = [1, 1]} : vector<512x256xbf16> to vector<511x256xbf16>
    %concatenate3A = tpu.concatenate %broadcast_in_dim3A_13, %slice3A in 0 : vector<1x256xbf16>, vector<511x256xbf16> -> vector<512x256xbf16>
    %slice3A_14 = vector.extract_strided_slice %convert_element_type3A {offsets = [1, 0], sizes = [511, 256], strides = [1, 1]} : vector<512x256xbf16> to vector<511x256xbf16>
    %concatenate3A_15 = tpu.concatenate %slice3A_14, %broadcast_in_dim3A_13 in 0 : vector<511x256xbf16>, vector<1x256xbf16> -> vector<512x256xbf16>
    %slice3A_16 = vector.extract_strided_slice %get3A_8 {offsets = [0, 0, 0], sizes = [1, 256, 256], strides = [1, 1, 1]} : vector<3x256x256xbf16> to vector<1x256x256xbf16>
    %squeeze3A = vector.shape_cast %slice3A_16 : vector<1x256x256xbf16> to vector<256x256xbf16>
    %dot_general3A = arith.constant dense<0.000000e+00> : vector<512x256xf32>
    %dot_general3A_17 = tpu.matmul %concatenate3A, %squeeze3A, %dot_general3A {dimension_numbers = #tpu.dot_dimension_numbers<[1], [0], [0], [1], [0, 0, 1, 1], [], []>, transpose_lhs_hint = false} : vector<512x256xbf16>, vector<256x256xbf16>, vector<512x256xf32> -> vector<512x256xf32>
    %slice3A_18 = vector.extract_strided_slice %get3A_8 {offsets = [1, 0, 0], sizes = [1, 256, 256], strides = [1, 1, 1]} : vector<3x256x256xbf16> to vector<1x256x256xbf16>
    %squeeze3A_19 = vector.shape_cast %slice3A_18 : vector<1x256x256xbf16> to vector<256x256xbf16>
    %dot_general3A_20 = arith.constant dense<0.000000e+00> : vector<512x256xf32>
    %dot_general3A_21 = tpu.matmul %convert_element_type3A, %squeeze3A_19, %dot_general3A_20 {dimension_numbers = #tpu.dot_dimension_numbers<[1], [0], [0], [1], [0, 0, 1, 1], [], []>, transpose_lhs_hint = false} : vector<512x256xbf16>, vector<256x256xbf16>, vector<512x256xf32> -> vector<512x256xf32>
    %add3A = arith.addf %dot_general3A_17, %dot_general3A_21 : vector<512x256xf32>
    %slice3A_22 = vector.extract_strided_slice %get3A_8 {offsets = [2, 0, 0], sizes = [1, 256, 256], strides = [1, 1, 1]} : vector<3x256x256xbf16> to vector<1x256x256xbf16>
    %squeeze3A_23 = vector.shape_cast %slice3A_22 : vector<1x256x256xbf16> to vector<256x256xbf16>
    %dot_general3A_24 = arith.constant dense<0.000000e+00> : vector<512x256xf32>
    %dot_general3A_25 = tpu.matmul %concatenate3A_15, %squeeze3A_23, %dot_general3A_24 {dimension_numbers = #tpu.dot_dimension_numbers<[1], [0], [0], [1], [0, 0, 1, 1], [], []>, transpose_lhs_hint = false} : vector<512x256xbf16>, vector<256x256xbf16>, vector<512x256xf32> -> vector<512x256xf32>
    %add3A_26 = arith.addf %add3A, %dot_general3A_25 : vector<512x256xf32>
    %add3A_27 = vector.broadcast %get3A_11 : vector<1x256xf32> to vector<512x256xf32>
    %add3A_28 = arith.addf %add3A_26, %add3A_27 : vector<512x256xf32>
    %get3A_29 = arith.constant 0 : index
    %get3A_30 = arith.constant 0 : index
    %get3A_31 = vector.load %arg4[%get3A_29, %get3A_30] : memref<1x256xf32, #tpu.memory_space<vmem>>, vector<1x256xf32>
    %get3A_32 = arith.constant 0 : index
    %get3A_33 = arith.constant 0 : index
    %get3A_34 = vector.load %arg5[%get3A_32, %get3A_33] : memref<1x256xf32, #tpu.memory_space<vmem>>, vector<1x256xf32>
    %convert_element_type3A_35 = arith.truncf %add3A_28 : vector<512x256xf32> to vector<512x256xbf16>
    %dot_general3A_36 = arith.constant dense<0.000000e+00> : vector<512x128xf32>
    %dot_general3A_37 = tpu.matmul %convert_element_type3A_35, %broadcast_in_dim3A_0, %dot_general3A_36 {dimension_numbers = #tpu.dot_dimension_numbers<[1], [0], [0], [1], [0, 0, 1, 1], [], []>, transpose_lhs_hint = false} : vector<512x256xbf16>, vector<256x128xbf16>, vector<512x128xf32> -> vector<512x128xf32>
    %slice3A_38 = vector.extract_strided_slice %dot_general3A_37 {offsets = [0, 0], sizes = [512, 1], strides = [1, 1]} : vector<512x128xf32> to vector<512x1xf32>
    %mul3A = arith.mulf %convert_element_type3A_35, %convert_element_type3A_35 : vector<512x256xbf16>
    %dot_general3A_39 = arith.constant dense<0.000000e+00> : vector<512x128xf32>
    %dot_general3A_40 = tpu.matmul %mul3A, %broadcast_in_dim3A_0, %dot_general3A_39 {dimension_numbers = #tpu.dot_dimension_numbers<[1], [0], [0], [1], [0, 0, 1, 1], [], []>, transpose_lhs_hint = false} : vector<512x256xbf16>, vector<256x128xbf16>, vector<512x128xf32> -> vector<512x128xf32>
    %slice3A_41 = vector.extract_strided_slice %dot_general3A_40 {offsets = [0, 0], sizes = [512, 1], strides = [1, 1]} : vector<512x128xf32> to vector<512x1xf32>
    %mul3A_42 = arith.constant 3.906250e-03 : f32
    %mul3A_43 = vector.broadcast %mul3A_42 : f32 to vector<512x1xf32>
    %mul3A_44 = arith.mulf %slice3A_38, %mul3A_43 : vector<512x1xf32>
    %mul3A_45 = arith.constant 3.906250e-03 : f32
    %mul3A_46 = vector.broadcast %mul3A_45 : f32 to vector<512x1xf32>
    %mul3A_47 = arith.mulf %slice3A_41, %mul3A_46 : vector<512x1xf32>
    %mul3A_48 = arith.mulf %mul3A_44, %mul3A_44 : vector<512x1xf32>
    %sub3A = arith.subf %mul3A_47, %mul3A_48 : vector<512x1xf32>
    %sub3A_49 = vector.broadcast %mul3A_44 : vector<512x1xf32> to vector<512x256xf32>
    %sub3A_50 = arith.subf %add3A_28, %sub3A_49 : vector<512x256xf32>
    %add3A_51 = arith.constant 9.99999974E-6 : f32
    %add3A_52 = vector.broadcast %add3A_51 : f32 to vector<512x1xf32>
    %add3A_53 = arith.addf %sub3A, %add3A_52 : vector<512x1xf32>
    %rsqrt3A = math.rsqrt %add3A_53 : vector<512x1xf32>
    %mul3A_54 = vector.broadcast %rsqrt3A : vector<512x1xf32> to vector<512x256xf32>
    %mul3A_55 = arith.mulf %sub3A_50, %mul3A_54 : vector<512x256xf32>
    %mul3A_56 = vector.broadcast %get3A_31 : vector<1x256xf32> to vector<512x256xf32>
    %mul3A_57 = arith.mulf %mul3A_55, %mul3A_56 : vector<512x256xf32>
    %add3A_58 = vector.broadcast %get3A_34 : vector<1x256xf32> to vector<512x256xf32>
    %add3A_59 = arith.addf %mul3A_57, %add3A_58 : vector<512x256xf32>
    %max3A = arith.constant 0.000000e+00 : f32
    %max3A_60 = vector.broadcast %max3A : f32 to vector<512x256xf32>
    %max3A_61 = arith.maximumf %add3A_59, %max3A_60 : vector<512x256xf32>
    %convert_element_type3A_62 = arith.truncf %max3A_61 : vector<512x256xf32> to vector<512x256xbf16>
    %get3A_63 = arith.constant 0 : index
    %get3A_64 = arith.constant 0 : index
    %get3A_65 = arith.constant 0 : index
    %get3A_66 = vector.load %arg6[%get3A_63, %get3A_64, %get3A_65] : memref<3x256x256xbf16, #tpu.memory_space<vmem>>, vector<3x256x256xbf16>
    %get3A_67 = arith.constant 0 : index
    %get3A_68 = arith.constant 0 : index
    %get3A_69 = vector.load %arg7[%get3A_67, %get3A_68] : memref<1x256xf32, #tpu.memory_space<vmem>>, vector<1x256xf32>
    %broadcast_in_dim3A_70 = arith.constant 0.000000e+00 : bf16
    %broadcast_in_dim3A_71 = vector.broadcast %broadcast_in_dim3A_70 : bf16 to vector<1x256xbf16>
    %slice3A_72 = vector.extract_strided_slice %convert_element_type3A_62 {offsets = [0, 0], sizes = [511, 256], strides = [1, 1]} : vector<512x256xbf16> to vector<511x256xbf16>
    %concatenate3A_73 = tpu.concatenate %broadcast_in_dim3A_71, %slice3A_72 in 0 : vector<1x256xbf16>, vector<511x256xbf16> -> vector<512x256xbf16>
    %slice3A_74 = vector.extract_strided_slice %convert_element_type3A_62 {offsets = [1, 0], sizes = [511, 256], strides = [1, 1]} : vector<512x256xbf16> to vector<511x256xbf16>
    %concatenate3A_75 = tpu.concatenate %slice3A_74, %broadcast_in_dim3A_71 in 0 : vector<511x256xbf16>, vector<1x256xbf16> -> vector<512x256xbf16>
    %slice3A_76 = vector.extract_strided_slice %get3A_66 {offsets = [0, 0, 0], sizes = [1, 256, 256], strides = [1, 1, 1]} : vector<3x256x256xbf16> to vector<1x256x256xbf16>
    %squeeze3A_77 = vector.shape_cast %slice3A_76 : vector<1x256x256xbf16> to vector<256x256xbf16>
    %dot_general3A_78 = arith.constant dense<0.000000e+00> : vector<512x256xf32>
    %dot_general3A_79 = tpu.matmul %concatenate3A_73, %squeeze3A_77, %dot_general3A_78 {dimension_numbers = #tpu.dot_dimension_numbers<[1], [0], [0], [1], [0, 0, 1, 1], [], []>, transpose_lhs_hint = false} : vector<512x256xbf16>, vector<256x256xbf16>, vector<512x256xf32> -> vector<512x256xf32>
    %slice3A_80 = vector.extract_strided_slice %get3A_66 {offsets = [1, 0, 0], sizes = [1, 256, 256], strides = [1, 1, 1]} : vector<3x256x256xbf16> to vector<1x256x256xbf16>
    %squeeze3A_81 = vector.shape_cast %slice3A_80 : vector<1x256x256xbf16> to vector<256x256xbf16>
    %dot_general3A_82 = arith.constant dense<0.000000e+00> : vector<512x256xf32>
    %dot_general3A_83 = tpu.matmul %convert_element_type3A_62, %squeeze3A_81, %dot_general3A_82 {dimension_numbers = #tpu.dot_dimension_numbers<[1], [0], [0], [1], [0, 0, 1, 1], [], []>, transpose_lhs_hint = false} : vector<512x256xbf16>, vector<256x256xbf16>, vector<512x256xf32> -> vector<512x256xf32>
    %add3A_84 = arith.addf %dot_general3A_79, %dot_general3A_83 : vector<512x256xf32>
    %slice3A_85 = vector.extract_strided_slice %get3A_66 {offsets = [2, 0, 0], sizes = [1, 256, 256], strides = [1, 1, 1]} : vector<3x256x256xbf16> to vector<1x256x256xbf16>
    %squeeze3A_86 = vector.shape_cast %slice3A_85 : vector<1x256x256xbf16> to vector<256x256xbf16>
    %dot_general3A_87 = arith.constant dense<0.000000e+00> : vector<512x256xf32>
    %dot_general3A_88 = tpu.matmul %concatenate3A_75, %squeeze3A_86, %dot_general3A_87 {dimension_numbers = #tpu.dot_dimension_numbers<[1], [0], [0], [1], [0, 0, 1, 1], [], []>, transpose_lhs_hint = false} : vector<512x256xbf16>, vector<256x256xbf16>, vector<512x256xf32> -> vector<512x256xf32>
    %add3A_89 = arith.addf %add3A_84, %dot_general3A_88 : vector<512x256xf32>
    %add3A_90 = vector.broadcast %get3A_69 : vector<1x256xf32> to vector<512x256xf32>
    %add3A_91 = arith.addf %add3A_89, %add3A_90 : vector<512x256xf32>
    %get3A_92 = arith.constant 0 : index
    %get3A_93 = arith.constant 0 : index
    %get3A_94 = vector.load %arg8[%get3A_92, %get3A_93] : memref<1x256xf32, #tpu.memory_space<vmem>>, vector<1x256xf32>
    %get3A_95 = arith.constant 0 : index
    %get3A_96 = arith.constant 0 : index
    %get3A_97 = vector.load %arg9[%get3A_95, %get3A_96] : memref<1x256xf32, #tpu.memory_space<vmem>>, vector<1x256xf32>
    %convert_element_type3A_98 = arith.truncf %add3A_91 : vector<512x256xf32> to vector<512x256xbf16>
    %dot_general3A_99 = arith.constant dense<0.000000e+00> : vector<512x128xf32>
    %dot_general3A_100 = tpu.matmul %convert_element_type3A_98, %broadcast_in_dim3A_0, %dot_general3A_99 {dimension_numbers = #tpu.dot_dimension_numbers<[1], [0], [0], [1], [0, 0, 1, 1], [], []>, transpose_lhs_hint = false} : vector<512x256xbf16>, vector<256x128xbf16>, vector<512x128xf32> -> vector<512x128xf32>
    %slice3A_101 = vector.extract_strided_slice %dot_general3A_100 {offsets = [0, 0], sizes = [512, 1], strides = [1, 1]} : vector<512x128xf32> to vector<512x1xf32>
    %mul3A_102 = arith.mulf %convert_element_type3A_98, %convert_element_type3A_98 : vector<512x256xbf16>
    %dot_general3A_103 = arith.constant dense<0.000000e+00> : vector<512x128xf32>
    %dot_general3A_104 = tpu.matmul %mul3A_102, %broadcast_in_dim3A_0, %dot_general3A_103 {dimension_numbers = #tpu.dot_dimension_numbers<[1], [0], [0], [1], [0, 0, 1, 1], [], []>, transpose_lhs_hint = false} : vector<512x256xbf16>, vector<256x128xbf16>, vector<512x128xf32> -> vector<512x128xf32>
    %slice3A_105 = vector.extract_strided_slice %dot_general3A_104 {offsets = [0, 0], sizes = [512, 1], strides = [1, 1]} : vector<512x128xf32> to vector<512x1xf32>
    %mul3A_106 = arith.constant 3.906250e-03 : f32
    %mul3A_107 = vector.broadcast %mul3A_106 : f32 to vector<512x1xf32>
    %mul3A_108 = arith.mulf %slice3A_101, %mul3A_107 : vector<512x1xf32>
    %mul3A_109 = arith.constant 3.906250e-03 : f32
    %mul3A_110 = vector.broadcast %mul3A_109 : f32 to vector<512x1xf32>
    %mul3A_111 = arith.mulf %slice3A_105, %mul3A_110 : vector<512x1xf32>
    %mul3A_112 = arith.mulf %mul3A_108, %mul3A_108 : vector<512x1xf32>
    %sub3A_113 = arith.subf %mul3A_111, %mul3A_112 : vector<512x1xf32>
    %sub3A_114 = vector.broadcast %mul3A_108 : vector<512x1xf32> to vector<512x256xf32>
    %sub3A_115 = arith.subf %add3A_91, %sub3A_114 : vector<512x256xf32>
    %add3A_116 = arith.constant 9.99999974E-6 : f32
    %add3A_117 = vector.broadcast %add3A_116 : f32 to vector<512x1xf32>
    %add3A_118 = arith.addf %sub3A_113, %add3A_117 : vector<512x1xf32>
    %rsqrt3A_119 = math.rsqrt %add3A_118 : vector<512x1xf32>
    %mul3A_120 = vector.broadcast %rsqrt3A_119 : vector<512x1xf32> to vector<512x256xf32>
    %mul3A_121 = arith.mulf %sub3A_115, %mul3A_120 : vector<512x256xf32>
    %mul3A_122 = vector.broadcast %get3A_94 : vector<1x256xf32> to vector<512x256xf32>
    %mul3A_123 = arith.mulf %mul3A_121, %mul3A_122 : vector<512x256xf32>
    %add3A_124 = vector.broadcast %get3A_97 : vector<1x256xf32> to vector<512x256xf32>
    %add3A_125 = arith.addf %mul3A_123, %add3A_124 : vector<512x256xf32>
    %max3A_126 = arith.constant 0.000000e+00 : f32
    %max3A_127 = vector.broadcast %max3A_126 : f32 to vector<512x256xf32>
    %max3A_128 = arith.maximumf %add3A_125, %max3A_127 : vector<512x256xf32>
    %convert_element_type3A_129 = arith.truncf %max3A_128 : vector<512x256xf32> to vector<512x256xbf16>
    %get3A_130 = arith.constant 0 : index
    %get3A_131 = arith.constant 0 : index
    %get3A_132 = vector.load %arg10[%get3A_130, %get3A_131] : memref<256x128xbf16, #tpu.memory_space<vmem>>, vector<256x128xbf16>
    %dot_general3A_133 = arith.constant dense<0.000000e+00> : vector<512x128xf32>
    %dot_general3A_134 = tpu.matmul %convert_element_type3A_129, %get3A_132, %dot_general3A_133 {dimension_numbers = #tpu.dot_dimension_numbers<[1], [0], [0], [1], [0, 0, 1, 1], [], []>, transpose_lhs_hint = false} : vector<512x256xbf16>, vector<256x128xbf16>, vector<512x128xf32> -> vector<512x128xf32>
    %slice3A_135 = vector.extract_strided_slice %dot_general3A_134 {offsets = [0, 0], sizes = [512, 1], strides = [1, 1]} : vector<512x128xf32> to vector<512x1xf32>
    %get3A_136 = arith.constant 0 : index
    %get3A_137 = arith.constant 0 : index
    %get3A_138 = vector.load %arg11[%get3A_136, %get3A_137] : memref<1x1xf32, #tpu.memory_space<vmem>>, vector<1x1xf32>
    %get3A_139 = vector.extract %get3A_138[0, 0] : f32 from vector<1x1xf32>
    %add3A_140 = vector.broadcast %get3A_139 : f32 to vector<512x1xf32>
    %add3A_141 = arith.addf %slice3A_135, %add3A_140 : vector<512x1xf32>
    %max3A_142 = arith.constant 0.000000e+00 : f32
    %max3A_143 = vector.broadcast %max3A_142 : f32 to vector<512x1xf32>
    %max3A_144 = arith.maximumf %add3A_141, %max3A_143 : vector<512x1xf32>
    %reshape3A = vector.shape_cast %max3A_144 : vector<512x1xf32> to vector<1x512xf32>
    %swap3A = arith.constant 0 : index
    %swap3A_145 = arith.constant 0 : index
    %swap3A_146 = arith.constant 0 : index
    %swap3A_147 = vector.load %arg12[%swap3A, %swap3A_145, %swap3A_146] : memref<16x1x512xf32, #tpu.memory_space<vmem>>, vector<1x1x512xf32>
    %swap3A_148 = vector.shape_cast %swap3A_147 : vector<1x1x512xf32> to vector<1x512xf32>
    %swap3A_149 = vector.shape_cast %reshape3A : vector<1x512xf32> to vector<1x1x512xf32>
    tpu.vector_store %arg12[%swap3A, %swap3A_145, %swap3A_146], %swap3A_149 {strides = array<i32>} : memref<16x1x512xf32, #tpu.memory_space<vmem>>, vector<1x1x512xf32>,
    %get3A_150 = arith.constant 1 : index
    %get3A_151 = arith.constant 0 : index
    %get3A_152 = arith.constant 0 : index
    %get3A_153 = vector.load %arg1[%get3A_150, %get3A_151, %get3A_152] : memref<16x512x256xf32, #tpu.memory_space<vmem>>, vector<1x512x256xf32>
    %get3A_154 = vector.shape_cast %get3A_153 : vector<1x512x256xf32> to vector<512x256xf32>
    %convert_element_type3A_155 = arith.truncf %get3A_154 : vector<512x256xf32> to vector<512x256xbf16>
    %get3A_156 = arith.constant 0 : index
    %get3A_157 = arith.constant 0 : index
    %get3A_158 = arith.constant 0 : index
    %get3A_159 = vector.load %arg2[%get3A_156, %get3A_157, %get3A_158] : memref<3x256x256xbf16, #tpu.memory_space<vmem>>, vector<3x256x256xbf16>
    %get3A_160 = arith.constant 0 : index
    %get3A_161 = arith.constant 0 : index
    %get3A_162 = vector.load %arg3[%get3A_160, %get3A_161] : memref<1x256xf32, #tpu.memory_space<vmem>>, vector<1x256xf32>
    %broadcast_in_dim3A_163 = arith.constant 0.000000e+00 : bf16
    %broadcast_in_dim3A_164 = vector.broadcast %broadcast_in_dim3A_163 : bf16 to vector<1x256xbf16>
    %slice3A_165 = vector.extract_strided_slice %convert_element_type3A_155 {offsets = [0, 0], sizes = [511, 256], strides = [1, 1]} : vector<512x256xbf16> to vector<511x256xbf16>
    %concatenate3A_166 = tpu.concatenate %broadcast_in_dim3A_164, %slice3A_165 in 0 : vector<1x256xbf16>, vector<511x256xbf16> -> vector<512x256xbf16>
    %slice3A_167 = vector.extract_strided_slice %convert_element_type3A_155 {offsets = [1, 0], sizes = [511, 256], strides = [1, 1]} : vector<512x256xbf16> to vector<511x256xbf16>
    %concatenate3A_168 = tpu.concatenate %slice3A_167, %broadcast_in_dim3A_164 in 0 : vector<511x256xbf16>, vector<1x256xbf16> -> vector<512x256xbf16>
    %slice3A_169 = vector.extract_strided_slice %get3A_159 {offsets = [0, 0, 0], sizes = [1, 256, 256], strides = [1, 1, 1]} : vector<3x256x256xbf16> to vector<1x256x256xbf16>
    %squeeze3A_170 = vector.shape_cast %slice3A_169 : vector<1x256x256xbf16> to vector<256x256xbf16>
    %dot_general3A_171 = arith.constant dense<0.000000e+00> : vector<512x256xf32>
    %dot_general3A_172 = tpu.matmul %concatenate3A_166, %squeeze3A_170, %dot_general3A_171 {dimension_numbers = #tpu.dot_dimension_numbers<[1], [0], [0], [1], [0, 0, 1, 1], [], []>, transpose_lhs_hint = false} : vector<512x256xbf16>, vector<256x256xbf16>, vector<512x256xf32> -> vector<512x256xf32>
    %slice3A_173 = vector.extract_strided_slice %get3A_159 {offsets = [1, 0, 0], sizes = [1, 256, 256], strides = [1, 1, 1]} : vector<3x256x256xbf16> to vector<1x256x256xbf16>
    %squeeze3A_174 = vector.shape_cast %slice3A_173 : vector<1x256x256xbf16> to vector<256x256xbf16>
    %dot_general3A_175 = arith.constant dense<0.000000e+00> : vector<512x256xf32>
    %dot_general3A_176 = tpu.matmul %convert_element_type3A_155, %squeeze3A_174, %dot_general3A_175 {dimension_numbers = #tpu.dot_dimension_numbers<[1], [0], [0], [1], [0, 0, 1, 1], [], []>, transpose_lhs_hint = false} : vector<512x256xbf16>, vector<256x256xbf16>, vector<512x256xf32> -> vector<512x256xf32>
    %add3A_177 = arith.addf %dot_general3A_172, %dot_general3A_176 : vector<512x256xf32>
    %slice3A_178 = vector.extract_strided_slice %get3A_159 {offsets = [2, 0, 0], sizes = [1, 256, 256], strides = [1, 1, 1]} : vector<3x256x256xbf16> to vector<1x256x256xbf16>
    %squeeze3A_179 = vector.shape_cast %slice3A_178 : vector<1x256x256xbf16> to vector<256x256xbf16>
    %dot_general3A_180 = arith.constant dense<0.000000e+00> : vector<512x256xf32>
    %dot_general3A_181 = tpu.matmul %concatenate3A_168, %squeeze3A_179, %dot_general3A_180 {dimension_numbers = #tpu.dot_dimension_numbers<[1], [0], [0], [1], [0, 0, 1, 1], [], []>, transpose_lhs_hint = false} : vector<512x256xbf16>, vector<256x256xbf16>, vector<512x256xf32> -> vector<512x256xf32>
    %add3A_182 = arith.addf %add3A_177, %dot_general3A_181 : vector<512x256xf32>
    %add3A_183 = vector.broadcast %get3A_162 : vector<1x256xf32> to vector<512x256xf32>
    %add3A_184 = arith.addf %add3A_182, %add3A_183 : vector<512x256xf32>
    %get3A_185 = arith.constant 0 : index
    %get3A_186 = arith.constant 0 : index
    %get3A_187 = vector.load %arg4[%get3A_185, %get3A_186] : memref<1x256xf32, #tpu.memory_space<vmem>>, vector<1x256xf32>
    %get3A_188 = arith.constant 0 : index
    %get3A_189 = arith.constant 0 : index
    %get3A_190 = vector.load %arg5[%get3A_188, %get3A_189] : memref<1x256xf32, #tpu.memory_space<vmem>>, vector<1x256xf32>
    %convert_element_type3A_191 = arith.truncf %add3A_184 : vector<512x256xf32> to vector<512x256xbf16>
    %dot_general3A_192 = arith.constant dense<0.000000e+00> : vector<512x128xf32>
    %dot_general3A_193 = tpu.matmul %convert_element_type3A_191, %broadcast_in_dim3A_0, %dot_general3A_192 {dimension_numbers = #tpu.dot_dimension_numbers<[1], [0], [0], [1], [0, 0, 1, 1], [], []>, transpose_lhs_hint = false} : vector<512x256xbf16>, vector<256x128xbf16>, vector<512x128xf32> -> vector<512x128xf32>
    %slice3A_194 = vector.extract_strided_slice %dot_general3A_193 {offsets = [0, 0], sizes = [512, 1], strides = [1, 1]} : vector<512x128xf32> to vector<512x1xf32>
    %mul3A_195 = arith.mulf %convert_element_type3A_191, %convert_element_type3A_191 : vector<512x256xbf16>
    %dot_general3A_196 = arith.constant dense<0.000000e+00> : vector<512x128xf32>
    %dot_general3A_197 = tpu.matmul %mul3A_195, %broadcast_in_dim3A_0, %dot_general3A_196 {dimension_numbers = #tpu.dot_dimension_numbers<[1], [0], [0], [1], [0, 0, 1, 1], [], []>, transpose_lhs_hint = false} : vector<512x256xbf16>, vector<256x128xbf16>, vector<512x128xf32> -> vector<512x128xf32>
    %slice3A_198 = vector.extract_strided_slice %dot_general3A_197 {offsets = [0, 0], sizes = [512, 1], strides = [1, 1]} : vector<512x128xf32> to vector<512x1xf32>
    %mul3A_199 = arith.constant 3.906250e-03 : f32
    %mul3A_200 = vector.broadcast %mul3A_199 : f32 to vector<512x1xf32>
    %mul3A_201 = arith.mulf %slice3A_194, %mul3A_200 : vector<512x1xf32>
    %mul3A_202 = arith.constant 3.906250e-03 : f32
    %mul3A_203 = vector.broadcast %mul3A_202 : f32 to vector<512x1xf32>
    %mul3A_204 = arith.mulf %slice3A_198, %mul3A_203 : vector<512x1xf32>
    %mul3A_205 = arith.mulf %mul3A_201, %mul3A_201 : vector<512x1xf32>
    %sub3A_206 = arith.subf %mul3A_204, %mul3A_205 : vector<512x1xf32>
    %sub3A_207 = vector.broadcast %mul3A_201 : vector<512x1xf32> to vector<512x256xf32>
    %sub3A_208 = arith.subf %add3A_184, %sub3A_207 : vector<512x256xf32>
    %add3A_209 = arith.constant 9.99999974E-6 : f32
    %add3A_210 = vector.broadcast %add3A_209 : f32 to vector<512x1xf32>
    %add3A_211 = arith.addf %sub3A_206, %add3A_210 : vector<512x1xf32>
    %rsqrt3A_212 = math.rsqrt %add3A_211 : vector<512x1xf32>
    %mul3A_213 = vector.broadcast %rsqrt3A_212 : vector<512x1xf32> to vector<512x256xf32>
    %mul3A_214 = arith.mulf %sub3A_208, %mul3A_213 : vector<512x256xf32>
    %mul3A_215 = vector.broadcast %get3A_187 : vector<1x256xf32> to vector<512x256xf32>
    %mul3A_216 = arith.mulf %mul3A_214, %mul3A_215 : vector<512x256xf32>
    %add3A_217 = vector.broadcast %get3A_190 : vector<1x256xf32> to vector<512x256xf32>
    %add3A_218 = arith.addf %mul3A_216, %add3A_217 : vector<512x256xf32>
    %max3A_219 = arith.constant 0.000000e+00 : f32
    %max3A_220 = vector.broadcast %max3A_219 : f32 to vector<512x256xf32>
    %max3A_221 = arith.maximumf %add3A_218, %max3A_220 : vector<512x256xf32>
    %convert_element_type3A_222 = arith.truncf %max3A_221 : vector<512x256xf32> to vector<512x256xbf16>
    %get3A_223 = arith.constant 0 : index
    %get3A_224 = arith.constant 0 : index
    %get3A_225 = arith.constant 0 : index
    %get3A_226 = vector.load %arg6[%get3A_223, %get3A_224, %get3A_225] : memref<3x256x256xbf16, #tpu.memory_space<vmem>>, vector<3x256x256xbf16>
    %get3A_227 = arith.constant 0 : index
    %get3A_228 = arith.constant 0 : index
    %get3A_229 = vector.load %arg7[%get3A_227, %get3A_228] : memref<1x256xf32, #tpu.memory_space<vmem>>, vector<1x256xf32>
    %broadcast_in_dim3A_230 = arith.constant 0.000000e+00 : bf16
    %broadcast_in_dim3A_231 = vector.broadcast %broadcast_in_dim3A_230 : bf16 to vector<1x256xbf16>
    %slice3A_232 = vector.extract_strided_slice %convert_element_type3A_222 {offsets = [0, 0], sizes = [511, 256], strides = [1, 1]} : vector<512x256xbf16> to vector<511x256xbf16>
    %concatenate3A_233 = tpu.concatenate %broadcast_in_dim3A_231, %slice3A_232 in 0 : vector<1x256xbf16>, vector<511x256xbf16> -> vector<512x256xbf16>
    %slice3A_234 = vector.extract_strided_slice %convert_element_type3A_222 {offsets = [1, 0], sizes = [511, 256], strides = [1, 1]} : vector<512x256xbf16> to vector<511x256xbf16>
    %concatenate3A_235 = tpu.concatenate %slice3A_234, %broadcast_in_dim3A_231 in 0 : vector<511x256xbf16>, vector<1x256xbf16> -> vector<512x256xbf16>
    %slice3A_236 = vector.extract_strided_slice %get3A_226 {offsets = [0, 0, 0], sizes = [1, 256, 256], strides = [1, 1, 1]} : vector<3x256x256xbf16> to vector<1x256x256xbf16>
    %squeeze3A_237 = vector.shape_cast %slice3A_236 : vector<1x256x256xbf16> to vector<256x256xbf16>
    %dot_general3A_238 = arith.constant dense<0.000000e+00> : vector<512x256xf32>
    %dot_general3A_239 = tpu.matmul %concatenate3A_233, %squeeze3A_237, %dot_general3A_238 {dimension_numbers = #tpu.dot_dimension_numbers<[1], [0], [0], [1], [0, 0, 1, 1], [], []>, transpose_lhs_hint = false} : vector<512x256xbf16>, vector<256x256xbf16>, vector<512x256xf32> -> vector<512x256xf32>
    %slice3A_240 = vector.extract_strided_slice %get3A_226 {offsets = [1, 0, 0], sizes = [1, 256, 256], strides = [1, 1, 1]} : vector<3x256x256xbf16> to vector<1x256x256xbf16>
    %squeeze3A_241 = vector.shape_cast %slice3A_240 : vector<1x256x256xbf16> to vector<256x256xbf16>
    %dot_general3A_242 = arith.constant dense<0.000000e+00> : vector<512x256xf32>
    %dot_general3A_243 = tpu.matmul %convert_element_type3A_222, %squeeze3A_241, %dot_general3A_242 {dimension_numbers = #tpu.dot_dimension_numbers<[1], [0], [0], [1], [0, 0, 1, 1], [], []>, transpose_lhs_hint = false} : vector<512x256xbf16>, vector<256x256xbf16>, vector<512x256xf32> -> vector<512x256xf32>
    %add3A_244 = arith.addf %dot_general3A_239, %dot_general3A_243 : vector<512x256xf32>
    %slice3A_245 = vector.extract_strided_slice %get3A_226 {offsets = [2, 0, 0], sizes = [1, 256, 256], strides = [1, 1, 1]} : vector<3x256x256xbf16> to vector<1x256x256xbf16>
    %squeeze3A_246 = vector.shape_cast %slice3A_245 : vector<1x256x256xbf16> to vector<256x256xbf16>
    %dot_general3A_247 = arith.constant dense<0.000000e+00> : vector<512x256xf32>
    %dot_general3A_248 = tpu.matmul %concatenate3A_235, %squeeze3A_246, %dot_general3A_247 {dimension_numbers = #tpu.dot_dimension_numbers<[1], [0], [0], [1], [0, 0, 1, 1], [], []>, transpose_lhs_hint = false} : vector<512x256xbf16>, vector<256x256xbf16>, vector<512x256xf32> -> vector<512x256xf32>
    %add3A_249 = arith.addf %add3A_244, %dot_general3A_248 : vector<512x256xf32>
    %add3A_250 = vector.broadcast %get3A_229 : vector<1x256xf32> to vector<512x256xf32>
    %add3A_251 = arith.addf %add3A_249, %add3A_250 : vector<512x256xf32>
    %get3A_252 = arith.constant 0 : index
    %get3A_253 = arith.constant 0 : index
    %get3A_254 = vector.load %arg8[%get3A_252, %get3A_253] : memref<1x256xf32, #tpu.memory_space<vmem>>, vector<1x256xf32>
    %get3A_255 = arith.constant 0 : index
    %get3A_256 = arith.constant 0 : index
    %get3A_257 = vector.load %arg9[%get3A_255, %get3A_256] : memref<1x256xf32, #tpu.memory_space<vmem>>, vector<1x256xf32>
    %convert_element_type3A_258 = arith.truncf %add3A_251 : vector<512x256xf32> to vector<512x256xbf16>
    %dot_general3A_259 = arith.constant dense<0.000000e+00> : vector<512x128xf32>
    %dot_general3A_260 = tpu.matmul %convert_element_type3A_258, %broadcast_in_dim3A_0, %dot_general3A_259 {dimension_numbers = #tpu.dot_dimension_numbers<[1], [0], [0], [1], [0, 0, 1, 1], [], []>, transpose_lhs_hint = false} : vector<512x256xbf16>, vector<256x128xbf16>, vector<512x128xf32> -> vector<512x128xf32>
    %slice3A_261 = vector.extract_strided_slice %dot_general3A_260 {offsets = [0, 0], sizes = [512, 1], strides = [1, 1]} : vector<512x128xf32> to vector<512x1xf32>
    %mul3A_262 = arith.mulf %convert_element_type3A_258, %convert_element_type3A_258 : vector<512x256xbf16>
    %dot_general3A_263 = arith.constant dense<0.000000e+00> : vector<512x128xf32>
    %dot_general3A_264 = tpu.matmul %mul3A_262, %broadcast_in_dim3A_0, %dot_general3A_263 {dimension_numbers = #tpu.dot_dimension_numbers<[1], [0], [0], [1], [0, 0, 1, 1], [], []>, transpose_lhs_hint = false} : vector<512x256xbf16>, vector<256x128xbf16>, vector<512x128xf32> -> vector<512x128xf32>
    %slice3A_265 = vector.extract_strided_slice %dot_general3A_264 {offsets = [0, 0], sizes = [512, 1], strides = [1, 1]} : vector<512x128xf32> to vector<512x1xf32>
    %mul3A_266 = arith.constant 3.906250e-03 : f32
    %mul3A_267 = vector.broadcast %mul3A_266 : f32 to vector<512x1xf32>
    %mul3A_268 = arith.mulf %slice3A_261, %mul3A_267 : vector<512x1xf32>
    %mul3A_269 = arith.constant 3.906250e-03 : f32
    %mul3A_270 = vector.broadcast %mul3A_269 : f32 to vector<512x1xf32>
    %mul3A_271 = arith.mulf %slice3A_265, %mul3A_270 : vector<512x1xf32>
    %mul3A_272 = arith.mulf %mul3A_268, %mul3A_268 : vector<512x1xf32>
    %sub3A_273 = arith.subf %mul3A_271, %mul3A_272 : vector<512x1xf32>
    %sub3A_274 = vector.broadcast %mul3A_268 : vector<512x1xf32> to vector<512x256xf32>
    %sub3A_275 = arith.subf %add3A_251, %sub3A_274 : vector<512x256xf32>
    %add3A_276 = arith.constant 9.99999974E-6 : f32
    %add3A_277 = vector.broadcast %add3A_276 : f32 to vector<512x1xf32>
    %add3A_278 = arith.addf %sub3A_273, %add3A_277 : vector<512x1xf32>
    %rsqrt3A_279 = math.rsqrt %add3A_278 : vector<512x1xf32>
    %mul3A_280 = vector.broadcast %rsqrt3A_279 : vector<512x1xf32> to vector<512x256xf32>
    %mul3A_281 = arith.mulf %sub3A_275, %mul3A_280 : vector<512x256xf32>
    %mul3A_282 = vector.broadcast %get3A_254 : vector<1x256xf32> to vector<512x256xf32>
    %mul3A_283 = arith.mulf %mul3A_281, %mul3A_282 : vector<512x256xf32>
    %add3A_284 = vector.broadcast %get3A_257 : vector<1x256xf32> to vector<512x256xf32>
    %add3A_285 = arith.addf %mul3A_283, %add3A_284 : vector<512x256xf32>
    %max3A_286 = arith.constant 0.000000e+00 : f32
    %max3A_287 = vector.broadcast %max3A_286 : f32 to vector<512x256xf32>
    %max3A_288 = arith.maximumf %add3A_285, %max3A_287 : vector<512x256xf32>
    %convert_element_type3A_289 = arith.truncf %max3A_288 : vector<512x256xf32> to vector<512x256xbf16>
    %get3A_290 = arith.constant 0 : index
    %get3A_291 = arith.constant 0 : index
    %get3A_292 = vector.load %arg10[%get3A_290, %get3A_291] : memref<256x128xbf16, #tpu.memory_space<vmem>>, vector<256x128xbf16>
    %dot_general3A_293 = arith.constant dense<0.000000e+00> : vector<512x128xf32>
    %dot_general3A_294 = tpu.matmul %convert_element_type3A_289, %get3A_292, %dot_general3A_293 {dimension_numbers = #tpu.dot_dimension_numbers<[1], [0], [0], [1], [0, 0, 1, 1], [], []>, transpose_lhs_hint = false} : vector<512x256xbf16>, vector<256x128xbf16>, vector<512x128xf32> -> vector<512x128xf32>
    %slice3A_295 = vector.extract_strided_slice %dot_general3A_294 {offsets = [0, 0], sizes = [512, 1], strides = [1, 1]} : vector<512x128xf32> to vector<512x1xf32>
    %get3A_296 = arith.constant 0 : index
    %get3A_297 = arith.constant 0 : index
    %get3A_298 = vector.load %arg11[%get3A_296, %get3A_297] : memref<1x1xf32, #tpu.memory_space<vmem>>, vector<1x1xf32>
    %get3A_299 = vector.extract %get3A_298[0, 0] : f32 from vector<1x1xf32>
    %add3A_300 = vector.broadcast %get3A_299 : f32 to vector<512x1xf32>
    %add3A_301 = arith.addf %slice3A_295, %add3A_300 : vector<512x1xf32>
    %max3A_302 = arith.constant 0.000000e+00 : f32
    %max3A_303 = vector.broadcast %max3A_302 : f32 to vector<512x1xf32>
    %max3A_304 = arith.maximumf %add3A_301, %max3A_303 : vector<512x1xf32>
    %reshape3A_305 = vector.shape_cast %max3A_304 : vector<512x1xf32> to vector<1x512xf32>
    %swap3A_306 = arith.constant 1 : index
    %swap3A_307 = arith.constant 0 : index
    %swap3A_308 = arith.constant 0 : index
    %swap3A_309 = vector.load %arg12[%swap3A_306, %swap3A_307, %swap3A_308] : memref<16x1x512xf32, #tpu.memory_space<vmem>>, vector<1x1x512xf32>
    %swap3A_310 = vector.shape_cast %swap3A_309 : vector<1x1x512xf32> to vector<1x512xf32>
    %swap3A_311 = vector.shape_cast %reshape3A_305 : vector<1x512xf32> to vector<1x1x512xf32>
    tpu.vector_store %arg12[%swap3A_306, %swap3A_307, %swap3A_308], %swap3A_311 {strides = array<i32>} : memref<16x1x512xf32, #tpu.memory_space<vmem>>, vector<1x1x512xf32>,
    %get3A_312 = arith.constant 2 : index
    %get3A_313 = arith.constant 0 : index
    %get3A_314 = arith.constant 0 : index
    %get3A_315 = vector.load %arg1[%get3A_312, %get3A_313, %get3A_314] : memref<16x512x256xf32, #tpu.memory_space<vmem>>, vector<1x512x256xf32>
    %get3A_316 = vector.shape_cast %get3A_315 : vector<1x512x256xf32> to vector<512x256xf32>
    %convert_element_type3A_317 = arith.truncf %get3A_316 : vector<512x256xf32> to vector<512x256xbf16>
    %get3A_318 = arith.constant 0 : index
    %get3A_319 = arith.constant 0 : index
    %get3A_320 = arith.constant 0 : index
    %get3A_321 = vector.load %arg2[%get3A_318, %get3A_319, %get3A_320] : memref<3x256x256xbf16, #tpu.memory_space<vmem>>, vector<3x256x256xbf16>
    %get3A_322 = arith.constant 0 : index
    %get3A_323 = arith.constant 0 : index
    %get3A_324 = vector.load %arg3[%get3A_322, %get3A_323] : memref<1x256xf32, #tpu.memory_space<vmem>>, vector<1x256xf32>
    %broadcast_in_dim3A_325 = arith.constant 0.000000e+00 : bf16
    %broadcast_in_dim3A_326 = vector.broadcast %broadcast_in_dim3A_325 : bf16 to vector<1x256xbf16>
    %slice3A_327 = vector.extract_strided_slice %convert_element_type3A_317 {offsets = [0, 0], sizes = [511, 256], strides = [1, 1]} : vector<512x256xbf16> to vector<511x256xbf16>
    %concatenate3A_328 = tpu.concatenate %broadcast_in_dim3A_326, %slice3A_327 in 0 : vector<1x256xbf16>, vector<511x256xbf16> -> vector<512x256xbf16>
    %slice3A_329 = vector.extract_strided_slice %convert_element_type3A_317 {offsets = [1, 0], sizes = [511, 256], strides = [1, 1]} : vector<512x256xbf16> to vector<511x256xbf16>
    %concatenate3A_330 = tpu.concatenate %slice3A_329, %broadcast_in_dim3A_326 in 0 : vector<511x256xbf16>, vector<1x256xbf16> -> vector<512x256xbf16>
    %slice3A_331 = vector.extract_strided_slice %get3A_321 {offsets = [0, 0, 0], sizes = [1, 256, 256], strides = [1, 1, 1]} : vector<3x256x256xbf16> to vector<1x256x256xbf16>
    %squeeze3A_332 = vector.shape_cast %slice3A_331 : vector<1x256x256xbf16> to vector<256x256xbf16>
    %dot_general3A_333 = arith.constant dense<0.000000e+00> : vector<512x256xf32>
    %dot_general3A_334 = tpu.matmul %concatenate3A_328, %squeeze3A_332, %dot_general3A_333 {dimension_numbers = #tpu.dot_dimension_numbers<[1], [0], [0], [1], [0, 0, 1, 1], [], []>, transpose_lhs_hint = false} : vector<512x256xbf16>, vector<256x256xbf16>, vector<512x256xf32> -> vector<512x256xf32>
    %slice3A_335 = vector.extract_strided_slice %get3A_321 {offsets = [1, 0, 0], sizes = [1, 256, 256], strides = [1, 1, 1]} : vector<3x256x256xbf16> to vector<1x256x256xbf16>
    %squeeze3A_336 = vector.shape_cast %slice3A_335 : vector<1x256x256xbf16> to vector<256x256xbf16>
    %dot_general3A_337 = arith.constant dense<0.000000e+00> : vector<512x256xf32>
    %dot_general3A_338 = tpu.matmul %convert_element_type3A_317, %squeeze3A_336, %dot_general3A_337 {dimension_numbers = #tpu.dot_dimension_numbers<[1], [0], [0], [1], [0, 0, 1, 1], [], []>, transpose_lhs_hint = false} : vector<512x256xbf16>, vector<256x256xbf16>, vector<512x256xf32> -> vector<512x256xf32>
    %add3A_339 = arith.addf %dot_general3A_334, %dot_general3A_338 : vector<512x256xf32>
    %slice3A_340 = vector.extract_strided_slice %get3A_321 {offsets = [2, 0, 0], sizes = [1, 256, 256], strides = [1, 1, 1]} : vector<3x256x256xbf16> to vector<1x256x256xbf16>
    %squeeze3A_341 = vector.shape_cast %slice3A_340 : vector<1x256x256xbf16> to vector<256x256xbf16>
    %dot_general3A_342 = arith.constant dense<0.000000e+00> : vector<512x256xf32>
    %dot_general3A_343 = tpu.matmul %concatenate3A_330, %squeeze3A_341, %dot_general3A_342 {dimension_numbers = #tpu.dot_dimension_numbers<[1], [0], [0], [1], [0, 0, 1, 1], [], []>, transpose_lhs_hint = false} : vector<512x256xbf16>, vector<256x256xbf16>, vector<512x256xf32> -> vector<512x256xf32>
    %add3A_344 = arith.addf %add3A_339, %dot_general3A_343 : vector<512x256xf32>
    %add3A_345 = vector.broadcast %get3A_324 : vector<1x256xf32> to vector<512x256xf32>
    %add3A_346 = arith.addf %add3A_344, %add3A_345 : vector<512x256xf32>
    %get3A_347 = arith.constant 0 : index
    %get3A_348 = arith.constant 0 : index
    %get3A_349 = vector.load %arg4[%get3A_347, %get3A_348] : memref<1x256xf32, #tpu.memory_space<vmem>>, vector<1x256xf32>
    %get3A_350 = arith.constant 0 : index
    %get3A_351 = arith.constant 0 : index
    %get3A_352 = vector.load %arg5[%get3A_350, %get3A_351] : memref<1x256xf32, #tpu.memory_space<vmem>>, vector<1x256xf32>
    %convert_element_type3A_353 = arith.truncf %add3A_346 : vector<512x256xf32> to vector<512x256xbf16>
    %dot_general3A_354 = arith.constant dense<0.000000e+00> : vector<512x128xf32>
    %dot_general3A_355 = tpu.matmul %convert_element_type3A_353, %broadcast_in_dim3A_0, %dot_general3A_354 {dimension_numbers = #tpu.dot_dimension_numbers<[1], [0], [0], [1], [0, 0, 1, 1], [], []>, transpose_lhs_hint = false} : vector<512x256xbf16>, vector<256x128xbf16>, vector<512x128xf32> -> vector<512x128xf32>
    %slice3A_356 = vector.extract_strided_slice %dot_general3A_355 {offsets = [0, 0], sizes = [512, 1], strides = [1, 1]} : vector<512x128xf32> to vector<512x1xf32>
    %mul3A_357 = arith.mulf %convert_element_type3A_353, %convert_element_type3A_353 : vector<512x256xbf16>
    %dot_general3A_358 = arith.constant dense<0.000000e+00> : vector<512x128xf32>
    %dot_general3A_359 = tpu.matmul %mul3A_357, %broadcast_in_dim3A_0, %dot_general3A_358 {dimension_numbers = #tpu.dot_dimension_numbers<[1], [0], [0], [1], [0, 0, 1, 1], [], []>, transpose_lhs_hint = false} : vector<512x256xbf16>, vector<256x128xbf16>, vector<512x128xf32> -> vector<512x128xf32>
    %slice3A_360 = vector.extract_strided_slice %dot_general3A_359 {offsets = [0, 0], sizes = [512, 1], strides = [1, 1]} : vector<512x128xf32> to vector<512x1xf32>
    %mul3A_361 = arith.constant 3.906250e-03 : f32
    %mul3A_362 = vector.broadcast %mul3A_361 : f32 to vector<512x1xf32>
    %mul3A_363 = arith.mulf %slice3A_356, %mul3A_362 : vector<512x1xf32>
    %mul3A_364 = arith.constant 3.906250e-03 : f32
    %mul3A_365 = vector.broadcast %mul3A_364 : f32 to vector<512x1xf32>
    %mul3A_366 = arith.mulf %slice3A_360, %mul3A_365 : vector<512x1xf32>
    %mul3A_367 = arith.mulf %mul3A_363, %mul3A_363 : vector<512x1xf32>
    %sub3A_368 = arith.subf %mul3A_366, %mul3A_367 : vector<512x1xf32>
    %sub3A_369 = vector.broadcast %mul3A_363 : vector<512x1xf32> to vector<512x256xf32>
    %sub3A_370 = arith.subf %add3A_346, %sub3A_369 : vector<512x256xf32>
    %add3A_371 = arith.constant 9.99999974E-6 : f32
    %add3A_372 = vector.broadcast %add3A_371 : f32 to vector<512x1xf32>
    %add3A_373 = arith.addf %sub3A_368, %add3A_372 : vector<512x1xf32>
    %rsqrt3A_374 = math.rsqrt %add3A_373 : vector<512x1xf32>
    %mul3A_375 = vector.broadcast %rsqrt3A_374 : vector<512x1xf32> to vector<512x256xf32>
    %mul3A_376 = arith.mulf %sub3A_370, %mul3A_375 : vector<512x256xf32>
    %mul3A_377 = vector.broadcast %get3A_349 : vector<1x256xf32> to vector<512x256xf32>
    %mul3A_378 = arith.mulf %mul3A_376, %mul3A_377 : vector<512x256xf32>
    %add3A_379 = vector.broadcast %get3A_352 : vector<1x256xf32> to vector<512x256xf32>
    %add3A_380 = arith.addf %mul3A_378, %add3A_379 : vector<512x256xf32>
    %max3A_381 = arith.constant 0.000000e+00 : f32
    %max3A_382 = vector.broadcast %max3A_381 : f32 to vector<512x256xf32>
    %max3A_383 = arith.maximumf %add3A_380, %max3A_382 : vector<512x256xf32>
    %convert_element_type3A_384 = arith.truncf %max3A_383 : vector<512x256xf32> to vector<512x256xbf16>
    %get3A_385 = arith.constant 0 : index
    %get3A_386 = arith.constant 0 : index
    %get3A_387 = arith.constant 0 : index
    %get3A_388 = vector.load %arg6[%get3A_385, %get3A_386, %get3A_387] : memref<3x256x256xbf16, #tpu.memory_space<vmem>>, vector<3x256x256xbf16>
    %get3A_389 = arith.constant 0 : index
    %get3A_390 = arith.constant 0 : index
    %get3A_391 = vector.load %arg7[%get3A_389, %get3A_390] : memref<1x256xf32, #tpu.memory_space<vmem>>, vector<1x256xf32>
    %broadcast_in_dim3A_392 = arith.constant 0.000000e+00 : bf16
    %broadcast_in_dim3A_393 = vector.broadcast %broadcast_in_dim3A_392 : bf16 to vector<1x256xbf16>
    %slice3A_394 = vector.extract_strided_slice %convert_element_type3A_384 {offsets = [0, 0], sizes = [511, 256], strides = [1, 1]} : vector<512x256xbf16> to vector<511x256xbf16>
    %concatenate3A_395 = tpu.concatenate %broadcast_in_dim3A_393, %slice3A_394 in 0 : vector<1x256xbf16>, vector<511x256xbf16> -> vector<512x256xbf16>
    %slice3A_396 = vector.extract_strided_slice %convert_element_type3A_384 {offsets = [1, 0], sizes = [511, 256], strides = [1, 1]} : vector<512x256xbf16> to vector<511x256xbf16>
    %concatenate3A_397 = tpu.concatenate %slice3A_396, %broadcast_in_dim3A_393 in 0 : vector<511x256xbf16>, vector<1x256xbf16> -> vector<512x256xbf16>
    %slice3A_398 = vector.extract_strided_slice %get3A_388 {offsets = [0, 0, 0], sizes = [1, 256, 256], strides = [1, 1, 1]} : vector<3x256x256xbf16> to vector<1x256x256xbf16>
    %squeeze3A_399 = vector.shape_cast %slice3A_398 : vector<1x256x256xbf16> to vector<256x256xbf16>
    %dot_general3A_400 = arith.constant dense<0.000000e+00> : vector<512x256xf32>
    %dot_general3A_401 = tpu.matmul %concatenate3A_395, %squeeze3A_399, %dot_general3A_400 {dimension_numbers = #tpu.dot_dimension_numbers<[1], [0], [0], [1], [0, 0, 1, 1], [], []>, transpose_lhs_hint = false} : vector<512x256xbf16>, vector<256x256xbf16>, vector<512x256xf32> -> vector<512x256xf32>
    %slice3A_402 = vector.extract_strided_slice %get3A_388 {offsets = [1, 0, 0], sizes = [1, 256, 256], strides = [1, 1, 1]} : vector<3x256x256xbf16> to vector<1x256x256xbf16>
    %squeeze3A_403 = vector.shape_cast %slice3A_402 : vector<1x256x256xbf16> to vector<256x256xbf16>
    %dot_general3A_404 = arith.constant dense<0.000000e+00> : vector<512x256xf32>
    %dot_general3A_405 = tpu.matmul %convert_element_type3A_384, %squeeze3A_403, %dot_general3A_404 {dimension_numbers = #tpu.dot_dimension_numbers<[1], [0], [0], [1], [0, 0, 1, 1], [], []>, transpose_lhs_hint = false} : vector<512x256xbf16>, vector<256x256xbf16>, vector<512x256xf32> -> vector<512x256xf32>
    %add3A_406 = arith.addf %dot_general3A_401, %dot_general3A_405 : vector<512x256xf32>
    %slice3A_407 = vector.extract_strided_slice %get3A_388 {offsets = [2, 0, 0], sizes = [1, 256, 256], strides = [1, 1, 1]} : vector<3x256x256xbf16> to vector<1x256x256xbf16>
    %squeeze3A_408 = vector.shape_cast %slice3A_407 : vector<1x256x256xbf16> to vector<256x256xbf16>
    %dot_general3A_409 = arith.constant dense<0.000000e+00> : vector<512x256xf32>
    %dot_general3A_410 = tpu.matmul %concatenate3A_397, %squeeze3A_408, %dot_general3A_409 {dimension_numbers = #tpu.dot_dimension_numbers<[1], [0], [0], [1], [0, 0, 1, 1], [], []>, transpose_lhs_hint = false} : vector<512x256xbf16>, vector<256x256xbf16>, vector<512x256xf32> -> vector<512x256xf32>
    %add3A_411 = arith.addf %add3A_406, %dot_general3A_410 : vector<512x256xf32>
    %add3A_412 = vector.broadcast %get3A_391 : vector<1x256xf32> to vector<512x256xf32>
    %add3A_413 = arith.addf %add3A_411, %add3A_412 : vector<512x256xf32>
    %get3A_414 = arith.constant 0 : index
    %get3A_415 = arith.constant 0 : index
    %get3A_416 = vector.load %arg8[%get3A_414, %get3A_415] : memref<1x256xf32, #tpu.memory_space<vmem>>, vector<1x256xf32>
    %get3A_417 = arith.constant 0 : index
    %get3A_418 = arith.constant 0 : index
    %get3A_419 = vector.load %arg9[%get3A_417, %get3A_418] : memref<1x256xf32, #tpu.memory_space<vmem>>, vector<1x256xf32>
    %convert_element_type3A_420 = arith.truncf %add3A_413 : vector<512x256xf32> to vector<512x256xbf16>
    %dot_general3A_421 = arith.constant dense<0.000000e+00> : vector<512x128xf32>
    %dot_general3A_422 = tpu.matmul %convert_element_type3A_420, %broadcast_in_dim3A_0, %dot_general3A_421 {dimension_numbers = #tpu.dot_dimension_numbers<[1], [0], [0], [1], [0, 0, 1, 1], [], []>, transpose_lhs_hint = false} : vector<512x256xbf16>, vector<256x128xbf16>, vector<512x128xf32> -> vector<512x128xf32>
    %slice3A_423 = vector.extract_strided_slice %dot_general3A_422 {offsets = [0, 0], sizes = [512, 1], strides = [1, 1]} : vector<512x128xf32> to vector<512x1xf32>
    %mul3A_424 = arith.mulf %convert_element_type3A_420, %convert_element_type3A_420 : vector<512x256xbf16>
    %dot_general3A_425 = arith.constant dense<0.000000e+00> : vector<512x128xf32>
    %dot_general3A_426 = tpu.matmul %mul3A_424, %broadcast_in_dim3A_0, %dot_general3A_425 {dimension_numbers = #tpu.dot_dimension_numbers<[1], [0], [0], [1], [0, 0, 1, 1], [], []>, transpose_lhs_hint = false} : vector<512x256xbf16>, vector<256x128xbf16>, vector<512x128xf32> -> vector<512x128xf32>
    %slice3A_427 = vector.extract_strided_slice %dot_general3A_426 {offsets = [0, 0], sizes = [512, 1], strides = [1, 1]} : vector<512x128xf32> to vector<512x1xf32>
    %mul3A_428 = arith.constant 3.906250e-03 : f32
    %mul3A_429 = vector.broadcast %mul3A_428 : f32 to vector<512x1xf32>
    %mul3A_430 = arith.mulf %slice3A_423, %mul3A_429 : vector<512x1xf32>
    %mul3A_431 = arith.constant 3.906250e-03 : f32
    %mul3A_432 = vector.broadcast %mul3A_431 : f32 to vector<512x1xf32>
    %mul3A_433 = arith.mulf %slice3A_427, %mul3A_432 : vector<512x1xf32>
    %mul3A_434 = arith.mulf %mul3A_430, %mul3A_430 : vector<512x1xf32>
    %sub3A_435 = arith.subf %mul3A_433, %mul3A_434 : vector<512x1xf32>
    %sub3A_436 = vector.broadcast %mul3A_430 : vector<512x1xf32> to vector<512x256xf32>
    %sub3A_437 = arith.subf %add3A_413, %sub3A_436 : vector<512x256xf32>
    %add3A_438 = arith.constant 9.99999974E-6 : f32
    %add3A_439 = vector.broadcast %add3A_438 : f32 to vector<512x1xf32>
    %add3A_440 = arith.addf %sub3A_435, %add3A_439 : vector<512x1xf32>
    %rsqrt3A_441 = math.rsqrt %add3A_440 : vector<512x1xf32>
    %mul3A_442 = vector.broadcast %rsqrt3A_441 : vector<512x1xf32> to vector<512x256xf32>
    %mul3A_443 = arith.mulf %sub3A_437, %mul3A_442 : vector<512x256xf32>
    %mul3A_444 = vector.broadcast %get3A_416 : vector<1x256xf32> to vector<512x256xf32>
    %mul3A_445 = arith.mulf %mul3A_443, %mul3A_444 : vector<512x256xf32>
    %add3A_446 = vector.broadcast %get3A_419 : vector<1x256xf32> to vector<512x256xf32>
    %add3A_447 = arith.addf %mul3A_445, %add3A_446 : vector<512x256xf32>
    %max3A_448 = arith.constant 0.000000e+00 : f32
    %max3A_449 = vector.broadcast %max3A_448 : f32 to vector<512x256xf32>
    %max3A_450 = arith.maximumf %add3A_447, %max3A_449 : vector<512x256xf32>
    %convert_element_type3A_451 = arith.truncf %max3A_450 : vector<512x256xf32> to vector<512x256xbf16>
    %get3A_452 = arith.constant 0 : index
    %get3A_453 = arith.constant 0 : index
    %get3A_454 = vector.load %arg10[%get3A_452, %get3A_453] : memref<256x128xbf16, #tpu.memory_space<vmem>>, vector<256x128xbf16>
    %dot_general3A_455 = arith.constant dense<0.000000e+00> : vector<512x128xf32>
    %dot_general3A_456 = tpu.matmul %convert_element_type3A_451, %get3A_454, %dot_general3A_455 {dimension_numbers = #tpu.dot_dimension_numbers<[1], [0], [0], [1], [0, 0, 1, 1], [], []>, transpose_lhs_hint = false} : vector<512x256xbf16>, vector<256x128xbf16>, vector<512x128xf32> -> vector<512x128xf32>
    %slice3A_457 = vector.extract_strided_slice %dot_general3A_456 {offsets = [0, 0], sizes = [512, 1], strides = [1, 1]} : vector<512x128xf32> to vector<512x1xf32>
    %get3A_458 = arith.constant 0 : index
    %get3A_459 = arith.constant 0 : index
    %get3A_460 = vector.load %arg11[%get3A_458, %get3A_459] : memref<1x1xf32, #tpu.memory_space<vmem>>, vector<1x1xf32>
    %get3A_461 = vector.extract %get3A_460[0, 0] : f32 from vector<1x1xf32>
    %add3A_462 = vector.broadcast %get3A_461 : f32 to vector<512x1xf32>
    %add3A_463 = arith.addf %slice3A_457, %add3A_462 : vector<512x1xf32>
    %max3A_464 = arith.constant 0.000000e+00 : f32
    %max3A_465 = vector.broadcast %max3A_464 : f32 to vector<512x1xf32>
    %max3A_466 = arith.maximumf %add3A_463, %max3A_465 : vector<512x1xf32>
    %reshape3A_467 = vector.shape_cast %max3A_466 : vector<512x1xf32> to vector<1x512xf32>
    %swap3A_468 = arith.constant 2 : index
    %swap3A_469 = arith.constant 0 : index
    %swap3A_470 = arith.constant 0 : index
    %swap3A_471 = vector.load %arg12[%swap3A_468, %swap3A_469, %swap3A_470] : memref<16x1x512xf32, #tpu.memory_space<vmem>>, vector<1x1x512xf32>
    %swap3A_472 = vector.shape_cast %swap3A_471 : vector<1x1x512xf32> to vector<1x512xf32>
    %swap3A_473 = vector.shape_cast %reshape3A_467 : vector<1x512xf32> to vector<1x1x512xf32>
    tpu.vector_store %arg12[%swap3A_468, %swap3A_469, %swap3A_470], %swap3A_473 {strides = array<i32>} : memref<16x1x512xf32, #tpu.memory_space<vmem>>, vector<1x1x512xf32>,
    %get3A_474 = arith.constant 3 : index
    %get3A_475 = arith.constant 0 : index
    %get3A_476 = arith.constant 0 : index
    %get3A_477 = vector.load %arg1[%get3A_474, %get3A_475, %get3A_476] : memref<16x512x256xf32, #tpu.memory_space<vmem>>, vector<1x512x256xf32>
    %get3A_478 = vector.shape_cast %get3A_477 : vector<1x512x256xf32> to vector<512x256xf32>
    %convert_element_type3A_479 = arith.truncf %get3A_478 : vector<512x256xf32> to vector<512x256xbf16>
    %get3A_480 = arith.constant 0 : index
    %get3A_481 = arith.constant 0 : index
    %get3A_482 = arith.constant 0 : index
    %get3A_483 = vector.load %arg2[%get3A_480, %get3A_481, %get3A_482] : memref<3x256x256xbf16, #tpu.memory_space<vmem>>, vector<3x256x256xbf16>
    %get3A_484 = arith.constant 0 : index
    %get3A_485 = arith.constant 0 : index
    %get3A_486 = vector.load %arg3[%get3A_484, %get3A_485] : memref<1x256xf32, #tpu.memory_space<vmem>>, vector<1x256xf32>
    %broadcast_in_dim3A_487 = arith.constant 0.000000e+00 : bf16
    %broadcast_in_dim3A_488 = vector.broadcast %broadcast_in_dim3A_487 : bf16 to vector<1x256xbf16>
    %slice3A_489 = vector.extract_strided_slice %convert_element_type3A_479 {offsets = [0, 0], sizes = [511, 256], strides = [1, 1]} : vector<512x256xbf16> to vector<511x256xbf16>
    %concatenate3A_490 = tpu.concatenate %broadcast_in_dim3A_488, %slice3A_489 in 0 : vector<1x256xbf16>, vector<511x256xbf16> -> vector<512x256xbf16>
    %slice3A_491 = vector.extract_strided_slice %convert_element_type3A_479 {offsets = [1, 0], sizes = [511, 256], strides = [1, 1]} : vector<512x256xbf16> to vector<511x256xbf16>
    %concatenate3A_492 = tpu.concatenate %slice3A_491, %broadcast_in_dim3A_488 in 0 : vector<511x256xbf16>, vector<1x256xbf16> -> vector<512x256xbf16>
    %slice3A_493 = vector.extract_strided_slice %get3A_483 {offsets = [0, 0, 0], sizes = [1, 256, 256], strides = [1, 1, 1]} : vector<3x256x256xbf16> to vector<1x256x256xbf16>
    %squeeze3A_494 = vector.shape_cast %slice3A_493 : vector<1x256x256xbf16> to vector<256x256xbf16>
    %dot_general3A_495 = arith.constant dense<0.000000e+00> : vector<512x256xf32>
    %dot_general3A_496 = tpu.matmul %concatenate3A_490, %squeeze3A_494, %dot_general3A_495 {dimension_numbers = #tpu.dot_dimension_numbers<[1], [0], [0], [1], [0, 0, 1, 1], [], []>, transpose_lhs_hint = false} : vector<512x256xbf16>, vector<256x256xbf16>, vector<512x256xf32> -> vector<512x256xf32>
    %slice3A_497 = vector.extract_strided_slice %get3A_483 {offsets = [1, 0, 0], sizes = [1, 256, 256], strides = [1, 1, 1]} : vector<3x256x256xbf16> to vector<1x256x256xbf16>
    %squeeze3A_498 = vector.shape_cast %slice3A_497 : vector<1x256x256xbf16> to vector<256x256xbf16>
    %dot_general3A_499 = arith.constant dense<0.000000e+00> : vector<512x256xf32>
    %dot_general3A_500 = tpu.matmul %convert_element_type3A_479, %squeeze3A_498, %dot_general3A_499 {dimension_numbers = #tpu.dot_dimension_numbers<[1], [0], [0], [1], [0, 0, 1, 1], [], []>, transpose_lhs_hint = false} : vector<512x256xbf16>, vector<256x256xbf16>, vector<512x256xf32> -> vector<512x256xf32>
    %add3A_501 = arith.addf %dot_general3A_496, %dot_general3A_500 : vector<512x256xf32>
    %slice3A_502 = vector.extract_strided_slice %get3A_483 {offsets = [2, 0, 0], sizes = [1, 256, 256], strides = [1, 1, 1]} : vector<3x256x256xbf16> to vector<1x256x256xbf16>
    %squeeze3A_503 = vector.shape_cast %slice3A_502 : vector<1x256x256xbf16> to vector<256x256xbf16>
    %dot_general3A_504 = arith.constant dense<0.000000e+00> : vector<512x256xf32>
    %dot_general3A_505 = tpu.matmul %concatenate3A_492, %squeeze3A_503, %dot_general3A_504 {dimension_numbers = #tpu.dot_dimension_numbers<[1], [0], [0], [1], [0, 0, 1, 1], [], []>, transpose_lhs_hint = false} : vector<512x256xbf16>, vector<256x256xbf16>, vector<512x256xf32> -> vector<512x256xf32>
    %add3A_506 = arith.addf %add3A_501, %dot_general3A_505 : vector<512x256xf32>
    %add3A_507 = vector.broadcast %get3A_486 : vector<1x256xf32> to vector<512x256xf32>
    %add3A_508 = arith.addf %add3A_506, %add3A_507 : vector<512x256xf32>
    %get3A_509 = arith.constant 0 : index
    %get3A_510 = arith.constant 0 : index
    %get3A_511 = vector.load %arg4[%get3A_509, %get3A_510] : memref<1x256xf32, #tpu.memory_space<vmem>>, vector<1x256xf32>
    %get3A_512 = arith.constant 0 : index
    %get3A_513 = arith.constant 0 : index
    %get3A_514 = vector.load %arg5[%get3A_512, %get3A_513] : memref<1x256xf32, #tpu.memory_space<vmem>>, vector<1x256xf32>
    %convert_element_type3A_515 = arith.truncf %add3A_508 : vector<512x256xf32> to vector<512x256xbf16>
    %dot_general3A_516 = arith.constant dense<0.000000e+00> : vector<512x128xf32>
    %dot_general3A_517 = tpu.matmul %convert_element_type3A_515, %broadcast_in_dim3A_0, %dot_general3A_516 {dimension_numbers = #tpu.dot_dimension_numbers<[1], [0], [0], [1], [0, 0, 1, 1], [], []>, transpose_lhs_hint = false} : vector<512x256xbf16>, vector<256x128xbf16>, vector<512x128xf32> -> vector<512x128xf32>
    %slice3A_518 = vector.extract_strided_slice %dot_general3A_517 {offsets = [0, 0], sizes = [512, 1], strides = [1, 1]} : vector<512x128xf32> to vector<512x1xf32>
    %mul3A_519 = arith.mulf %convert_element_type3A_515, %convert_element_type3A_515 : vector<512x256xbf16>
    %dot_general3A_520 = arith.constant dense<0.000000e+00> : vector<512x128xf32>
    %dot_general3A_521 = tpu.matmul %mul3A_519, %broadcast_in_dim3A_0, %dot_general3A_520 {dimension_numbers = #tpu.dot_dimension_numbers<[1], [0], [0], [1], [0, 0, 1, 1], [], []>, transpose_lhs_hint = false} : vector<512x256xbf16>, vector<256x128xbf16>, vector<512x128xf32> -> vector<512x128xf32>
    %slice3A_522 = vector.extract_strided_slice %dot_general3A_521 {offsets = [0, 0], sizes = [512, 1], strides = [1, 1]} : vector<512x128xf32> to vector<512x1xf32>
    %mul3A_523 = arith.constant 3.906250e-03 : f32
    %mul3A_524 = vector.broadcast %mul3A_523 : f32 to vector<512x1xf32>
    %mul3A_525 = arith.mulf %slice3A_518, %mul3A_524 : vector<512x1xf32>
    %mul3A_526 = arith.constant 3.906250e-03 : f32
    %mul3A_527 = vector.broadcast %mul3A_526 : f32 to vector<512x1xf32>
    %mul3A_528 = arith.mulf %slice3A_522, %mul3A_527 : vector<512x1xf32>
    %mul3A_529 = arith.mulf %mul3A_525, %mul3A_525 : vector<512x1xf32>
    %sub3A_530 = arith.subf %mul3A_528, %mul3A_529 : vector<512x1xf32>
    %sub3A_531 = vector.broadcast %mul3A_525 : vector<512x1xf32> to vector<512x256xf32>
    %sub3A_532 = arith.subf %add3A_508, %sub3A_531 : vector<512x256xf32>
    %add3A_533 = arith.constant 9.99999974E-6 : f32
    %add3A_534 = vector.broadcast %add3A_533 : f32 to vector<512x1xf32>
    %add3A_535 = arith.addf %sub3A_530, %add3A_534 : vector<512x1xf32>
    %rsqrt3A_536 = math.rsqrt %add3A_535 : vector<512x1xf32>
    %mul3A_537 = vector.broadcast %rsqrt3A_536 : vector<512x1xf32> to vector<512x256xf32>
    %mul3A_538 = arith.mulf %sub3A_532, %mul3A_537 : vector<512x256xf32>
    %mul3A_539 = vector.broadcast %get3A_511 : vector<1x256xf32> to vector<512x256xf32>
    %mul3A_540 = arith.mulf %mul3A_538, %mul3A_539 : vector<512x256xf32>
    %add3A_541 = vector.broadcast %get3A_514 : vector<1x256xf32> to vector<512x256xf32>
    %add3A_542 = arith.addf %mul3A_540, %add3A_541 : vector<512x256xf32>
    %max3A_543 = arith.constant 0.000000e+00 : f32
    %max3A_544 = vector.broadcast %max3A_543 : f32 to vector<512x256xf32>
    %max3A_545 = arith.maximumf %add3A_542, %max3A_544 : vector<512x256xf32>
    %convert_element_type3A_546 = arith.truncf %max3A_545 : vector<512x256xf32> to vector<512x256xbf16>
    %get3A_547 = arith.constant 0 : index
    %get3A_548 = arith.constant 0 : index
    %get3A_549 = arith.constant 0 : index
    %get3A_550 = vector.load %arg6[%get3A_547, %get3A_548, %get3A_549] : memref<3x256x256xbf16, #tpu.memory_space<vmem>>, vector<3x256x256xbf16>
    %get3A_551 = arith.constant 0 : index
    %get3A_552 = arith.constant 0 : index
    %get3A_553 = vector.load %arg7[%get3A_551, %get3A_552] : memref<1x256xf32, #tpu.memory_space<vmem>>, vector<1x256xf32>
    %broadcast_in_dim3A_554 = arith.constant 0.000000e+00 : bf16
    %broadcast_in_dim3A_555 = vector.broadcast %broadcast_in_dim3A_554 : bf16 to vector<1x256xbf16>
    %slice3A_556 = vector.extract_strided_slice %convert_element_type3A_546 {offsets = [0, 0], sizes = [511, 256], strides = [1, 1]} : vector<512x256xbf16> to vector<511x256xbf16>
    %concatenate3A_557 = tpu.concatenate %broadcast_in_dim3A_555, %slice3A_556 in 0 : vector<1x256xbf16>, vector<511x256xbf16> -> vector<512x256xbf16>
    %slice3A_558 = vector.extract_strided_slice %convert_element_type3A_546 {offsets = [1, 0], sizes = [511, 256], strides = [1, 1]} : vector<512x256xbf16> to vector<511x256xbf16>
    %concatenate3A_559 = tpu.concatenate %slice3A_558, %broadcast_in_dim3A_555 in 0 : vector<511x256xbf16>, vector<1x256xbf16> -> vector<512x256xbf16>
    %slice3A_560 = vector.extract_strided_slice %get3A_550 {offsets = [0, 0, 0], sizes = [1, 256, 256], strides = [1, 1, 1]} : vector<3x256x256xbf16> to vector<1x256x256xbf16>
    %squeeze3A_561 = vector.shape_cast %slice3A_560 : vector<1x256x256xbf16> to vector<256x256xbf16>
    %dot_general3A_562 = arith.constant dense<0.000000e+00> : vector<512x256xf32>
    %dot_general3A_563 = tpu.matmul %concatenate3A_557, %squeeze3A_561, %dot_general3A_562 {dimension_numbers = #tpu.dot_dimension_numbers<[1], [0], [0], [1], [0, 0, 1, 1], [], []>, transpose_lhs_hint = false} : vector<512x256xbf16>, vector<256x256xbf16>, vector<512x256xf32> -> vector<512x256xf32>
    %slice3A_564 = vector.extract_strided_slice %get3A_550 {offsets = [1, 0, 0], sizes = [1, 256, 256], strides = [1, 1, 1]} : vector<3x256x256xbf16> to vector<1x256x256xbf16>
    %squeeze3A_565 = vector.shape_cast %slice3A_564 : vector<1x256x256xbf16> to vector<256x256xbf16>
    %dot_general3A_566 = arith.constant dense<0.000000e+00> : vector<512x256xf32>
    %dot_general3A_567 = tpu.matmul %convert_element_type3A_546, %squeeze3A_565, %dot_general3A_566 {dimension_numbers = #tpu.dot_dimension_numbers<[1], [0], [0], [1], [0, 0, 1, 1], [], []>, transpose_lhs_hint = false} : vector<512x256xbf16>, vector<256x256xbf16>, vector<512x256xf32> -> vector<512x256xf32>
    %add3A_568 = arith.addf %dot_general3A_563, %dot_general3A_567 : vector<512x256xf32>
    %slice3A_569 = vector.extract_strided_slice %get3A_550 {offsets = [2, 0, 0], sizes = [1, 256, 256], strides = [1, 1, 1]} : vector<3x256x256xbf16> to vector<1x256x256xbf16>
    %squeeze3A_570 = vector.shape_cast %slice3A_569 : vector<1x256x256xbf16> to vector<256x256xbf16>
    %dot_general3A_571 = arith.constant dense<0.000000e+00> : vector<512x256xf32>
    %dot_general3A_572 = tpu.matmul %concatenate3A_559, %squeeze3A_570, %dot_general3A_571 {dimension_numbers = #tpu.dot_dimension_numbers<[1], [0], [0], [1], [0, 0, 1, 1], [], []>, transpose_lhs_hint = false} : vector<512x256xbf16>, vector<256x256xbf16>, vector<512x256xf32> -> vector<512x256xf32>
    %add3A_573 = arith.addf %add3A_568, %dot_general3A_572 : vector<512x256xf32>
    %add3A_574 = vector.broadcast %get3A_553 : vector<1x256xf32> to vector<512x256xf32>
    %add3A_575 = arith.addf %add3A_573, %add3A_574 : vector<512x256xf32>
    %get3A_576 = arith.constant 0 : index
    %get3A_577 = arith.constant 0 : index
    %get3A_578 = vector.load %arg8[%get3A_576, %get3A_577] : memref<1x256xf32, #tpu.memory_space<vmem>>, vector<1x256xf32>
    %get3A_579 = arith.constant 0 : index
    %get3A_580 = arith.constant 0 : index
    %get3A_581 = vector.load %arg9[%get3A_579, %get3A_580] : memref<1x256xf32, #tpu.memory_space<vmem>>, vector<1x256xf32>
    %convert_element_type3A_582 = arith.truncf %add3A_575 : vector<512x256xf32> to vector<512x256xbf16>
    %dot_general3A_583 = arith.constant dense<0.000000e+00> : vector<512x128xf32>
    %dot_general3A_584 = tpu.matmul %convert_element_type3A_582, %broadcast_in_dim3A_0, %dot_general3A_583 {dimension_numbers = #tpu.dot_dimension_numbers<[1], [0], [0], [1], [0, 0, 1, 1], [], []>, transpose_lhs_hint = false} : vector<512x256xbf16>, vector<256x128xbf16>, vector<512x128xf32> -> vector<512x128xf32>
    %slice3A_585 = vector.extract_strided_slice %dot_general3A_584 {offsets = [0, 0], sizes = [512, 1], strides = [1, 1]} : vector<512x128xf32> to vector<512x1xf32>
    %mul3A_586 = arith.mulf %convert_element_type3A_582, %convert_element_type3A_582 : vector<512x256xbf16>
    %dot_general3A_587 = arith.constant dense<0.000000e+00> : vector<512x128xf32>
    %dot_general3A_588 = tpu.matmul %mul3A_586, %broadcast_in_dim3A_0, %dot_general3A_587 {dimension_numbers = #tpu.dot_dimension_numbers<[1], [0], [0], [1], [0, 0, 1, 1], [], []>, transpose_lhs_hint = false} : vector<512x256xbf16>, vector<256x128xbf16>, vector<512x128xf32> -> vector<512x128xf32>
    %slice3A_589 = vector.extract_strided_slice %dot_general3A_588 {offsets = [0, 0], sizes = [512, 1], strides = [1, 1]} : vector<512x128xf32> to vector<512x1xf32>
    %mul3A_590 = arith.constant 3.906250e-03 : f32
    %mul3A_591 = vector.broadcast %mul3A_590 : f32 to vector<512x1xf32>
    %mul3A_592 = arith.mulf %slice3A_585, %mul3A_591 : vector<512x1xf32>
    %mul3A_593 = arith.constant 3.906250e-03 : f32
    %mul3A_594 = vector.broadcast %mul3A_593 : f32 to vector<512x1xf32>
    %mul3A_595 = arith.mulf %slice3A_589, %mul3A_594 : vector<512x1xf32>
    %mul3A_596 = arith.mulf %mul3A_592, %mul3A_592 : vector<512x1xf32>
    %sub3A_597 = arith.subf %mul3A_595, %mul3A_596 : vector<512x1xf32>
    %sub3A_598 = vector.broadcast %mul3A_592 : vector<512x1xf32> to vector<512x256xf32>
    %sub3A_599 = arith.subf %add3A_575, %sub3A_598 : vector<512x256xf32>
    %add3A_600 = arith.constant 9.99999974E-6 : f32
    %add3A_601 = vector.broadcast %add3A_600 : f32 to vector<512x1xf32>
    %add3A_602 = arith.addf %sub3A_597, %add3A_601 : vector<512x1xf32>
    %rsqrt3A_603 = math.rsqrt %add3A_602 : vector<512x1xf32>
    %mul3A_604 = vector.broadcast %rsqrt3A_603 : vector<512x1xf32> to vector<512x256xf32>
    %mul3A_605 = arith.mulf %sub3A_599, %mul3A_604 : vector<512x256xf32>
    %mul3A_606 = vector.broadcast %get3A_578 : vector<1x256xf32> to vector<512x256xf32>
    %mul3A_607 = arith.mulf %mul3A_605, %mul3A_606 : vector<512x256xf32>
    %add3A_608 = vector.broadcast %get3A_581 : vector<1x256xf32> to vector<512x256xf32>
    %add3A_609 = arith.addf %mul3A_607, %add3A_608 : vector<512x256xf32>
    %max3A_610 = arith.constant 0.000000e+00 : f32
    %max3A_611 = vector.broadcast %max3A_610 : f32 to vector<512x256xf32>
    %max3A_612 = arith.maximumf %add3A_609, %max3A_611 : vector<512x256xf32>
    %convert_element_type3A_613 = arith.truncf %max3A_612 : vector<512x256xf32> to vector<512x256xbf16>
    %get3A_614 = arith.constant 0 : index
    %get3A_615 = arith.constant 0 : index
    %get3A_616 = vector.load %arg10[%get3A_614, %get3A_615] : memref<256x128xbf16, #tpu.memory_space<vmem>>, vector<256x128xbf16>
    %dot_general3A_617 = arith.constant dense<0.000000e+00> : vector<512x128xf32>
    %dot_general3A_618 = tpu.matmul %convert_element_type3A_613, %get3A_616, %dot_general3A_617 {dimension_numbers = #tpu.dot_dimension_numbers<[1], [0], [0], [1], [0, 0, 1, 1], [], []>, transpose_lhs_hint = false} : vector<512x256xbf16>, vector<256x128xbf16>, vector<512x128xf32> -> vector<512x128xf32>
    %slice3A_619 = vector.extract_strided_slice %dot_general3A_618 {offsets = [0, 0], sizes = [512, 1], strides = [1, 1]} : vector<512x128xf32> to vector<512x1xf32>
    %get3A_620 = arith.constant 0 : index
    %get3A_621 = arith.constant 0 : index
    %get3A_622 = vector.load %arg11[%get3A_620, %get3A_621] : memref<1x1xf32, #tpu.memory_space<vmem>>, vector<1x1xf32>
    %get3A_623 = vector.extract %get3A_622[0, 0] : f32 from vector<1x1xf32>
    %add3A_624 = vector.broadcast %get3A_623 : f32 to vector<512x1xf32>
    %add3A_625 = arith.addf %slice3A_619, %add3A_624 : vector<512x1xf32>
    %max3A_626 = arith.constant 0.000000e+00 : f32
    %max3A_627 = vector.broadcast %max3A_626 : f32 to vector<512x1xf32>
    %max3A_628 = arith.maximumf %add3A_625, %max3A_627 : vector<512x1xf32>
    %reshape3A_629 = vector.shape_cast %max3A_628 : vector<512x1xf32> to vector<1x512xf32>
    %swap3A_630 = arith.constant 3 : index
    %swap3A_631 = arith.constant 0 : index
    %swap3A_632 = arith.constant 0 : index
    %swap3A_633 = vector.load %arg12[%swap3A_630, %swap3A_631, %swap3A_632] : memref<16x1x512xf32, #tpu.memory_space<vmem>>, vector<1x1x512xf32>
    %swap3A_634 = vector.shape_cast %swap3A_633 : vector<1x1x512xf32> to vector<1x512xf32>
    %swap3A_635 = vector.shape_cast %reshape3A_629 : vector<1x512xf32> to vector<1x1x512xf32>
    tpu.vector_store %arg12[%swap3A_630, %swap3A_631, %swap3A_632], %swap3A_635 {strides = array<i32>} : memref<16x1x512xf32, #tpu.memory_space<vmem>>, vector<1x1x512xf32>,
    %get3A_636 = arith.constant 4 : index
    %get3A_637 = arith.constant 0 : index
    %get3A_638 = arith.constant 0 : index
    %get3A_639 = vector.load %arg1[%get3A_636, %get3A_637, %get3A_638] : memref<16x512x256xf32, #tpu.memory_space<vmem>>, vector<1x512x256xf32>
    %get3A_640 = vector.shape_cast %get3A_639 : vector<1x512x256xf32> to vector<512x256xf32>
    %convert_element_type3A_641 = arith.truncf %get3A_640 : vector<512x256xf32> to vector<512x256xbf16>
    %get3A_642 = arith.constant 0 : index
    %get3A_643 = arith.constant 0 : index
    %get3A_644 = arith.constant 0 : index
    %get3A_645 = vector.load %arg2[%get3A_642, %get3A_643, %get3A_644] : memref<3x256x256xbf16, #tpu.memory_space<vmem>>, vector<3x256x256xbf16>
    %get3A_646 = arith.constant 0 : index
    %get3A_647 = arith.constant 0 : index
    %get3A_648 = vector.load %arg3[%get3A_646, %get3A_647] : memref<1x256xf32, #tpu.memory_space<vmem>>, vector<1x256xf32>
    %broadcast_in_dim3A_649 = arith.constant 0.000000e+00 : bf16
    %broadcast_in_dim3A_650 = vector.broadcast %broadcast_in_dim3A_649 : bf16 to vector<1x256xbf16>
    %slice3A_651 = vector.extract_strided_slice %convert_element_type3A_641 {offsets = [0, 0], sizes = [511, 256], strides = [1, 1]} : vector<512x256xbf16> to vector<511x256xbf16>
    %concatenate3A_652 = tpu.concatenate %broadcast_in_dim3A_650, %slice3A_651 in 0 : vector<1x256xbf16>, vector<511x256xbf16> -> vector<512x256xbf16>
    %slice3A_653 = vector.extract_strided_slice %convert_element_type3A_641 {offsets = [1, 0], sizes = [511, 256], strides = [1, 1]} : vector<512x256xbf16> to vector<511x256xbf16>
    %concatenate3A_654 = tpu.concatenate %slice3A_653, %broadcast_in_dim3A_650 in 0 : vector<511x256xbf16>, vector<1x256xbf16> -> vector<512x256xbf16>
    %slice3A_655 = vector.extract_strided_slice %get3A_645 {offsets = [0, 0, 0], sizes = [1, 256, 256], strides = [1, 1, 1]} : vector<3x256x256xbf16> to vector<1x256x256xbf16>
    %squeeze3A_656 = vector.shape_cast %slice3A_655 : vector<1x256x256xbf16> to vector<256x256xbf16>
    %dot_general3A_657 = arith.constant dense<0.000000e+00> : vector<512x256xf32>
    %dot_general3A_658 = tpu.matmul %concatenate3A_652, %squeeze3A_656, %dot_general3A_657 {dimension_numbers = #tpu.dot_dimension_numbers<[1], [0], [0], [1], [0, 0, 1, 1], [], []>, transpose_lhs_hint = false} : vector<512x256xbf16>, vector<256x256xbf16>, vector<512x256xf32> -> vector<512x256xf32>
    %slice3A_659 = vector.extract_strided_slice %get3A_645 {offsets = [1, 0, 0], sizes = [1, 256, 256], strides = [1, 1, 1]} : vector<3x256x256xbf16> to vector<1x256x256xbf16>
    %squeeze3A_660 = vector.shape_cast %slice3A_659 : vector<1x256x256xbf16> to vector<256x256xbf16>
    %dot_general3A_661 = arith.constant dense<0.000000e+00> : vector<512x256xf32>
    %dot_general3A_662 = tpu.matmul %convert_element_type3A_641, %squeeze3A_660, %dot_general3A_661 {dimension_numbers = #tpu.dot_dimension_numbers<[1], [0], [0], [1], [0, 0, 1, 1], [], []>, transpose_lhs_hint = false} : vector<512x256xbf16>, vector<256x256xbf16>, vector<512x256xf32> -> vector<512x256xf32>
    %add3A_663 = arith.addf %dot_general3A_658, %dot_general3A_662 : vector<512x256xf32>
    %slice3A_664 = vector.extract_strided_slice %get3A_645 {offsets = [2, 0, 0], sizes = [1, 256, 256], strides = [1, 1, 1]} : vector<3x256x256xbf16> to vector<1x256x256xbf16>
    %squeeze3A_665 = vector.shape_cast %slice3A_664 : vector<1x256x256xbf16> to vector<256x256xbf16>
    %dot_general3A_666 = arith.constant dense<0.000000e+00> : vector<512x256xf32>
    %dot_general3A_667 = tpu.matmul %concatenate3A_654, %squeeze3A_665, %dot_general3A_666 {dimension_numbers = #tpu.dot_dimension_numbers<[1], [0], [0], [1], [0, 0, 1, 1], [], []>, transpose_lhs_hint = false} : vector<512x256xbf16>, vector<256x256xbf16>, vector<512x256xf32> -> vector<512x256xf32>
    %add3A_668 = arith.addf %add3A_663, %dot_general3A_667 : vector<512x256xf32>
    %add3A_669 = vector.broadcast %get3A_648 : vector<1x256xf32> to vector<512x256xf32>
    %add3A_670 = arith.addf %add3A_668, %add3A_669 : vector<512x256xf32>
    %get3A_671 = arith.constant 0 : index
    %get3A_672 = arith.constant 0 : index
    %get3A_673 = vector.load %arg4[%get3A_671, %get3A_672] : memref<1x256xf32, #tpu.memory_space<vmem>>, vector<1x256xf32>
    %get3A_674 = arith.constant 0 : index
    %get3A_675 = arith.constant 0 : index
    %get3A_676 = vector.load %arg5[%get3A_674, %get3A_675] : memref<1x256xf32, #tpu.memory_space<vmem>>, vector<1x256xf32>
    %convert_element_type3A_677 = arith.truncf %add3A_670 : vector<512x256xf32> to vector<512x256xbf16>
    %dot_general3A_678 = arith.constant dense<0.000000e+00> : vector<512x128xf32>
    %dot_general3A_679 = tpu.matmul %convert_element_type3A_677, %broadcast_in_dim3A_0, %dot_general3A_678 {dimension_numbers = #tpu.dot_dimension_numbers<[1], [0], [0], [1], [0, 0, 1, 1], [], []>, transpose_lhs_hint = false} : vector<512x256xbf16>, vector<256x128xbf16>, vector<512x128xf32> -> vector<512x128xf32>
    %slice3A_680 = vector.extract_strided_slice %dot_general3A_679 {offsets = [0, 0], sizes = [512, 1], strides = [1, 1]} : vector<512x128xf32> to vector<512x1xf32>
    %mul3A_681 = arith.mulf %convert_element_type3A_677, %convert_element_type3A_677 : vector<512x256xbf16>
    %dot_general3A_682 = arith.constant dense<0.000000e+00> : vector<512x128xf32>
    %dot_general3A_683 = tpu.matmul %mul3A_681, %broadcast_in_dim3A_0, %dot_general3A_682 {dimension_numbers = #tpu.dot_dimension_numbers<[1], [0], [0], [1], [0, 0, 1, 1], [], []>, transpose_lhs_hint = false} : vector<512x256xbf16>, vector<256x128xbf16>, vector<512x128xf32> -> vector<512x128xf32>
    %slice3A_684 = vector.extract_strided_slice %dot_general3A_683 {offsets = [0, 0], sizes = [512, 1], strides = [1, 1]} : vector<512x128xf32> to vector<512x1xf32>
    %mul3A_685 = arith.constant 3.906250e-03 : f32
    %mul3A_686 = vector.broadcast %mul3A_685 : f32 to vector<512x1xf32>
    %mul3A_687 = arith.mulf %slice3A_680, %mul3A_686 : vector<512x1xf32>
    %mul3A_688 = arith.constant 3.906250e-03 : f32
    %mul3A_689 = vector.broadcast %mul3A_688 : f32 to vector<512x1xf32>
    %mul3A_690 = arith.mulf %slice3A_684, %mul3A_689 : vector<512x1xf32>
    %mul3A_691 = arith.mulf %mul3A_687, %mul3A_687 : vector<512x1xf32>
    %sub3A_692 = arith.subf %mul3A_690, %mul3A_691 : vector<512x1xf32>
    %sub3A_693 = vector.broadcast %mul3A_687 : vector<512x1xf32> to vector<512x256xf32>
    %sub3A_694 = arith.subf %add3A_670, %sub3A_693 : vector<512x256xf32>
    %add3A_695 = arith.constant 9.99999974E-6 : f32
    %add3A_696 = vector.broadcast %add3A_695 : f32 to vector<512x1xf32>
    %add3A_697 = arith.addf %sub3A_692, %add3A_696 : vector<512x1xf32>
    %rsqrt3A_698 = math.rsqrt %add3A_697 : vector<512x1xf32>
    %mul3A_699 = vector.broadcast %rsqrt3A_698 : vector<512x1xf32> to vector<512x256xf32>
    %mul3A_700 = arith.mulf %sub3A_694, %mul3A_699 : vector<512x256xf32>
    %mul3A_701 = vector.broadcast %get3A_673 : vector<1x256xf32> to vector<512x256xf32>
    %mul3A_702 = arith.mulf %mul3A_700, %mul3A_701 : vector<512x256xf32>
    %add3A_703 = vector.broadcast %get3A_676 : vector<1x256xf32> to vector<512x256xf32>
    %add3A_704 = arith.addf %mul3A_702, %add3A_703 : vector<512x256xf32>
    %max3A_705 = arith.constant 0.000000e+00 : f32
    %max3A_706 = vector.broadcast %max3A_705 : f32 to vector<512x256xf32>
    %max3A_707 = arith.maximumf %add3A_704, %max3A_706 : vector<512x256xf32>
    %convert_element_type3A_708 = arith.truncf %max3A_707 : vector<512x256xf32> to vector<512x256xbf16>
    %get3A_709 = arith.constant 0 : index
    %get3A_710 = arith.constant 0 : index
    %get3A_711 = arith.constant 0 : index
    %get3A_712 = vector.load %arg6[%get3A_709, %get3A_710, %get3A_711] : memref<3x256x256xbf16, #tpu.memory_space<vmem>>, vector<3x256x256xbf16>
    %get3A_713 = arith.constant 0 : index
    %get3A_714 = arith.constant 0 : index
    %get3A_715 = vector.load %arg7[%get3A_713, %get3A_714] : memref<1x256xf32, #tpu.memory_space<vmem>>, vector<1x256xf32>
    %broadcast_in_dim3A_716 = arith.constant 0.000000e+00 : bf16
    %broadcast_in_dim3A_717 = vector.broadcast %broadcast_in_dim3A_716 : bf16 to vector<1x256xbf16>
    %slice3A_718 = vector.extract_strided_slice %convert_element_type3A_708 {offsets = [0, 0], sizes = [511, 256], strides = [1, 1]} : vector<512x256xbf16> to vector<511x256xbf16>
    %concatenate3A_719 = tpu.concatenate %broadcast_in_dim3A_717, %slice3A_718 in 0 : vector<1x256xbf16>, vector<511x256xbf16> -> vector<512x256xbf16>
    %slice3A_720 = vector.extract_strided_slice %convert_element_type3A_708 {offsets = [1, 0], sizes = [511, 256], strides = [1, 1]} : vector<512x256xbf16> to vector<511x256xbf16>
    %concatenate3A_721 = tpu.concatenate %slice3A_720, %broadcast_in_dim3A_717 in 0 : vector<511x256xbf16>, vector<1x256xbf16> -> vector<512x256xbf16>
    %slice3A_722 = vector.extract_strided_slice %get3A_712 {offsets = [0, 0, 0], sizes = [1, 256, 256], strides = [1, 1, 1]} : vector<3x256x256xbf16> to vector<1x256x256xbf16>
    %squeeze3A_723 = vector.shape_cast %slice3A_722 : vector<1x256x256xbf16> to vector<256x256xbf16>
    %dot_general3A_724 = arith.constant dense<0.000000e+00> : vector<512x256xf32>
    %dot_general3A_725 = tpu.matmul %concatenate3A_719, %squeeze3A_723, %dot_general3A_724 {dimension_numbers = #tpu.dot_dimension_numbers<[1], [0], [0], [1], [0, 0, 1, 1], [], []>, transpose_lhs_hint = false} : vector<512x256xbf16>, vector<256x256xbf16>, vector<512x256xf32> -> vector<512x256xf32>
    %slice3A_726 = vector.extract_strided_slice %get3A_712 {offsets = [1, 0, 0], sizes = [1, 256, 256], strides = [1, 1, 1]} : vector<3x256x256xbf16> to vector<1x256x256xbf16>
    %squeeze3A_727 = vector.shape_cast %slice3A_726 : vector<1x256x256xbf16> to vector<256x256xbf16>
    %dot_general3A_728 = arith.constant dense<0.000000e+00> : vector<512x256xf32>
    %dot_general3A_729 = tpu.matmul %convert_element_type3A_708, %squeeze3A_727, %dot_general3A_728 {dimension_numbers = #tpu.dot_dimension_numbers<[1], [0], [0], [1], [0, 0, 1, 1], [], []>, transpose_lhs_hint = false} : vector<512x256xbf16>, vector<256x256xbf16>, vector<512x256xf32> -> vector<512x256xf32>
    %add3A_730 = arith.addf %dot_general3A_725, %dot_general3A_729 : vector<512x256xf32>
    %slice3A_731 = vector.extract_strided_slice %get3A_712 {offsets = [2, 0, 0], sizes = [1, 256, 256], strides = [1, 1, 1]} : vector<3x256x256xbf16> to vector<1x256x256xbf16>
    %squeeze3A_732 = vector.shape_cast %slice3A_731 : vector<1x256x256xbf16> to vector<256x256xbf16>
    %dot_general3A_733 = arith.constant dense<0.000000e+00> : vector<512x256xf32>
    %dot_general3A_734 = tpu.matmul %concatenate3A_721, %squeeze3A_732, %dot_general3A_733 {dimension_numbers = #tpu.dot_dimension_numbers<[1], [0], [0], [1], [0, 0, 1, 1], [], []>, transpose_lhs_hint = false} : vector<512x256xbf16>, vector<256x256xbf16>, vector<512x256xf32> -> vector<512x256xf32>
    %add3A_735 = arith.addf %add3A_730, %dot_general3A_734 : vector<512x256xf32>
    %add3A_736 = vector.broadcast %get3A_715 : vector<1x256xf32> to vector<512x256xf32>
    %add3A_737 = arith.addf %add3A_735, %add3A_736 : vector<512x256xf32>
    %get3A_738 = arith.constant 0 : index
    %get3A_739 = arith.constant 0 : index
    %get3A_740 = vector.load %arg8[%get3A_738, %get3A_739] : memref<1x256xf32, #tpu.memory_space<vmem>>, vector<1x256xf32>
    %get3A_741 = arith.constant 0 : index
    %get3A_742 = arith.constant 0 : index
    %get3A_743 = vector.load %arg9[%get3A_741, %get3A_742] : memref<1x256xf32, #tpu.memory_space<vmem>>, vector<1x256xf32>
    %convert_element_type3A_744 = arith.truncf %add3A_737 : vector<512x256xf32> to vector<512x256xbf16>
    %dot_general3A_745 = arith.constant dense<0.000000e+00> : vector<512x128xf32>
    %dot_general3A_746 = tpu.matmul %convert_element_type3A_744, %broadcast_in_dim3A_0, %dot_general3A_745 {dimension_numbers = #tpu.dot_dimension_numbers<[1], [0], [0], [1], [0, 0, 1, 1], [], []>, transpose_lhs_hint = false} : vector<512x256xbf16>, vector<256x128xbf16>, vector<512x128xf32> -> vector<512x128xf32>
    %slice3A_747 = vector.extract_strided_slice %dot_general3A_746 {offsets = [0, 0], sizes = [512, 1], strides = [1, 1]} : vector<512x128xf32> to vector<512x1xf32>
    %mul3A_748 = arith.mulf %convert_element_type3A_744, %convert_element_type3A_744 : vector<512x256xbf16>
    %dot_general3A_749 = arith.constant dense<0.000000e+00> : vector<512x128xf32>
    %dot_general3A_750 = tpu.matmul %mul3A_748, %broadcast_in_dim3A_0, %dot_general3A_749 {dimension_numbers = #tpu.dot_dimension_numbers<[1], [0], [0], [1], [0, 0, 1, 1], [], []>, transpose_lhs_hint = false} : vector<512x256xbf16>, vector<256x128xbf16>, vector<512x128xf32> -> vector<512x128xf32>
    %slice3A_751 = vector.extract_strided_slice %dot_general3A_750 {offsets = [0, 0], sizes = [512, 1], strides = [1, 1]} : vector<512x128xf32> to vector<512x1xf32>
    %mul3A_752 = arith.constant 3.906250e-03 : f32
    %mul3A_753 = vector.broadcast %mul3A_752 : f32 to vector<512x1xf32>
    %mul3A_754 = arith.mulf %slice3A_747, %mul3A_753 : vector<512x1xf32>
    %mul3A_755 = arith.constant 3.906250e-03 : f32
    %mul3A_756 = vector.broadcast %mul3A_755 : f32 to vector<512x1xf32>
    %mul3A_757 = arith.mulf %slice3A_751, %mul3A_756 : vector<512x1xf32>
    %mul3A_758 = arith.mulf %mul3A_754, %mul3A_754 : vector<512x1xf32>
    %sub3A_759 = arith.subf %mul3A_757, %mul3A_758 : vector<512x1xf32>
    %sub3A_760 = vector.broadcast %mul3A_754 : vector<512x1xf32> to vector<512x256xf32>
    %sub3A_761 = arith.subf %add3A_737, %sub3A_760 : vector<512x256xf32>
    %add3A_762 = arith.constant 9.99999974E-6 : f32
    %add3A_763 = vector.broadcast %add3A_762 : f32 to vector<512x1xf32>
    %add3A_764 = arith.addf %sub3A_759, %add3A_763 : vector<512x1xf32>
    %rsqrt3A_765 = math.rsqrt %add3A_764 : vector<512x1xf32>
    %mul3A_766 = vector.broadcast %rsqrt3A_765 : vector<512x1xf32> to vector<512x256xf32>
    %mul3A_767 = arith.mulf %sub3A_761, %mul3A_766 : vector<512x256xf32>
    %mul3A_768 = vector.broadcast %get3A_740 : vector<1x256xf32> to vector<512x256xf32>
    %mul3A_769 = arith.mulf %mul3A_767, %mul3A_768 : vector<512x256xf32>
    %add3A_770 = vector.broadcast %get3A_743 : vector<1x256xf32> to vector<512x256xf32>
    %add3A_771 = arith.addf %mul3A_769, %add3A_770 : vector<512x256xf32>
    %max3A_772 = arith.constant 0.000000e+00 : f32
    %max3A_773 = vector.broadcast %max3A_772 : f32 to vector<512x256xf32>
    %max3A_774 = arith.maximumf %add3A_771, %max3A_773 : vector<512x256xf32>
    %convert_element_type3A_775 = arith.truncf %max3A_774 : vector<512x256xf32> to vector<512x256xbf16>
    %get3A_776 = arith.constant 0 : index
    %get3A_777 = arith.constant 0 : index
    %get3A_778 = vector.load %arg10[%get3A_776, %get3A_777] : memref<256x128xbf16, #tpu.memory_space<vmem>>, vector<256x128xbf16>
    %dot_general3A_779 = arith.constant dense<0.000000e+00> : vector<512x128xf32>
    %dot_general3A_780 = tpu.matmul %convert_element_type3A_775, %get3A_778, %dot_general3A_779 {dimension_numbers = #tpu.dot_dimension_numbers<[1], [0], [0], [1], [0, 0, 1, 1], [], []>, transpose_lhs_hint = false} : vector<512x256xbf16>, vector<256x128xbf16>, vector<512x128xf32> -> vector<512x128xf32>
    %slice3A_781 = vector.extract_strided_slice %dot_general3A_780 {offsets = [0, 0], sizes = [512, 1], strides = [1, 1]} : vector<512x128xf32> to vector<512x1xf32>
    %get3A_782 = arith.constant 0 : index
    %get3A_783 = arith.constant 0 : index
    %get3A_784 = vector.load %arg11[%get3A_782, %get3A_783] : memref<1x1xf32, #tpu.memory_space<vmem>>, vector<1x1xf32>
    %get3A_785 = vector.extract %get3A_784[0, 0] : f32 from vector<1x1xf32>
    %add3A_786 = vector.broadcast %get3A_785 : f32 to vector<512x1xf32>
    %add3A_787 = arith.addf %slice3A_781, %add3A_786 : vector<512x1xf32>
    %max3A_788 = arith.constant 0.000000e+00 : f32
    %max3A_789 = vector.broadcast %max3A_788 : f32 to vector<512x1xf32>
    %max3A_790 = arith.maximumf %add3A_787, %max3A_789 : vector<512x1xf32>
    %reshape3A_791 = vector.shape_cast %max3A_790 : vector<512x1xf32> to vector<1x512xf32>
    %swap3A_792 = arith.constant 4 : index
    %swap3A_793 = arith.constant 0 : index
    %swap3A_794 = arith.constant 0 : index
    %swap3A_795 = vector.load %arg12[%swap3A_792, %swap3A_793, %swap3A_794] : memref<16x1x512xf32, #tpu.memory_space<vmem>>, vector<1x1x512xf32>
    %swap3A_796 = vector.shape_cast %swap3A_795 : vector<1x1x512xf32> to vector<1x512xf32>
    %swap3A_797 = vector.shape_cast %reshape3A_791 : vector<1x512xf32> to vector<1x1x512xf32>
    tpu.vector_store %arg12[%swap3A_792, %swap3A_793, %swap3A_794], %swap3A_797 {strides = array<i32>} : memref<16x1x512xf32, #tpu.memory_space<vmem>>, vector<1x1x512xf32>,
    %get3A_798 = arith.constant 5 : index
    %get3A_799 = arith.constant 0 : index
    %get3A_800 = arith.constant 0 : index
    %get3A_801 = vector.load %arg1[%get3A_798, %get3A_799, %get3A_800] : memref<16x512x256xf32, #tpu.memory_space<vmem>>, vector<1x512x256xf32>
    %get3A_802 = vector.shape_cast %get3A_801 : vector<1x512x256xf32> to vector<512x256xf32>
    %convert_element_type3A_803 = arith.truncf %get3A_802 : vector<512x256xf32> to vector<512x256xbf16>
    %get3A_804 = arith.constant 0 : index
    %get3A_805 = arith.constant 0 : index
    %get3A_806 = arith.constant 0 : index
    %get3A_807 = vector.load %arg2[%get3A_804, %get3A_805, %get3A_806] : memref<3x256x256xbf16, #tpu.memory_space<vmem>>, vector<3x256x256xbf16>
    %get3A_808 = arith.constant 0 : index
    %get3A_809 = arith.constant 0 : index
    %get3A_810 = vector.load %arg3[%get3A_808, %get3A_809] : memref<1x256xf32, #tpu.memory_space<vmem>>, vector<1x256xf32>
    %broadcast_in_dim3A_811 = arith.constant 0.000000e+00 : bf16
    %broadcast_in_dim3A_812 = vector.broadcast %broadcast_in_dim3A_811 : bf16 to vector<1x256xbf16>
    %slice3A_813 = vector.extract_strided_slice %convert_element_type3A_803 {offsets = [0, 0], sizes = [511, 256], strides = [1, 1]} : vector<512x256xbf16> to vector<511x256xbf16>
    %concatenate3A_814 = tpu.concatenate %broadcast_in_dim3A_812, %slice3A_813 in 0 : vector<1x256xbf16>, vector<511x256xbf16> -> vector<512x256xbf16>
    %slice3A_815 = vector.extract_strided_slice %convert_element_type3A_803 {offsets = [1, 0], sizes = [511, 256], strides = [1, 1]} : vector<512x256xbf16> to vector<511x256xbf16>
    %concatenate3A_816 = tpu.concatenate %slice3A_815, %broadcast_in_dim3A_812 in 0 : vector<511x256xbf16>, vector<1x256xbf16> -> vector<512x256xbf16>
    %slice3A_817 = vector.extract_strided_slice %get3A_807 {offsets = [0, 0, 0], sizes = [1, 256, 256], strides = [1, 1, 1]} : vector<3x256x256xbf16> to vector<1x256x256xbf16>
    %squeeze3A_818 = vector.shape_cast %slice3A_817 : vector<1x256x256xbf16> to vector<256x256xbf16>
    %dot_general3A_819 = arith.constant dense<0.000000e+00> : vector<512x256xf32>
    %dot_general3A_820 = tpu.matmul %concatenate3A_814, %squeeze3A_818, %dot_general3A_819 {dimension_numbers = #tpu.dot_dimension_numbers<[1], [0], [0], [1], [0, 0, 1, 1], [], []>, transpose_lhs_hint = false} : vector<512x256xbf16>, vector<256x256xbf16>, vector<512x256xf32> -> vector<512x256xf32>
    %slice3A_821 = vector.extract_strided_slice %get3A_807 {offsets = [1, 0, 0], sizes = [1, 256, 256], strides = [1, 1, 1]} : vector<3x256x256xbf16> to vector<1x256x256xbf16>
    %squeeze3A_822 = vector.shape_cast %slice3A_821 : vector<1x256x256xbf16> to vector<256x256xbf16>
    %dot_general3A_823 = arith.constant dense<0.000000e+00> : vector<512x256xf32>
    %dot_general3A_824 = tpu.matmul %convert_element_type3A_803, %squeeze3A_822, %dot_general3A_823 {dimension_numbers = #tpu.dot_dimension_numbers<[1], [0], [0], [1], [0, 0, 1, 1], [], []>, transpose_lhs_hint = false} : vector<512x256xbf16>, vector<256x256xbf16>, vector<512x256xf32> -> vector<512x256xf32>
    %add3A_825 = arith.addf %dot_general3A_820, %dot_general3A_824 : vector<512x256xf32>
    %slice3A_826 = vector.extract_strided_slice %get3A_807 {offsets = [2, 0, 0], sizes = [1, 256, 256], strides = [1, 1, 1]} : vector<3x256x256xbf16> to vector<1x256x256xbf16>
    %squeeze3A_827 = vector.shape_cast %slice3A_826 : vector<1x256x256xbf16> to vector<256x256xbf16>
    %dot_general3A_828 = arith.constant dense<0.000000e+00> : vector<512x256xf32>
    %dot_general3A_829 = tpu.matmul %concatenate3A_816, %squeeze3A_827, %dot_general3A_828 {dimension_numbers = #tpu.dot_dimension_numbers<[1], [0], [0], [1], [0, 0, 1, 1], [], []>, transpose_lhs_hint = false} : vector<512x256xbf16>, vector<256x256xbf16>, vector<512x256xf32> -> vector<512x256xf32>
    %add3A_830 = arith.addf %add3A_825, %dot_general3A_829 : vector<512x256xf32>
    %add3A_831 = vector.broadcast %get3A_810 : vector<1x256xf32> to vector<512x256xf32>
    %add3A_832 = arith.addf %add3A_830, %add3A_831 : vector<512x256xf32>
    %get3A_833 = arith.constant 0 : index
    %get3A_834 = arith.constant 0 : index
    %get3A_835 = vector.load %arg4[%get3A_833, %get3A_834] : memref<1x256xf32, #tpu.memory_space<vmem>>, vector<1x256xf32>
    %get3A_836 = arith.constant 0 : index
    %get3A_837 = arith.constant 0 : index
    %get3A_838 = vector.load %arg5[%get3A_836, %get3A_837] : memref<1x256xf32, #tpu.memory_space<vmem>>, vector<1x256xf32>
    %convert_element_type3A_839 = arith.truncf %add3A_832 : vector<512x256xf32> to vector<512x256xbf16>
    %dot_general3A_840 = arith.constant dense<0.000000e+00> : vector<512x128xf32>
    %dot_general3A_841 = tpu.matmul %convert_element_type3A_839, %broadcast_in_dim3A_0, %dot_general3A_840 {dimension_numbers = #tpu.dot_dimension_numbers<[1], [0], [0], [1], [0, 0, 1, 1], [], []>, transpose_lhs_hint = false} : vector<512x256xbf16>, vector<256x128xbf16>, vector<512x128xf32> -> vector<512x128xf32>
    %slice3A_842 = vector.extract_strided_slice %dot_general3A_841 {offsets = [0, 0], sizes = [512, 1], strides = [1, 1]} : vector<512x128xf32> to vector<512x1xf32>
    %mul3A_843 = arith.mulf %convert_element_type3A_839, %convert_element_type3A_839 : vector<512x256xbf16>
    %dot_general3A_844 = arith.constant dense<0.000000e+00> : vector<512x128xf32>
    %dot_general3A_845 = tpu.matmul %mul3A_843, %broadcast_in_dim3A_0, %dot_general3A_844 {dimension_numbers = #tpu.dot_dimension_numbers<[1], [0], [0], [1], [0, 0, 1, 1], [], []>, transpose_lhs_hint = false} : vector<512x256xbf16>, vector<256x128xbf16>, vector<512x128xf32> -> vector<512x128xf32>
    %slice3A_846 = vector.extract_strided_slice %dot_general3A_845 {offsets = [0, 0], sizes = [512, 1], strides = [1, 1]} : vector<512x128xf32> to vector<512x1xf32>
    %mul3A_847 = arith.constant 3.906250e-03 : f32
    %mul3A_848 = vector.broadcast %mul3A_847 : f32 to vector<512x1xf32>
    %mul3A_849 = arith.mulf %slice3A_842, %mul3A_848 : vector<512x1xf32>
    %mul3A_850 = arith.constant 3.906250e-03 : f32
    %mul3A_851 = vector.broadcast %mul3A_850 : f32 to vector<512x1xf32>
    %mul3A_852 = arith.mulf %slice3A_846, %mul3A_851 : vector<512x1xf32>
    %mul3A_853 = arith.mulf %mul3A_849, %mul3A_849 : vector<512x1xf32>
    %sub3A_854 = arith.subf %mul3A_852, %mul3A_853 : vector<512x1xf32>
    %sub3A_855 = vector.broadcast %mul3A_849 : vector<512x1xf32> to vector<512x256xf32>
    %sub3A_856 = arith.subf %add3A_832, %sub3A_855 : vector<512x256xf32>
    %add3A_857 = arith.constant 9.99999974E-6 : f32
    %add3A_858 = vector.broadcast %add3A_857 : f32 to vector<512x1xf32>
    %add3A_859 = arith.addf %sub3A_854, %add3A_858 : vector<512x1xf32>
    %rsqrt3A_860 = math.rsqrt %add3A_859 : vector<512x1xf32>
    %mul3A_861 = vector.broadcast %rsqrt3A_860 : vector<512x1xf32> to vector<512x256xf32>
    %mul3A_862 = arith.mulf %sub3A_856, %mul3A_861 : vector<512x256xf32>
    %mul3A_863 = vector.broadcast %get3A_835 : vector<1x256xf32> to vector<512x256xf32>
    %mul3A_864 = arith.mulf %mul3A_862, %mul3A_863 : vector<512x256xf32>
    %add3A_865 = vector.broadcast %get3A_838 : vector<1x256xf32> to vector<512x256xf32>
    %add3A_866 = arith.addf %mul3A_864, %add3A_865 : vector<512x256xf32>
    %max3A_867 = arith.constant 0.000000e+00 : f32
    %max3A_868 = vector.broadcast %max3A_867 : f32 to vector<512x256xf32>
    %max3A_869 = arith.maximumf %add3A_866, %max3A_868 : vector<512x256xf32>
    %convert_element_type3A_870 = arith.truncf %max3A_869 : vector<512x256xf32> to vector<512x256xbf16>
    %get3A_871 = arith.constant 0 : index
    %get3A_872 = arith.constant 0 : index
    %get3A_873 = arith.constant 0 : index
    %get3A_874 = vector.load %arg6[%get3A_871, %get3A_872, %get3A_873] : memref<3x256x256xbf16, #tpu.memory_space<vmem>>, vector<3x256x256xbf16>
    %get3A_875 = arith.constant 0 : index
    %get3A_876 = arith.constant 0 : index
    %get3A_877 = vector.load %arg7[%get3A_875, %get3A_876] : memref<1x256xf32, #tpu.memory_space<vmem>>, vector<1x256xf32>
    %broadcast_in_dim3A_878 = arith.constant 0.000000e+00 : bf16
    %broadcast_in_dim3A_879 = vector.broadcast %broadcast_in_dim3A_878 : bf16 to vector<1x256xbf16>
    %slice3A_880 = vector.extract_strided_slice %convert_element_type3A_870 {offsets = [0, 0], sizes = [511, 256], strides = [1, 1]} : vector<512x256xbf16> to vector<511x256xbf16>
    %concatenate3A_881 = tpu.concatenate %broadcast_in_dim3A_879, %slice3A_880 in 0 : vector<1x256xbf16>, vector<511x256xbf16> -> vector<512x256xbf16>
    %slice3A_882 = vector.extract_strided_slice %convert_element_type3A_870 {offsets = [1, 0], sizes = [511, 256], strides = [1, 1]} : vector<512x256xbf16> to vector<511x256xbf16>
    %concatenate3A_883 = tpu.concatenate %slice3A_882, %broadcast_in_dim3A_879 in 0 : vector<511x256xbf16>, vector<1x256xbf16> -> vector<512x256xbf16>
    %slice3A_884 = vector.extract_strided_slice %get3A_874 {offsets = [0, 0, 0], sizes = [1, 256, 256], strides = [1, 1, 1]} : vector<3x256x256xbf16> to vector<1x256x256xbf16>
    %squeeze3A_885 = vector.shape_cast %slice3A_884 : vector<1x256x256xbf16> to vector<256x256xbf16>
    %dot_general3A_886 = arith.constant dense<0.000000e+00> : vector<512x256xf32>
    %dot_general3A_887 = tpu.matmul %concatenate3A_881, %squeeze3A_885, %dot_general3A_886 {dimension_numbers = #tpu.dot_dimension_numbers<[1], [0], [0], [1], [0, 0, 1, 1], [], []>, transpose_lhs_hint = false} : vector<512x256xbf16>, vector<256x256xbf16>, vector<512x256xf32> -> vector<512x256xf32>
    %slice3A_888 = vector.extract_strided_slice %get3A_874 {offsets = [1, 0, 0], sizes = [1, 256, 256], strides = [1, 1, 1]} : vector<3x256x256xbf16> to vector<1x256x256xbf16>
    %squeeze3A_889 = vector.shape_cast %slice3A_888 : vector<1x256x256xbf16> to vector<256x256xbf16>
    %dot_general3A_890 = arith.constant dense<0.000000e+00> : vector<512x256xf32>
    %dot_general3A_891 = tpu.matmul %convert_element_type3A_870, %squeeze3A_889, %dot_general3A_890 {dimension_numbers = #tpu.dot_dimension_numbers<[1], [0], [0], [1], [0, 0, 1, 1], [], []>, transpose_lhs_hint = false} : vector<512x256xbf16>, vector<256x256xbf16>, vector<512x256xf32> -> vector<512x256xf32>
    %add3A_892 = arith.addf %dot_general3A_887, %dot_general3A_891 : vector<512x256xf32>
    %slice3A_893 = vector.extract_strided_slice %get3A_874 {offsets = [2, 0, 0], sizes = [1, 256, 256], strides = [1, 1, 1]} : vector<3x256x256xbf16> to vector<1x256x256xbf16>
    %squeeze3A_894 = vector.shape_cast %slice3A_893 : vector<1x256x256xbf16> to vector<256x256xbf16>
    %dot_general3A_895 = arith.constant dense<0.000000e+00> : vector<512x256xf32>
    %dot_general3A_896 = tpu.matmul %concatenate3A_883, %squeeze3A_894, %dot_general3A_895 {dimension_numbers = #tpu.dot_dimension_numbers<[1], [0], [0], [1], [0, 0, 1, 1], [], []>, transpose_lhs_hint = false} : vector<512x256xbf16>, vector<256x256xbf16>, vector<512x256xf32> -> vector<512x256xf32>
    %add3A_897 = arith.addf %add3A_892, %dot_general3A_896 : vector<512x256xf32>
    %add3A_898 = vector.broadcast %get3A_877 : vector<1x256xf32> to vector<512x256xf32>
    %add3A_899 = arith.addf %add3A_897, %add3A_898 : vector<512x256xf32>
    %get3A_900 = arith.constant 0 : index
    %get3A_901 = arith.constant 0 : index
    %get3A_902 = vector.load %arg8[%get3A_900, %get3A_901] : memref<1x256xf32, #tpu.memory_space<vmem>>, vector<1x256xf32>
    %get3A_903 = arith.constant 0 : index
    %get3A_904 = arith.constant 0 : index
    %get3A_905 = vector.load %arg9[%get3A_903, %get3A_904] : memref<1x256xf32, #tpu.memory_space<vmem>>, vector<1x256xf32>
    %convert_element_type3A_906 = arith.truncf %add3A_899 : vector<512x256xf32> to vector<512x256xbf16>
    %dot_general3A_907 = arith.constant dense<0.000000e+00> : vector<512x128xf32>
    %dot_general3A_908 = tpu.matmul %convert_element_type3A_906, %broadcast_in_dim3A_0, %dot_general3A_907 {dimension_numbers = #tpu.dot_dimension_numbers<[1], [0], [0], [1], [0, 0, 1, 1], [], []>, transpose_lhs_hint = false} : vector<512x256xbf16>, vector<256x128xbf16>, vector<512x128xf32> -> vector<512x128xf32>
    %slice3A_909 = vector.extract_strided_slice %dot_general3A_908 {offsets = [0, 0], sizes = [512, 1], strides = [1, 1]} : vector<512x128xf32> to vector<512x1xf32>
    %mul3A_910 = arith.mulf %convert_element_type3A_906, %convert_element_type3A_906 : vector<512x256xbf16>
    %dot_general3A_911 = arith.constant dense<0.000000e+00> : vector<512x128xf32>
    %dot_general3A_912 = tpu.matmul %mul3A_910, %broadcast_in_dim3A_0, %dot_general3A_911 {dimension_numbers = #tpu.dot_dimension_numbers<[1], [0], [0], [1], [0, 0, 1, 1], [], []>, transpose_lhs_hint = false} : vector<512x256xbf16>, vector<256x128xbf16>, vector<512x128xf32> -> vector<512x128xf32>
    %slice3A_913 = vector.extract_strided_slice %dot_general3A_912 {offsets = [0, 0], sizes = [512, 1], strides = [1, 1]} : vector<512x128xf32> to vector<512x1xf32>
    %mul3A_914 = arith.constant 3.906250e-03 : f32
    %mul3A_915 = vector.broadcast %mul3A_914 : f32 to vector<512x1xf32>
    %mul3A_916 = arith.mulf %slice3A_909, %mul3A_915 : vector<512x1xf32>
    %mul3A_917 = arith.constant 3.906250e-03 : f32
    %mul3A_918 = vector.broadcast %mul3A_917 : f32 to vector<512x1xf32>
    %mul3A_919 = arith.mulf %slice3A_913, %mul3A_918 : vector<512x1xf32>
    %mul3A_920 = arith.mulf %mul3A_916, %mul3A_916 : vector<512x1xf32>
    %sub3A_921 = arith.subf %mul3A_919, %mul3A_920 : vector<512x1xf32>
    %sub3A_922 = vector.broadcast %mul3A_916 : vector<512x1xf32> to vector<512x256xf32>
    %sub3A_923 = arith.subf %add3A_899, %sub3A_922 : vector<512x256xf32>
    %add3A_924 = arith.constant 9.99999974E-6 : f32
    %add3A_925 = vector.broadcast %add3A_924 : f32 to vector<512x1xf32>
    %add3A_926 = arith.addf %sub3A_921, %add3A_925 : vector<512x1xf32>
    %rsqrt3A_927 = math.rsqrt %add3A_926 : vector<512x1xf32>
    %mul3A_928 = vector.broadcast %rsqrt3A_927 : vector<512x1xf32> to vector<512x256xf32>
    %mul3A_929 = arith.mulf %sub3A_923, %mul3A_928 : vector<512x256xf32>
    %mul3A_930 = vector.broadcast %get3A_902 : vector<1x256xf32> to vector<512x256xf32>
    %mul3A_931 = arith.mulf %mul3A_929, %mul3A_930 : vector<512x256xf32>
    %add3A_932 = vector.broadcast %get3A_905 : vector<1x256xf32> to vector<512x256xf32>
    %add3A_933 = arith.addf %mul3A_931, %add3A_932 : vector<512x256xf32>
    %max3A_934 = arith.constant 0.000000e+00 : f32
    %max3A_935 = vector.broadcast %max3A_934 : f32 to vector<512x256xf32>
    %max3A_936 = arith.maximumf %add3A_933, %max3A_935 : vector<512x256xf32>
    %convert_element_type3A_937 = arith.truncf %max3A_936 : vector<512x256xf32> to vector<512x256xbf16>
    %get3A_938 = arith.constant 0 : index
    %get3A_939 = arith.constant 0 : index
    %get3A_940 = vector.load %arg10[%get3A_938, %get3A_939] : memref<256x128xbf16, #tpu.memory_space<vmem>>, vector<256x128xbf16>
    %dot_general3A_941 = arith.constant dense<0.000000e+00> : vector<512x128xf32>
    %dot_general3A_942 = tpu.matmul %convert_element_type3A_937, %get3A_940, %dot_general3A_941 {dimension_numbers = #tpu.dot_dimension_numbers<[1], [0], [0], [1], [0, 0, 1, 1], [], []>, transpose_lhs_hint = false} : vector<512x256xbf16>, vector<256x128xbf16>, vector<512x128xf32> -> vector<512x128xf32>
    %slice3A_943 = vector.extract_strided_slice %dot_general3A_942 {offsets = [0, 0], sizes = [512, 1], strides = [1, 1]} : vector<512x128xf32> to vector<512x1xf32>
    %get3A_944 = arith.constant 0 : index
    %get3A_945 = arith.constant 0 : index
    %get3A_946 = vector.load %arg11[%get3A_944, %get3A_945] : memref<1x1xf32, #tpu.memory_space<vmem>>, vector<1x1xf32>
    %get3A_947 = vector.extract %get3A_946[0, 0] : f32 from vector<1x1xf32>
    %add3A_948 = vector.broadcast %get3A_947 : f32 to vector<512x1xf32>
    %add3A_949 = arith.addf %slice3A_943, %add3A_948 : vector<512x1xf32>
    %max3A_950 = arith.constant 0.000000e+00 : f32
    %max3A_951 = vector.broadcast %max3A_950 : f32 to vector<512x1xf32>
    %max3A_952 = arith.maximumf %add3A_949, %max3A_951 : vector<512x1xf32>
    %reshape3A_953 = vector.shape_cast %max3A_952 : vector<512x1xf32> to vector<1x512xf32>
    %swap3A_954 = arith.constant 5 : index
    %swap3A_955 = arith.constant 0 : index
    %swap3A_956 = arith.constant 0 : index
    %swap3A_957 = vector.load %arg12[%swap3A_954, %swap3A_955, %swap3A_956] : memref<16x1x512xf32, #tpu.memory_space<vmem>>, vector<1x1x512xf32>
    %swap3A_958 = vector.shape_cast %swap3A_957 : vector<1x1x512xf32> to vector<1x512xf32>
    %swap3A_959 = vector.shape_cast %reshape3A_953 : vector<1x512xf32> to vector<1x1x512xf32>
    tpu.vector_store %arg12[%swap3A_954, %swap3A_955, %swap3A_956], %swap3A_959 {strides = array<i32>} : memref<16x1x512xf32, #tpu.memory_space<vmem>>, vector<1x1x512xf32>,
    %get3A_960 = arith.constant 6 : index
    %get3A_961 = arith.constant 0 : index
    %get3A_962 = arith.constant 0 : index
    %get3A_963 = vector.load %arg1[%get3A_960, %get3A_961, %get3A_962] : memref<16x512x256xf32, #tpu.memory_space<vmem>>, vector<1x512x256xf32>
    %get3A_964 = vector.shape_cast %get3A_963 : vector<1x512x256xf32> to vector<512x256xf32>
    %convert_element_type3A_965 = arith.truncf %get3A_964 : vector<512x256xf32> to vector<512x256xbf16>
    %get3A_966 = arith.constant 0 : index
    %get3A_967 = arith.constant 0 : index
    %get3A_968 = arith.constant 0 : index
    %get3A_969 = vector.load %arg2[%get3A_966, %get3A_967, %get3A_968] : memref<3x256x256xbf16, #tpu.memory_space<vmem>>, vector<3x256x256xbf16>
    %get3A_970 = arith.constant 0 : index
    %get3A_971 = arith.constant 0 : index
    %get3A_972 = vector.load %arg3[%get3A_970, %get3A_971] : memref<1x256xf32, #tpu.memory_space<vmem>>, vector<1x256xf32>
    %broadcast_in_dim3A_973 = arith.constant 0.000000e+00 : bf16
    %broadcast_in_dim3A_974 = vector.broadcast %broadcast_in_dim3A_973 : bf16 to vector<1x256xbf16>
    %slice3A_975 = vector.extract_strided_slice %convert_element_type3A_965 {offsets = [0, 0], sizes = [511, 256], strides = [1, 1]} : vector<512x256xbf16> to vector<511x256xbf16>
    %concatenate3A_976 = tpu.concatenate %broadcast_in_dim3A_974, %slice3A_975 in 0 : vector<1x256xbf16>, vector<511x256xbf16> -> vector<512x256xbf16>
    %slice3A_977 = vector.extract_strided_slice %convert_element_type3A_965 {offsets = [1, 0], sizes = [511, 256], strides = [1, 1]} : vector<512x256xbf16> to vector<511x256xbf16>
    %concatenate3A_978 = tpu.concatenate %slice3A_977, %broadcast_in_dim3A_974 in 0 : vector<511x256xbf16>, vector<1x256xbf16> -> vector<512x256xbf16>
    %slice3A_979 = vector.extract_strided_slice %get3A_969 {offsets = [0, 0, 0], sizes = [1, 256, 256], strides = [1, 1, 1]} : vector<3x256x256xbf16> to vector<1x256x256xbf16>
    %squeeze3A_980 = vector.shape_cast %slice3A_979 : vector<1x256x256xbf16> to vector<256x256xbf16>
    %dot_general3A_981 = arith.constant dense<0.000000e+00> : vector<512x256xf32>
    %dot_general3A_982 = tpu.matmul %concatenate3A_976, %squeeze3A_980, %dot_general3A_981 {dimension_numbers = #tpu.dot_dimension_numbers<[1], [0], [0], [1], [0, 0, 1, 1], [], []>, transpose_lhs_hint = false} : vector<512x256xbf16>, vector<256x256xbf16>, vector<512x256xf32> -> vector<512x256xf32>
    %slice3A_983 = vector.extract_strided_slice %get3A_969 {offsets = [1, 0, 0], sizes = [1, 256, 256], strides = [1, 1, 1]} : vector<3x256x256xbf16> to vector<1x256x256xbf16>
    %squeeze3A_984 = vector.shape_cast %slice3A_983 : vector<1x256x256xbf16> to vector<256x256xbf16>
    %dot_general3A_985 = arith.constant dense<0.000000e+00> : vector<512x256xf32>
    %dot_general3A_986 = tpu.matmul %convert_element_type3A_965, %squeeze3A_984, %dot_general3A_985 {dimension_numbers = #tpu.dot_dimension_numbers<[1], [0], [0], [1], [0, 0, 1, 1], [], []>, transpose_lhs_hint = false} : vector<512x256xbf16>, vector<256x256xbf16>, vector<512x256xf32> -> vector<512x256xf32>
    %add3A_987 = arith.addf %dot_general3A_982, %dot_general3A_986 : vector<512x256xf32>
    %slice3A_988 = vector.extract_strided_slice %get3A_969 {offsets = [2, 0, 0], sizes = [1, 256, 256], strides = [1, 1, 1]} : vector<3x256x256xbf16> to vector<1x256x256xbf16>
    %squeeze3A_989 = vector.shape_cast %slice3A_988 : vector<1x256x256xbf16> to vector<256x256xbf16>
    %dot_general3A_990 = arith.constant dense<0.000000e+00> : vector<512x256xf32>
    %dot_general3A_991 = tpu.matmul %concatenate3A_978, %squeeze3A_989, %dot_general3A_990 {dimension_numbers = #tpu.dot_dimension_numbers<[1], [0], [0], [1], [0, 0, 1, 1], [], []>, transpose_lhs_hint = false} : vector<512x256xbf16>, vector<256x256xbf16>, vector<512x256xf32> -> vector<512x256xf32>
    %add3A_992 = arith.addf %add3A_987, %dot_general3A_991 : vector<512x256xf32>
    %add3A_993 = vector.broadcast %get3A_972 : vector<1x256xf32> to vector<512x256xf32>
    %add3A_994 = arith.addf %add3A_992, %add3A_993 : vector<512x256xf32>
    %get3A_995 = arith.constant 0 : index
    %get3A_996 = arith.constant 0 : index
    %get3A_997 = vector.load %arg4[%get3A_995, %get3A_996] : memref<1x256xf32, #tpu.memory_space<vmem>>, vector<1x256xf32>
    %get3A_998 = arith.constant 0 : index
    %get3A_999 = arith.constant 0 : index
    %get3A_1000 = vector.load %arg5[%get3A_998, %get3A_999] : memref<1x256xf32, #tpu.memory_space<vmem>>, vector<1x256xf32>
    %convert_element_type3A_1001 = arith.truncf %add3A_994 : vector<512x256xf32> to vector<512x256xbf16>
    %dot_general3A_1002 = arith.constant dense<0.000000e+00> : vector<512x128xf32>
    %dot_general3A_1003 = tpu.matmul %convert_element_type3A_1001, %broadcast_in_dim3A_0, %dot_general3A_1002 {dimension_numbers = #tpu.dot_dimension_numbers<[1], [0], [0], [1], [0, 0, 1, 1], [], []>, transpose_lhs_hint = false} : vector<512x256xbf16>, vector<256x128xbf16>, vector<512x128xf32> -> vector<512x128xf32>
    %slice3A_1004 = vector.extract_strided_slice %dot_general3A_1003 {offsets = [0, 0], sizes = [512, 1], strides = [1, 1]} : vector<512x128xf32> to vector<512x1xf32>
    %mul3A_1005 = arith.mulf %convert_element_type3A_1001, %convert_element_type3A_1001 : vector<512x256xbf16>
    %dot_general3A_1006 = arith.constant dense<0.000000e+00> : vector<512x128xf32>
    %dot_general3A_1007 = tpu.matmul %mul3A_1005, %broadcast_in_dim3A_0, %dot_general3A_1006 {dimension_numbers = #tpu.dot_dimension_numbers<[1], [0], [0], [1], [0, 0, 1, 1], [], []>, transpose_lhs_hint = false} : vector<512x256xbf16>, vector<256x128xbf16>, vector<512x128xf32> -> vector<512x128xf32>
    %slice3A_1008 = vector.extract_strided_slice %dot_general3A_1007 {offsets = [0, 0], sizes = [512, 1], strides = [1, 1]} : vector<512x128xf32> to vector<512x1xf32>
    %mul3A_1009 = arith.constant 3.906250e-03 : f32
    %mul3A_1010 = vector.broadcast %mul3A_1009 : f32 to vector<512x1xf32>
    %mul3A_1011 = arith.mulf %slice3A_1004, %mul3A_1010 : vector<512x1xf32>
    %mul3A_1012 = arith.constant 3.906250e-03 : f32
    %mul3A_1013 = vector.broadcast %mul3A_1012 : f32 to vector<512x1xf32>
    %mul3A_1014 = arith.mulf %slice3A_1008, %mul3A_1013 : vector<512x1xf32>
    %mul3A_1015 = arith.mulf %mul3A_1011, %mul3A_1011 : vector<512x1xf32>
    %sub3A_1016 = arith.subf %mul3A_1014, %mul3A_1015 : vector<512x1xf32>
    %sub3A_1017 = vector.broadcast %mul3A_1011 : vector<512x1xf32> to vector<512x256xf32>
    %sub3A_1018 = arith.subf %add3A_994, %sub3A_1017 : vector<512x256xf32>
    %add3A_1019 = arith.constant 9.99999974E-6 : f32
    %add3A_1020 = vector.broadcast %add3A_1019 : f32 to vector<512x1xf32>
    %add3A_1021 = arith.addf %sub3A_1016, %add3A_1020 : vector<512x1xf32>
    %rsqrt3A_1022 = math.rsqrt %add3A_1021 : vector<512x1xf32>
    %mul3A_1023 = vector.broadcast %rsqrt3A_1022 : vector<512x1xf32> to vector<512x256xf32>
    %mul3A_1024 = arith.mulf %sub3A_1018, %mul3A_1023 : vector<512x256xf32>
    %mul3A_1025 = vector.broadcast %get3A_997 : vector<1x256xf32> to vector<512x256xf32>
    %mul3A_1026 = arith.mulf %mul3A_1024, %mul3A_1025 : vector<512x256xf32>
    %add3A_1027 = vector.broadcast %get3A_1000 : vector<1x256xf32> to vector<512x256xf32>
    %add3A_1028 = arith.addf %mul3A_1026, %add3A_1027 : vector<512x256xf32>
    %max3A_1029 = arith.constant 0.000000e+00 : f32
    %max3A_1030 = vector.broadcast %max3A_1029 : f32 to vector<512x256xf32>
    %max3A_1031 = arith.maximumf %add3A_1028, %max3A_1030 : vector<512x256xf32>
    %convert_element_type3A_1032 = arith.truncf %max3A_1031 : vector<512x256xf32> to vector<512x256xbf16>
    %get3A_1033 = arith.constant 0 : index
    %get3A_1034 = arith.constant 0 : index
    %get3A_1035 = arith.constant 0 : index
    %get3A_1036 = vector.load %arg6[%get3A_1033, %get3A_1034, %get3A_1035] : memref<3x256x256xbf16, #tpu.memory_space<vmem>>, vector<3x256x256xbf16>
    %get3A_1037 = arith.constant 0 : index
    %get3A_1038 = arith.constant 0 : index
    %get3A_1039 = vector.load %arg7[%get3A_1037, %get3A_1038] : memref<1x256xf32, #tpu.memory_space<vmem>>, vector<1x256xf32>
    %broadcast_in_dim3A_1040 = arith.constant 0.000000e+00 : bf16
    %broadcast_in_dim3A_1041 = vector.broadcast %broadcast_in_dim3A_1040 : bf16 to vector<1x256xbf16>
    %slice3A_1042 = vector.extract_strided_slice %convert_element_type3A_1032 {offsets = [0, 0], sizes = [511, 256], strides = [1, 1]} : vector<512x256xbf16> to vector<511x256xbf16>
    %concatenate3A_1043 = tpu.concatenate %broadcast_in_dim3A_1041, %slice3A_1042 in 0 : vector<1x256xbf16>, vector<511x256xbf16> -> vector<512x256xbf16>
    %slice3A_1044 = vector.extract_strided_slice %convert_element_type3A_1032 {offsets = [1, 0], sizes = [511, 256], strides = [1, 1]} : vector<512x256xbf16> to vector<511x256xbf16>
    %concatenate3A_1045 = tpu.concatenate %slice3A_1044, %broadcast_in_dim3A_1041 in 0 : vector<511x256xbf16>, vector<1x256xbf16> -> vector<512x256xbf16>
    %slice3A_1046 = vector.extract_strided_slice %get3A_1036 {offsets = [0, 0, 0], sizes = [1, 256, 256], strides = [1, 1, 1]} : vector<3x256x256xbf16> to vector<1x256x256xbf16>
    %squeeze3A_1047 = vector.shape_cast %slice3A_1046 : vector<1x256x256xbf16> to vector<256x256xbf16>
    %dot_general3A_1048 = arith.constant dense<0.000000e+00> : vector<512x256xf32>
    %dot_general3A_1049 = tpu.matmul %concatenate3A_1043, %squeeze3A_1047, %dot_general3A_1048 {dimension_numbers = #tpu.dot_dimension_numbers<[1], [0], [0], [1], [0, 0, 1, 1], [], []>, transpose_lhs_hint = false} : vector<512x256xbf16>, vector<256x256xbf16>, vector<512x256xf32> -> vector<512x256xf32>
    %slice3A_1050 = vector.extract_strided_slice %get3A_1036 {offsets = [1, 0, 0], sizes = [1, 256, 256], strides = [1, 1, 1]} : vector<3x256x256xbf16> to vector<1x256x256xbf16>
    %squeeze3A_1051 = vector.shape_cast %slice3A_1050 : vector<1x256x256xbf16> to vector<256x256xbf16>
    %dot_general3A_1052 = arith.constant dense<0.000000e+00> : vector<512x256xf32>
    %dot_general3A_1053 = tpu.matmul %convert_element_type3A_1032, %squeeze3A_1051, %dot_general3A_1052 {dimension_numbers = #tpu.dot_dimension_numbers<[1], [0], [0], [1], [0, 0, 1, 1], [], []>, transpose_lhs_hint = false} : vector<512x256xbf16>, vector<256x256xbf16>, vector<512x256xf32> -> vector<512x256xf32>
    %add3A_1054 = arith.addf %dot_general3A_1049, %dot_general3A_1053 : vector<512x256xf32>
    %slice3A_1055 = vector.extract_strided_slice %get3A_1036 {offsets = [2, 0, 0], sizes = [1, 256, 256], strides = [1, 1, 1]} : vector<3x256x256xbf16> to vector<1x256x256xbf16>
    %squeeze3A_1056 = vector.shape_cast %slice3A_1055 : vector<1x256x256xbf16> to vector<256x256xbf16>
    %dot_general3A_1057 = arith.constant dense<0.000000e+00> : vector<512x256xf32>
    %dot_general3A_1058 = tpu.matmul %concatenate3A_1045, %squeeze3A_1056, %dot_general3A_1057 {dimension_numbers = #tpu.dot_dimension_numbers<[1], [0], [0], [1], [0, 0, 1, 1], [], []>, transpose_lhs_hint = false} : vector<512x256xbf16>, vector<256x256xbf16>, vector<512x256xf32> -> vector<512x256xf32>
    %add3A_1059 = arith.addf %add3A_1054, %dot_general3A_1058 : vector<512x256xf32>
    %add3A_1060 = vector.broadcast %get3A_1039 : vector<1x256xf32> to vector<512x256xf32>
    %add3A_1061 = arith.addf %add3A_1059, %add3A_1060 : vector<512x256xf32>
    %get3A_1062 = arith.constant 0 : index
    %get3A_1063 = arith.constant 0 : index
    %get3A_1064 = vector.load %arg8[%get3A_1062, %get3A_1063] : memref<1x256xf32, #tpu.memory_space<vmem>>, vector<1x256xf32>
    %get3A_1065 = arith.constant 0 : index
    %get3A_1066 = arith.constant 0 : index
    %get3A_1067 = vector.load %arg9[%get3A_1065, %get3A_1066] : memref<1x256xf32, #tpu.memory_space<vmem>>, vector<1x256xf32>
    %convert_element_type3A_1068 = arith.truncf %add3A_1061 : vector<512x256xf32> to vector<512x256xbf16>
    %dot_general3A_1069 = arith.constant dense<0.000000e+00> : vector<512x128xf32>
    %dot_general3A_1070 = tpu.matmul %convert_element_type3A_1068, %broadcast_in_dim3A_0, %dot_general3A_1069 {dimension_numbers = #tpu.dot_dimension_numbers<[1], [0], [0], [1], [0, 0, 1, 1], [], []>, transpose_lhs_hint = false} : vector<512x256xbf16>, vector<256x128xbf16>, vector<512x128xf32> -> vector<512x128xf32>
    %slice3A_1071 = vector.extract_strided_slice %dot_general3A_1070 {offsets = [0, 0], sizes = [512, 1], strides = [1, 1]} : vector<512x128xf32> to vector<512x1xf32>
    %mul3A_1072 = arith.mulf %convert_element_type3A_1068, %convert_element_type3A_1068 : vector<512x256xbf16>
    %dot_general3A_1073 = arith.constant dense<0.000000e+00> : vector<512x128xf32>
    %dot_general3A_1074 = tpu.matmul %mul3A_1072, %broadcast_in_dim3A_0, %dot_general3A_1073 {dimension_numbers = #tpu.dot_dimension_numbers<[1], [0], [0], [1], [0, 0, 1, 1], [], []>, transpose_lhs_hint = false} : vector<512x256xbf16>, vector<256x128xbf16>, vector<512x128xf32> -> vector<512x128xf32>
    %slice3A_1075 = vector.extract_strided_slice %dot_general3A_1074 {offsets = [0, 0], sizes = [512, 1], strides = [1, 1]} : vector<512x128xf32> to vector<512x1xf32>
    %mul3A_1076 = arith.constant 3.906250e-03 : f32
    %mul3A_1077 = vector.broadcast %mul3A_1076 : f32 to vector<512x1xf32>
    %mul3A_1078 = arith.mulf %slice3A_1071, %mul3A_1077 : vector<512x1xf32>
    %mul3A_1079 = arith.constant 3.906250e-03 : f32
    %mul3A_1080 = vector.broadcast %mul3A_1079 : f32 to vector<512x1xf32>
    %mul3A_1081 = arith.mulf %slice3A_1075, %mul3A_1080 : vector<512x1xf32>
    %mul3A_1082 = arith.mulf %mul3A_1078, %mul3A_1078 : vector<512x1xf32>
    %sub3A_1083 = arith.subf %mul3A_1081, %mul3A_1082 : vector<512x1xf32>
    %sub3A_1084 = vector.broadcast %mul3A_1078 : vector<512x1xf32> to vector<512x256xf32>
    %sub3A_1085 = arith.subf %add3A_1061, %sub3A_1084 : vector<512x256xf32>
    %add3A_1086 = arith.constant 9.99999974E-6 : f32
    %add3A_1087 = vector.broadcast %add3A_1086 : f32 to vector<512x1xf32>
    %add3A_1088 = arith.addf %sub3A_1083, %add3A_1087 : vector<512x1xf32>
    %rsqrt3A_1089 = math.rsqrt %add3A_1088 : vector<512x1xf32>
    %mul3A_1090 = vector.broadcast %rsqrt3A_1089 : vector<512x1xf32> to vector<512x256xf32>
    %mul3A_1091 = arith.mulf %sub3A_1085, %mul3A_1090 : vector<512x256xf32>
    %mul3A_1092 = vector.broadcast %get3A_1064 : vector<1x256xf32> to vector<512x256xf32>
    %mul3A_1093 = arith.mulf %mul3A_1091, %mul3A_1092 : vector<512x256xf32>
    %add3A_1094 = vector.broadcast %get3A_1067 : vector<1x256xf32> to vector<512x256xf32>
    %add3A_1095 = arith.addf %mul3A_1093, %add3A_1094 : vector<512x256xf32>
    %max3A_1096 = arith.constant 0.000000e+00 : f32
    %max3A_1097 = vector.broadcast %max3A_1096 : f32 to vector<512x256xf32>
    %max3A_1098 = arith.maximumf %add3A_1095, %max3A_1097 : vector<512x256xf32>
    %convert_element_type3A_1099 = arith.truncf %max3A_1098 : vector<512x256xf32> to vector<512x256xbf16>
    %get3A_1100 = arith.constant 0 : index
    %get3A_1101 = arith.constant 0 : index
    %get3A_1102 = vector.load %arg10[%get3A_1100, %get3A_1101] : memref<256x128xbf16, #tpu.memory_space<vmem>>, vector<256x128xbf16>
    %dot_general3A_1103 = arith.constant dense<0.000000e+00> : vector<512x128xf32>
    %dot_general3A_1104 = tpu.matmul %convert_element_type3A_1099, %get3A_1102, %dot_general3A_1103 {dimension_numbers = #tpu.dot_dimension_numbers<[1], [0], [0], [1], [0, 0, 1, 1], [], []>, transpose_lhs_hint = false} : vector<512x256xbf16>, vector<256x128xbf16>, vector<512x128xf32> -> vector<512x128xf32>
    %slice3A_1105 = vector.extract_strided_slice %dot_general3A_1104 {offsets = [0, 0], sizes = [512, 1], strides = [1, 1]} : vector<512x128xf32> to vector<512x1xf32>
    %get3A_1106 = arith.constant 0 : index
    %get3A_1107 = arith.constant 0 : index
    %get3A_1108 = vector.load %arg11[%get3A_1106, %get3A_1107] : memref<1x1xf32, #tpu.memory_space<vmem>>, vector<1x1xf32>
    %get3A_1109 = vector.extract %get3A_1108[0, 0] : f32 from vector<1x1xf32>
    %add3A_1110 = vector.broadcast %get3A_1109 : f32 to vector<512x1xf32>
    %add3A_1111 = arith.addf %slice3A_1105, %add3A_1110 : vector<512x1xf32>
    %max3A_1112 = arith.constant 0.000000e+00 : f32
    %max3A_1113 = vector.broadcast %max3A_1112 : f32 to vector<512x1xf32>
    %max3A_1114 = arith.maximumf %add3A_1111, %max3A_1113 : vector<512x1xf32>
    %reshape3A_1115 = vector.shape_cast %max3A_1114 : vector<512x1xf32> to vector<1x512xf32>
    %swap3A_1116 = arith.constant 6 : index
    %swap3A_1117 = arith.constant 0 : index
    %swap3A_1118 = arith.constant 0 : index
    %swap3A_1119 = vector.load %arg12[%swap3A_1116, %swap3A_1117, %swap3A_1118] : memref<16x1x512xf32, #tpu.memory_space<vmem>>, vector<1x1x512xf32>
    %swap3A_1120 = vector.shape_cast %swap3A_1119 : vector<1x1x512xf32> to vector<1x512xf32>
    %swap3A_1121 = vector.shape_cast %reshape3A_1115 : vector<1x512xf32> to vector<1x1x512xf32>
    tpu.vector_store %arg12[%swap3A_1116, %swap3A_1117, %swap3A_1118], %swap3A_1121 {strides = array<i32>} : memref<16x1x512xf32, #tpu.memory_space<vmem>>, vector<1x1x512xf32>,
    %get3A_1122 = arith.constant 7 : index
    %get3A_1123 = arith.constant 0 : index
    %get3A_1124 = arith.constant 0 : index
    %get3A_1125 = vector.load %arg1[%get3A_1122, %get3A_1123, %get3A_1124] : memref<16x512x256xf32, #tpu.memory_space<vmem>>, vector<1x512x256xf32>
    %get3A_1126 = vector.shape_cast %get3A_1125 : vector<1x512x256xf32> to vector<512x256xf32>
    %convert_element_type3A_1127 = arith.truncf %get3A_1126 : vector<512x256xf32> to vector<512x256xbf16>
    %get3A_1128 = arith.constant 0 : index
    %get3A_1129 = arith.constant 0 : index
    %get3A_1130 = arith.constant 0 : index
    %get3A_1131 = vector.load %arg2[%get3A_1128, %get3A_1129, %get3A_1130] : memref<3x256x256xbf16, #tpu.memory_space<vmem>>, vector<3x256x256xbf16>
    %get3A_1132 = arith.constant 0 : index
    %get3A_1133 = arith.constant 0 : index
    %get3A_1134 = vector.load %arg3[%get3A_1132, %get3A_1133] : memref<1x256xf32, #tpu.memory_space<vmem>>, vector<1x256xf32>
    %broadcast_in_dim3A_1135 = arith.constant 0.000000e+00 : bf16
    %broadcast_in_dim3A_1136 = vector.broadcast %broadcast_in_dim3A_1135 : bf16 to vector<1x256xbf16>
    %slice3A_1137 = vector.extract_strided_slice %convert_element_type3A_1127 {offsets = [0, 0], sizes = [511, 256], strides = [1, 1]} : vector<512x256xbf16> to vector<511x256xbf16>
    %concatenate3A_1138 = tpu.concatenate %broadcast_in_dim3A_1136, %slice3A_1137 in 0 : vector<1x256xbf16>, vector<511x256xbf16> -> vector<512x256xbf16>
    %slice3A_1139 = vector.extract_strided_slice %convert_element_type3A_1127 {offsets = [1, 0], sizes = [511, 256], strides = [1, 1]} : vector<512x256xbf16> to vector<511x256xbf16>
    %concatenate3A_1140 = tpu.concatenate %slice3A_1139, %broadcast_in_dim3A_1136 in 0 : vector<511x256xbf16>, vector<1x256xbf16> -> vector<512x256xbf16>
    %slice3A_1141 = vector.extract_strided_slice %get3A_1131 {offsets = [0, 0, 0], sizes = [1, 256, 256], strides = [1, 1, 1]} : vector<3x256x256xbf16> to vector<1x256x256xbf16>
    %squeeze3A_1142 = vector.shape_cast %slice3A_1141 : vector<1x256x256xbf16> to vector<256x256xbf16>
    %dot_general3A_1143 = arith.constant dense<0.000000e+00> : vector<512x256xf32>
    %dot_general3A_1144 = tpu.matmul %concatenate3A_1138, %squeeze3A_1142, %dot_general3A_1143 {dimension_numbers = #tpu.dot_dimension_numbers<[1], [0], [0], [1], [0, 0, 1, 1], [], []>, transpose_lhs_hint = false} : vector<512x256xbf16>, vector<256x256xbf16>, vector<512x256xf32> -> vector<512x256xf32>
    %slice3A_1145 = vector.extract_strided_slice %get3A_1131 {offsets = [1, 0, 0], sizes = [1, 256, 256], strides = [1, 1, 1]} : vector<3x256x256xbf16> to vector<1x256x256xbf16>
    %squeeze3A_1146 = vector.shape_cast %slice3A_1145 : vector<1x256x256xbf16> to vector<256x256xbf16>
    %dot_general3A_1147 = arith.constant dense<0.000000e+00> : vector<512x256xf32>
    %dot_general3A_1148 = tpu.matmul %convert_element_type3A_1127, %squeeze3A_1146, %dot_general3A_1147 {dimension_numbers = #tpu.dot_dimension_numbers<[1], [0], [0], [1], [0, 0, 1, 1], [], []>, transpose_lhs_hint = false} : vector<512x256xbf16>, vector<256x256xbf16>, vector<512x256xf32> -> vector<512x256xf32>
    %add3A_1149 = arith.addf %dot_general3A_1144, %dot_general3A_1148 : vector<512x256xf32>
    %slice3A_1150 = vector.extract_strided_slice %get3A_1131 {offsets = [2, 0, 0], sizes = [1, 256, 256], strides = [1, 1, 1]} : vector<3x256x256xbf16> to vector<1x256x256xbf16>
    %squeeze3A_1151 = vector.shape_cast %slice3A_1150 : vector<1x256x256xbf16> to vector<256x256xbf16>
    %dot_general3A_1152 = arith.constant dense<0.000000e+00> : vector<512x256xf32>
    %dot_general3A_1153 = tpu.matmul %concatenate3A_1140, %squeeze3A_1151, %dot_general3A_1152 {dimension_numbers = #tpu.dot_dimension_numbers<[1], [0], [0], [1], [0, 0, 1, 1], [], []>, transpose_lhs_hint = false} : vector<512x256xbf16>, vector<256x256xbf16>, vector<512x256xf32> -> vector<512x256xf32>
    %add3A_1154 = arith.addf %add3A_1149, %dot_general3A_1153 : vector<512x256xf32>
    %add3A_1155 = vector.broadcast %get3A_1134 : vector<1x256xf32> to vector<512x256xf32>
    %add3A_1156 = arith.addf %add3A_1154, %add3A_1155 : vector<512x256xf32>
    %get3A_1157 = arith.constant 0 : index
    %get3A_1158 = arith.constant 0 : index
    %get3A_1159 = vector.load %arg4[%get3A_1157, %get3A_1158] : memref<1x256xf32, #tpu.memory_space<vmem>>, vector<1x256xf32>
    %get3A_1160 = arith.constant 0 : index
    %get3A_1161 = arith.constant 0 : index
    %get3A_1162 = vector.load %arg5[%get3A_1160, %get3A_1161] : memref<1x256xf32, #tpu.memory_space<vmem>>, vector<1x256xf32>
    %convert_element_type3A_1163 = arith.truncf %add3A_1156 : vector<512x256xf32> to vector<512x256xbf16>
    %dot_general3A_1164 = arith.constant dense<0.000000e+00> : vector<512x128xf32>
    %dot_general3A_1165 = tpu.matmul %convert_element_type3A_1163, %broadcast_in_dim3A_0, %dot_general3A_1164 {dimension_numbers = #tpu.dot_dimension_numbers<[1], [0], [0], [1], [0, 0, 1, 1], [], []>, transpose_lhs_hint = false} : vector<512x256xbf16>, vector<256x128xbf16>, vector<512x128xf32> -> vector<512x128xf32>
    %slice3A_1166 = vector.extract_strided_slice %dot_general3A_1165 {offsets = [0, 0], sizes = [512, 1], strides = [1, 1]} : vector<512x128xf32> to vector<512x1xf32>
    %mul3A_1167 = arith.mulf %convert_element_type3A_1163, %convert_element_type3A_1163 : vector<512x256xbf16>
    %dot_general3A_1168 = arith.constant dense<0.000000e+00> : vector<512x128xf32>
    %dot_general3A_1169 = tpu.matmul %mul3A_1167, %broadcast_in_dim3A_0, %dot_general3A_1168 {dimension_numbers = #tpu.dot_dimension_numbers<[1], [0], [0], [1], [0, 0, 1, 1], [], []>, transpose_lhs_hint = false} : vector<512x256xbf16>, vector<256x128xbf16>, vector<512x128xf32> -> vector<512x128xf32>
    %slice3A_1170 = vector.extract_strided_slice %dot_general3A_1169 {offsets = [0, 0], sizes = [512, 1], strides = [1, 1]} : vector<512x128xf32> to vector<512x1xf32>
    %mul3A_1171 = arith.constant 3.906250e-03 : f32
    %mul3A_1172 = vector.broadcast %mul3A_1171 : f32 to vector<512x1xf32>
    %mul3A_1173 = arith.mulf %slice3A_1166, %mul3A_1172 : vector<512x1xf32>
    %mul3A_1174 = arith.constant 3.906250e-03 : f32
    %mul3A_1175 = vector.broadcast %mul3A_1174 : f32 to vector<512x1xf32>
    %mul3A_1176 = arith.mulf %slice3A_1170, %mul3A_1175 : vector<512x1xf32>
    %mul3A_1177 = arith.mulf %mul3A_1173, %mul3A_1173 : vector<512x1xf32>
    %sub3A_1178 = arith.subf %mul3A_1176, %mul3A_1177 : vector<512x1xf32>
    %sub3A_1179 = vector.broadcast %mul3A_1173 : vector<512x1xf32> to vector<512x256xf32>
    %sub3A_1180 = arith.subf %add3A_1156, %sub3A_1179 : vector<512x256xf32>
    %add3A_1181 = arith.constant 9.99999974E-6 : f32
    %add3A_1182 = vector.broadcast %add3A_1181 : f32 to vector<512x1xf32>
    %add3A_1183 = arith.addf %sub3A_1178, %add3A_1182 : vector<512x1xf32>
    %rsqrt3A_1184 = math.rsqrt %add3A_1183 : vector<512x1xf32>
    %mul3A_1185 = vector.broadcast %rsqrt3A_1184 : vector<512x1xf32> to vector<512x256xf32>
    %mul3A_1186 = arith.mulf %sub3A_1180, %mul3A_1185 : vector<512x256xf32>
    %mul3A_1187 = vector.broadcast %get3A_1159 : vector<1x256xf32> to vector<512x256xf32>
    %mul3A_1188 = arith.mulf %mul3A_1186, %mul3A_1187 : vector<512x256xf32>
    %add3A_1189 = vector.broadcast %get3A_1162 : vector<1x256xf32> to vector<512x256xf32>
    %add3A_1190 = arith.addf %mul3A_1188, %add3A_1189 : vector<512x256xf32>
    %max3A_1191 = arith.constant 0.000000e+00 : f32
    %max3A_1192 = vector.broadcast %max3A_1191 : f32 to vector<512x256xf32>
    %max3A_1193 = arith.maximumf %add3A_1190, %max3A_1192 : vector<512x256xf32>
    %convert_element_type3A_1194 = arith.truncf %max3A_1193 : vector<512x256xf32> to vector<512x256xbf16>
    %get3A_1195 = arith.constant 0 : index
    %get3A_1196 = arith.constant 0 : index
    %get3A_1197 = arith.constant 0 : index
    %get3A_1198 = vector.load %arg6[%get3A_1195, %get3A_1196, %get3A_1197] : memref<3x256x256xbf16, #tpu.memory_space<vmem>>, vector<3x256x256xbf16>
    %get3A_1199 = arith.constant 0 : index
    %get3A_1200 = arith.constant 0 : index
    %get3A_1201 = vector.load %arg7[%get3A_1199, %get3A_1200] : memref<1x256xf32, #tpu.memory_space<vmem>>, vector<1x256xf32>
    %broadcast_in_dim3A_1202 = arith.constant 0.000000e+00 : bf16
    %broadcast_in_dim3A_1203 = vector.broadcast %broadcast_in_dim3A_1202 : bf16 to vector<1x256xbf16>
    %slice3A_1204 = vector.extract_strided_slice %convert_element_type3A_1194 {offsets = [0, 0], sizes = [511, 256], strides = [1, 1]} : vector<512x256xbf16> to vector<511x256xbf16>
    %concatenate3A_1205 = tpu.concatenate %broadcast_in_dim3A_1203, %slice3A_1204 in 0 : vector<1x256xbf16>, vector<511x256xbf16> -> vector<512x256xbf16>
    %slice3A_1206 = vector.extract_strided_slice %convert_element_type3A_1194 {offsets = [1, 0], sizes = [511, 256], strides = [1, 1]} : vector<512x256xbf16> to vector<511x256xbf16>
    %concatenate3A_1207 = tpu.concatenate %slice3A_1206, %broadcast_in_dim3A_1203 in 0 : vector<511x256xbf16>, vector<1x256xbf16> -> vector<512x256xbf16>
    %slice3A_1208 = vector.extract_strided_slice %get3A_1198 {offsets = [0, 0, 0], sizes = [1, 256, 256], strides = [1, 1, 1]} : vector<3x256x256xbf16> to vector<1x256x256xbf16>
    %squeeze3A_1209 = vector.shape_cast %slice3A_1208 : vector<1x256x256xbf16> to vector<256x256xbf16>
    %dot_general3A_1210 = arith.constant dense<0.000000e+00> : vector<512x256xf32>
    %dot_general3A_1211 = tpu.matmul %concatenate3A_1205, %squeeze3A_1209, %dot_general3A_1210 {dimension_numbers = #tpu.dot_dimension_numbers<[1], [0], [0], [1], [0, 0, 1, 1], [], []>, transpose_lhs_hint = false} : vector<512x256xbf16>, vector<256x256xbf16>, vector<512x256xf32> -> vector<512x256xf32>
    %slice3A_1212 = vector.extract_strided_slice %get3A_1198 {offsets = [1, 0, 0], sizes = [1, 256, 256], strides = [1, 1, 1]} : vector<3x256x256xbf16> to vector<1x256x256xbf16>
    %squeeze3A_1213 = vector.shape_cast %slice3A_1212 : vector<1x256x256xbf16> to vector<256x256xbf16>
    %dot_general3A_1214 = arith.constant dense<0.000000e+00> : vector<512x256xf32>
    %dot_general3A_1215 = tpu.matmul %convert_element_type3A_1194, %squeeze3A_1213, %dot_general3A_1214 {dimension_numbers = #tpu.dot_dimension_numbers<[1], [0], [0], [1], [0, 0, 1, 1], [], []>, transpose_lhs_hint = false} : vector<512x256xbf16>, vector<256x256xbf16>, vector<512x256xf32> -> vector<512x256xf32>
    %add3A_1216 = arith.addf %dot_general3A_1211, %dot_general3A_1215 : vector<512x256xf32>
    %slice3A_1217 = vector.extract_strided_slice %get3A_1198 {offsets = [2, 0, 0], sizes = [1, 256, 256], strides = [1, 1, 1]} : vector<3x256x256xbf16> to vector<1x256x256xbf16>
    %squeeze3A_1218 = vector.shape_cast %slice3A_1217 : vector<1x256x256xbf16> to vector<256x256xbf16>
    %dot_general3A_1219 = arith.constant dense<0.000000e+00> : vector<512x256xf32>
    %dot_general3A_1220 = tpu.matmul %concatenate3A_1207, %squeeze3A_1218, %dot_general3A_1219 {dimension_numbers = #tpu.dot_dimension_numbers<[1], [0], [0], [1], [0, 0, 1, 1], [], []>, transpose_lhs_hint = false} : vector<512x256xbf16>, vector<256x256xbf16>, vector<512x256xf32> -> vector<512x256xf32>
    %add3A_1221 = arith.addf %add3A_1216, %dot_general3A_1220 : vector<512x256xf32>
    %add3A_1222 = vector.broadcast %get3A_1201 : vector<1x256xf32> to vector<512x256xf32>
    %add3A_1223 = arith.addf %add3A_1221, %add3A_1222 : vector<512x256xf32>
    %get3A_1224 = arith.constant 0 : index
    %get3A_1225 = arith.constant 0 : index
    %get3A_1226 = vector.load %arg8[%get3A_1224, %get3A_1225] : memref<1x256xf32, #tpu.memory_space<vmem>>, vector<1x256xf32>
    %get3A_1227 = arith.constant 0 : index
    %get3A_1228 = arith.constant 0 : index
    %get3A_1229 = vector.load %arg9[%get3A_1227, %get3A_1228] : memref<1x256xf32, #tpu.memory_space<vmem>>, vector<1x256xf32>
    %convert_element_type3A_1230 = arith.truncf %add3A_1223 : vector<512x256xf32> to vector<512x256xbf16>
    %dot_general3A_1231 = arith.constant dense<0.000000e+00> : vector<512x128xf32>
    %dot_general3A_1232 = tpu.matmul %convert_element_type3A_1230, %broadcast_in_dim3A_0, %dot_general3A_1231 {dimension_numbers = #tpu.dot_dimension_numbers<[1], [0], [0], [1], [0, 0, 1, 1], [], []>, transpose_lhs_hint = false} : vector<512x256xbf16>, vector<256x128xbf16>, vector<512x128xf32> -> vector<512x128xf32>
    %slice3A_1233 = vector.extract_strided_slice %dot_general3A_1232 {offsets = [0, 0], sizes = [512, 1], strides = [1, 1]} : vector<512x128xf32> to vector<512x1xf32>
    %mul3A_1234 = arith.mulf %convert_element_type3A_1230, %convert_element_type3A_1230 : vector<512x256xbf16>
    %dot_general3A_1235 = arith.constant dense<0.000000e+00> : vector<512x128xf32>
    %dot_general3A_1236 = tpu.matmul %mul3A_1234, %broadcast_in_dim3A_0, %dot_general3A_1235 {dimension_numbers = #tpu.dot_dimension_numbers<[1], [0], [0], [1], [0, 0, 1, 1], [], []>, transpose_lhs_hint = false} : vector<512x256xbf16>, vector<256x128xbf16>, vector<512x128xf32> -> vector<512x128xf32>
    %slice3A_1237 = vector.extract_strided_slice %dot_general3A_1236 {offsets = [0, 0], sizes = [512, 1], strides = [1, 1]} : vector<512x128xf32> to vector<512x1xf32>
    %mul3A_1238 = arith.constant 3.906250e-03 : f32
    %mul3A_1239 = vector.broadcast %mul3A_1238 : f32 to vector<512x1xf32>
    %mul3A_1240 = arith.mulf %slice3A_1233, %mul3A_1239 : vector<512x1xf32>
    %mul3A_1241 = arith.constant 3.906250e-03 : f32
    %mul3A_1242 = vector.broadcast %mul3A_1241 : f32 to vector<512x1xf32>
    %mul3A_1243 = arith.mulf %slice3A_1237, %mul3A_1242 : vector<512x1xf32>
    %mul3A_1244 = arith.mulf %mul3A_1240, %mul3A_1240 : vector<512x1xf32>
    %sub3A_1245 = arith.subf %mul3A_1243, %mul3A_1244 : vector<512x1xf32>
    %sub3A_1246 = vector.broadcast %mul3A_1240 : vector<512x1xf32> to vector<512x256xf32>
    %sub3A_1247 = arith.subf %add3A_1223, %sub3A_1246 : vector<512x256xf32>
    %add3A_1248 = arith.constant 9.99999974E-6 : f32
    %add3A_1249 = vector.broadcast %add3A_1248 : f32 to vector<512x1xf32>
    %add3A_1250 = arith.addf %sub3A_1245, %add3A_1249 : vector<512x1xf32>
    %rsqrt3A_1251 = math.rsqrt %add3A_1250 : vector<512x1xf32>
    %mul3A_1252 = vector.broadcast %rsqrt3A_1251 : vector<512x1xf32> to vector<512x256xf32>
    %mul3A_1253 = arith.mulf %sub3A_1247, %mul3A_1252 : vector<512x256xf32>
    %mul3A_1254 = vector.broadcast %get3A_1226 : vector<1x256xf32> to vector<512x256xf32>
    %mul3A_1255 = arith.mulf %mul3A_1253, %mul3A_1254 : vector<512x256xf32>
    %add3A_1256 = vector.broadcast %get3A_1229 : vector<1x256xf32> to vector<512x256xf32>
    %add3A_1257 = arith.addf %mul3A_1255, %add3A_1256 : vector<512x256xf32>
    %max3A_1258 = arith.constant 0.000000e+00 : f32
    %max3A_1259 = vector.broadcast %max3A_1258 : f32 to vector<512x256xf32>
    %max3A_1260 = arith.maximumf %add3A_1257, %max3A_1259 : vector<512x256xf32>
    %convert_element_type3A_1261 = arith.truncf %max3A_1260 : vector<512x256xf32> to vector<512x256xbf16>
    %get3A_1262 = arith.constant 0 : index
    %get3A_1263 = arith.constant 0 : index
    %get3A_1264 = vector.load %arg10[%get3A_1262, %get3A_1263] : memref<256x128xbf16, #tpu.memory_space<vmem>>, vector<256x128xbf16>
    %dot_general3A_1265 = arith.constant dense<0.000000e+00> : vector<512x128xf32>
    %dot_general3A_1266 = tpu.matmul %convert_element_type3A_1261, %get3A_1264, %dot_general3A_1265 {dimension_numbers = #tpu.dot_dimension_numbers<[1], [0], [0], [1], [0, 0, 1, 1], [], []>, transpose_lhs_hint = false} : vector<512x256xbf16>, vector<256x128xbf16>, vector<512x128xf32> -> vector<512x128xf32>
    %slice3A_1267 = vector.extract_strided_slice %dot_general3A_1266 {offsets = [0, 0], sizes = [512, 1], strides = [1, 1]} : vector<512x128xf32> to vector<512x1xf32>
    %get3A_1268 = arith.constant 0 : index
    %get3A_1269 = arith.constant 0 : index
    %get3A_1270 = vector.load %arg11[%get3A_1268, %get3A_1269] : memref<1x1xf32, #tpu.memory_space<vmem>>, vector<1x1xf32>
    %get3A_1271 = vector.extract %get3A_1270[0, 0] : f32 from vector<1x1xf32>
    %add3A_1272 = vector.broadcast %get3A_1271 : f32 to vector<512x1xf32>
    %add3A_1273 = arith.addf %slice3A_1267, %add3A_1272 : vector<512x1xf32>
    %max3A_1274 = arith.constant 0.000000e+00 : f32
    %max3A_1275 = vector.broadcast %max3A_1274 : f32 to vector<512x1xf32>
    %max3A_1276 = arith.maximumf %add3A_1273, %max3A_1275 : vector<512x1xf32>
    %reshape3A_1277 = vector.shape_cast %max3A_1276 : vector<512x1xf32> to vector<1x512xf32>
    %swap3A_1278 = arith.constant 7 : index
    %swap3A_1279 = arith.constant 0 : index
    %swap3A_1280 = arith.constant 0 : index
    %swap3A_1281 = vector.load %arg12[%swap3A_1278, %swap3A_1279, %swap3A_1280] : memref<16x1x512xf32, #tpu.memory_space<vmem>>, vector<1x1x512xf32>
    %swap3A_1282 = vector.shape_cast %swap3A_1281 : vector<1x1x512xf32> to vector<1x512xf32>
    %swap3A_1283 = vector.shape_cast %reshape3A_1277 : vector<1x512xf32> to vector<1x1x512xf32>
    tpu.vector_store %arg12[%swap3A_1278, %swap3A_1279, %swap3A_1280], %swap3A_1283 {strides = array<i32>} : memref<16x1x512xf32, #tpu.memory_space<vmem>>, vector<1x1x512xf32>,
    %get3A_1284 = arith.constant 8 : index
    %get3A_1285 = arith.constant 0 : index
    %get3A_1286 = arith.constant 0 : index
    %get3A_1287 = vector.load %arg1[%get3A_1284, %get3A_1285, %get3A_1286] : memref<16x512x256xf32, #tpu.memory_space<vmem>>, vector<1x512x256xf32>
    %get3A_1288 = vector.shape_cast %get3A_1287 : vector<1x512x256xf32> to vector<512x256xf32>
    %convert_element_type3A_1289 = arith.truncf %get3A_1288 : vector<512x256xf32> to vector<512x256xbf16>
    %get3A_1290 = arith.constant 0 : index
    %get3A_1291 = arith.constant 0 : index
    %get3A_1292 = arith.constant 0 : index
    %get3A_1293 = vector.load %arg2[%get3A_1290, %get3A_1291, %get3A_1292] : memref<3x256x256xbf16, #tpu.memory_space<vmem>>, vector<3x256x256xbf16>
    %get3A_1294 = arith.constant 0 : index
    %get3A_1295 = arith.constant 0 : index
    %get3A_1296 = vector.load %arg3[%get3A_1294, %get3A_1295] : memref<1x256xf32, #tpu.memory_space<vmem>>, vector<1x256xf32>
    %broadcast_in_dim3A_1297 = arith.constant 0.000000e+00 : bf16
    %broadcast_in_dim3A_1298 = vector.broadcast %broadcast_in_dim3A_1297 : bf16 to vector<1x256xbf16>
    %slice3A_1299 = vector.extract_strided_slice %convert_element_type3A_1289 {offsets = [0, 0], sizes = [511, 256], strides = [1, 1]} : vector<512x256xbf16> to vector<511x256xbf16>
    %concatenate3A_1300 = tpu.concatenate %broadcast_in_dim3A_1298, %slice3A_1299 in 0 : vector<1x256xbf16>, vector<511x256xbf16> -> vector<512x256xbf16>
    %slice3A_1301 = vector.extract_strided_slice %convert_element_type3A_1289 {offsets = [1, 0], sizes = [511, 256], strides = [1, 1]} : vector<512x256xbf16> to vector<511x256xbf16>
    %concatenate3A_1302 = tpu.concatenate %slice3A_1301, %broadcast_in_dim3A_1298 in 0 : vector<511x256xbf16>, vector<1x256xbf16> -> vector<512x256xbf16>
    %slice3A_1303 = vector.extract_strided_slice %get3A_1293 {offsets = [0, 0, 0], sizes = [1, 256, 256], strides = [1, 1, 1]} : vector<3x256x256xbf16> to vector<1x256x256xbf16>
    %squeeze3A_1304 = vector.shape_cast %slice3A_1303 : vector<1x256x256xbf16> to vector<256x256xbf16>
    %dot_general3A_1305 = arith.constant dense<0.000000e+00> : vector<512x256xf32>
    %dot_general3A_1306 = tpu.matmul %concatenate3A_1300, %squeeze3A_1304, %dot_general3A_1305 {dimension_numbers = #tpu.dot_dimension_numbers<[1], [0], [0], [1], [0, 0, 1, 1], [], []>, transpose_lhs_hint = false} : vector<512x256xbf16>, vector<256x256xbf16>, vector<512x256xf32> -> vector<512x256xf32>
    %slice3A_1307 = vector.extract_strided_slice %get3A_1293 {offsets = [1, 0, 0], sizes = [1, 256, 256], strides = [1, 1, 1]} : vector<3x256x256xbf16> to vector<1x256x256xbf16>
    %squeeze3A_1308 = vector.shape_cast %slice3A_1307 : vector<1x256x256xbf16> to vector<256x256xbf16>
    %dot_general3A_1309 = arith.constant dense<0.000000e+00> : vector<512x256xf32>
    %dot_general3A_1310 = tpu.matmul %convert_element_type3A_1289, %squeeze3A_1308, %dot_general3A_1309 {dimension_numbers = #tpu.dot_dimension_numbers<[1], [0], [0], [1], [0, 0, 1, 1], [], []>, transpose_lhs_hint = false} : vector<512x256xbf16>, vector<256x256xbf16>, vector<512x256xf32> -> vector<512x256xf32>
    %add3A_1311 = arith.addf %dot_general3A_1306, %dot_general3A_1310 : vector<512x256xf32>
    %slice3A_1312 = vector.extract_strided_slice %get3A_1293 {offsets = [2, 0, 0], sizes = [1, 256, 256], strides = [1, 1, 1]} : vector<3x256x256xbf16> to vector<1x256x256xbf16>
    %squeeze3A_1313 = vector.shape_cast %slice3A_1312 : vector<1x256x256xbf16> to vector<256x256xbf16>
    %dot_general3A_1314 = arith.constant dense<0.000000e+00> : vector<512x256xf32>
    %dot_general3A_1315 = tpu.matmul %concatenate3A_1302, %squeeze3A_1313, %dot_general3A_1314 {dimension_numbers = #tpu.dot_dimension_numbers<[1], [0], [0], [1], [0, 0, 1, 1], [], []>, transpose_lhs_hint = false} : vector<512x256xbf16>, vector<256x256xbf16>, vector<512x256xf32> -> vector<512x256xf32>
    %add3A_1316 = arith.addf %add3A_1311, %dot_general3A_1315 : vector<512x256xf32>
    %add3A_1317 = vector.broadcast %get3A_1296 : vector<1x256xf32> to vector<512x256xf32>
    %add3A_1318 = arith.addf %add3A_1316, %add3A_1317 : vector<512x256xf32>
    %get3A_1319 = arith.constant 0 : index
    %get3A_1320 = arith.constant 0 : index
    %get3A_1321 = vector.load %arg4[%get3A_1319, %get3A_1320] : memref<1x256xf32, #tpu.memory_space<vmem>>, vector<1x256xf32>
    %get3A_1322 = arith.constant 0 : index
    %get3A_1323 = arith.constant 0 : index
    %get3A_1324 = vector.load %arg5[%get3A_1322, %get3A_1323] : memref<1x256xf32, #tpu.memory_space<vmem>>, vector<1x256xf32>
    %convert_element_type3A_1325 = arith.truncf %add3A_1318 : vector<512x256xf32> to vector<512x256xbf16>
    %dot_general3A_1326 = arith.constant dense<0.000000e+00> : vector<512x128xf32>
    %dot_general3A_1327 = tpu.matmul %convert_element_type3A_1325, %broadcast_in_dim3A_0, %dot_general3A_1326 {dimension_numbers = #tpu.dot_dimension_numbers<[1], [0], [0], [1], [0, 0, 1, 1], [], []>, transpose_lhs_hint = false} : vector<512x256xbf16>, vector<256x128xbf16>, vector<512x128xf32> -> vector<512x128xf32>
    %slice3A_1328 = vector.extract_strided_slice %dot_general3A_1327 {offsets = [0, 0], sizes = [512, 1], strides = [1, 1]} : vector<512x128xf32> to vector<512x1xf32>
    %mul3A_1329 = arith.mulf %convert_element_type3A_1325, %convert_element_type3A_1325 : vector<512x256xbf16>
    %dot_general3A_1330 = arith.constant dense<0.000000e+00> : vector<512x128xf32>
    %dot_general3A_1331 = tpu.matmul %mul3A_1329, %broadcast_in_dim3A_0, %dot_general3A_1330 {dimension_numbers = #tpu.dot_dimension_numbers<[1], [0], [0], [1], [0, 0, 1, 1], [], []>, transpose_lhs_hint = false} : vector<512x256xbf16>, vector<256x128xbf16>, vector<512x128xf32> -> vector<512x128xf32>
    %slice3A_1332 = vector.extract_strided_slice %dot_general3A_1331 {offsets = [0, 0], sizes = [512, 1], strides = [1, 1]} : vector<512x128xf32> to vector<512x1xf32>
    %mul3A_1333 = arith.constant 3.906250e-03 : f32
    %mul3A_1334 = vector.broadcast %mul3A_1333 : f32 to vector<512x1xf32>
    %mul3A_1335 = arith.mulf %slice3A_1328, %mul3A_1334 : vector<512x1xf32>
    %mul3A_1336 = arith.constant 3.906250e-03 : f32
    %mul3A_1337 = vector.broadcast %mul3A_1336 : f32 to vector<512x1xf32>
    %mul3A_1338 = arith.mulf %slice3A_1332, %mul3A_1337 : vector<512x1xf32>
    %mul3A_1339 = arith.mulf %mul3A_1335, %mul3A_1335 : vector<512x1xf32>
    %sub3A_1340 = arith.subf %mul3A_1338, %mul3A_1339 : vector<512x1xf32>
    %sub3A_1341 = vector.broadcast %mul3A_1335 : vector<512x1xf32> to vector<512x256xf32>
    %sub3A_1342 = arith.subf %add3A_1318, %sub3A_1341 : vector<512x256xf32>
    %add3A_1343 = arith.constant 9.99999974E-6 : f32
    %add3A_1344 = vector.broadcast %add3A_1343 : f32 to vector<512x1xf32>
    %add3A_1345 = arith.addf %sub3A_1340, %add3A_1344 : vector<512x1xf32>
    %rsqrt3A_1346 = math.rsqrt %add3A_1345 : vector<512x1xf32>
    %mul3A_1347 = vector.broadcast %rsqrt3A_1346 : vector<512x1xf32> to vector<512x256xf32>
    %mul3A_1348 = arith.mulf %sub3A_1342, %mul3A_1347 : vector<512x256xf32>
    %mul3A_1349 = vector.broadcast %get3A_1321 : vector<1x256xf32> to vector<512x256xf32>
    %mul3A_1350 = arith.mulf %mul3A_1348, %mul3A_1349 : vector<512x256xf32>
    %add3A_1351 = vector.broadcast %get3A_1324 : vector<1x256xf32> to vector<512x256xf32>
    %add3A_1352 = arith.addf %mul3A_1350, %add3A_1351 : vector<512x256xf32>
    %max3A_1353 = arith.constant 0.000000e+00 : f32
    %max3A_1354 = vector.broadcast %max3A_1353 : f32 to vector<512x256xf32>
    %max3A_1355 = arith.maximumf %add3A_1352, %max3A_1354 : vector<512x256xf32>
    %convert_element_type3A_1356 = arith.truncf %max3A_1355 : vector<512x256xf32> to vector<512x256xbf16>
    %get3A_1357 = arith.constant 0 : index
    %get3A_1358 = arith.constant 0 : index
    %get3A_1359 = arith.constant 0 : index
    %get3A_1360 = vector.load %arg6[%get3A_1357, %get3A_1358, %get3A_1359] : memref<3x256x256xbf16, #tpu.memory_space<vmem>>, vector<3x256x256xbf16>
    %get3A_1361 = arith.constant 0 : index
    %get3A_1362 = arith.constant 0 : index
    %get3A_1363 = vector.load %arg7[%get3A_1361, %get3A_1362] : memref<1x256xf32, #tpu.memory_space<vmem>>, vector<1x256xf32>
    %broadcast_in_dim3A_1364 = arith.constant 0.000000e+00 : bf16
    %broadcast_in_dim3A_1365 = vector.broadcast %broadcast_in_dim3A_1364 : bf16 to vector<1x256xbf16>
    %slice3A_1366 = vector.extract_strided_slice %convert_element_type3A_1356 {offsets = [0, 0], sizes = [511, 256], strides = [1, 1]} : vector<512x256xbf16> to vector<511x256xbf16>
    %concatenate3A_1367 = tpu.concatenate %broadcast_in_dim3A_1365, %slice3A_1366 in 0 : vector<1x256xbf16>, vector<511x256xbf16> -> vector<512x256xbf16>
    %slice3A_1368 = vector.extract_strided_slice %convert_element_type3A_1356 {offsets = [1, 0], sizes = [511, 256], strides = [1, 1]} : vector<512x256xbf16> to vector<511x256xbf16>
    %concatenate3A_1369 = tpu.concatenate %slice3A_1368, %broadcast_in_dim3A_1365 in 0 : vector<511x256xbf16>, vector<1x256xbf16> -> vector<512x256xbf16>
    %slice3A_1370 = vector.extract_strided_slice %get3A_1360 {offsets = [0, 0, 0], sizes = [1, 256, 256], strides = [1, 1, 1]} : vector<3x256x256xbf16> to vector<1x256x256xbf16>
    %squeeze3A_1371 = vector.shape_cast %slice3A_1370 : vector<1x256x256xbf16> to vector<256x256xbf16>
    %dot_general3A_1372 = arith.constant dense<0.000000e+00> : vector<512x256xf32>
    %dot_general3A_1373 = tpu.matmul %concatenate3A_1367, %squeeze3A_1371, %dot_general3A_1372 {dimension_numbers = #tpu.dot_dimension_numbers<[1], [0], [0], [1], [0, 0, 1, 1], [], []>, transpose_lhs_hint = false} : vector<512x256xbf16>, vector<256x256xbf16>, vector<512x256xf32> -> vector<512x256xf32>
    %slice3A_1374 = vector.extract_strided_slice %get3A_1360 {offsets = [1, 0, 0], sizes = [1, 256, 256], strides = [1, 1, 1]} : vector<3x256x256xbf16> to vector<1x256x256xbf16>
    %squeeze3A_1375 = vector.shape_cast %slice3A_1374 : vector<1x256x256xbf16> to vector<256x256xbf16>
    %dot_general3A_1376 = arith.constant dense<0.000000e+00> : vector<512x256xf32>
    %dot_general3A_1377 = tpu.matmul %convert_element_type3A_1356, %squeeze3A_1375, %dot_general3A_1376 {dimension_numbers = #tpu.dot_dimension_numbers<[1], [0], [0], [1], [0, 0, 1, 1], [], []>, transpose_lhs_hint = false} : vector<512x256xbf16>, vector<256x256xbf16>, vector<512x256xf32> -> vector<512x256xf32>
    %add3A_1378 = arith.addf %dot_general3A_1373, %dot_general3A_1377 : vector<512x256xf32>
    %slice3A_1379 = vector.extract_strided_slice %get3A_1360 {offsets = [2, 0, 0], sizes = [1, 256, 256], strides = [1, 1, 1]} : vector<3x256x256xbf16> to vector<1x256x256xbf16>
    %squeeze3A_1380 = vector.shape_cast %slice3A_1379 : vector<1x256x256xbf16> to vector<256x256xbf16>
    %dot_general3A_1381 = arith.constant dense<0.000000e+00> : vector<512x256xf32>
    %dot_general3A_1382 = tpu.matmul %concatenate3A_1369, %squeeze3A_1380, %dot_general3A_1381 {dimension_numbers = #tpu.dot_dimension_numbers<[1], [0], [0], [1], [0, 0, 1, 1], [], []>, transpose_lhs_hint = false} : vector<512x256xbf16>, vector<256x256xbf16>, vector<512x256xf32> -> vector<512x256xf32>
    %add3A_1383 = arith.addf %add3A_1378, %dot_general3A_1382 : vector<512x256xf32>
    %add3A_1384 = vector.broadcast %get3A_1363 : vector<1x256xf32> to vector<512x256xf32>
    %add3A_1385 = arith.addf %add3A_1383, %add3A_1384 : vector<512x256xf32>
    %get3A_1386 = arith.constant 0 : index
    %get3A_1387 = arith.constant 0 : index
    %get3A_1388 = vector.load %arg8[%get3A_1386, %get3A_1387] : memref<1x256xf32, #tpu.memory_space<vmem>>, vector<1x256xf32>
    %get3A_1389 = arith.constant 0 : index
    %get3A_1390 = arith.constant 0 : index
    %get3A_1391 = vector.load %arg9[%get3A_1389, %get3A_1390] : memref<1x256xf32, #tpu.memory_space<vmem>>, vector<1x256xf32>
    %convert_element_type3A_1392 = arith.truncf %add3A_1385 : vector<512x256xf32> to vector<512x256xbf16>
    %dot_general3A_1393 = arith.constant dense<0.000000e+00> : vector<512x128xf32>
    %dot_general3A_1394 = tpu.matmul %convert_element_type3A_1392, %broadcast_in_dim3A_0, %dot_general3A_1393 {dimension_numbers = #tpu.dot_dimension_numbers<[1], [0], [0], [1], [0, 0, 1, 1], [], []>, transpose_lhs_hint = false} : vector<512x256xbf16>, vector<256x128xbf16>, vector<512x128xf32> -> vector<512x128xf32>
    %slice3A_1395 = vector.extract_strided_slice %dot_general3A_1394 {offsets = [0, 0], sizes = [512, 1], strides = [1, 1]} : vector<512x128xf32> to vector<512x1xf32>
    %mul3A_1396 = arith.mulf %convert_element_type3A_1392, %convert_element_type3A_1392 : vector<512x256xbf16>
    %dot_general3A_1397 = arith.constant dense<0.000000e+00> : vector<512x128xf32>
    %dot_general3A_1398 = tpu.matmul %mul3A_1396, %broadcast_in_dim3A_0, %dot_general3A_1397 {dimension_numbers = #tpu.dot_dimension_numbers<[1], [0], [0], [1], [0, 0, 1, 1], [], []>, transpose_lhs_hint = false} : vector<512x256xbf16>, vector<256x128xbf16>, vector<512x128xf32> -> vector<512x128xf32>
    %slice3A_1399 = vector.extract_strided_slice %dot_general3A_1398 {offsets = [0, 0], sizes = [512, 1], strides = [1, 1]} : vector<512x128xf32> to vector<512x1xf32>
    %mul3A_1400 = arith.constant 3.906250e-03 : f32
    %mul3A_1401 = vector.broadcast %mul3A_1400 : f32 to vector<512x1xf32>
    %mul3A_1402 = arith.mulf %slice3A_1395, %mul3A_1401 : vector<512x1xf32>
    %mul3A_1403 = arith.constant 3.906250e-03 : f32
    %mul3A_1404 = vector.broadcast %mul3A_1403 : f32 to vector<512x1xf32>
    %mul3A_1405 = arith.mulf %slice3A_1399, %mul3A_1404 : vector<512x1xf32>
    %mul3A_1406 = arith.mulf %mul3A_1402, %mul3A_1402 : vector<512x1xf32>
    %sub3A_1407 = arith.subf %mul3A_1405, %mul3A_1406 : vector<512x1xf32>
    %sub3A_1408 = vector.broadcast %mul3A_1402 : vector<512x1xf32> to vector<512x256xf32>
    %sub3A_1409 = arith.subf %add3A_1385, %sub3A_1408 : vector<512x256xf32>
    %add3A_1410 = arith.constant 9.99999974E-6 : f32
    %add3A_1411 = vector.broadcast %add3A_1410 : f32 to vector<512x1xf32>
    %add3A_1412 = arith.addf %sub3A_1407, %add3A_1411 : vector<512x1xf32>
    %rsqrt3A_1413 = math.rsqrt %add3A_1412 : vector<512x1xf32>
    %mul3A_1414 = vector.broadcast %rsqrt3A_1413 : vector<512x1xf32> to vector<512x256xf32>
    %mul3A_1415 = arith.mulf %sub3A_1409, %mul3A_1414 : vector<512x256xf32>
    %mul3A_1416 = vector.broadcast %get3A_1388 : vector<1x256xf32> to vector<512x256xf32>
    %mul3A_1417 = arith.mulf %mul3A_1415, %mul3A_1416 : vector<512x256xf32>
    %add3A_1418 = vector.broadcast %get3A_1391 : vector<1x256xf32> to vector<512x256xf32>
    %add3A_1419 = arith.addf %mul3A_1417, %add3A_1418 : vector<512x256xf32>
    %max3A_1420 = arith.constant 0.000000e+00 : f32
    %max3A_1421 = vector.broadcast %max3A_1420 : f32 to vector<512x256xf32>
    %max3A_1422 = arith.maximumf %add3A_1419, %max3A_1421 : vector<512x256xf32>
    %convert_element_type3A_1423 = arith.truncf %max3A_1422 : vector<512x256xf32> to vector<512x256xbf16>
    %get3A_1424 = arith.constant 0 : index
    %get3A_1425 = arith.constant 0 : index
    %get3A_1426 = vector.load %arg10[%get3A_1424, %get3A_1425] : memref<256x128xbf16, #tpu.memory_space<vmem>>, vector<256x128xbf16>
    %dot_general3A_1427 = arith.constant dense<0.000000e+00> : vector<512x128xf32>
    %dot_general3A_1428 = tpu.matmul %convert_element_type3A_1423, %get3A_1426, %dot_general3A_1427 {dimension_numbers = #tpu.dot_dimension_numbers<[1], [0], [0], [1], [0, 0, 1, 1], [], []>, transpose_lhs_hint = false} : vector<512x256xbf16>, vector<256x128xbf16>, vector<512x128xf32> -> vector<512x128xf32>
    %slice3A_1429 = vector.extract_strided_slice %dot_general3A_1428 {offsets = [0, 0], sizes = [512, 1], strides = [1, 1]} : vector<512x128xf32> to vector<512x1xf32>
    %get3A_1430 = arith.constant 0 : index
    %get3A_1431 = arith.constant 0 : index
    %get3A_1432 = vector.load %arg11[%get3A_1430, %get3A_1431] : memref<1x1xf32, #tpu.memory_space<vmem>>, vector<1x1xf32>
    %get3A_1433 = vector.extract %get3A_1432[0, 0] : f32 from vector<1x1xf32>
    %add3A_1434 = vector.broadcast %get3A_1433 : f32 to vector<512x1xf32>
    %add3A_1435 = arith.addf %slice3A_1429, %add3A_1434 : vector<512x1xf32>
    %max3A_1436 = arith.constant 0.000000e+00 : f32
    %max3A_1437 = vector.broadcast %max3A_1436 : f32 to vector<512x1xf32>
    %max3A_1438 = arith.maximumf %add3A_1435, %max3A_1437 : vector<512x1xf32>
    %reshape3A_1439 = vector.shape_cast %max3A_1438 : vector<512x1xf32> to vector<1x512xf32>
    %swap3A_1440 = arith.constant 8 : index
    %swap3A_1441 = arith.constant 0 : index
    %swap3A_1442 = arith.constant 0 : index
    %swap3A_1443 = vector.load %arg12[%swap3A_1440, %swap3A_1441, %swap3A_1442] : memref<16x1x512xf32, #tpu.memory_space<vmem>>, vector<1x1x512xf32>
    %swap3A_1444 = vector.shape_cast %swap3A_1443 : vector<1x1x512xf32> to vector<1x512xf32>
    %swap3A_1445 = vector.shape_cast %reshape3A_1439 : vector<1x512xf32> to vector<1x1x512xf32>
    tpu.vector_store %arg12[%swap3A_1440, %swap3A_1441, %swap3A_1442], %swap3A_1445 {strides = array<i32>} : memref<16x1x512xf32, #tpu.memory_space<vmem>>, vector<1x1x512xf32>,
    %get3A_1446 = arith.constant 9 : index
    %get3A_1447 = arith.constant 0 : index
    %get3A_1448 = arith.constant 0 : index
    %get3A_1449 = vector.load %arg1[%get3A_1446, %get3A_1447, %get3A_1448] : memref<16x512x256xf32, #tpu.memory_space<vmem>>, vector<1x512x256xf32>
    %get3A_1450 = vector.shape_cast %get3A_1449 : vector<1x512x256xf32> to vector<512x256xf32>
    %convert_element_type3A_1451 = arith.truncf %get3A_1450 : vector<512x256xf32> to vector<512x256xbf16>
    %get3A_1452 = arith.constant 0 : index
    %get3A_1453 = arith.constant 0 : index
    %get3A_1454 = arith.constant 0 : index
    %get3A_1455 = vector.load %arg2[%get3A_1452, %get3A_1453, %get3A_1454] : memref<3x256x256xbf16, #tpu.memory_space<vmem>>, vector<3x256x256xbf16>
    %get3A_1456 = arith.constant 0 : index
    %get3A_1457 = arith.constant 0 : index
    %get3A_1458 = vector.load %arg3[%get3A_1456, %get3A_1457] : memref<1x256xf32, #tpu.memory_space<vmem>>, vector<1x256xf32>
    %broadcast_in_dim3A_1459 = arith.constant 0.000000e+00 : bf16
    %broadcast_in_dim3A_1460 = vector.broadcast %broadcast_in_dim3A_1459 : bf16 to vector<1x256xbf16>
    %slice3A_1461 = vector.extract_strided_slice %convert_element_type3A_1451 {offsets = [0, 0], sizes = [511, 256], strides = [1, 1]} : vector<512x256xbf16> to vector<511x256xbf16>
    %concatenate3A_1462 = tpu.concatenate %broadcast_in_dim3A_1460, %slice3A_1461 in 0 : vector<1x256xbf16>, vector<511x256xbf16> -> vector<512x256xbf16>
    %slice3A_1463 = vector.extract_strided_slice %convert_element_type3A_1451 {offsets = [1, 0], sizes = [511, 256], strides = [1, 1]} : vector<512x256xbf16> to vector<511x256xbf16>
    %concatenate3A_1464 = tpu.concatenate %slice3A_1463, %broadcast_in_dim3A_1460 in 0 : vector<511x256xbf16>, vector<1x256xbf16> -> vector<512x256xbf16>
    %slice3A_1465 = vector.extract_strided_slice %get3A_1455 {offsets = [0, 0, 0], sizes = [1, 256, 256], strides = [1, 1, 1]} : vector<3x256x256xbf16> to vector<1x256x256xbf16>
    %squeeze3A_1466 = vector.shape_cast %slice3A_1465 : vector<1x256x256xbf16> to vector<256x256xbf16>
    %dot_general3A_1467 = arith.constant dense<0.000000e+00> : vector<512x256xf32>
    %dot_general3A_1468 = tpu.matmul %concatenate3A_1462, %squeeze3A_1466, %dot_general3A_1467 {dimension_numbers = #tpu.dot_dimension_numbers<[1], [0], [0], [1], [0, 0, 1, 1], [], []>, transpose_lhs_hint = false} : vector<512x256xbf16>, vector<256x256xbf16>, vector<512x256xf32> -> vector<512x256xf32>
    %slice3A_1469 = vector.extract_strided_slice %get3A_1455 {offsets = [1, 0, 0], sizes = [1, 256, 256], strides = [1, 1, 1]} : vector<3x256x256xbf16> to vector<1x256x256xbf16>
    %squeeze3A_1470 = vector.shape_cast %slice3A_1469 : vector<1x256x256xbf16> to vector<256x256xbf16>
    %dot_general3A_1471 = arith.constant dense<0.000000e+00> : vector<512x256xf32>
    %dot_general3A_1472 = tpu.matmul %convert_element_type3A_1451, %squeeze3A_1470, %dot_general3A_1471 {dimension_numbers = #tpu.dot_dimension_numbers<[1], [0], [0], [1], [0, 0, 1, 1], [], []>, transpose_lhs_hint = false} : vector<512x256xbf16>, vector<256x256xbf16>, vector<512x256xf32> -> vector<512x256xf32>
    %add3A_1473 = arith.addf %dot_general3A_1468, %dot_general3A_1472 : vector<512x256xf32>
    %slice3A_1474 = vector.extract_strided_slice %get3A_1455 {offsets = [2, 0, 0], sizes = [1, 256, 256], strides = [1, 1, 1]} : vector<3x256x256xbf16> to vector<1x256x256xbf16>
    %squeeze3A_1475 = vector.shape_cast %slice3A_1474 : vector<1x256x256xbf16> to vector<256x256xbf16>
    %dot_general3A_1476 = arith.constant dense<0.000000e+00> : vector<512x256xf32>
    %dot_general3A_1477 = tpu.matmul %concatenate3A_1464, %squeeze3A_1475, %dot_general3A_1476 {dimension_numbers = #tpu.dot_dimension_numbers<[1], [0], [0], [1], [0, 0, 1, 1], [], []>, transpose_lhs_hint = false} : vector<512x256xbf16>, vector<256x256xbf16>, vector<512x256xf32> -> vector<512x256xf32>
    %add3A_1478 = arith.addf %add3A_1473, %dot_general3A_1477 : vector<512x256xf32>
    %add3A_1479 = vector.broadcast %get3A_1458 : vector<1x256xf32> to vector<512x256xf32>
    %add3A_1480 = arith.addf %add3A_1478, %add3A_1479 : vector<512x256xf32>
    %get3A_1481 = arith.constant 0 : index
    %get3A_1482 = arith.constant 0 : index
    %get3A_1483 = vector.load %arg4[%get3A_1481, %get3A_1482] : memref<1x256xf32, #tpu.memory_space<vmem>>, vector<1x256xf32>
    %get3A_1484 = arith.constant 0 : index
    %get3A_1485 = arith.constant 0 : index
    %get3A_1486 = vector.load %arg5[%get3A_1484, %get3A_1485] : memref<1x256xf32, #tpu.memory_space<vmem>>, vector<1x256xf32>
    %convert_element_type3A_1487 = arith.truncf %add3A_1480 : vector<512x256xf32> to vector<512x256xbf16>
    %dot_general3A_1488 = arith.constant dense<0.000000e+00> : vector<512x128xf32>
    %dot_general3A_1489 = tpu.matmul %convert_element_type3A_1487, %broadcast_in_dim3A_0, %dot_general3A_1488 {dimension_numbers = #tpu.dot_dimension_numbers<[1], [0], [0], [1], [0, 0, 1, 1], [], []>, transpose_lhs_hint = false} : vector<512x256xbf16>, vector<256x128xbf16>, vector<512x128xf32> -> vector<512x128xf32>
    %slice3A_1490 = vector.extract_strided_slice %dot_general3A_1489 {offsets = [0, 0], sizes = [512, 1], strides = [1, 1]} : vector<512x128xf32> to vector<512x1xf32>
    %mul3A_1491 = arith.mulf %convert_element_type3A_1487, %convert_element_type3A_1487 : vector<512x256xbf16>
    %dot_general3A_1492 = arith.constant dense<0.000000e+00> : vector<512x128xf32>
    %dot_general3A_1493 = tpu.matmul %mul3A_1491, %broadcast_in_dim3A_0, %dot_general3A_1492 {dimension_numbers = #tpu.dot_dimension_numbers<[1], [0], [0], [1], [0, 0, 1, 1], [], []>, transpose_lhs_hint = false} : vector<512x256xbf16>, vector<256x128xbf16>, vector<512x128xf32> -> vector<512x128xf32>
    %slice3A_1494 = vector.extract_strided_slice %dot_general3A_1493 {offsets = [0, 0], sizes = [512, 1], strides = [1, 1]} : vector<512x128xf32> to vector<512x1xf32>
    %mul3A_1495 = arith.constant 3.906250e-03 : f32
    %mul3A_1496 = vector.broadcast %mul3A_1495 : f32 to vector<512x1xf32>
    %mul3A_1497 = arith.mulf %slice3A_1490, %mul3A_1496 : vector<512x1xf32>
    %mul3A_1498 = arith.constant 3.906250e-03 : f32
    %mul3A_1499 = vector.broadcast %mul3A_1498 : f32 to vector<512x1xf32>
    %mul3A_1500 = arith.mulf %slice3A_1494, %mul3A_1499 : vector<512x1xf32>
    %mul3A_1501 = arith.mulf %mul3A_1497, %mul3A_1497 : vector<512x1xf32>
    %sub3A_1502 = arith.subf %mul3A_1500, %mul3A_1501 : vector<512x1xf32>
    %sub3A_1503 = vector.broadcast %mul3A_1497 : vector<512x1xf32> to vector<512x256xf32>
    %sub3A_1504 = arith.subf %add3A_1480, %sub3A_1503 : vector<512x256xf32>
    %add3A_1505 = arith.constant 9.99999974E-6 : f32
    %add3A_1506 = vector.broadcast %add3A_1505 : f32 to vector<512x1xf32>
    %add3A_1507 = arith.addf %sub3A_1502, %add3A_1506 : vector<512x1xf32>
    %rsqrt3A_1508 = math.rsqrt %add3A_1507 : vector<512x1xf32>
    %mul3A_1509 = vector.broadcast %rsqrt3A_1508 : vector<512x1xf32> to vector<512x256xf32>
    %mul3A_1510 = arith.mulf %sub3A_1504, %mul3A_1509 : vector<512x256xf32>
    %mul3A_1511 = vector.broadcast %get3A_1483 : vector<1x256xf32> to vector<512x256xf32>
    %mul3A_1512 = arith.mulf %mul3A_1510, %mul3A_1511 : vector<512x256xf32>
    %add3A_1513 = vector.broadcast %get3A_1486 : vector<1x256xf32> to vector<512x256xf32>
    %add3A_1514 = arith.addf %mul3A_1512, %add3A_1513 : vector<512x256xf32>
    %max3A_1515 = arith.constant 0.000000e+00 : f32
    %max3A_1516 = vector.broadcast %max3A_1515 : f32 to vector<512x256xf32>
    %max3A_1517 = arith.maximumf %add3A_1514, %max3A_1516 : vector<512x256xf32>
    %convert_element_type3A_1518 = arith.truncf %max3A_1517 : vector<512x256xf32> to vector<512x256xbf16>
    %get3A_1519 = arith.constant 0 : index
    %get3A_1520 = arith.constant 0 : index
    %get3A_1521 = arith.constant 0 : index
    %get3A_1522 = vector.load %arg6[%get3A_1519, %get3A_1520, %get3A_1521] : memref<3x256x256xbf16, #tpu.memory_space<vmem>>, vector<3x256x256xbf16>
    %get3A_1523 = arith.constant 0 : index
    %get3A_1524 = arith.constant 0 : index
    %get3A_1525 = vector.load %arg7[%get3A_1523, %get3A_1524] : memref<1x256xf32, #tpu.memory_space<vmem>>, vector<1x256xf32>
    %broadcast_in_dim3A_1526 = arith.constant 0.000000e+00 : bf16
    %broadcast_in_dim3A_1527 = vector.broadcast %broadcast_in_dim3A_1526 : bf16 to vector<1x256xbf16>
    %slice3A_1528 = vector.extract_strided_slice %convert_element_type3A_1518 {offsets = [0, 0], sizes = [511, 256], strides = [1, 1]} : vector<512x256xbf16> to vector<511x256xbf16>
    %concatenate3A_1529 = tpu.concatenate %broadcast_in_dim3A_1527, %slice3A_1528 in 0 : vector<1x256xbf16>, vector<511x256xbf16> -> vector<512x256xbf16>
    %slice3A_1530 = vector.extract_strided_slice %convert_element_type3A_1518 {offsets = [1, 0], sizes = [511, 256], strides = [1, 1]} : vector<512x256xbf16> to vector<511x256xbf16>
    %concatenate3A_1531 = tpu.concatenate %slice3A_1530, %broadcast_in_dim3A_1527 in 0 : vector<511x256xbf16>, vector<1x256xbf16> -> vector<512x256xbf16>
    %slice3A_1532 = vector.extract_strided_slice %get3A_1522 {offsets = [0, 0, 0], sizes = [1, 256, 256], strides = [1, 1, 1]} : vector<3x256x256xbf16> to vector<1x256x256xbf16>
    %squeeze3A_1533 = vector.shape_cast %slice3A_1532 : vector<1x256x256xbf16> to vector<256x256xbf16>
    %dot_general3A_1534 = arith.constant dense<0.000000e+00> : vector<512x256xf32>
    %dot_general3A_1535 = tpu.matmul %concatenate3A_1529, %squeeze3A_1533, %dot_general3A_1534 {dimension_numbers = #tpu.dot_dimension_numbers<[1], [0], [0], [1], [0, 0, 1, 1], [], []>, transpose_lhs_hint = false} : vector<512x256xbf16>, vector<256x256xbf16>, vector<512x256xf32> -> vector<512x256xf32>
    %slice3A_1536 = vector.extract_strided_slice %get3A_1522 {offsets = [1, 0, 0], sizes = [1, 256, 256], strides = [1, 1, 1]} : vector<3x256x256xbf16> to vector<1x256x256xbf16>
    %squeeze3A_1537 = vector.shape_cast %slice3A_1536 : vector<1x256x256xbf16> to vector<256x256xbf16>
    %dot_general3A_1538 = arith.constant dense<0.000000e+00> : vector<512x256xf32>
    %dot_general3A_1539 = tpu.matmul %convert_element_type3A_1518, %squeeze3A_1537, %dot_general3A_1538 {dimension_numbers = #tpu.dot_dimension_numbers<[1], [0], [0], [1], [0, 0, 1, 1], [], []>, transpose_lhs_hint = false} : vector<512x256xbf16>, vector<256x256xbf16>, vector<512x256xf32> -> vector<512x256xf32>
    %add3A_1540 = arith.addf %dot_general3A_1535, %dot_general3A_1539 : vector<512x256xf32>
    %slice3A_1541 = vector.extract_strided_slice %get3A_1522 {offsets = [2, 0, 0], sizes = [1, 256, 256], strides = [1, 1, 1]} : vector<3x256x256xbf16> to vector<1x256x256xbf16>
    %squeeze3A_1542 = vector.shape_cast %slice3A_1541 : vector<1x256x256xbf16> to vector<256x256xbf16>
    %dot_general3A_1543 = arith.constant dense<0.000000e+00> : vector<512x256xf32>
    %dot_general3A_1544 = tpu.matmul %concatenate3A_1531, %squeeze3A_1542, %dot_general3A_1543 {dimension_numbers = #tpu.dot_dimension_numbers<[1], [0], [0], [1], [0, 0, 1, 1], [], []>, transpose_lhs_hint = false} : vector<512x256xbf16>, vector<256x256xbf16>, vector<512x256xf32> -> vector<512x256xf32>
    %add3A_1545 = arith.addf %add3A_1540, %dot_general3A_1544 : vector<512x256xf32>
    %add3A_1546 = vector.broadcast %get3A_1525 : vector<1x256xf32> to vector<512x256xf32>
    %add3A_1547 = arith.addf %add3A_1545, %add3A_1546 : vector<512x256xf32>
    %get3A_1548 = arith.constant 0 : index
    %get3A_1549 = arith.constant 0 : index
    %get3A_1550 = vector.load %arg8[%get3A_1548, %get3A_1549] : memref<1x256xf32, #tpu.memory_space<vmem>>, vector<1x256xf32>
    %get3A_1551 = arith.constant 0 : index
    %get3A_1552 = arith.constant 0 : index
    %get3A_1553 = vector.load %arg9[%get3A_1551, %get3A_1552] : memref<1x256xf32, #tpu.memory_space<vmem>>, vector<1x256xf32>
    %convert_element_type3A_1554 = arith.truncf %add3A_1547 : vector<512x256xf32> to vector<512x256xbf16>
    %dot_general3A_1555 = arith.constant dense<0.000000e+00> : vector<512x128xf32>
    %dot_general3A_1556 = tpu.matmul %convert_element_type3A_1554, %broadcast_in_dim3A_0, %dot_general3A_1555 {dimension_numbers = #tpu.dot_dimension_numbers<[1], [0], [0], [1], [0, 0, 1, 1], [], []>, transpose_lhs_hint = false} : vector<512x256xbf16>, vector<256x128xbf16>, vector<512x128xf32> -> vector<512x128xf32>
    %slice3A_1557 = vector.extract_strided_slice %dot_general3A_1556 {offsets = [0, 0], sizes = [512, 1], strides = [1, 1]} : vector<512x128xf32> to vector<512x1xf32>
    %mul3A_1558 = arith.mulf %convert_element_type3A_1554, %convert_element_type3A_1554 : vector<512x256xbf16>
    %dot_general3A_1559 = arith.constant dense<0.000000e+00> : vector<512x128xf32>
    %dot_general3A_1560 = tpu.matmul %mul3A_1558, %broadcast_in_dim3A_0, %dot_general3A_1559 {dimension_numbers = #tpu.dot_dimension_numbers<[1], [0], [0], [1], [0, 0, 1, 1], [], []>, transpose_lhs_hint = false} : vector<512x256xbf16>, vector<256x128xbf16>, vector<512x128xf32> -> vector<512x128xf32>
    %slice3A_1561 = vector.extract_strided_slice %dot_general3A_1560 {offsets = [0, 0], sizes = [512, 1], strides = [1, 1]} : vector<512x128xf32> to vector<512x1xf32>
    %mul3A_1562 = arith.constant 3.906250e-03 : f32
    %mul3A_1563 = vector.broadcast %mul3A_1562 : f32 to vector<512x1xf32>
    %mul3A_1564 = arith.mulf %slice3A_1557, %mul3A_1563 : vector<512x1xf32>
    %mul3A_1565 = arith.constant 3.906250e-03 : f32
    %mul3A_1566 = vector.broadcast %mul3A_1565 : f32 to vector<512x1xf32>
    %mul3A_1567 = arith.mulf %slice3A_1561, %mul3A_1566 : vector<512x1xf32>
    %mul3A_1568 = arith.mulf %mul3A_1564, %mul3A_1564 : vector<512x1xf32>
    %sub3A_1569 = arith.subf %mul3A_1567, %mul3A_1568 : vector<512x1xf32>
    %sub3A_1570 = vector.broadcast %mul3A_1564 : vector<512x1xf32> to vector<512x256xf32>
    %sub3A_1571 = arith.subf %add3A_1547, %sub3A_1570 : vector<512x256xf32>
    %add3A_1572 = arith.constant 9.99999974E-6 : f32
    %add3A_1573 = vector.broadcast %add3A_1572 : f32 to vector<512x1xf32>
    %add3A_1574 = arith.addf %sub3A_1569, %add3A_1573 : vector<512x1xf32>
    %rsqrt3A_1575 = math.rsqrt %add3A_1574 : vector<512x1xf32>
    %mul3A_1576 = vector.broadcast %rsqrt3A_1575 : vector<512x1xf32> to vector<512x256xf32>
    %mul3A_1577 = arith.mulf %sub3A_1571, %mul3A_1576 : vector<512x256xf32>
    %mul3A_1578 = vector.broadcast %get3A_1550 : vector<1x256xf32> to vector<512x256xf32>
    %mul3A_1579 = arith.mulf %mul3A_1577, %mul3A_1578 : vector<512x256xf32>
    %add3A_1580 = vector.broadcast %get3A_1553 : vector<1x256xf32> to vector<512x256xf32>
    %add3A_1581 = arith.addf %mul3A_1579, %add3A_1580 : vector<512x256xf32>
    %max3A_1582 = arith.constant 0.000000e+00 : f32
    %max3A_1583 = vector.broadcast %max3A_1582 : f32 to vector<512x256xf32>
    %max3A_1584 = arith.maximumf %add3A_1581, %max3A_1583 : vector<512x256xf32>
    %convert_element_type3A_1585 = arith.truncf %max3A_1584 : vector<512x256xf32> to vector<512x256xbf16>
    %get3A_1586 = arith.constant 0 : index
    %get3A_1587 = arith.constant 0 : index
    %get3A_1588 = vector.load %arg10[%get3A_1586, %get3A_1587] : memref<256x128xbf16, #tpu.memory_space<vmem>>, vector<256x128xbf16>
    %dot_general3A_1589 = arith.constant dense<0.000000e+00> : vector<512x128xf32>
    %dot_general3A_1590 = tpu.matmul %convert_element_type3A_1585, %get3A_1588, %dot_general3A_1589 {dimension_numbers = #tpu.dot_dimension_numbers<[1], [0], [0], [1], [0, 0, 1, 1], [], []>, transpose_lhs_hint = false} : vector<512x256xbf16>, vector<256x128xbf16>, vector<512x128xf32> -> vector<512x128xf32>
    %slice3A_1591 = vector.extract_strided_slice %dot_general3A_1590 {offsets = [0, 0], sizes = [512, 1], strides = [1, 1]} : vector<512x128xf32> to vector<512x1xf32>
    %get3A_1592 = arith.constant 0 : index
    %get3A_1593 = arith.constant 0 : index
    %get3A_1594 = vector.load %arg11[%get3A_1592, %get3A_1593] : memref<1x1xf32, #tpu.memory_space<vmem>>, vector<1x1xf32>
    %get3A_1595 = vector.extract %get3A_1594[0, 0] : f32 from vector<1x1xf32>
    %add3A_1596 = vector.broadcast %get3A_1595 : f32 to vector<512x1xf32>
    %add3A_1597 = arith.addf %slice3A_1591, %add3A_1596 : vector<512x1xf32>
    %max3A_1598 = arith.constant 0.000000e+00 : f32
    %max3A_1599 = vector.broadcast %max3A_1598 : f32 to vector<512x1xf32>
    %max3A_1600 = arith.maximumf %add3A_1597, %max3A_1599 : vector<512x1xf32>
    %reshape3A_1601 = vector.shape_cast %max3A_1600 : vector<512x1xf32> to vector<1x512xf32>
    %swap3A_1602 = arith.constant 9 : index
    %swap3A_1603 = arith.constant 0 : index
    %swap3A_1604 = arith.constant 0 : index
    %swap3A_1605 = vector.load %arg12[%swap3A_1602, %swap3A_1603, %swap3A_1604] : memref<16x1x512xf32, #tpu.memory_space<vmem>>, vector<1x1x512xf32>
    %swap3A_1606 = vector.shape_cast %swap3A_1605 : vector<1x1x512xf32> to vector<1x512xf32>
    %swap3A_1607 = vector.shape_cast %reshape3A_1601 : vector<1x512xf32> to vector<1x1x512xf32>
    tpu.vector_store %arg12[%swap3A_1602, %swap3A_1603, %swap3A_1604], %swap3A_1607 {strides = array<i32>} : memref<16x1x512xf32, #tpu.memory_space<vmem>>, vector<1x1x512xf32>,
    %get3A_1608 = arith.constant 10 : index
    %get3A_1609 = arith.constant 0 : index
    %get3A_1610 = arith.constant 0 : index
    %get3A_1611 = vector.load %arg1[%get3A_1608, %get3A_1609, %get3A_1610] : memref<16x512x256xf32, #tpu.memory_space<vmem>>, vector<1x512x256xf32>
    %get3A_1612 = vector.shape_cast %get3A_1611 : vector<1x512x256xf32> to vector<512x256xf32>
    %convert_element_type3A_1613 = arith.truncf %get3A_1612 : vector<512x256xf32> to vector<512x256xbf16>
    %get3A_1614 = arith.constant 0 : index
    %get3A_1615 = arith.constant 0 : index
    %get3A_1616 = arith.constant 0 : index
    %get3A_1617 = vector.load %arg2[%get3A_1614, %get3A_1615, %get3A_1616] : memref<3x256x256xbf16, #tpu.memory_space<vmem>>, vector<3x256x256xbf16>
    %get3A_1618 = arith.constant 0 : index
    %get3A_1619 = arith.constant 0 : index
    %get3A_1620 = vector.load %arg3[%get3A_1618, %get3A_1619] : memref<1x256xf32, #tpu.memory_space<vmem>>, vector<1x256xf32>
    %broadcast_in_dim3A_1621 = arith.constant 0.000000e+00 : bf16
    %broadcast_in_dim3A_1622 = vector.broadcast %broadcast_in_dim3A_1621 : bf16 to vector<1x256xbf16>
    %slice3A_1623 = vector.extract_strided_slice %convert_element_type3A_1613 {offsets = [0, 0], sizes = [511, 256], strides = [1, 1]} : vector<512x256xbf16> to vector<511x256xbf16>
    %concatenate3A_1624 = tpu.concatenate %broadcast_in_dim3A_1622, %slice3A_1623 in 0 : vector<1x256xbf16>, vector<511x256xbf16> -> vector<512x256xbf16>
    %slice3A_1625 = vector.extract_strided_slice %convert_element_type3A_1613 {offsets = [1, 0], sizes = [511, 256], strides = [1, 1]} : vector<512x256xbf16> to vector<511x256xbf16>
    %concatenate3A_1626 = tpu.concatenate %slice3A_1625, %broadcast_in_dim3A_1622 in 0 : vector<511x256xbf16>, vector<1x256xbf16> -> vector<512x256xbf16>
    %slice3A_1627 = vector.extract_strided_slice %get3A_1617 {offsets = [0, 0, 0], sizes = [1, 256, 256], strides = [1, 1, 1]} : vector<3x256x256xbf16> to vector<1x256x256xbf16>
    %squeeze3A_1628 = vector.shape_cast %slice3A_1627 : vector<1x256x256xbf16> to vector<256x256xbf16>
    %dot_general3A_1629 = arith.constant dense<0.000000e+00> : vector<512x256xf32>
    %dot_general3A_1630 = tpu.matmul %concatenate3A_1624, %squeeze3A_1628, %dot_general3A_1629 {dimension_numbers = #tpu.dot_dimension_numbers<[1], [0], [0], [1], [0, 0, 1, 1], [], []>, transpose_lhs_hint = false} : vector<512x256xbf16>, vector<256x256xbf16>, vector<512x256xf32> -> vector<512x256xf32>
    %slice3A_1631 = vector.extract_strided_slice %get3A_1617 {offsets = [1, 0, 0], sizes = [1, 256, 256], strides = [1, 1, 1]} : vector<3x256x256xbf16> to vector<1x256x256xbf16>
    %squeeze3A_1632 = vector.shape_cast %slice3A_1631 : vector<1x256x256xbf16> to vector<256x256xbf16>
    %dot_general3A_1633 = arith.constant dense<0.000000e+00> : vector<512x256xf32>
    %dot_general3A_1634 = tpu.matmul %convert_element_type3A_1613, %squeeze3A_1632, %dot_general3A_1633 {dimension_numbers = #tpu.dot_dimension_numbers<[1], [0], [0], [1], [0, 0, 1, 1], [], []>, transpose_lhs_hint = false} : vector<512x256xbf16>, vector<256x256xbf16>, vector<512x256xf32> -> vector<512x256xf32>
    %add3A_1635 = arith.addf %dot_general3A_1630, %dot_general3A_1634 : vector<512x256xf32>
    %slice3A_1636 = vector.extract_strided_slice %get3A_1617 {offsets = [2, 0, 0], sizes = [1, 256, 256], strides = [1, 1, 1]} : vector<3x256x256xbf16> to vector<1x256x256xbf16>
    %squeeze3A_1637 = vector.shape_cast %slice3A_1636 : vector<1x256x256xbf16> to vector<256x256xbf16>
    %dot_general3A_1638 = arith.constant dense<0.000000e+00> : vector<512x256xf32>
    %dot_general3A_1639 = tpu.matmul %concatenate3A_1626, %squeeze3A_1637, %dot_general3A_1638 {dimension_numbers = #tpu.dot_dimension_numbers<[1], [0], [0], [1], [0, 0, 1, 1], [], []>, transpose_lhs_hint = false} : vector<512x256xbf16>, vector<256x256xbf16>, vector<512x256xf32> -> vector<512x256xf32>
    %add3A_1640 = arith.addf %add3A_1635, %dot_general3A_1639 : vector<512x256xf32>
    %add3A_1641 = vector.broadcast %get3A_1620 : vector<1x256xf32> to vector<512x256xf32>
    %add3A_1642 = arith.addf %add3A_1640, %add3A_1641 : vector<512x256xf32>
    %get3A_1643 = arith.constant 0 : index
    %get3A_1644 = arith.constant 0 : index
    %get3A_1645 = vector.load %arg4[%get3A_1643, %get3A_1644] : memref<1x256xf32, #tpu.memory_space<vmem>>, vector<1x256xf32>
    %get3A_1646 = arith.constant 0 : index
    %get3A_1647 = arith.constant 0 : index
    %get3A_1648 = vector.load %arg5[%get3A_1646, %get3A_1647] : memref<1x256xf32, #tpu.memory_space<vmem>>, vector<1x256xf32>
    %convert_element_type3A_1649 = arith.truncf %add3A_1642 : vector<512x256xf32> to vector<512x256xbf16>
    %dot_general3A_1650 = arith.constant dense<0.000000e+00> : vector<512x128xf32>
    %dot_general3A_1651 = tpu.matmul %convert_element_type3A_1649, %broadcast_in_dim3A_0, %dot_general3A_1650 {dimension_numbers = #tpu.dot_dimension_numbers<[1], [0], [0], [1], [0, 0, 1, 1], [], []>, transpose_lhs_hint = false} : vector<512x256xbf16>, vector<256x128xbf16>, vector<512x128xf32> -> vector<512x128xf32>
    %slice3A_1652 = vector.extract_strided_slice %dot_general3A_1651 {offsets = [0, 0], sizes = [512, 1], strides = [1, 1]} : vector<512x128xf32> to vector<512x1xf32>
    %mul3A_1653 = arith.mulf %convert_element_type3A_1649, %convert_element_type3A_1649 : vector<512x256xbf16>
    %dot_general3A_1654 = arith.constant dense<0.000000e+00> : vector<512x128xf32>
    %dot_general3A_1655 = tpu.matmul %mul3A_1653, %broadcast_in_dim3A_0, %dot_general3A_1654 {dimension_numbers = #tpu.dot_dimension_numbers<[1], [0], [0], [1], [0, 0, 1, 1], [], []>, transpose_lhs_hint = false} : vector<512x256xbf16>, vector<256x128xbf16>, vector<512x128xf32> -> vector<512x128xf32>
    %slice3A_1656 = vector.extract_strided_slice %dot_general3A_1655 {offsets = [0, 0], sizes = [512, 1], strides = [1, 1]} : vector<512x128xf32> to vector<512x1xf32>
    %mul3A_1657 = arith.constant 3.906250e-03 : f32
    %mul3A_1658 = vector.broadcast %mul3A_1657 : f32 to vector<512x1xf32>
    %mul3A_1659 = arith.mulf %slice3A_1652, %mul3A_1658 : vector<512x1xf32>
    %mul3A_1660 = arith.constant 3.906250e-03 : f32
    %mul3A_1661 = vector.broadcast %mul3A_1660 : f32 to vector<512x1xf32>
    %mul3A_1662 = arith.mulf %slice3A_1656, %mul3A_1661 : vector<512x1xf32>
    %mul3A_1663 = arith.mulf %mul3A_1659, %mul3A_1659 : vector<512x1xf32>
    %sub3A_1664 = arith.subf %mul3A_1662, %mul3A_1663 : vector<512x1xf32>
    %sub3A_1665 = vector.broadcast %mul3A_1659 : vector<512x1xf32> to vector<512x256xf32>
    %sub3A_1666 = arith.subf %add3A_1642, %sub3A_1665 : vector<512x256xf32>
    %add3A_1667 = arith.constant 9.99999974E-6 : f32
    %add3A_1668 = vector.broadcast %add3A_1667 : f32 to vector<512x1xf32>
    %add3A_1669 = arith.addf %sub3A_1664, %add3A_1668 : vector<512x1xf32>
    %rsqrt3A_1670 = math.rsqrt %add3A_1669 : vector<512x1xf32>
    %mul3A_1671 = vector.broadcast %rsqrt3A_1670 : vector<512x1xf32> to vector<512x256xf32>
    %mul3A_1672 = arith.mulf %sub3A_1666, %mul3A_1671 : vector<512x256xf32>
    %mul3A_1673 = vector.broadcast %get3A_1645 : vector<1x256xf32> to vector<512x256xf32>
    %mul3A_1674 = arith.mulf %mul3A_1672, %mul3A_1673 : vector<512x256xf32>
    %add3A_1675 = vector.broadcast %get3A_1648 : vector<1x256xf32> to vector<512x256xf32>
    %add3A_1676 = arith.addf %mul3A_1674, %add3A_1675 : vector<512x256xf32>
    %max3A_1677 = arith.constant 0.000000e+00 : f32
    %max3A_1678 = vector.broadcast %max3A_1677 : f32 to vector<512x256xf32>
    %max3A_1679 = arith.maximumf %add3A_1676, %max3A_1678 : vector<512x256xf32>
    %convert_element_type3A_1680 = arith.truncf %max3A_1679 : vector<512x256xf32> to vector<512x256xbf16>
    %get3A_1681 = arith.constant 0 : index
    %get3A_1682 = arith.constant 0 : index
    %get3A_1683 = arith.constant 0 : index
    %get3A_1684 = vector.load %arg6[%get3A_1681, %get3A_1682, %get3A_1683] : memref<3x256x256xbf16, #tpu.memory_space<vmem>>, vector<3x256x256xbf16>
    %get3A_1685 = arith.constant 0 : index
    %get3A_1686 = arith.constant 0 : index
    %get3A_1687 = vector.load %arg7[%get3A_1685, %get3A_1686] : memref<1x256xf32, #tpu.memory_space<vmem>>, vector<1x256xf32>
    %broadcast_in_dim3A_1688 = arith.constant 0.000000e+00 : bf16
    %broadcast_in_dim3A_1689 = vector.broadcast %broadcast_in_dim3A_1688 : bf16 to vector<1x256xbf16>
    %slice3A_1690 = vector.extract_strided_slice %convert_element_type3A_1680 {offsets = [0, 0], sizes = [511, 256], strides = [1, 1]} : vector<512x256xbf16> to vector<511x256xbf16>
    %concatenate3A_1691 = tpu.concatenate %broadcast_in_dim3A_1689, %slice3A_1690 in 0 : vector<1x256xbf16>, vector<511x256xbf16> -> vector<512x256xbf16>
    %slice3A_1692 = vector.extract_strided_slice %convert_element_type3A_1680 {offsets = [1, 0], sizes = [511, 256], strides = [1, 1]} : vector<512x256xbf16> to vector<511x256xbf16>
    %concatenate3A_1693 = tpu.concatenate %slice3A_1692, %broadcast_in_dim3A_1689 in 0 : vector<511x256xbf16>, vector<1x256xbf16> -> vector<512x256xbf16>
    %slice3A_1694 = vector.extract_strided_slice %get3A_1684 {offsets = [0, 0, 0], sizes = [1, 256, 256], strides = [1, 1, 1]} : vector<3x256x256xbf16> to vector<1x256x256xbf16>
    %squeeze3A_1695 = vector.shape_cast %slice3A_1694 : vector<1x256x256xbf16> to vector<256x256xbf16>
    %dot_general3A_1696 = arith.constant dense<0.000000e+00> : vector<512x256xf32>
    %dot_general3A_1697 = tpu.matmul %concatenate3A_1691, %squeeze3A_1695, %dot_general3A_1696 {dimension_numbers = #tpu.dot_dimension_numbers<[1], [0], [0], [1], [0, 0, 1, 1], [], []>, transpose_lhs_hint = false} : vector<512x256xbf16>, vector<256x256xbf16>, vector<512x256xf32> -> vector<512x256xf32>
    %slice3A_1698 = vector.extract_strided_slice %get3A_1684 {offsets = [1, 0, 0], sizes = [1, 256, 256], strides = [1, 1, 1]} : vector<3x256x256xbf16> to vector<1x256x256xbf16>
    %squeeze3A_1699 = vector.shape_cast %slice3A_1698 : vector<1x256x256xbf16> to vector<256x256xbf16>
    %dot_general3A_1700 = arith.constant dense<0.000000e+00> : vector<512x256xf32>
    %dot_general3A_1701 = tpu.matmul %convert_element_type3A_1680, %squeeze3A_1699, %dot_general3A_1700 {dimension_numbers = #tpu.dot_dimension_numbers<[1], [0], [0], [1], [0, 0, 1, 1], [], []>, transpose_lhs_hint = false} : vector<512x256xbf16>, vector<256x256xbf16>, vector<512x256xf32> -> vector<512x256xf32>
    %add3A_1702 = arith.addf %dot_general3A_1697, %dot_general3A_1701 : vector<512x256xf32>
    %slice3A_1703 = vector.extract_strided_slice %get3A_1684 {offsets = [2, 0, 0], sizes = [1, 256, 256], strides = [1, 1, 1]} : vector<3x256x256xbf16> to vector<1x256x256xbf16>
    %squeeze3A_1704 = vector.shape_cast %slice3A_1703 : vector<1x256x256xbf16> to vector<256x256xbf16>
    %dot_general3A_1705 = arith.constant dense<0.000000e+00> : vector<512x256xf32>
    %dot_general3A_1706 = tpu.matmul %concatenate3A_1693, %squeeze3A_1704, %dot_general3A_1705 {dimension_numbers = #tpu.dot_dimension_numbers<[1], [0], [0], [1], [0, 0, 1, 1], [], []>, transpose_lhs_hint = false} : vector<512x256xbf16>, vector<256x256xbf16>, vector<512x256xf32> -> vector<512x256xf32>
    %add3A_1707 = arith.addf %add3A_1702, %dot_general3A_1706 : vector<512x256xf32>
    %add3A_1708 = vector.broadcast %get3A_1687 : vector<1x256xf32> to vector<512x256xf32>
    %add3A_1709 = arith.addf %add3A_1707, %add3A_1708 : vector<512x256xf32>
    %get3A_1710 = arith.constant 0 : index
    %get3A_1711 = arith.constant 0 : index
    %get3A_1712 = vector.load %arg8[%get3A_1710, %get3A_1711] : memref<1x256xf32, #tpu.memory_space<vmem>>, vector<1x256xf32>
    %get3A_1713 = arith.constant 0 : index
    %get3A_1714 = arith.constant 0 : index
    %get3A_1715 = vector.load %arg9[%get3A_1713, %get3A_1714] : memref<1x256xf32, #tpu.memory_space<vmem>>, vector<1x256xf32>
    %convert_element_type3A_1716 = arith.truncf %add3A_1709 : vector<512x256xf32> to vector<512x256xbf16>
    %dot_general3A_1717 = arith.constant dense<0.000000e+00> : vector<512x128xf32>
    %dot_general3A_1718 = tpu.matmul %convert_element_type3A_1716, %broadcast_in_dim3A_0, %dot_general3A_1717 {dimension_numbers = #tpu.dot_dimension_numbers<[1], [0], [0], [1], [0, 0, 1, 1], [], []>, transpose_lhs_hint = false} : vector<512x256xbf16>, vector<256x128xbf16>, vector<512x128xf32> -> vector<512x128xf32>
    %slice3A_1719 = vector.extract_strided_slice %dot_general3A_1718 {offsets = [0, 0], sizes = [512, 1], strides = [1, 1]} : vector<512x128xf32> to vector<512x1xf32>
    %mul3A_1720 = arith.mulf %convert_element_type3A_1716, %convert_element_type3A_1716 : vector<512x256xbf16>
    %dot_general3A_1721 = arith.constant dense<0.000000e+00> : vector<512x128xf32>
    %dot_general3A_1722 = tpu.matmul %mul3A_1720, %broadcast_in_dim3A_0, %dot_general3A_1721 {dimension_numbers = #tpu.dot_dimension_numbers<[1], [0], [0], [1], [0, 0, 1, 1], [], []>, transpose_lhs_hint = false} : vector<512x256xbf16>, vector<256x128xbf16>, vector<512x128xf32> -> vector<512x128xf32>
    %slice3A_1723 = vector.extract_strided_slice %dot_general3A_1722 {offsets = [0, 0], sizes = [512, 1], strides = [1, 1]} : vector<512x128xf32> to vector<512x1xf32>
    %mul3A_1724 = arith.constant 3.906250e-03 : f32
    %mul3A_1725 = vector.broadcast %mul3A_1724 : f32 to vector<512x1xf32>
    %mul3A_1726 = arith.mulf %slice3A_1719, %mul3A_1725 : vector<512x1xf32>
    %mul3A_1727 = arith.constant 3.906250e-03 : f32
    %mul3A_1728 = vector.broadcast %mul3A_1727 : f32 to vector<512x1xf32>
    %mul3A_1729 = arith.mulf %slice3A_1723, %mul3A_1728 : vector<512x1xf32>
    %mul3A_1730 = arith.mulf %mul3A_1726, %mul3A_1726 : vector<512x1xf32>
    %sub3A_1731 = arith.subf %mul3A_1729, %mul3A_1730 : vector<512x1xf32>
    %sub3A_1732 = vector.broadcast %mul3A_1726 : vector<512x1xf32> to vector<512x256xf32>
    %sub3A_1733 = arith.subf %add3A_1709, %sub3A_1732 : vector<512x256xf32>
    %add3A_1734 = arith.constant 9.99999974E-6 : f32
    %add3A_1735 = vector.broadcast %add3A_1734 : f32 to vector<512x1xf32>
    %add3A_1736 = arith.addf %sub3A_1731, %add3A_1735 : vector<512x1xf32>
    %rsqrt3A_1737 = math.rsqrt %add3A_1736 : vector<512x1xf32>
    %mul3A_1738 = vector.broadcast %rsqrt3A_1737 : vector<512x1xf32> to vector<512x256xf32>
    %mul3A_1739 = arith.mulf %sub3A_1733, %mul3A_1738 : vector<512x256xf32>
    %mul3A_1740 = vector.broadcast %get3A_1712 : vector<1x256xf32> to vector<512x256xf32>
    %mul3A_1741 = arith.mulf %mul3A_1739, %mul3A_1740 : vector<512x256xf32>
    %add3A_1742 = vector.broadcast %get3A_1715 : vector<1x256xf32> to vector<512x256xf32>
    %add3A_1743 = arith.addf %mul3A_1741, %add3A_1742 : vector<512x256xf32>
    %max3A_1744 = arith.constant 0.000000e+00 : f32
    %max3A_1745 = vector.broadcast %max3A_1744 : f32 to vector<512x256xf32>
    %max3A_1746 = arith.maximumf %add3A_1743, %max3A_1745 : vector<512x256xf32>
    %convert_element_type3A_1747 = arith.truncf %max3A_1746 : vector<512x256xf32> to vector<512x256xbf16>
    %get3A_1748 = arith.constant 0 : index
    %get3A_1749 = arith.constant 0 : index
    %get3A_1750 = vector.load %arg10[%get3A_1748, %get3A_1749] : memref<256x128xbf16, #tpu.memory_space<vmem>>, vector<256x128xbf16>
    %dot_general3A_1751 = arith.constant dense<0.000000e+00> : vector<512x128xf32>
    %dot_general3A_1752 = tpu.matmul %convert_element_type3A_1747, %get3A_1750, %dot_general3A_1751 {dimension_numbers = #tpu.dot_dimension_numbers<[1], [0], [0], [1], [0, 0, 1, 1], [], []>, transpose_lhs_hint = false} : vector<512x256xbf16>, vector<256x128xbf16>, vector<512x128xf32> -> vector<512x128xf32>
    %slice3A_1753 = vector.extract_strided_slice %dot_general3A_1752 {offsets = [0, 0], sizes = [512, 1], strides = [1, 1]} : vector<512x128xf32> to vector<512x1xf32>
    %get3A_1754 = arith.constant 0 : index
    %get3A_1755 = arith.constant 0 : index
    %get3A_1756 = vector.load %arg11[%get3A_1754, %get3A_1755] : memref<1x1xf32, #tpu.memory_space<vmem>>, vector<1x1xf32>
    %get3A_1757 = vector.extract %get3A_1756[0, 0] : f32 from vector<1x1xf32>
    %add3A_1758 = vector.broadcast %get3A_1757 : f32 to vector<512x1xf32>
    %add3A_1759 = arith.addf %slice3A_1753, %add3A_1758 : vector<512x1xf32>
    %max3A_1760 = arith.constant 0.000000e+00 : f32
    %max3A_1761 = vector.broadcast %max3A_1760 : f32 to vector<512x1xf32>
    %max3A_1762 = arith.maximumf %add3A_1759, %max3A_1761 : vector<512x1xf32>
    %reshape3A_1763 = vector.shape_cast %max3A_1762 : vector<512x1xf32> to vector<1x512xf32>
    %swap3A_1764 = arith.constant 10 : index
    %swap3A_1765 = arith.constant 0 : index
    %swap3A_1766 = arith.constant 0 : index
    %swap3A_1767 = vector.load %arg12[%swap3A_1764, %swap3A_1765, %swap3A_1766] : memref<16x1x512xf32, #tpu.memory_space<vmem>>, vector<1x1x512xf32>
    %swap3A_1768 = vector.shape_cast %swap3A_1767 : vector<1x1x512xf32> to vector<1x512xf32>
    %swap3A_1769 = vector.shape_cast %reshape3A_1763 : vector<1x512xf32> to vector<1x1x512xf32>
    tpu.vector_store %arg12[%swap3A_1764, %swap3A_1765, %swap3A_1766], %swap3A_1769 {strides = array<i32>} : memref<16x1x512xf32, #tpu.memory_space<vmem>>, vector<1x1x512xf32>,
    %get3A_1770 = arith.constant 11 : index
    %get3A_1771 = arith.constant 0 : index
    %get3A_1772 = arith.constant 0 : index
    %get3A_1773 = vector.load %arg1[%get3A_1770, %get3A_1771, %get3A_1772] : memref<16x512x256xf32, #tpu.memory_space<vmem>>, vector<1x512x256xf32>
    %get3A_1774 = vector.shape_cast %get3A_1773 : vector<1x512x256xf32> to vector<512x256xf32>
    %convert_element_type3A_1775 = arith.truncf %get3A_1774 : vector<512x256xf32> to vector<512x256xbf16>
    %get3A_1776 = arith.constant 0 : index
    %get3A_1777 = arith.constant 0 : index
    %get3A_1778 = arith.constant 0 : index
    %get3A_1779 = vector.load %arg2[%get3A_1776, %get3A_1777, %get3A_1778] : memref<3x256x256xbf16, #tpu.memory_space<vmem>>, vector<3x256x256xbf16>
    %get3A_1780 = arith.constant 0 : index
    %get3A_1781 = arith.constant 0 : index
    %get3A_1782 = vector.load %arg3[%get3A_1780, %get3A_1781] : memref<1x256xf32, #tpu.memory_space<vmem>>, vector<1x256xf32>
    %broadcast_in_dim3A_1783 = arith.constant 0.000000e+00 : bf16
    %broadcast_in_dim3A_1784 = vector.broadcast %broadcast_in_dim3A_1783 : bf16 to vector<1x256xbf16>
    %slice3A_1785 = vector.extract_strided_slice %convert_element_type3A_1775 {offsets = [0, 0], sizes = [511, 256], strides = [1, 1]} : vector<512x256xbf16> to vector<511x256xbf16>
    %concatenate3A_1786 = tpu.concatenate %broadcast_in_dim3A_1784, %slice3A_1785 in 0 : vector<1x256xbf16>, vector<511x256xbf16> -> vector<512x256xbf16>
    %slice3A_1787 = vector.extract_strided_slice %convert_element_type3A_1775 {offsets = [1, 0], sizes = [511, 256], strides = [1, 1]} : vector<512x256xbf16> to vector<511x256xbf16>
    %concatenate3A_1788 = tpu.concatenate %slice3A_1787, %broadcast_in_dim3A_1784 in 0 : vector<511x256xbf16>, vector<1x256xbf16> -> vector<512x256xbf16>
    %slice3A_1789 = vector.extract_strided_slice %get3A_1779 {offsets = [0, 0, 0], sizes = [1, 256, 256], strides = [1, 1, 1]} : vector<3x256x256xbf16> to vector<1x256x256xbf16>
    %squeeze3A_1790 = vector.shape_cast %slice3A_1789 : vector<1x256x256xbf16> to vector<256x256xbf16>
    %dot_general3A_1791 = arith.constant dense<0.000000e+00> : vector<512x256xf32>
    %dot_general3A_1792 = tpu.matmul %concatenate3A_1786, %squeeze3A_1790, %dot_general3A_1791 {dimension_numbers = #tpu.dot_dimension_numbers<[1], [0], [0], [1], [0, 0, 1, 1], [], []>, transpose_lhs_hint = false} : vector<512x256xbf16>, vector<256x256xbf16>, vector<512x256xf32> -> vector<512x256xf32>
    %slice3A_1793 = vector.extract_strided_slice %get3A_1779 {offsets = [1, 0, 0], sizes = [1, 256, 256], strides = [1, 1, 1]} : vector<3x256x256xbf16> to vector<1x256x256xbf16>
    %squeeze3A_1794 = vector.shape_cast %slice3A_1793 : vector<1x256x256xbf16> to vector<256x256xbf16>
    %dot_general3A_1795 = arith.constant dense<0.000000e+00> : vector<512x256xf32>
    %dot_general3A_1796 = tpu.matmul %convert_element_type3A_1775, %squeeze3A_1794, %dot_general3A_1795 {dimension_numbers = #tpu.dot_dimension_numbers<[1], [0], [0], [1], [0, 0, 1, 1], [], []>, transpose_lhs_hint = false} : vector<512x256xbf16>, vector<256x256xbf16>, vector<512x256xf32> -> vector<512x256xf32>
    %add3A_1797 = arith.addf %dot_general3A_1792, %dot_general3A_1796 : vector<512x256xf32>
    %slice3A_1798 = vector.extract_strided_slice %get3A_1779 {offsets = [2, 0, 0], sizes = [1, 256, 256], strides = [1, 1, 1]} : vector<3x256x256xbf16> to vector<1x256x256xbf16>
    %squeeze3A_1799 = vector.shape_cast %slice3A_1798 : vector<1x256x256xbf16> to vector<256x256xbf16>
    %dot_general3A_1800 = arith.constant dense<0.000000e+00> : vector<512x256xf32>
    %dot_general3A_1801 = tpu.matmul %concatenate3A_1788, %squeeze3A_1799, %dot_general3A_1800 {dimension_numbers = #tpu.dot_dimension_numbers<[1], [0], [0], [1], [0, 0, 1, 1], [], []>, transpose_lhs_hint = false} : vector<512x256xbf16>, vector<256x256xbf16>, vector<512x256xf32> -> vector<512x256xf32>
    %add3A_1802 = arith.addf %add3A_1797, %dot_general3A_1801 : vector<512x256xf32>
    %add3A_1803 = vector.broadcast %get3A_1782 : vector<1x256xf32> to vector<512x256xf32>
    %add3A_1804 = arith.addf %add3A_1802, %add3A_1803 : vector<512x256xf32>
    %get3A_1805 = arith.constant 0 : index
    %get3A_1806 = arith.constant 0 : index
    %get3A_1807 = vector.load %arg4[%get3A_1805, %get3A_1806] : memref<1x256xf32, #tpu.memory_space<vmem>>, vector<1x256xf32>
    %get3A_1808 = arith.constant 0 : index
    %get3A_1809 = arith.constant 0 : index
    %get3A_1810 = vector.load %arg5[%get3A_1808, %get3A_1809] : memref<1x256xf32, #tpu.memory_space<vmem>>, vector<1x256xf32>
    %convert_element_type3A_1811 = arith.truncf %add3A_1804 : vector<512x256xf32> to vector<512x256xbf16>
    %dot_general3A_1812 = arith.constant dense<0.000000e+00> : vector<512x128xf32>
    %dot_general3A_1813 = tpu.matmul %convert_element_type3A_1811, %broadcast_in_dim3A_0, %dot_general3A_1812 {dimension_numbers = #tpu.dot_dimension_numbers<[1], [0], [0], [1], [0, 0, 1, 1], [], []>, transpose_lhs_hint = false} : vector<512x256xbf16>, vector<256x128xbf16>, vector<512x128xf32> -> vector<512x128xf32>
    %slice3A_1814 = vector.extract_strided_slice %dot_general3A_1813 {offsets = [0, 0], sizes = [512, 1], strides = [1, 1]} : vector<512x128xf32> to vector<512x1xf32>
    %mul3A_1815 = arith.mulf %convert_element_type3A_1811, %convert_element_type3A_1811 : vector<512x256xbf16>
    %dot_general3A_1816 = arith.constant dense<0.000000e+00> : vector<512x128xf32>
    %dot_general3A_1817 = tpu.matmul %mul3A_1815, %broadcast_in_dim3A_0, %dot_general3A_1816 {dimension_numbers = #tpu.dot_dimension_numbers<[1], [0], [0], [1], [0, 0, 1, 1], [], []>, transpose_lhs_hint = false} : vector<512x256xbf16>, vector<256x128xbf16>, vector<512x128xf32> -> vector<512x128xf32>
    %slice3A_1818 = vector.extract_strided_slice %dot_general3A_1817 {offsets = [0, 0], sizes = [512, 1], strides = [1, 1]} : vector<512x128xf32> to vector<512x1xf32>
    %mul3A_1819 = arith.constant 3.906250e-03 : f32
    %mul3A_1820 = vector.broadcast %mul3A_1819 : f32 to vector<512x1xf32>
    %mul3A_1821 = arith.mulf %slice3A_1814, %mul3A_1820 : vector<512x1xf32>
    %mul3A_1822 = arith.constant 3.906250e-03 : f32
    %mul3A_1823 = vector.broadcast %mul3A_1822 : f32 to vector<512x1xf32>
    %mul3A_1824 = arith.mulf %slice3A_1818, %mul3A_1823 : vector<512x1xf32>
    %mul3A_1825 = arith.mulf %mul3A_1821, %mul3A_1821 : vector<512x1xf32>
    %sub3A_1826 = arith.subf %mul3A_1824, %mul3A_1825 : vector<512x1xf32>
    %sub3A_1827 = vector.broadcast %mul3A_1821 : vector<512x1xf32> to vector<512x256xf32>
    %sub3A_1828 = arith.subf %add3A_1804, %sub3A_1827 : vector<512x256xf32>
    %add3A_1829 = arith.constant 9.99999974E-6 : f32
    %add3A_1830 = vector.broadcast %add3A_1829 : f32 to vector<512x1xf32>
    %add3A_1831 = arith.addf %sub3A_1826, %add3A_1830 : vector<512x1xf32>
    %rsqrt3A_1832 = math.rsqrt %add3A_1831 : vector<512x1xf32>
    %mul3A_1833 = vector.broadcast %rsqrt3A_1832 : vector<512x1xf32> to vector<512x256xf32>
    %mul3A_1834 = arith.mulf %sub3A_1828, %mul3A_1833 : vector<512x256xf32>
    %mul3A_1835 = vector.broadcast %get3A_1807 : vector<1x256xf32> to vector<512x256xf32>
    %mul3A_1836 = arith.mulf %mul3A_1834, %mul3A_1835 : vector<512x256xf32>
    %add3A_1837 = vector.broadcast %get3A_1810 : vector<1x256xf32> to vector<512x256xf32>
    %add3A_1838 = arith.addf %mul3A_1836, %add3A_1837 : vector<512x256xf32>
    %max3A_1839 = arith.constant 0.000000e+00 : f32
    %max3A_1840 = vector.broadcast %max3A_1839 : f32 to vector<512x256xf32>
    %max3A_1841 = arith.maximumf %add3A_1838, %max3A_1840 : vector<512x256xf32>
    %convert_element_type3A_1842 = arith.truncf %max3A_1841 : vector<512x256xf32> to vector<512x256xbf16>
    %get3A_1843 = arith.constant 0 : index
    %get3A_1844 = arith.constant 0 : index
    %get3A_1845 = arith.constant 0 : index
    %get3A_1846 = vector.load %arg6[%get3A_1843, %get3A_1844, %get3A_1845] : memref<3x256x256xbf16, #tpu.memory_space<vmem>>, vector<3x256x256xbf16>
    %get3A_1847 = arith.constant 0 : index
    %get3A_1848 = arith.constant 0 : index
    %get3A_1849 = vector.load %arg7[%get3A_1847, %get3A_1848] : memref<1x256xf32, #tpu.memory_space<vmem>>, vector<1x256xf32>
    %broadcast_in_dim3A_1850 = arith.constant 0.000000e+00 : bf16
    %broadcast_in_dim3A_1851 = vector.broadcast %broadcast_in_dim3A_1850 : bf16 to vector<1x256xbf16>
    %slice3A_1852 = vector.extract_strided_slice %convert_element_type3A_1842 {offsets = [0, 0], sizes = [511, 256], strides = [1, 1]} : vector<512x256xbf16> to vector<511x256xbf16>
    %concatenate3A_1853 = tpu.concatenate %broadcast_in_dim3A_1851, %slice3A_1852 in 0 : vector<1x256xbf16>, vector<511x256xbf16> -> vector<512x256xbf16>
    %slice3A_1854 = vector.extract_strided_slice %convert_element_type3A_1842 {offsets = [1, 0], sizes = [511, 256], strides = [1, 1]} : vector<512x256xbf16> to vector<511x256xbf16>
    %concatenate3A_1855 = tpu.concatenate %slice3A_1854, %broadcast_in_dim3A_1851 in 0 : vector<511x256xbf16>, vector<1x256xbf16> -> vector<512x256xbf16>
    %slice3A_1856 = vector.extract_strided_slice %get3A_1846 {offsets = [0, 0, 0], sizes = [1, 256, 256], strides = [1, 1, 1]} : vector<3x256x256xbf16> to vector<1x256x256xbf16>
    %squeeze3A_1857 = vector.shape_cast %slice3A_1856 : vector<1x256x256xbf16> to vector<256x256xbf16>
    %dot_general3A_1858 = arith.constant dense<0.000000e+00> : vector<512x256xf32>
    %dot_general3A_1859 = tpu.matmul %concatenate3A_1853, %squeeze3A_1857, %dot_general3A_1858 {dimension_numbers = #tpu.dot_dimension_numbers<[1], [0], [0], [1], [0, 0, 1, 1], [], []>, transpose_lhs_hint = false} : vector<512x256xbf16>, vector<256x256xbf16>, vector<512x256xf32> -> vector<512x256xf32>
    %slice3A_1860 = vector.extract_strided_slice %get3A_1846 {offsets = [1, 0, 0], sizes = [1, 256, 256], strides = [1, 1, 1]} : vector<3x256x256xbf16> to vector<1x256x256xbf16>
    %squeeze3A_1861 = vector.shape_cast %slice3A_1860 : vector<1x256x256xbf16> to vector<256x256xbf16>
    %dot_general3A_1862 = arith.constant dense<0.000000e+00> : vector<512x256xf32>
    %dot_general3A_1863 = tpu.matmul %convert_element_type3A_1842, %squeeze3A_1861, %dot_general3A_1862 {dimension_numbers = #tpu.dot_dimension_numbers<[1], [0], [0], [1], [0, 0, 1, 1], [], []>, transpose_lhs_hint = false} : vector<512x256xbf16>, vector<256x256xbf16>, vector<512x256xf32> -> vector<512x256xf32>
    %add3A_1864 = arith.addf %dot_general3A_1859, %dot_general3A_1863 : vector<512x256xf32>
    %slice3A_1865 = vector.extract_strided_slice %get3A_1846 {offsets = [2, 0, 0], sizes = [1, 256, 256], strides = [1, 1, 1]} : vector<3x256x256xbf16> to vector<1x256x256xbf16>
    %squeeze3A_1866 = vector.shape_cast %slice3A_1865 : vector<1x256x256xbf16> to vector<256x256xbf16>
    %dot_general3A_1867 = arith.constant dense<0.000000e+00> : vector<512x256xf32>
    %dot_general3A_1868 = tpu.matmul %concatenate3A_1855, %squeeze3A_1866, %dot_general3A_1867 {dimension_numbers = #tpu.dot_dimension_numbers<[1], [0], [0], [1], [0, 0, 1, 1], [], []>, transpose_lhs_hint = false} : vector<512x256xbf16>, vector<256x256xbf16>, vector<512x256xf32> -> vector<512x256xf32>
    %add3A_1869 = arith.addf %add3A_1864, %dot_general3A_1868 : vector<512x256xf32>
    %add3A_1870 = vector.broadcast %get3A_1849 : vector<1x256xf32> to vector<512x256xf32>
    %add3A_1871 = arith.addf %add3A_1869, %add3A_1870 : vector<512x256xf32>
    %get3A_1872 = arith.constant 0 : index
    %get3A_1873 = arith.constant 0 : index
    %get3A_1874 = vector.load %arg8[%get3A_1872, %get3A_1873] : memref<1x256xf32, #tpu.memory_space<vmem>>, vector<1x256xf32>
    %get3A_1875 = arith.constant 0 : index
    %get3A_1876 = arith.constant 0 : index
    %get3A_1877 = vector.load %arg9[%get3A_1875, %get3A_1876] : memref<1x256xf32, #tpu.memory_space<vmem>>, vector<1x256xf32>
    %convert_element_type3A_1878 = arith.truncf %add3A_1871 : vector<512x256xf32> to vector<512x256xbf16>
    %dot_general3A_1879 = arith.constant dense<0.000000e+00> : vector<512x128xf32>
    %dot_general3A_1880 = tpu.matmul %convert_element_type3A_1878, %broadcast_in_dim3A_0, %dot_general3A_1879 {dimension_numbers = #tpu.dot_dimension_numbers<[1], [0], [0], [1], [0, 0, 1, 1], [], []>, transpose_lhs_hint = false} : vector<512x256xbf16>, vector<256x128xbf16>, vector<512x128xf32> -> vector<512x128xf32>
    %slice3A_1881 = vector.extract_strided_slice %dot_general3A_1880 {offsets = [0, 0], sizes = [512, 1], strides = [1, 1]} : vector<512x128xf32> to vector<512x1xf32>
    %mul3A_1882 = arith.mulf %convert_element_type3A_1878, %convert_element_type3A_1878 : vector<512x256xbf16>
    %dot_general3A_1883 = arith.constant dense<0.000000e+00> : vector<512x128xf32>
    %dot_general3A_1884 = tpu.matmul %mul3A_1882, %broadcast_in_dim3A_0, %dot_general3A_1883 {dimension_numbers = #tpu.dot_dimension_numbers<[1], [0], [0], [1], [0, 0, 1, 1], [], []>, transpose_lhs_hint = false} : vector<512x256xbf16>, vector<256x128xbf16>, vector<512x128xf32> -> vector<512x128xf32>
    %slice3A_1885 = vector.extract_strided_slice %dot_general3A_1884 {offsets = [0, 0], sizes = [512, 1], strides = [1, 1]} : vector<512x128xf32> to vector<512x1xf32>
    %mul3A_1886 = arith.constant 3.906250e-03 : f32
    %mul3A_1887 = vector.broadcast %mul3A_1886 : f32 to vector<512x1xf32>
    %mul3A_1888 = arith.mulf %slice3A_1881, %mul3A_1887 : vector<512x1xf32>
    %mul3A_1889 = arith.constant 3.906250e-03 : f32
    %mul3A_1890 = vector.broadcast %mul3A_1889 : f32 to vector<512x1xf32>
    %mul3A_1891 = arith.mulf %slice3A_1885, %mul3A_1890 : vector<512x1xf32>
    %mul3A_1892 = arith.mulf %mul3A_1888, %mul3A_1888 : vector<512x1xf32>
    %sub3A_1893 = arith.subf %mul3A_1891, %mul3A_1892 : vector<512x1xf32>
    %sub3A_1894 = vector.broadcast %mul3A_1888 : vector<512x1xf32> to vector<512x256xf32>
    %sub3A_1895 = arith.subf %add3A_1871, %sub3A_1894 : vector<512x256xf32>
    %add3A_1896 = arith.constant 9.99999974E-6 : f32
    %add3A_1897 = vector.broadcast %add3A_1896 : f32 to vector<512x1xf32>
    %add3A_1898 = arith.addf %sub3A_1893, %add3A_1897 : vector<512x1xf32>
    %rsqrt3A_1899 = math.rsqrt %add3A_1898 : vector<512x1xf32>
    %mul3A_1900 = vector.broadcast %rsqrt3A_1899 : vector<512x1xf32> to vector<512x256xf32>
    %mul3A_1901 = arith.mulf %sub3A_1895, %mul3A_1900 : vector<512x256xf32>
    %mul3A_1902 = vector.broadcast %get3A_1874 : vector<1x256xf32> to vector<512x256xf32>
    %mul3A_1903 = arith.mulf %mul3A_1901, %mul3A_1902 : vector<512x256xf32>
    %add3A_1904 = vector.broadcast %get3A_1877 : vector<1x256xf32> to vector<512x256xf32>
    %add3A_1905 = arith.addf %mul3A_1903, %add3A_1904 : vector<512x256xf32>
    %max3A_1906 = arith.constant 0.000000e+00 : f32
    %max3A_1907 = vector.broadcast %max3A_1906 : f32 to vector<512x256xf32>
    %max3A_1908 = arith.maximumf %add3A_1905, %max3A_1907 : vector<512x256xf32>
    %convert_element_type3A_1909 = arith.truncf %max3A_1908 : vector<512x256xf32> to vector<512x256xbf16>
    %get3A_1910 = arith.constant 0 : index
    %get3A_1911 = arith.constant 0 : index
    %get3A_1912 = vector.load %arg10[%get3A_1910, %get3A_1911] : memref<256x128xbf16, #tpu.memory_space<vmem>>, vector<256x128xbf16>
    %dot_general3A_1913 = arith.constant dense<0.000000e+00> : vector<512x128xf32>
    %dot_general3A_1914 = tpu.matmul %convert_element_type3A_1909, %get3A_1912, %dot_general3A_1913 {dimension_numbers = #tpu.dot_dimension_numbers<[1], [0], [0], [1], [0, 0, 1, 1], [], []>, transpose_lhs_hint = false} : vector<512x256xbf16>, vector<256x128xbf16>, vector<512x128xf32> -> vector<512x128xf32>
    %slice3A_1915 = vector.extract_strided_slice %dot_general3A_1914 {offsets = [0, 0], sizes = [512, 1], strides = [1, 1]} : vector<512x128xf32> to vector<512x1xf32>
    %get3A_1916 = arith.constant 0 : index
    %get3A_1917 = arith.constant 0 : index
    %get3A_1918 = vector.load %arg11[%get3A_1916, %get3A_1917] : memref<1x1xf32, #tpu.memory_space<vmem>>, vector<1x1xf32>
    %get3A_1919 = vector.extract %get3A_1918[0, 0] : f32 from vector<1x1xf32>
    %add3A_1920 = vector.broadcast %get3A_1919 : f32 to vector<512x1xf32>
    %add3A_1921 = arith.addf %slice3A_1915, %add3A_1920 : vector<512x1xf32>
    %max3A_1922 = arith.constant 0.000000e+00 : f32
    %max3A_1923 = vector.broadcast %max3A_1922 : f32 to vector<512x1xf32>
    %max3A_1924 = arith.maximumf %add3A_1921, %max3A_1923 : vector<512x1xf32>
    %reshape3A_1925 = vector.shape_cast %max3A_1924 : vector<512x1xf32> to vector<1x512xf32>
    %swap3A_1926 = arith.constant 11 : index
    %swap3A_1927 = arith.constant 0 : index
    %swap3A_1928 = arith.constant 0 : index
    %swap3A_1929 = vector.load %arg12[%swap3A_1926, %swap3A_1927, %swap3A_1928] : memref<16x1x512xf32, #tpu.memory_space<vmem>>, vector<1x1x512xf32>
    %swap3A_1930 = vector.shape_cast %swap3A_1929 : vector<1x1x512xf32> to vector<1x512xf32>
    %swap3A_1931 = vector.shape_cast %reshape3A_1925 : vector<1x512xf32> to vector<1x1x512xf32>
    tpu.vector_store %arg12[%swap3A_1926, %swap3A_1927, %swap3A_1928], %swap3A_1931 {strides = array<i32>} : memref<16x1x512xf32, #tpu.memory_space<vmem>>, vector<1x1x512xf32>,
    %get3A_1932 = arith.constant 12 : index
    %get3A_1933 = arith.constant 0 : index
    %get3A_1934 = arith.constant 0 : index
    %get3A_1935 = vector.load %arg1[%get3A_1932, %get3A_1933, %get3A_1934] : memref<16x512x256xf32, #tpu.memory_space<vmem>>, vector<1x512x256xf32>
    %get3A_1936 = vector.shape_cast %get3A_1935 : vector<1x512x256xf32> to vector<512x256xf32>
    %convert_element_type3A_1937 = arith.truncf %get3A_1936 : vector<512x256xf32> to vector<512x256xbf16>
    %get3A_1938 = arith.constant 0 : index
    %get3A_1939 = arith.constant 0 : index
    %get3A_1940 = arith.constant 0 : index
    %get3A_1941 = vector.load %arg2[%get3A_1938, %get3A_1939, %get3A_1940] : memref<3x256x256xbf16, #tpu.memory_space<vmem>>, vector<3x256x256xbf16>
    %get3A_1942 = arith.constant 0 : index
    %get3A_1943 = arith.constant 0 : index
    %get3A_1944 = vector.load %arg3[%get3A_1942, %get3A_1943] : memref<1x256xf32, #tpu.memory_space<vmem>>, vector<1x256xf32>
    %broadcast_in_dim3A_1945 = arith.constant 0.000000e+00 : bf16
    %broadcast_in_dim3A_1946 = vector.broadcast %broadcast_in_dim3A_1945 : bf16 to vector<1x256xbf16>
    %slice3A_1947 = vector.extract_strided_slice %convert_element_type3A_1937 {offsets = [0, 0], sizes = [511, 256], strides = [1, 1]} : vector<512x256xbf16> to vector<511x256xbf16>
    %concatenate3A_1948 = tpu.concatenate %broadcast_in_dim3A_1946, %slice3A_1947 in 0 : vector<1x256xbf16>, vector<511x256xbf16> -> vector<512x256xbf16>
    %slice3A_1949 = vector.extract_strided_slice %convert_element_type3A_1937 {offsets = [1, 0], sizes = [511, 256], strides = [1, 1]} : vector<512x256xbf16> to vector<511x256xbf16>
    %concatenate3A_1950 = tpu.concatenate %slice3A_1949, %broadcast_in_dim3A_1946 in 0 : vector<511x256xbf16>, vector<1x256xbf16> -> vector<512x256xbf16>
    %slice3A_1951 = vector.extract_strided_slice %get3A_1941 {offsets = [0, 0, 0], sizes = [1, 256, 256], strides = [1, 1, 1]} : vector<3x256x256xbf16> to vector<1x256x256xbf16>
    %squeeze3A_1952 = vector.shape_cast %slice3A_1951 : vector<1x256x256xbf16> to vector<256x256xbf16>
    %dot_general3A_1953 = arith.constant dense<0.000000e+00> : vector<512x256xf32>
    %dot_general3A_1954 = tpu.matmul %concatenate3A_1948, %squeeze3A_1952, %dot_general3A_1953 {dimension_numbers = #tpu.dot_dimension_numbers<[1], [0], [0], [1], [0, 0, 1, 1], [], []>, transpose_lhs_hint = false} : vector<512x256xbf16>, vector<256x256xbf16>, vector<512x256xf32> -> vector<512x256xf32>
    %slice3A_1955 = vector.extract_strided_slice %get3A_1941 {offsets = [1, 0, 0], sizes = [1, 256, 256], strides = [1, 1, 1]} : vector<3x256x256xbf16> to vector<1x256x256xbf16>
    %squeeze3A_1956 = vector.shape_cast %slice3A_1955 : vector<1x256x256xbf16> to vector<256x256xbf16>
    %dot_general3A_1957 = arith.constant dense<0.000000e+00> : vector<512x256xf32>
    %dot_general3A_1958 = tpu.matmul %convert_element_type3A_1937, %squeeze3A_1956, %dot_general3A_1957 {dimension_numbers = #tpu.dot_dimension_numbers<[1], [0], [0], [1], [0, 0, 1, 1], [], []>, transpose_lhs_hint = false} : vector<512x256xbf16>, vector<256x256xbf16>, vector<512x256xf32> -> vector<512x256xf32>
    %add3A_1959 = arith.addf %dot_general3A_1954, %dot_general3A_1958 : vector<512x256xf32>
    %slice3A_1960 = vector.extract_strided_slice %get3A_1941 {offsets = [2, 0, 0], sizes = [1, 256, 256], strides = [1, 1, 1]} : vector<3x256x256xbf16> to vector<1x256x256xbf16>
    %squeeze3A_1961 = vector.shape_cast %slice3A_1960 : vector<1x256x256xbf16> to vector<256x256xbf16>
    %dot_general3A_1962 = arith.constant dense<0.000000e+00> : vector<512x256xf32>
    %dot_general3A_1963 = tpu.matmul %concatenate3A_1950, %squeeze3A_1961, %dot_general3A_1962 {dimension_numbers = #tpu.dot_dimension_numbers<[1], [0], [0], [1], [0, 0, 1, 1], [], []>, transpose_lhs_hint = false} : vector<512x256xbf16>, vector<256x256xbf16>, vector<512x256xf32> -> vector<512x256xf32>
    %add3A_1964 = arith.addf %add3A_1959, %dot_general3A_1963 : vector<512x256xf32>
    %add3A_1965 = vector.broadcast %get3A_1944 : vector<1x256xf32> to vector<512x256xf32>
    %add3A_1966 = arith.addf %add3A_1964, %add3A_1965 : vector<512x256xf32>
    %get3A_1967 = arith.constant 0 : index
    %get3A_1968 = arith.constant 0 : index
    %get3A_1969 = vector.load %arg4[%get3A_1967, %get3A_1968] : memref<1x256xf32, #tpu.memory_space<vmem>>, vector<1x256xf32>
    %get3A_1970 = arith.constant 0 : index
    %get3A_1971 = arith.constant 0 : index
    %get3A_1972 = vector.load %arg5[%get3A_1970, %get3A_1971] : memref<1x256xf32, #tpu.memory_space<vmem>>, vector<1x256xf32>
    %convert_element_type3A_1973 = arith.truncf %add3A_1966 : vector<512x256xf32> to vector<512x256xbf16>
    %dot_general3A_1974 = arith.constant dense<0.000000e+00> : vector<512x128xf32>
    %dot_general3A_1975 = tpu.matmul %convert_element_type3A_1973, %broadcast_in_dim3A_0, %dot_general3A_1974 {dimension_numbers = #tpu.dot_dimension_numbers<[1], [0], [0], [1], [0, 0, 1, 1], [], []>, transpose_lhs_hint = false} : vector<512x256xbf16>, vector<256x128xbf16>, vector<512x128xf32> -> vector<512x128xf32>
    %slice3A_1976 = vector.extract_strided_slice %dot_general3A_1975 {offsets = [0, 0], sizes = [512, 1], strides = [1, 1]} : vector<512x128xf32> to vector<512x1xf32>
    %mul3A_1977 = arith.mulf %convert_element_type3A_1973, %convert_element_type3A_1973 : vector<512x256xbf16>
    %dot_general3A_1978 = arith.constant dense<0.000000e+00> : vector<512x128xf32>
    %dot_general3A_1979 = tpu.matmul %mul3A_1977, %broadcast_in_dim3A_0, %dot_general3A_1978 {dimension_numbers = #tpu.dot_dimension_numbers<[1], [0], [0], [1], [0, 0, 1, 1], [], []>, transpose_lhs_hint = false} : vector<512x256xbf16>, vector<256x128xbf16>, vector<512x128xf32> -> vector<512x128xf32>
    %slice3A_1980 = vector.extract_strided_slice %dot_general3A_1979 {offsets = [0, 0], sizes = [512, 1], strides = [1, 1]} : vector<512x128xf32> to vector<512x1xf32>
    %mul3A_1981 = arith.constant 3.906250e-03 : f32
    %mul3A_1982 = vector.broadcast %mul3A_1981 : f32 to vector<512x1xf32>
    %mul3A_1983 = arith.mulf %slice3A_1976, %mul3A_1982 : vector<512x1xf32>
    %mul3A_1984 = arith.constant 3.906250e-03 : f32
    %mul3A_1985 = vector.broadcast %mul3A_1984 : f32 to vector<512x1xf32>
    %mul3A_1986 = arith.mulf %slice3A_1980, %mul3A_1985 : vector<512x1xf32>
    %mul3A_1987 = arith.mulf %mul3A_1983, %mul3A_1983 : vector<512x1xf32>
    %sub3A_1988 = arith.subf %mul3A_1986, %mul3A_1987 : vector<512x1xf32>
    %sub3A_1989 = vector.broadcast %mul3A_1983 : vector<512x1xf32> to vector<512x256xf32>
    %sub3A_1990 = arith.subf %add3A_1966, %sub3A_1989 : vector<512x256xf32>
    %add3A_1991 = arith.constant 9.99999974E-6 : f32
    %add3A_1992 = vector.broadcast %add3A_1991 : f32 to vector<512x1xf32>
    %add3A_1993 = arith.addf %sub3A_1988, %add3A_1992 : vector<512x1xf32>
    %rsqrt3A_1994 = math.rsqrt %add3A_1993 : vector<512x1xf32>
    %mul3A_1995 = vector.broadcast %rsqrt3A_1994 : vector<512x1xf32> to vector<512x256xf32>
    %mul3A_1996 = arith.mulf %sub3A_1990, %mul3A_1995 : vector<512x256xf32>
    %mul3A_1997 = vector.broadcast %get3A_1969 : vector<1x256xf32> to vector<512x256xf32>
    %mul3A_1998 = arith.mulf %mul3A_1996, %mul3A_1997 : vector<512x256xf32>
    %add3A_1999 = vector.broadcast %get3A_1972 : vector<1x256xf32> to vector<512x256xf32>
    %add3A_2000 = arith.addf %mul3A_1998, %add3A_1999 : vector<512x256xf32>
    %max3A_2001 = arith.constant 0.000000e+00 : f32
    %max3A_2002 = vector.broadcast %max3A_2001 : f32 to vector<512x256xf32>
    %max3A_2003 = arith.maximumf %add3A_2000, %max3A_2002 : vector<512x256xf32>
    %convert_element_type3A_2004 = arith.truncf %max3A_2003 : vector<512x256xf32> to vector<512x256xbf16>
    %get3A_2005 = arith.constant 0 : index
    %get3A_2006 = arith.constant 0 : index
    %get3A_2007 = arith.constant 0 : index
    %get3A_2008 = vector.load %arg6[%get3A_2005, %get3A_2006, %get3A_2007] : memref<3x256x256xbf16, #tpu.memory_space<vmem>>, vector<3x256x256xbf16>
    %get3A_2009 = arith.constant 0 : index
    %get3A_2010 = arith.constant 0 : index
    %get3A_2011 = vector.load %arg7[%get3A_2009, %get3A_2010] : memref<1x256xf32, #tpu.memory_space<vmem>>, vector<1x256xf32>
    %broadcast_in_dim3A_2012 = arith.constant 0.000000e+00 : bf16
    %broadcast_in_dim3A_2013 = vector.broadcast %broadcast_in_dim3A_2012 : bf16 to vector<1x256xbf16>
    %slice3A_2014 = vector.extract_strided_slice %convert_element_type3A_2004 {offsets = [0, 0], sizes = [511, 256], strides = [1, 1]} : vector<512x256xbf16> to vector<511x256xbf16>
    %concatenate3A_2015 = tpu.concatenate %broadcast_in_dim3A_2013, %slice3A_2014 in 0 : vector<1x256xbf16>, vector<511x256xbf16> -> vector<512x256xbf16>
    %slice3A_2016 = vector.extract_strided_slice %convert_element_type3A_2004 {offsets = [1, 0], sizes = [511, 256], strides = [1, 1]} : vector<512x256xbf16> to vector<511x256xbf16>
    %concatenate3A_2017 = tpu.concatenate %slice3A_2016, %broadcast_in_dim3A_2013 in 0 : vector<511x256xbf16>, vector<1x256xbf16> -> vector<512x256xbf16>
    %slice3A_2018 = vector.extract_strided_slice %get3A_2008 {offsets = [0, 0, 0], sizes = [1, 256, 256], strides = [1, 1, 1]} : vector<3x256x256xbf16> to vector<1x256x256xbf16>
    %squeeze3A_2019 = vector.shape_cast %slice3A_2018 : vector<1x256x256xbf16> to vector<256x256xbf16>
    %dot_general3A_2020 = arith.constant dense<0.000000e+00> : vector<512x256xf32>
    %dot_general3A_2021 = tpu.matmul %concatenate3A_2015, %squeeze3A_2019, %dot_general3A_2020 {dimension_numbers = #tpu.dot_dimension_numbers<[1], [0], [0], [1], [0, 0, 1, 1], [], []>, transpose_lhs_hint = false} : vector<512x256xbf16>, vector<256x256xbf16>, vector<512x256xf32> -> vector<512x256xf32>
    %slice3A_2022 = vector.extract_strided_slice %get3A_2008 {offsets = [1, 0, 0], sizes = [1, 256, 256], strides = [1, 1, 1]} : vector<3x256x256xbf16> to vector<1x256x256xbf16>
    %squeeze3A_2023 = vector.shape_cast %slice3A_2022 : vector<1x256x256xbf16> to vector<256x256xbf16>
    %dot_general3A_2024 = arith.constant dense<0.000000e+00> : vector<512x256xf32>
    %dot_general3A_2025 = tpu.matmul %convert_element_type3A_2004, %squeeze3A_2023, %dot_general3A_2024 {dimension_numbers = #tpu.dot_dimension_numbers<[1], [0], [0], [1], [0, 0, 1, 1], [], []>, transpose_lhs_hint = false} : vector<512x256xbf16>, vector<256x256xbf16>, vector<512x256xf32> -> vector<512x256xf32>
    %add3A_2026 = arith.addf %dot_general3A_2021, %dot_general3A_2025 : vector<512x256xf32>
    %slice3A_2027 = vector.extract_strided_slice %get3A_2008 {offsets = [2, 0, 0], sizes = [1, 256, 256], strides = [1, 1, 1]} : vector<3x256x256xbf16> to vector<1x256x256xbf16>
    %squeeze3A_2028 = vector.shape_cast %slice3A_2027 : vector<1x256x256xbf16> to vector<256x256xbf16>
    %dot_general3A_2029 = arith.constant dense<0.000000e+00> : vector<512x256xf32>
    %dot_general3A_2030 = tpu.matmul %concatenate3A_2017, %squeeze3A_2028, %dot_general3A_2029 {dimension_numbers = #tpu.dot_dimension_numbers<[1], [0], [0], [1], [0, 0, 1, 1], [], []>, transpose_lhs_hint = false} : vector<512x256xbf16>, vector<256x256xbf16>, vector<512x256xf32> -> vector<512x256xf32>
    %add3A_2031 = arith.addf %add3A_2026, %dot_general3A_2030 : vector<512x256xf32>
    %add3A_2032 = vector.broadcast %get3A_2011 : vector<1x256xf32> to vector<512x256xf32>
    %add3A_2033 = arith.addf %add3A_2031, %add3A_2032 : vector<512x256xf32>
    %get3A_2034 = arith.constant 0 : index
    %get3A_2035 = arith.constant 0 : index
    %get3A_2036 = vector.load %arg8[%get3A_2034, %get3A_2035] : memref<1x256xf32, #tpu.memory_space<vmem>>, vector<1x256xf32>
    %get3A_2037 = arith.constant 0 : index
    %get3A_2038 = arith.constant 0 : index
    %get3A_2039 = vector.load %arg9[%get3A_2037, %get3A_2038] : memref<1x256xf32, #tpu.memory_space<vmem>>, vector<1x256xf32>
    %convert_element_type3A_2040 = arith.truncf %add3A_2033 : vector<512x256xf32> to vector<512x256xbf16>
    %dot_general3A_2041 = arith.constant dense<0.000000e+00> : vector<512x128xf32>
    %dot_general3A_2042 = tpu.matmul %convert_element_type3A_2040, %broadcast_in_dim3A_0, %dot_general3A_2041 {dimension_numbers = #tpu.dot_dimension_numbers<[1], [0], [0], [1], [0, 0, 1, 1], [], []>, transpose_lhs_hint = false} : vector<512x256xbf16>, vector<256x128xbf16>, vector<512x128xf32> -> vector<512x128xf32>
    %slice3A_2043 = vector.extract_strided_slice %dot_general3A_2042 {offsets = [0, 0], sizes = [512, 1], strides = [1, 1]} : vector<512x128xf32> to vector<512x1xf32>
    %mul3A_2044 = arith.mulf %convert_element_type3A_2040, %convert_element_type3A_2040 : vector<512x256xbf16>
    %dot_general3A_2045 = arith.constant dense<0.000000e+00> : vector<512x128xf32>
    %dot_general3A_2046 = tpu.matmul %mul3A_2044, %broadcast_in_dim3A_0, %dot_general3A_2045 {dimension_numbers = #tpu.dot_dimension_numbers<[1], [0], [0], [1], [0, 0, 1, 1], [], []>, transpose_lhs_hint = false} : vector<512x256xbf16>, vector<256x128xbf16>, vector<512x128xf32> -> vector<512x128xf32>
    %slice3A_2047 = vector.extract_strided_slice %dot_general3A_2046 {offsets = [0, 0], sizes = [512, 1], strides = [1, 1]} : vector<512x128xf32> to vector<512x1xf32>
    %mul3A_2048 = arith.constant 3.906250e-03 : f32
    %mul3A_2049 = vector.broadcast %mul3A_2048 : f32 to vector<512x1xf32>
    %mul3A_2050 = arith.mulf %slice3A_2043, %mul3A_2049 : vector<512x1xf32>
    %mul3A_2051 = arith.constant 3.906250e-03 : f32
    %mul3A_2052 = vector.broadcast %mul3A_2051 : f32 to vector<512x1xf32>
    %mul3A_2053 = arith.mulf %slice3A_2047, %mul3A_2052 : vector<512x1xf32>
    %mul3A_2054 = arith.mulf %mul3A_2050, %mul3A_2050 : vector<512x1xf32>
    %sub3A_2055 = arith.subf %mul3A_2053, %mul3A_2054 : vector<512x1xf32>
    %sub3A_2056 = vector.broadcast %mul3A_2050 : vector<512x1xf32> to vector<512x256xf32>
    %sub3A_2057 = arith.subf %add3A_2033, %sub3A_2056 : vector<512x256xf32>
    %add3A_2058 = arith.constant 9.99999974E-6 : f32
    %add3A_2059 = vector.broadcast %add3A_2058 : f32 to vector<512x1xf32>
    %add3A_2060 = arith.addf %sub3A_2055, %add3A_2059 : vector<512x1xf32>
    %rsqrt3A_2061 = math.rsqrt %add3A_2060 : vector<512x1xf32>
    %mul3A_2062 = vector.broadcast %rsqrt3A_2061 : vector<512x1xf32> to vector<512x256xf32>
    %mul3A_2063 = arith.mulf %sub3A_2057, %mul3A_2062 : vector<512x256xf32>
    %mul3A_2064 = vector.broadcast %get3A_2036 : vector<1x256xf32> to vector<512x256xf32>
    %mul3A_2065 = arith.mulf %mul3A_2063, %mul3A_2064 : vector<512x256xf32>
    %add3A_2066 = vector.broadcast %get3A_2039 : vector<1x256xf32> to vector<512x256xf32>
    %add3A_2067 = arith.addf %mul3A_2065, %add3A_2066 : vector<512x256xf32>
    %max3A_2068 = arith.constant 0.000000e+00 : f32
    %max3A_2069 = vector.broadcast %max3A_2068 : f32 to vector<512x256xf32>
    %max3A_2070 = arith.maximumf %add3A_2067, %max3A_2069 : vector<512x256xf32>
    %convert_element_type3A_2071 = arith.truncf %max3A_2070 : vector<512x256xf32> to vector<512x256xbf16>
    %get3A_2072 = arith.constant 0 : index
    %get3A_2073 = arith.constant 0 : index
    %get3A_2074 = vector.load %arg10[%get3A_2072, %get3A_2073] : memref<256x128xbf16, #tpu.memory_space<vmem>>, vector<256x128xbf16>
    %dot_general3A_2075 = arith.constant dense<0.000000e+00> : vector<512x128xf32>
    %dot_general3A_2076 = tpu.matmul %convert_element_type3A_2071, %get3A_2074, %dot_general3A_2075 {dimension_numbers = #tpu.dot_dimension_numbers<[1], [0], [0], [1], [0, 0, 1, 1], [], []>, transpose_lhs_hint = false} : vector<512x256xbf16>, vector<256x128xbf16>, vector<512x128xf32> -> vector<512x128xf32>
    %slice3A_2077 = vector.extract_strided_slice %dot_general3A_2076 {offsets = [0, 0], sizes = [512, 1], strides = [1, 1]} : vector<512x128xf32> to vector<512x1xf32>
    %get3A_2078 = arith.constant 0 : index
    %get3A_2079 = arith.constant 0 : index
    %get3A_2080 = vector.load %arg11[%get3A_2078, %get3A_2079] : memref<1x1xf32, #tpu.memory_space<vmem>>, vector<1x1xf32>
    %get3A_2081 = vector.extract %get3A_2080[0, 0] : f32 from vector<1x1xf32>
    %add3A_2082 = vector.broadcast %get3A_2081 : f32 to vector<512x1xf32>
    %add3A_2083 = arith.addf %slice3A_2077, %add3A_2082 : vector<512x1xf32>
    %max3A_2084 = arith.constant 0.000000e+00 : f32
    %max3A_2085 = vector.broadcast %max3A_2084 : f32 to vector<512x1xf32>
    %max3A_2086 = arith.maximumf %add3A_2083, %max3A_2085 : vector<512x1xf32>
    %reshape3A_2087 = vector.shape_cast %max3A_2086 : vector<512x1xf32> to vector<1x512xf32>
    %swap3A_2088 = arith.constant 12 : index
    %swap3A_2089 = arith.constant 0 : index
    %swap3A_2090 = arith.constant 0 : index
    %swap3A_2091 = vector.load %arg12[%swap3A_2088, %swap3A_2089, %swap3A_2090] : memref<16x1x512xf32, #tpu.memory_space<vmem>>, vector<1x1x512xf32>
    %swap3A_2092 = vector.shape_cast %swap3A_2091 : vector<1x1x512xf32> to vector<1x512xf32>
    %swap3A_2093 = vector.shape_cast %reshape3A_2087 : vector<1x512xf32> to vector<1x1x512xf32>
    tpu.vector_store %arg12[%swap3A_2088, %swap3A_2089, %swap3A_2090], %swap3A_2093 {strides = array<i32>} : memref<16x1x512xf32, #tpu.memory_space<vmem>>, vector<1x1x512xf32>,
    %get3A_2094 = arith.constant 13 : index
    %get3A_2095 = arith.constant 0 : index
    %get3A_2096 = arith.constant 0 : index
    %get3A_2097 = vector.load %arg1[%get3A_2094, %get3A_2095, %get3A_2096] : memref<16x512x256xf32, #tpu.memory_space<vmem>>, vector<1x512x256xf32>
    %get3A_2098 = vector.shape_cast %get3A_2097 : vector<1x512x256xf32> to vector<512x256xf32>
    %convert_element_type3A_2099 = arith.truncf %get3A_2098 : vector<512x256xf32> to vector<512x256xbf16>
    %get3A_2100 = arith.constant 0 : index
    %get3A_2101 = arith.constant 0 : index
    %get3A_2102 = arith.constant 0 : index
    %get3A_2103 = vector.load %arg2[%get3A_2100, %get3A_2101, %get3A_2102] : memref<3x256x256xbf16, #tpu.memory_space<vmem>>, vector<3x256x256xbf16>
    %get3A_2104 = arith.constant 0 : index
    %get3A_2105 = arith.constant 0 : index
    %get3A_2106 = vector.load %arg3[%get3A_2104, %get3A_2105] : memref<1x256xf32, #tpu.memory_space<vmem>>, vector<1x256xf32>
    %broadcast_in_dim3A_2107 = arith.constant 0.000000e+00 : bf16
    %broadcast_in_dim3A_2108 = vector.broadcast %broadcast_in_dim3A_2107 : bf16 to vector<1x256xbf16>
    %slice3A_2109 = vector.extract_strided_slice %convert_element_type3A_2099 {offsets = [0, 0], sizes = [511, 256], strides = [1, 1]} : vector<512x256xbf16> to vector<511x256xbf16>
    %concatenate3A_2110 = tpu.concatenate %broadcast_in_dim3A_2108, %slice3A_2109 in 0 : vector<1x256xbf16>, vector<511x256xbf16> -> vector<512x256xbf16>
    %slice3A_2111 = vector.extract_strided_slice %convert_element_type3A_2099 {offsets = [1, 0], sizes = [511, 256], strides = [1, 1]} : vector<512x256xbf16> to vector<511x256xbf16>
    %concatenate3A_2112 = tpu.concatenate %slice3A_2111, %broadcast_in_dim3A_2108 in 0 : vector<511x256xbf16>, vector<1x256xbf16> -> vector<512x256xbf16>
    %slice3A_2113 = vector.extract_strided_slice %get3A_2103 {offsets = [0, 0, 0], sizes = [1, 256, 256], strides = [1, 1, 1]} : vector<3x256x256xbf16> to vector<1x256x256xbf16>
    %squeeze3A_2114 = vector.shape_cast %slice3A_2113 : vector<1x256x256xbf16> to vector<256x256xbf16>
    %dot_general3A_2115 = arith.constant dense<0.000000e+00> : vector<512x256xf32>
    %dot_general3A_2116 = tpu.matmul %concatenate3A_2110, %squeeze3A_2114, %dot_general3A_2115 {dimension_numbers = #tpu.dot_dimension_numbers<[1], [0], [0], [1], [0, 0, 1, 1], [], []>, transpose_lhs_hint = false} : vector<512x256xbf16>, vector<256x256xbf16>, vector<512x256xf32> -> vector<512x256xf32>
    %slice3A_2117 = vector.extract_strided_slice %get3A_2103 {offsets = [1, 0, 0], sizes = [1, 256, 256], strides = [1, 1, 1]} : vector<3x256x256xbf16> to vector<1x256x256xbf16>
    %squeeze3A_2118 = vector.shape_cast %slice3A_2117 : vector<1x256x256xbf16> to vector<256x256xbf16>
    %dot_general3A_2119 = arith.constant dense<0.000000e+00> : vector<512x256xf32>
    %dot_general3A_2120 = tpu.matmul %convert_element_type3A_2099, %squeeze3A_2118, %dot_general3A_2119 {dimension_numbers = #tpu.dot_dimension_numbers<[1], [0], [0], [1], [0, 0, 1, 1], [], []>, transpose_lhs_hint = false} : vector<512x256xbf16>, vector<256x256xbf16>, vector<512x256xf32> -> vector<512x256xf32>
    %add3A_2121 = arith.addf %dot_general3A_2116, %dot_general3A_2120 : vector<512x256xf32>
    %slice3A_2122 = vector.extract_strided_slice %get3A_2103 {offsets = [2, 0, 0], sizes = [1, 256, 256], strides = [1, 1, 1]} : vector<3x256x256xbf16> to vector<1x256x256xbf16>
    %squeeze3A_2123 = vector.shape_cast %slice3A_2122 : vector<1x256x256xbf16> to vector<256x256xbf16>
    %dot_general3A_2124 = arith.constant dense<0.000000e+00> : vector<512x256xf32>
    %dot_general3A_2125 = tpu.matmul %concatenate3A_2112, %squeeze3A_2123, %dot_general3A_2124 {dimension_numbers = #tpu.dot_dimension_numbers<[1], [0], [0], [1], [0, 0, 1, 1], [], []>, transpose_lhs_hint = false} : vector<512x256xbf16>, vector<256x256xbf16>, vector<512x256xf32> -> vector<512x256xf32>
    %add3A_2126 = arith.addf %add3A_2121, %dot_general3A_2125 : vector<512x256xf32>
    %add3A_2127 = vector.broadcast %get3A_2106 : vector<1x256xf32> to vector<512x256xf32>
    %add3A_2128 = arith.addf %add3A_2126, %add3A_2127 : vector<512x256xf32>
    %get3A_2129 = arith.constant 0 : index
    %get3A_2130 = arith.constant 0 : index
    %get3A_2131 = vector.load %arg4[%get3A_2129, %get3A_2130] : memref<1x256xf32, #tpu.memory_space<vmem>>, vector<1x256xf32>
    %get3A_2132 = arith.constant 0 : index
    %get3A_2133 = arith.constant 0 : index
    %get3A_2134 = vector.load %arg5[%get3A_2132, %get3A_2133] : memref<1x256xf32, #tpu.memory_space<vmem>>, vector<1x256xf32>
    %convert_element_type3A_2135 = arith.truncf %add3A_2128 : vector<512x256xf32> to vector<512x256xbf16>
    %dot_general3A_2136 = arith.constant dense<0.000000e+00> : vector<512x128xf32>
    %dot_general3A_2137 = tpu.matmul %convert_element_type3A_2135, %broadcast_in_dim3A_0, %dot_general3A_2136 {dimension_numbers = #tpu.dot_dimension_numbers<[1], [0], [0], [1], [0, 0, 1, 1], [], []>, transpose_lhs_hint = false} : vector<512x256xbf16>, vector<256x128xbf16>, vector<512x128xf32> -> vector<512x128xf32>
    %slice3A_2138 = vector.extract_strided_slice %dot_general3A_2137 {offsets = [0, 0], sizes = [512, 1], strides = [1, 1]} : vector<512x128xf32> to vector<512x1xf32>
    %mul3A_2139 = arith.mulf %convert_element_type3A_2135, %convert_element_type3A_2135 : vector<512x256xbf16>
    %dot_general3A_2140 = arith.constant dense<0.000000e+00> : vector<512x128xf32>
    %dot_general3A_2141 = tpu.matmul %mul3A_2139, %broadcast_in_dim3A_0, %dot_general3A_2140 {dimension_numbers = #tpu.dot_dimension_numbers<[1], [0], [0], [1], [0, 0, 1, 1], [], []>, transpose_lhs_hint = false} : vector<512x256xbf16>, vector<256x128xbf16>, vector<512x128xf32> -> vector<512x128xf32>
    %slice3A_2142 = vector.extract_strided_slice %dot_general3A_2141 {offsets = [0, 0], sizes = [512, 1], strides = [1, 1]} : vector<512x128xf32> to vector<512x1xf32>
    %mul3A_2143 = arith.constant 3.906250e-03 : f32
    %mul3A_2144 = vector.broadcast %mul3A_2143 : f32 to vector<512x1xf32>
    %mul3A_2145 = arith.mulf %slice3A_2138, %mul3A_2144 : vector<512x1xf32>
    %mul3A_2146 = arith.constant 3.906250e-03 : f32
    %mul3A_2147 = vector.broadcast %mul3A_2146 : f32 to vector<512x1xf32>
    %mul3A_2148 = arith.mulf %slice3A_2142, %mul3A_2147 : vector<512x1xf32>
    %mul3A_2149 = arith.mulf %mul3A_2145, %mul3A_2145 : vector<512x1xf32>
    %sub3A_2150 = arith.subf %mul3A_2148, %mul3A_2149 : vector<512x1xf32>
    %sub3A_2151 = vector.broadcast %mul3A_2145 : vector<512x1xf32> to vector<512x256xf32>
    %sub3A_2152 = arith.subf %add3A_2128, %sub3A_2151 : vector<512x256xf32>
    %add3A_2153 = arith.constant 9.99999974E-6 : f32
    %add3A_2154 = vector.broadcast %add3A_2153 : f32 to vector<512x1xf32>
    %add3A_2155 = arith.addf %sub3A_2150, %add3A_2154 : vector<512x1xf32>
    %rsqrt3A_2156 = math.rsqrt %add3A_2155 : vector<512x1xf32>
    %mul3A_2157 = vector.broadcast %rsqrt3A_2156 : vector<512x1xf32> to vector<512x256xf32>
    %mul3A_2158 = arith.mulf %sub3A_2152, %mul3A_2157 : vector<512x256xf32>
    %mul3A_2159 = vector.broadcast %get3A_2131 : vector<1x256xf32> to vector<512x256xf32>
    %mul3A_2160 = arith.mulf %mul3A_2158, %mul3A_2159 : vector<512x256xf32>
    %add3A_2161 = vector.broadcast %get3A_2134 : vector<1x256xf32> to vector<512x256xf32>
    %add3A_2162 = arith.addf %mul3A_2160, %add3A_2161 : vector<512x256xf32>
    %max3A_2163 = arith.constant 0.000000e+00 : f32
    %max3A_2164 = vector.broadcast %max3A_2163 : f32 to vector<512x256xf32>
    %max3A_2165 = arith.maximumf %add3A_2162, %max3A_2164 : vector<512x256xf32>
    %convert_element_type3A_2166 = arith.truncf %max3A_2165 : vector<512x256xf32> to vector<512x256xbf16>
    %get3A_2167 = arith.constant 0 : index
    %get3A_2168 = arith.constant 0 : index
    %get3A_2169 = arith.constant 0 : index
    %get3A_2170 = vector.load %arg6[%get3A_2167, %get3A_2168, %get3A_2169] : memref<3x256x256xbf16, #tpu.memory_space<vmem>>, vector<3x256x256xbf16>
    %get3A_2171 = arith.constant 0 : index
    %get3A_2172 = arith.constant 0 : index
    %get3A_2173 = vector.load %arg7[%get3A_2171, %get3A_2172] : memref<1x256xf32, #tpu.memory_space<vmem>>, vector<1x256xf32>
    %broadcast_in_dim3A_2174 = arith.constant 0.000000e+00 : bf16
    %broadcast_in_dim3A_2175 = vector.broadcast %broadcast_in_dim3A_2174 : bf16 to vector<1x256xbf16>
    %slice3A_2176 = vector.extract_strided_slice %convert_element_type3A_2166 {offsets = [0, 0], sizes = [511, 256], strides = [1, 1]} : vector<512x256xbf16> to vector<511x256xbf16>
    %concatenate3A_2177 = tpu.concatenate %broadcast_in_dim3A_2175, %slice3A_2176 in 0 : vector<1x256xbf16>, vector<511x256xbf16> -> vector<512x256xbf16>
    %slice3A_2178 = vector.extract_strided_slice %convert_element_type3A_2166 {offsets = [1, 0], sizes = [511, 256], strides = [1, 1]} : vector<512x256xbf16> to vector<511x256xbf16>
    %concatenate3A_2179 = tpu.concatenate %slice3A_2178, %broadcast_in_dim3A_2175 in 0 : vector<511x256xbf16>, vector<1x256xbf16> -> vector<512x256xbf16>
    %slice3A_2180 = vector.extract_strided_slice %get3A_2170 {offsets = [0, 0, 0], sizes = [1, 256, 256], strides = [1, 1, 1]} : vector<3x256x256xbf16> to vector<1x256x256xbf16>
    %squeeze3A_2181 = vector.shape_cast %slice3A_2180 : vector<1x256x256xbf16> to vector<256x256xbf16>
    %dot_general3A_2182 = arith.constant dense<0.000000e+00> : vector<512x256xf32>
    %dot_general3A_2183 = tpu.matmul %concatenate3A_2177, %squeeze3A_2181, %dot_general3A_2182 {dimension_numbers = #tpu.dot_dimension_numbers<[1], [0], [0], [1], [0, 0, 1, 1], [], []>, transpose_lhs_hint = false} : vector<512x256xbf16>, vector<256x256xbf16>, vector<512x256xf32> -> vector<512x256xf32>
    %slice3A_2184 = vector.extract_strided_slice %get3A_2170 {offsets = [1, 0, 0], sizes = [1, 256, 256], strides = [1, 1, 1]} : vector<3x256x256xbf16> to vector<1x256x256xbf16>
    %squeeze3A_2185 = vector.shape_cast %slice3A_2184 : vector<1x256x256xbf16> to vector<256x256xbf16>
    %dot_general3A_2186 = arith.constant dense<0.000000e+00> : vector<512x256xf32>
    %dot_general3A_2187 = tpu.matmul %convert_element_type3A_2166, %squeeze3A_2185, %dot_general3A_2186 {dimension_numbers = #tpu.dot_dimension_numbers<[1], [0], [0], [1], [0, 0, 1, 1], [], []>, transpose_lhs_hint = false} : vector<512x256xbf16>, vector<256x256xbf16>, vector<512x256xf32> -> vector<512x256xf32>
    %add3A_2188 = arith.addf %dot_general3A_2183, %dot_general3A_2187 : vector<512x256xf32>
    %slice3A_2189 = vector.extract_strided_slice %get3A_2170 {offsets = [2, 0, 0], sizes = [1, 256, 256], strides = [1, 1, 1]} : vector<3x256x256xbf16> to vector<1x256x256xbf16>
    %squeeze3A_2190 = vector.shape_cast %slice3A_2189 : vector<1x256x256xbf16> to vector<256x256xbf16>
    %dot_general3A_2191 = arith.constant dense<0.000000e+00> : vector<512x256xf32>
    %dot_general3A_2192 = tpu.matmul %concatenate3A_2179, %squeeze3A_2190, %dot_general3A_2191 {dimension_numbers = #tpu.dot_dimension_numbers<[1], [0], [0], [1], [0, 0, 1, 1], [], []>, transpose_lhs_hint = false} : vector<512x256xbf16>, vector<256x256xbf16>, vector<512x256xf32> -> vector<512x256xf32>
    %add3A_2193 = arith.addf %add3A_2188, %dot_general3A_2192 : vector<512x256xf32>
    %add3A_2194 = vector.broadcast %get3A_2173 : vector<1x256xf32> to vector<512x256xf32>
    %add3A_2195 = arith.addf %add3A_2193, %add3A_2194 : vector<512x256xf32>
    %get3A_2196 = arith.constant 0 : index
    %get3A_2197 = arith.constant 0 : index
    %get3A_2198 = vector.load %arg8[%get3A_2196, %get3A_2197] : memref<1x256xf32, #tpu.memory_space<vmem>>, vector<1x256xf32>
    %get3A_2199 = arith.constant 0 : index
    %get3A_2200 = arith.constant 0 : index
    %get3A_2201 = vector.load %arg9[%get3A_2199, %get3A_2200] : memref<1x256xf32, #tpu.memory_space<vmem>>, vector<1x256xf32>
    %convert_element_type3A_2202 = arith.truncf %add3A_2195 : vector<512x256xf32> to vector<512x256xbf16>
    %dot_general3A_2203 = arith.constant dense<0.000000e+00> : vector<512x128xf32>
    %dot_general3A_2204 = tpu.matmul %convert_element_type3A_2202, %broadcast_in_dim3A_0, %dot_general3A_2203 {dimension_numbers = #tpu.dot_dimension_numbers<[1], [0], [0], [1], [0, 0, 1, 1], [], []>, transpose_lhs_hint = false} : vector<512x256xbf16>, vector<256x128xbf16>, vector<512x128xf32> -> vector<512x128xf32>
    %slice3A_2205 = vector.extract_strided_slice %dot_general3A_2204 {offsets = [0, 0], sizes = [512, 1], strides = [1, 1]} : vector<512x128xf32> to vector<512x1xf32>
    %mul3A_2206 = arith.mulf %convert_element_type3A_2202, %convert_element_type3A_2202 : vector<512x256xbf16>
    %dot_general3A_2207 = arith.constant dense<0.000000e+00> : vector<512x128xf32>
    %dot_general3A_2208 = tpu.matmul %mul3A_2206, %broadcast_in_dim3A_0, %dot_general3A_2207 {dimension_numbers = #tpu.dot_dimension_numbers<[1], [0], [0], [1], [0, 0, 1, 1], [], []>, transpose_lhs_hint = false} : vector<512x256xbf16>, vector<256x128xbf16>, vector<512x128xf32> -> vector<512x128xf32>
    %slice3A_2209 = vector.extract_strided_slice %dot_general3A_2208 {offsets = [0, 0], sizes = [512, 1], strides = [1, 1]} : vector<512x128xf32> to vector<512x1xf32>
    %mul3A_2210 = arith.constant 3.906250e-03 : f32
    %mul3A_2211 = vector.broadcast %mul3A_2210 : f32 to vector<512x1xf32>
    %mul3A_2212 = arith.mulf %slice3A_2205, %mul3A_2211 : vector<512x1xf32>
    %mul3A_2213 = arith.constant 3.906250e-03 : f32
    %mul3A_2214 = vector.broadcast %mul3A_2213 : f32 to vector<512x1xf32>
    %mul3A_2215 = arith.mulf %slice3A_2209, %mul3A_2214 : vector<512x1xf32>
    %mul3A_2216 = arith.mulf %mul3A_2212, %mul3A_2212 : vector<512x1xf32>
    %sub3A_2217 = arith.subf %mul3A_2215, %mul3A_2216 : vector<512x1xf32>
    %sub3A_2218 = vector.broadcast %mul3A_2212 : vector<512x1xf32> to vector<512x256xf32>
    %sub3A_2219 = arith.subf %add3A_2195, %sub3A_2218 : vector<512x256xf32>
    %add3A_2220 = arith.constant 9.99999974E-6 : f32
    %add3A_2221 = vector.broadcast %add3A_2220 : f32 to vector<512x1xf32>
    %add3A_2222 = arith.addf %sub3A_2217, %add3A_2221 : vector<512x1xf32>
    %rsqrt3A_2223 = math.rsqrt %add3A_2222 : vector<512x1xf32>
    %mul3A_2224 = vector.broadcast %rsqrt3A_2223 : vector<512x1xf32> to vector<512x256xf32>
    %mul3A_2225 = arith.mulf %sub3A_2219, %mul3A_2224 : vector<512x256xf32>
    %mul3A_2226 = vector.broadcast %get3A_2198 : vector<1x256xf32> to vector<512x256xf32>
    %mul3A_2227 = arith.mulf %mul3A_2225, %mul3A_2226 : vector<512x256xf32>
    %add3A_2228 = vector.broadcast %get3A_2201 : vector<1x256xf32> to vector<512x256xf32>
    %add3A_2229 = arith.addf %mul3A_2227, %add3A_2228 : vector<512x256xf32>
    %max3A_2230 = arith.constant 0.000000e+00 : f32
    %max3A_2231 = vector.broadcast %max3A_2230 : f32 to vector<512x256xf32>
    %max3A_2232 = arith.maximumf %add3A_2229, %max3A_2231 : vector<512x256xf32>
    %convert_element_type3A_2233 = arith.truncf %max3A_2232 : vector<512x256xf32> to vector<512x256xbf16>
    %get3A_2234 = arith.constant 0 : index
    %get3A_2235 = arith.constant 0 : index
    %get3A_2236 = vector.load %arg10[%get3A_2234, %get3A_2235] : memref<256x128xbf16, #tpu.memory_space<vmem>>, vector<256x128xbf16>
    %dot_general3A_2237 = arith.constant dense<0.000000e+00> : vector<512x128xf32>
    %dot_general3A_2238 = tpu.matmul %convert_element_type3A_2233, %get3A_2236, %dot_general3A_2237 {dimension_numbers = #tpu.dot_dimension_numbers<[1], [0], [0], [1], [0, 0, 1, 1], [], []>, transpose_lhs_hint = false} : vector<512x256xbf16>, vector<256x128xbf16>, vector<512x128xf32> -> vector<512x128xf32>
    %slice3A_2239 = vector.extract_strided_slice %dot_general3A_2238 {offsets = [0, 0], sizes = [512, 1], strides = [1, 1]} : vector<512x128xf32> to vector<512x1xf32>
    %get3A_2240 = arith.constant 0 : index
    %get3A_2241 = arith.constant 0 : index
    %get3A_2242 = vector.load %arg11[%get3A_2240, %get3A_2241] : memref<1x1xf32, #tpu.memory_space<vmem>>, vector<1x1xf32>
    %get3A_2243 = vector.extract %get3A_2242[0, 0] : f32 from vector<1x1xf32>
    %add3A_2244 = vector.broadcast %get3A_2243 : f32 to vector<512x1xf32>
    %add3A_2245 = arith.addf %slice3A_2239, %add3A_2244 : vector<512x1xf32>
    %max3A_2246 = arith.constant 0.000000e+00 : f32
    %max3A_2247 = vector.broadcast %max3A_2246 : f32 to vector<512x1xf32>
    %max3A_2248 = arith.maximumf %add3A_2245, %max3A_2247 : vector<512x1xf32>
    %reshape3A_2249 = vector.shape_cast %max3A_2248 : vector<512x1xf32> to vector<1x512xf32>
    %swap3A_2250 = arith.constant 13 : index
    %swap3A_2251 = arith.constant 0 : index
    %swap3A_2252 = arith.constant 0 : index
    %swap3A_2253 = vector.load %arg12[%swap3A_2250, %swap3A_2251, %swap3A_2252] : memref<16x1x512xf32, #tpu.memory_space<vmem>>, vector<1x1x512xf32>
    %swap3A_2254 = vector.shape_cast %swap3A_2253 : vector<1x1x512xf32> to vector<1x512xf32>
    %swap3A_2255 = vector.shape_cast %reshape3A_2249 : vector<1x512xf32> to vector<1x1x512xf32>
    tpu.vector_store %arg12[%swap3A_2250, %swap3A_2251, %swap3A_2252], %swap3A_2255 {strides = array<i32>} : memref<16x1x512xf32, #tpu.memory_space<vmem>>, vector<1x1x512xf32>,
    %get3A_2256 = arith.constant 14 : index
    %get3A_2257 = arith.constant 0 : index
    %get3A_2258 = arith.constant 0 : index
    %get3A_2259 = vector.load %arg1[%get3A_2256, %get3A_2257, %get3A_2258] : memref<16x512x256xf32, #tpu.memory_space<vmem>>, vector<1x512x256xf32>
    %get3A_2260 = vector.shape_cast %get3A_2259 : vector<1x512x256xf32> to vector<512x256xf32>
    %convert_element_type3A_2261 = arith.truncf %get3A_2260 : vector<512x256xf32> to vector<512x256xbf16>
    %get3A_2262 = arith.constant 0 : index
    %get3A_2263 = arith.constant 0 : index
    %get3A_2264 = arith.constant 0 : index
    %get3A_2265 = vector.load %arg2[%get3A_2262, %get3A_2263, %get3A_2264] : memref<3x256x256xbf16, #tpu.memory_space<vmem>>, vector<3x256x256xbf16>
    %get3A_2266 = arith.constant 0 : index
    %get3A_2267 = arith.constant 0 : index
    %get3A_2268 = vector.load %arg3[%get3A_2266, %get3A_2267] : memref<1x256xf32, #tpu.memory_space<vmem>>, vector<1x256xf32>
    %broadcast_in_dim3A_2269 = arith.constant 0.000000e+00 : bf16
    %broadcast_in_dim3A_2270 = vector.broadcast %broadcast_in_dim3A_2269 : bf16 to vector<1x256xbf16>
    %slice3A_2271 = vector.extract_strided_slice %convert_element_type3A_2261 {offsets = [0, 0], sizes = [511, 256], strides = [1, 1]} : vector<512x256xbf16> to vector<511x256xbf16>
    %concatenate3A_2272 = tpu.concatenate %broadcast_in_dim3A_2270, %slice3A_2271 in 0 : vector<1x256xbf16>, vector<511x256xbf16> -> vector<512x256xbf16>
    %slice3A_2273 = vector.extract_strided_slice %convert_element_type3A_2261 {offsets = [1, 0], sizes = [511, 256], strides = [1, 1]} : vector<512x256xbf16> to vector<511x256xbf16>
    %concatenate3A_2274 = tpu.concatenate %slice3A_2273, %broadcast_in_dim3A_2270 in 0 : vector<511x256xbf16>, vector<1x256xbf16> -> vector<512x256xbf16>
    %slice3A_2275 = vector.extract_strided_slice %get3A_2265 {offsets = [0, 0, 0], sizes = [1, 256, 256], strides = [1, 1, 1]} : vector<3x256x256xbf16> to vector<1x256x256xbf16>
    %squeeze3A_2276 = vector.shape_cast %slice3A_2275 : vector<1x256x256xbf16> to vector<256x256xbf16>
    %dot_general3A_2277 = arith.constant dense<0.000000e+00> : vector<512x256xf32>
    %dot_general3A_2278 = tpu.matmul %concatenate3A_2272, %squeeze3A_2276, %dot_general3A_2277 {dimension_numbers = #tpu.dot_dimension_numbers<[1], [0], [0], [1], [0, 0, 1, 1], [], []>, transpose_lhs_hint = false} : vector<512x256xbf16>, vector<256x256xbf16>, vector<512x256xf32> -> vector<512x256xf32>
    %slice3A_2279 = vector.extract_strided_slice %get3A_2265 {offsets = [1, 0, 0], sizes = [1, 256, 256], strides = [1, 1, 1]} : vector<3x256x256xbf16> to vector<1x256x256xbf16>
    %squeeze3A_2280 = vector.shape_cast %slice3A_2279 : vector<1x256x256xbf16> to vector<256x256xbf16>
    %dot_general3A_2281 = arith.constant dense<0.000000e+00> : vector<512x256xf32>
    %dot_general3A_2282 = tpu.matmul %convert_element_type3A_2261, %squeeze3A_2280, %dot_general3A_2281 {dimension_numbers = #tpu.dot_dimension_numbers<[1], [0], [0], [1], [0, 0, 1, 1], [], []>, transpose_lhs_hint = false} : vector<512x256xbf16>, vector<256x256xbf16>, vector<512x256xf32> -> vector<512x256xf32>
    %add3A_2283 = arith.addf %dot_general3A_2278, %dot_general3A_2282 : vector<512x256xf32>
    %slice3A_2284 = vector.extract_strided_slice %get3A_2265 {offsets = [2, 0, 0], sizes = [1, 256, 256], strides = [1, 1, 1]} : vector<3x256x256xbf16> to vector<1x256x256xbf16>
    %squeeze3A_2285 = vector.shape_cast %slice3A_2284 : vector<1x256x256xbf16> to vector<256x256xbf16>
    %dot_general3A_2286 = arith.constant dense<0.000000e+00> : vector<512x256xf32>
    %dot_general3A_2287 = tpu.matmul %concatenate3A_2274, %squeeze3A_2285, %dot_general3A_2286 {dimension_numbers = #tpu.dot_dimension_numbers<[1], [0], [0], [1], [0, 0, 1, 1], [], []>, transpose_lhs_hint = false} : vector<512x256xbf16>, vector<256x256xbf16>, vector<512x256xf32> -> vector<512x256xf32>
    %add3A_2288 = arith.addf %add3A_2283, %dot_general3A_2287 : vector<512x256xf32>
    %add3A_2289 = vector.broadcast %get3A_2268 : vector<1x256xf32> to vector<512x256xf32>
    %add3A_2290 = arith.addf %add3A_2288, %add3A_2289 : vector<512x256xf32>
    %get3A_2291 = arith.constant 0 : index
    %get3A_2292 = arith.constant 0 : index
    %get3A_2293 = vector.load %arg4[%get3A_2291, %get3A_2292] : memref<1x256xf32, #tpu.memory_space<vmem>>, vector<1x256xf32>
    %get3A_2294 = arith.constant 0 : index
    %get3A_2295 = arith.constant 0 : index
    %get3A_2296 = vector.load %arg5[%get3A_2294, %get3A_2295] : memref<1x256xf32, #tpu.memory_space<vmem>>, vector<1x256xf32>
    %convert_element_type3A_2297 = arith.truncf %add3A_2290 : vector<512x256xf32> to vector<512x256xbf16>
    %dot_general3A_2298 = arith.constant dense<0.000000e+00> : vector<512x128xf32>
    %dot_general3A_2299 = tpu.matmul %convert_element_type3A_2297, %broadcast_in_dim3A_0, %dot_general3A_2298 {dimension_numbers = #tpu.dot_dimension_numbers<[1], [0], [0], [1], [0, 0, 1, 1], [], []>, transpose_lhs_hint = false} : vector<512x256xbf16>, vector<256x128xbf16>, vector<512x128xf32> -> vector<512x128xf32>
    %slice3A_2300 = vector.extract_strided_slice %dot_general3A_2299 {offsets = [0, 0], sizes = [512, 1], strides = [1, 1]} : vector<512x128xf32> to vector<512x1xf32>
    %mul3A_2301 = arith.mulf %convert_element_type3A_2297, %convert_element_type3A_2297 : vector<512x256xbf16>
    %dot_general3A_2302 = arith.constant dense<0.000000e+00> : vector<512x128xf32>
    %dot_general3A_2303 = tpu.matmul %mul3A_2301, %broadcast_in_dim3A_0, %dot_general3A_2302 {dimension_numbers = #tpu.dot_dimension_numbers<[1], [0], [0], [1], [0, 0, 1, 1], [], []>, transpose_lhs_hint = false} : vector<512x256xbf16>, vector<256x128xbf16>, vector<512x128xf32> -> vector<512x128xf32>
    %slice3A_2304 = vector.extract_strided_slice %dot_general3A_2303 {offsets = [0, 0], sizes = [512, 1], strides = [1, 1]} : vector<512x128xf32> to vector<512x1xf32>
    %mul3A_2305 = arith.constant 3.906250e-03 : f32
    %mul3A_2306 = vector.broadcast %mul3A_2305 : f32 to vector<512x1xf32>
    %mul3A_2307 = arith.mulf %slice3A_2300, %mul3A_2306 : vector<512x1xf32>
    %mul3A_2308 = arith.constant 3.906250e-03 : f32
    %mul3A_2309 = vector.broadcast %mul3A_2308 : f32 to vector<512x1xf32>
    %mul3A_2310 = arith.mulf %slice3A_2304, %mul3A_2309 : vector<512x1xf32>
    %mul3A_2311 = arith.mulf %mul3A_2307, %mul3A_2307 : vector<512x1xf32>
    %sub3A_2312 = arith.subf %mul3A_2310, %mul3A_2311 : vector<512x1xf32>
    %sub3A_2313 = vector.broadcast %mul3A_2307 : vector<512x1xf32> to vector<512x256xf32>
    %sub3A_2314 = arith.subf %add3A_2290, %sub3A_2313 : vector<512x256xf32>
    %add3A_2315 = arith.constant 9.99999974E-6 : f32
    %add3A_2316 = vector.broadcast %add3A_2315 : f32 to vector<512x1xf32>
    %add3A_2317 = arith.addf %sub3A_2312, %add3A_2316 : vector<512x1xf32>
    %rsqrt3A_2318 = math.rsqrt %add3A_2317 : vector<512x1xf32>
    %mul3A_2319 = vector.broadcast %rsqrt3A_2318 : vector<512x1xf32> to vector<512x256xf32>
    %mul3A_2320 = arith.mulf %sub3A_2314, %mul3A_2319 : vector<512x256xf32>
    %mul3A_2321 = vector.broadcast %get3A_2293 : vector<1x256xf32> to vector<512x256xf32>
    %mul3A_2322 = arith.mulf %mul3A_2320, %mul3A_2321 : vector<512x256xf32>
    %add3A_2323 = vector.broadcast %get3A_2296 : vector<1x256xf32> to vector<512x256xf32>
    %add3A_2324 = arith.addf %mul3A_2322, %add3A_2323 : vector<512x256xf32>
    %max3A_2325 = arith.constant 0.000000e+00 : f32
    %max3A_2326 = vector.broadcast %max3A_2325 : f32 to vector<512x256xf32>
    %max3A_2327 = arith.maximumf %add3A_2324, %max3A_2326 : vector<512x256xf32>
    %convert_element_type3A_2328 = arith.truncf %max3A_2327 : vector<512x256xf32> to vector<512x256xbf16>
    %get3A_2329 = arith.constant 0 : index
    %get3A_2330 = arith.constant 0 : index
    %get3A_2331 = arith.constant 0 : index
    %get3A_2332 = vector.load %arg6[%get3A_2329, %get3A_2330, %get3A_2331] : memref<3x256x256xbf16, #tpu.memory_space<vmem>>, vector<3x256x256xbf16>
    %get3A_2333 = arith.constant 0 : index
    %get3A_2334 = arith.constant 0 : index
    %get3A_2335 = vector.load %arg7[%get3A_2333, %get3A_2334] : memref<1x256xf32, #tpu.memory_space<vmem>>, vector<1x256xf32>
    %broadcast_in_dim3A_2336 = arith.constant 0.000000e+00 : bf16
    %broadcast_in_dim3A_2337 = vector.broadcast %broadcast_in_dim3A_2336 : bf16 to vector<1x256xbf16>
    %slice3A_2338 = vector.extract_strided_slice %convert_element_type3A_2328 {offsets = [0, 0], sizes = [511, 256], strides = [1, 1]} : vector<512x256xbf16> to vector<511x256xbf16>
    %concatenate3A_2339 = tpu.concatenate %broadcast_in_dim3A_2337, %slice3A_2338 in 0 : vector<1x256xbf16>, vector<511x256xbf16> -> vector<512x256xbf16>
    %slice3A_2340 = vector.extract_strided_slice %convert_element_type3A_2328 {offsets = [1, 0], sizes = [511, 256], strides = [1, 1]} : vector<512x256xbf16> to vector<511x256xbf16>
    %concatenate3A_2341 = tpu.concatenate %slice3A_2340, %broadcast_in_dim3A_2337 in 0 : vector<511x256xbf16>, vector<1x256xbf16> -> vector<512x256xbf16>
    %slice3A_2342 = vector.extract_strided_slice %get3A_2332 {offsets = [0, 0, 0], sizes = [1, 256, 256], strides = [1, 1, 1]} : vector<3x256x256xbf16> to vector<1x256x256xbf16>
    %squeeze3A_2343 = vector.shape_cast %slice3A_2342 : vector<1x256x256xbf16> to vector<256x256xbf16>
    %dot_general3A_2344 = arith.constant dense<0.000000e+00> : vector<512x256xf32>
    %dot_general3A_2345 = tpu.matmul %concatenate3A_2339, %squeeze3A_2343, %dot_general3A_2344 {dimension_numbers = #tpu.dot_dimension_numbers<[1], [0], [0], [1], [0, 0, 1, 1], [], []>, transpose_lhs_hint = false} : vector<512x256xbf16>, vector<256x256xbf16>, vector<512x256xf32> -> vector<512x256xf32>
    %slice3A_2346 = vector.extract_strided_slice %get3A_2332 {offsets = [1, 0, 0], sizes = [1, 256, 256], strides = [1, 1, 1]} : vector<3x256x256xbf16> to vector<1x256x256xbf16>
    %squeeze3A_2347 = vector.shape_cast %slice3A_2346 : vector<1x256x256xbf16> to vector<256x256xbf16>
    %dot_general3A_2348 = arith.constant dense<0.000000e+00> : vector<512x256xf32>
    %dot_general3A_2349 = tpu.matmul %convert_element_type3A_2328, %squeeze3A_2347, %dot_general3A_2348 {dimension_numbers = #tpu.dot_dimension_numbers<[1], [0], [0], [1], [0, 0, 1, 1], [], []>, transpose_lhs_hint = false} : vector<512x256xbf16>, vector<256x256xbf16>, vector<512x256xf32> -> vector<512x256xf32>
    %add3A_2350 = arith.addf %dot_general3A_2345, %dot_general3A_2349 : vector<512x256xf32>
    %slice3A_2351 = vector.extract_strided_slice %get3A_2332 {offsets = [2, 0, 0], sizes = [1, 256, 256], strides = [1, 1, 1]} : vector<3x256x256xbf16> to vector<1x256x256xbf16>
    %squeeze3A_2352 = vector.shape_cast %slice3A_2351 : vector<1x256x256xbf16> to vector<256x256xbf16>
    %dot_general3A_2353 = arith.constant dense<0.000000e+00> : vector<512x256xf32>
    %dot_general3A_2354 = tpu.matmul %concatenate3A_2341, %squeeze3A_2352, %dot_general3A_2353 {dimension_numbers = #tpu.dot_dimension_numbers<[1], [0], [0], [1], [0, 0, 1, 1], [], []>, transpose_lhs_hint = false} : vector<512x256xbf16>, vector<256x256xbf16>, vector<512x256xf32> -> vector<512x256xf32>
    %add3A_2355 = arith.addf %add3A_2350, %dot_general3A_2354 : vector<512x256xf32>
    %add3A_2356 = vector.broadcast %get3A_2335 : vector<1x256xf32> to vector<512x256xf32>
    %add3A_2357 = arith.addf %add3A_2355, %add3A_2356 : vector<512x256xf32>
    %get3A_2358 = arith.constant 0 : index
    %get3A_2359 = arith.constant 0 : index
    %get3A_2360 = vector.load %arg8[%get3A_2358, %get3A_2359] : memref<1x256xf32, #tpu.memory_space<vmem>>, vector<1x256xf32>
    %get3A_2361 = arith.constant 0 : index
    %get3A_2362 = arith.constant 0 : index
    %get3A_2363 = vector.load %arg9[%get3A_2361, %get3A_2362] : memref<1x256xf32, #tpu.memory_space<vmem>>, vector<1x256xf32>
    %convert_element_type3A_2364 = arith.truncf %add3A_2357 : vector<512x256xf32> to vector<512x256xbf16>
    %dot_general3A_2365 = arith.constant dense<0.000000e+00> : vector<512x128xf32>
    %dot_general3A_2366 = tpu.matmul %convert_element_type3A_2364, %broadcast_in_dim3A_0, %dot_general3A_2365 {dimension_numbers = #tpu.dot_dimension_numbers<[1], [0], [0], [1], [0, 0, 1, 1], [], []>, transpose_lhs_hint = false} : vector<512x256xbf16>, vector<256x128xbf16>, vector<512x128xf32> -> vector<512x128xf32>
    %slice3A_2367 = vector.extract_strided_slice %dot_general3A_2366 {offsets = [0, 0], sizes = [512, 1], strides = [1, 1]} : vector<512x128xf32> to vector<512x1xf32>
    %mul3A_2368 = arith.mulf %convert_element_type3A_2364, %convert_element_type3A_2364 : vector<512x256xbf16>
    %dot_general3A_2369 = arith.constant dense<0.000000e+00> : vector<512x128xf32>
    %dot_general3A_2370 = tpu.matmul %mul3A_2368, %broadcast_in_dim3A_0, %dot_general3A_2369 {dimension_numbers = #tpu.dot_dimension_numbers<[1], [0], [0], [1], [0, 0, 1, 1], [], []>, transpose_lhs_hint = false} : vector<512x256xbf16>, vector<256x128xbf16>, vector<512x128xf32> -> vector<512x128xf32>
    %slice3A_2371 = vector.extract_strided_slice %dot_general3A_2370 {offsets = [0, 0], sizes = [512, 1], strides = [1, 1]} : vector<512x128xf32> to vector<512x1xf32>
    %mul3A_2372 = arith.constant 3.906250e-03 : f32
    %mul3A_2373 = vector.broadcast %mul3A_2372 : f32 to vector<512x1xf32>
    %mul3A_2374 = arith.mulf %slice3A_2367, %mul3A_2373 : vector<512x1xf32>
    %mul3A_2375 = arith.constant 3.906250e-03 : f32
    %mul3A_2376 = vector.broadcast %mul3A_2375 : f32 to vector<512x1xf32>
    %mul3A_2377 = arith.mulf %slice3A_2371, %mul3A_2376 : vector<512x1xf32>
    %mul3A_2378 = arith.mulf %mul3A_2374, %mul3A_2374 : vector<512x1xf32>
    %sub3A_2379 = arith.subf %mul3A_2377, %mul3A_2378 : vector<512x1xf32>
    %sub3A_2380 = vector.broadcast %mul3A_2374 : vector<512x1xf32> to vector<512x256xf32>
    %sub3A_2381 = arith.subf %add3A_2357, %sub3A_2380 : vector<512x256xf32>
    %add3A_2382 = arith.constant 9.99999974E-6 : f32
    %add3A_2383 = vector.broadcast %add3A_2382 : f32 to vector<512x1xf32>
    %add3A_2384 = arith.addf %sub3A_2379, %add3A_2383 : vector<512x1xf32>
    %rsqrt3A_2385 = math.rsqrt %add3A_2384 : vector<512x1xf32>
    %mul3A_2386 = vector.broadcast %rsqrt3A_2385 : vector<512x1xf32> to vector<512x256xf32>
    %mul3A_2387 = arith.mulf %sub3A_2381, %mul3A_2386 : vector<512x256xf32>
    %mul3A_2388 = vector.broadcast %get3A_2360 : vector<1x256xf32> to vector<512x256xf32>
    %mul3A_2389 = arith.mulf %mul3A_2387, %mul3A_2388 : vector<512x256xf32>
    %add3A_2390 = vector.broadcast %get3A_2363 : vector<1x256xf32> to vector<512x256xf32>
    %add3A_2391 = arith.addf %mul3A_2389, %add3A_2390 : vector<512x256xf32>
    %max3A_2392 = arith.constant 0.000000e+00 : f32
    %max3A_2393 = vector.broadcast %max3A_2392 : f32 to vector<512x256xf32>
    %max3A_2394 = arith.maximumf %add3A_2391, %max3A_2393 : vector<512x256xf32>
    %convert_element_type3A_2395 = arith.truncf %max3A_2394 : vector<512x256xf32> to vector<512x256xbf16>
    %get3A_2396 = arith.constant 0 : index
    %get3A_2397 = arith.constant 0 : index
    %get3A_2398 = vector.load %arg10[%get3A_2396, %get3A_2397] : memref<256x128xbf16, #tpu.memory_space<vmem>>, vector<256x128xbf16>
    %dot_general3A_2399 = arith.constant dense<0.000000e+00> : vector<512x128xf32>
    %dot_general3A_2400 = tpu.matmul %convert_element_type3A_2395, %get3A_2398, %dot_general3A_2399 {dimension_numbers = #tpu.dot_dimension_numbers<[1], [0], [0], [1], [0, 0, 1, 1], [], []>, transpose_lhs_hint = false} : vector<512x256xbf16>, vector<256x128xbf16>, vector<512x128xf32> -> vector<512x128xf32>
    %slice3A_2401 = vector.extract_strided_slice %dot_general3A_2400 {offsets = [0, 0], sizes = [512, 1], strides = [1, 1]} : vector<512x128xf32> to vector<512x1xf32>
    %get3A_2402 = arith.constant 0 : index
    %get3A_2403 = arith.constant 0 : index
    %get3A_2404 = vector.load %arg11[%get3A_2402, %get3A_2403] : memref<1x1xf32, #tpu.memory_space<vmem>>, vector<1x1xf32>
    %get3A_2405 = vector.extract %get3A_2404[0, 0] : f32 from vector<1x1xf32>
    %add3A_2406 = vector.broadcast %get3A_2405 : f32 to vector<512x1xf32>
    %add3A_2407 = arith.addf %slice3A_2401, %add3A_2406 : vector<512x1xf32>
    %max3A_2408 = arith.constant 0.000000e+00 : f32
    %max3A_2409 = vector.broadcast %max3A_2408 : f32 to vector<512x1xf32>
    %max3A_2410 = arith.maximumf %add3A_2407, %max3A_2409 : vector<512x1xf32>
    %reshape3A_2411 = vector.shape_cast %max3A_2410 : vector<512x1xf32> to vector<1x512xf32>
    %swap3A_2412 = arith.constant 14 : index
    %swap3A_2413 = arith.constant 0 : index
    %swap3A_2414 = arith.constant 0 : index
    %swap3A_2415 = vector.load %arg12[%swap3A_2412, %swap3A_2413, %swap3A_2414] : memref<16x1x512xf32, #tpu.memory_space<vmem>>, vector<1x1x512xf32>
    %swap3A_2416 = vector.shape_cast %swap3A_2415 : vector<1x1x512xf32> to vector<1x512xf32>
    %swap3A_2417 = vector.shape_cast %reshape3A_2411 : vector<1x512xf32> to vector<1x1x512xf32>
    tpu.vector_store %arg12[%swap3A_2412, %swap3A_2413, %swap3A_2414], %swap3A_2417 {strides = array<i32>} : memref<16x1x512xf32, #tpu.memory_space<vmem>>, vector<1x1x512xf32>,
    %get3A_2418 = arith.constant 15 : index
    %get3A_2419 = arith.constant 0 : index
    %get3A_2420 = arith.constant 0 : index
    %get3A_2421 = vector.load %arg1[%get3A_2418, %get3A_2419, %get3A_2420] : memref<16x512x256xf32, #tpu.memory_space<vmem>>, vector<1x512x256xf32>
    %get3A_2422 = vector.shape_cast %get3A_2421 : vector<1x512x256xf32> to vector<512x256xf32>
    %convert_element_type3A_2423 = arith.truncf %get3A_2422 : vector<512x256xf32> to vector<512x256xbf16>
    %get3A_2424 = arith.constant 0 : index
    %get3A_2425 = arith.constant 0 : index
    %get3A_2426 = arith.constant 0 : index
    %get3A_2427 = vector.load %arg2[%get3A_2424, %get3A_2425, %get3A_2426] : memref<3x256x256xbf16, #tpu.memory_space<vmem>>, vector<3x256x256xbf16>
    %get3A_2428 = arith.constant 0 : index
    %get3A_2429 = arith.constant 0 : index
    %get3A_2430 = vector.load %arg3[%get3A_2428, %get3A_2429] : memref<1x256xf32, #tpu.memory_space<vmem>>, vector<1x256xf32>
    %broadcast_in_dim3A_2431 = arith.constant 0.000000e+00 : bf16
    %broadcast_in_dim3A_2432 = vector.broadcast %broadcast_in_dim3A_2431 : bf16 to vector<1x256xbf16>
    %slice3A_2433 = vector.extract_strided_slice %convert_element_type3A_2423 {offsets = [0, 0], sizes = [511, 256], strides = [1, 1]} : vector<512x256xbf16> to vector<511x256xbf16>
    %concatenate3A_2434 = tpu.concatenate %broadcast_in_dim3A_2432, %slice3A_2433 in 0 : vector<1x256xbf16>, vector<511x256xbf16> -> vector<512x256xbf16>
    %slice3A_2435 = vector.extract_strided_slice %convert_element_type3A_2423 {offsets = [1, 0], sizes = [511, 256], strides = [1, 1]} : vector<512x256xbf16> to vector<511x256xbf16>
    %concatenate3A_2436 = tpu.concatenate %slice3A_2435, %broadcast_in_dim3A_2432 in 0 : vector<511x256xbf16>, vector<1x256xbf16> -> vector<512x256xbf16>
    %slice3A_2437 = vector.extract_strided_slice %get3A_2427 {offsets = [0, 0, 0], sizes = [1, 256, 256], strides = [1, 1, 1]} : vector<3x256x256xbf16> to vector<1x256x256xbf16>
    %squeeze3A_2438 = vector.shape_cast %slice3A_2437 : vector<1x256x256xbf16> to vector<256x256xbf16>
    %dot_general3A_2439 = arith.constant dense<0.000000e+00> : vector<512x256xf32>
    %dot_general3A_2440 = tpu.matmul %concatenate3A_2434, %squeeze3A_2438, %dot_general3A_2439 {dimension_numbers = #tpu.dot_dimension_numbers<[1], [0], [0], [1], [0, 0, 1, 1], [], []>, transpose_lhs_hint = false} : vector<512x256xbf16>, vector<256x256xbf16>, vector<512x256xf32> -> vector<512x256xf32>
    %slice3A_2441 = vector.extract_strided_slice %get3A_2427 {offsets = [1, 0, 0], sizes = [1, 256, 256], strides = [1, 1, 1]} : vector<3x256x256xbf16> to vector<1x256x256xbf16>
    %squeeze3A_2442 = vector.shape_cast %slice3A_2441 : vector<1x256x256xbf16> to vector<256x256xbf16>
    %dot_general3A_2443 = arith.constant dense<0.000000e+00> : vector<512x256xf32>
    %dot_general3A_2444 = tpu.matmul %convert_element_type3A_2423, %squeeze3A_2442, %dot_general3A_2443 {dimension_numbers = #tpu.dot_dimension_numbers<[1], [0], [0], [1], [0, 0, 1, 1], [], []>, transpose_lhs_hint = false} : vector<512x256xbf16>, vector<256x256xbf16>, vector<512x256xf32> -> vector<512x256xf32>
    %add3A_2445 = arith.addf %dot_general3A_2440, %dot_general3A_2444 : vector<512x256xf32>
    %slice3A_2446 = vector.extract_strided_slice %get3A_2427 {offsets = [2, 0, 0], sizes = [1, 256, 256], strides = [1, 1, 1]} : vector<3x256x256xbf16> to vector<1x256x256xbf16>
    %squeeze3A_2447 = vector.shape_cast %slice3A_2446 : vector<1x256x256xbf16> to vector<256x256xbf16>
    %dot_general3A_2448 = arith.constant dense<0.000000e+00> : vector<512x256xf32>
    %dot_general3A_2449 = tpu.matmul %concatenate3A_2436, %squeeze3A_2447, %dot_general3A_2448 {dimension_numbers = #tpu.dot_dimension_numbers<[1], [0], [0], [1], [0, 0, 1, 1], [], []>, transpose_lhs_hint = false} : vector<512x256xbf16>, vector<256x256xbf16>, vector<512x256xf32> -> vector<512x256xf32>
    %add3A_2450 = arith.addf %add3A_2445, %dot_general3A_2449 : vector<512x256xf32>
    %add3A_2451 = vector.broadcast %get3A_2430 : vector<1x256xf32> to vector<512x256xf32>
    %add3A_2452 = arith.addf %add3A_2450, %add3A_2451 : vector<512x256xf32>
    %get3A_2453 = arith.constant 0 : index
    %get3A_2454 = arith.constant 0 : index
    %get3A_2455 = vector.load %arg4[%get3A_2453, %get3A_2454] : memref<1x256xf32, #tpu.memory_space<vmem>>, vector<1x256xf32>
    %get3A_2456 = arith.constant 0 : index
    %get3A_2457 = arith.constant 0 : index
    %get3A_2458 = vector.load %arg5[%get3A_2456, %get3A_2457] : memref<1x256xf32, #tpu.memory_space<vmem>>, vector<1x256xf32>
    %convert_element_type3A_2459 = arith.truncf %add3A_2452 : vector<512x256xf32> to vector<512x256xbf16>
    %dot_general3A_2460 = arith.constant dense<0.000000e+00> : vector<512x128xf32>
    %dot_general3A_2461 = tpu.matmul %convert_element_type3A_2459, %broadcast_in_dim3A_0, %dot_general3A_2460 {dimension_numbers = #tpu.dot_dimension_numbers<[1], [0], [0], [1], [0, 0, 1, 1], [], []>, transpose_lhs_hint = false} : vector<512x256xbf16>, vector<256x128xbf16>, vector<512x128xf32> -> vector<512x128xf32>
    %slice3A_2462 = vector.extract_strided_slice %dot_general3A_2461 {offsets = [0, 0], sizes = [512, 1], strides = [1, 1]} : vector<512x128xf32> to vector<512x1xf32>
    %mul3A_2463 = arith.mulf %convert_element_type3A_2459, %convert_element_type3A_2459 : vector<512x256xbf16>
    %dot_general3A_2464 = arith.constant dense<0.000000e+00> : vector<512x128xf32>
    %dot_general3A_2465 = tpu.matmul %mul3A_2463, %broadcast_in_dim3A_0, %dot_general3A_2464 {dimension_numbers = #tpu.dot_dimension_numbers<[1], [0], [0], [1], [0, 0, 1, 1], [], []>, transpose_lhs_hint = false} : vector<512x256xbf16>, vector<256x128xbf16>, vector<512x128xf32> -> vector<512x128xf32>
    %slice3A_2466 = vector.extract_strided_slice %dot_general3A_2465 {offsets = [0, 0], sizes = [512, 1], strides = [1, 1]} : vector<512x128xf32> to vector<512x1xf32>
    %mul3A_2467 = arith.constant 3.906250e-03 : f32
    %mul3A_2468 = vector.broadcast %mul3A_2467 : f32 to vector<512x1xf32>
    %mul3A_2469 = arith.mulf %slice3A_2462, %mul3A_2468 : vector<512x1xf32>
    %mul3A_2470 = arith.constant 3.906250e-03 : f32
    %mul3A_2471 = vector.broadcast %mul3A_2470 : f32 to vector<512x1xf32>
    %mul3A_2472 = arith.mulf %slice3A_2466, %mul3A_2471 : vector<512x1xf32>
    %mul3A_2473 = arith.mulf %mul3A_2469, %mul3A_2469 : vector<512x1xf32>
    %sub3A_2474 = arith.subf %mul3A_2472, %mul3A_2473 : vector<512x1xf32>
    %sub3A_2475 = vector.broadcast %mul3A_2469 : vector<512x1xf32> to vector<512x256xf32>
    %sub3A_2476 = arith.subf %add3A_2452, %sub3A_2475 : vector<512x256xf32>
    %add3A_2477 = arith.constant 9.99999974E-6 : f32
    %add3A_2478 = vector.broadcast %add3A_2477 : f32 to vector<512x1xf32>
    %add3A_2479 = arith.addf %sub3A_2474, %add3A_2478 : vector<512x1xf32>
    %rsqrt3A_2480 = math.rsqrt %add3A_2479 : vector<512x1xf32>
    %mul3A_2481 = vector.broadcast %rsqrt3A_2480 : vector<512x1xf32> to vector<512x256xf32>
    %mul3A_2482 = arith.mulf %sub3A_2476, %mul3A_2481 : vector<512x256xf32>
    %mul3A_2483 = vector.broadcast %get3A_2455 : vector<1x256xf32> to vector<512x256xf32>
    %mul3A_2484 = arith.mulf %mul3A_2482, %mul3A_2483 : vector<512x256xf32>
    %add3A_2485 = vector.broadcast %get3A_2458 : vector<1x256xf32> to vector<512x256xf32>
    %add3A_2486 = arith.addf %mul3A_2484, %add3A_2485 : vector<512x256xf32>
    %max3A_2487 = arith.constant 0.000000e+00 : f32
    %max3A_2488 = vector.broadcast %max3A_2487 : f32 to vector<512x256xf32>
    %max3A_2489 = arith.maximumf %add3A_2486, %max3A_2488 : vector<512x256xf32>
    %convert_element_type3A_2490 = arith.truncf %max3A_2489 : vector<512x256xf32> to vector<512x256xbf16>
    %get3A_2491 = arith.constant 0 : index
    %get3A_2492 = arith.constant 0 : index
    %get3A_2493 = arith.constant 0 : index
    %get3A_2494 = vector.load %arg6[%get3A_2491, %get3A_2492, %get3A_2493] : memref<3x256x256xbf16, #tpu.memory_space<vmem>>, vector<3x256x256xbf16>
    %get3A_2495 = arith.constant 0 : index
    %get3A_2496 = arith.constant 0 : index
    %get3A_2497 = vector.load %arg7[%get3A_2495, %get3A_2496] : memref<1x256xf32, #tpu.memory_space<vmem>>, vector<1x256xf32>
    %broadcast_in_dim3A_2498 = arith.constant 0.000000e+00 : bf16
    %broadcast_in_dim3A_2499 = vector.broadcast %broadcast_in_dim3A_2498 : bf16 to vector<1x256xbf16>
    %slice3A_2500 = vector.extract_strided_slice %convert_element_type3A_2490 {offsets = [0, 0], sizes = [511, 256], strides = [1, 1]} : vector<512x256xbf16> to vector<511x256xbf16>
    %concatenate3A_2501 = tpu.concatenate %broadcast_in_dim3A_2499, %slice3A_2500 in 0 : vector<1x256xbf16>, vector<511x256xbf16> -> vector<512x256xbf16>
    %slice3A_2502 = vector.extract_strided_slice %convert_element_type3A_2490 {offsets = [1, 0], sizes = [511, 256], strides = [1, 1]} : vector<512x256xbf16> to vector<511x256xbf16>
    %concatenate3A_2503 = tpu.concatenate %slice3A_2502, %broadcast_in_dim3A_2499 in 0 : vector<511x256xbf16>, vector<1x256xbf16> -> vector<512x256xbf16>
    %slice3A_2504 = vector.extract_strided_slice %get3A_2494 {offsets = [0, 0, 0], sizes = [1, 256, 256], strides = [1, 1, 1]} : vector<3x256x256xbf16> to vector<1x256x256xbf16>
    %squeeze3A_2505 = vector.shape_cast %slice3A_2504 : vector<1x256x256xbf16> to vector<256x256xbf16>
    %dot_general3A_2506 = arith.constant dense<0.000000e+00> : vector<512x256xf32>
    %dot_general3A_2507 = tpu.matmul %concatenate3A_2501, %squeeze3A_2505, %dot_general3A_2506 {dimension_numbers = #tpu.dot_dimension_numbers<[1], [0], [0], [1], [0, 0, 1, 1], [], []>, transpose_lhs_hint = false} : vector<512x256xbf16>, vector<256x256xbf16>, vector<512x256xf32> -> vector<512x256xf32>
    %slice3A_2508 = vector.extract_strided_slice %get3A_2494 {offsets = [1, 0, 0], sizes = [1, 256, 256], strides = [1, 1, 1]} : vector<3x256x256xbf16> to vector<1x256x256xbf16>
    %squeeze3A_2509 = vector.shape_cast %slice3A_2508 : vector<1x256x256xbf16> to vector<256x256xbf16>
    %dot_general3A_2510 = arith.constant dense<0.000000e+00> : vector<512x256xf32>
    %dot_general3A_2511 = tpu.matmul %convert_element_type3A_2490, %squeeze3A_2509, %dot_general3A_2510 {dimension_numbers = #tpu.dot_dimension_numbers<[1], [0], [0], [1], [0, 0, 1, 1], [], []>, transpose_lhs_hint = false} : vector<512x256xbf16>, vector<256x256xbf16>, vector<512x256xf32> -> vector<512x256xf32>
    %add3A_2512 = arith.addf %dot_general3A_2507, %dot_general3A_2511 : vector<512x256xf32>
    %slice3A_2513 = vector.extract_strided_slice %get3A_2494 {offsets = [2, 0, 0], sizes = [1, 256, 256], strides = [1, 1, 1]} : vector<3x256x256xbf16> to vector<1x256x256xbf16>
    %squeeze3A_2514 = vector.shape_cast %slice3A_2513 : vector<1x256x256xbf16> to vector<256x256xbf16>
    %dot_general3A_2515 = arith.constant dense<0.000000e+00> : vector<512x256xf32>
    %dot_general3A_2516 = tpu.matmul %concatenate3A_2503, %squeeze3A_2514, %dot_general3A_2515 {dimension_numbers = #tpu.dot_dimension_numbers<[1], [0], [0], [1], [0, 0, 1, 1], [], []>, transpose_lhs_hint = false} : vector<512x256xbf16>, vector<256x256xbf16>, vector<512x256xf32> -> vector<512x256xf32>
    %add3A_2517 = arith.addf %add3A_2512, %dot_general3A_2516 : vector<512x256xf32>
    %add3A_2518 = vector.broadcast %get3A_2497 : vector<1x256xf32> to vector<512x256xf32>
    %add3A_2519 = arith.addf %add3A_2517, %add3A_2518 : vector<512x256xf32>
    %get3A_2520 = arith.constant 0 : index
    %get3A_2521 = arith.constant 0 : index
    %get3A_2522 = vector.load %arg8[%get3A_2520, %get3A_2521] : memref<1x256xf32, #tpu.memory_space<vmem>>, vector<1x256xf32>
    %get3A_2523 = arith.constant 0 : index
    %get3A_2524 = arith.constant 0 : index
    %get3A_2525 = vector.load %arg9[%get3A_2523, %get3A_2524] : memref<1x256xf32, #tpu.memory_space<vmem>>, vector<1x256xf32>
    %convert_element_type3A_2526 = arith.truncf %add3A_2519 : vector<512x256xf32> to vector<512x256xbf16>
    %dot_general3A_2527 = arith.constant dense<0.000000e+00> : vector<512x128xf32>
    %dot_general3A_2528 = tpu.matmul %convert_element_type3A_2526, %broadcast_in_dim3A_0, %dot_general3A_2527 {dimension_numbers = #tpu.dot_dimension_numbers<[1], [0], [0], [1], [0, 0, 1, 1], [], []>, transpose_lhs_hint = false} : vector<512x256xbf16>, vector<256x128xbf16>, vector<512x128xf32> -> vector<512x128xf32>
    %slice3A_2529 = vector.extract_strided_slice %dot_general3A_2528 {offsets = [0, 0], sizes = [512, 1], strides = [1, 1]} : vector<512x128xf32> to vector<512x1xf32>
    %mul3A_2530 = arith.mulf %convert_element_type3A_2526, %convert_element_type3A_2526 : vector<512x256xbf16>
    %dot_general3A_2531 = arith.constant dense<0.000000e+00> : vector<512x128xf32>
    %dot_general3A_2532 = tpu.matmul %mul3A_2530, %broadcast_in_dim3A_0, %dot_general3A_2531 {dimension_numbers = #tpu.dot_dimension_numbers<[1], [0], [0], [1], [0, 0, 1, 1], [], []>, transpose_lhs_hint = false} : vector<512x256xbf16>, vector<256x128xbf16>, vector<512x128xf32> -> vector<512x128xf32>
    %slice3A_2533 = vector.extract_strided_slice %dot_general3A_2532 {offsets = [0, 0], sizes = [512, 1], strides = [1, 1]} : vector<512x128xf32> to vector<512x1xf32>
    %mul3A_2534 = arith.constant 3.906250e-03 : f32
    %mul3A_2535 = vector.broadcast %mul3A_2534 : f32 to vector<512x1xf32>
    %mul3A_2536 = arith.mulf %slice3A_2529, %mul3A_2535 : vector<512x1xf32>
    %mul3A_2537 = arith.constant 3.906250e-03 : f32
    %mul3A_2538 = vector.broadcast %mul3A_2537 : f32 to vector<512x1xf32>
    %mul3A_2539 = arith.mulf %slice3A_2533, %mul3A_2538 : vector<512x1xf32>
    %mul3A_2540 = arith.mulf %mul3A_2536, %mul3A_2536 : vector<512x1xf32>
    %sub3A_2541 = arith.subf %mul3A_2539, %mul3A_2540 : vector<512x1xf32>
    %sub3A_2542 = vector.broadcast %mul3A_2536 : vector<512x1xf32> to vector<512x256xf32>
    %sub3A_2543 = arith.subf %add3A_2519, %sub3A_2542 : vector<512x256xf32>
    %add3A_2544 = arith.constant 9.99999974E-6 : f32
    %add3A_2545 = vector.broadcast %add3A_2544 : f32 to vector<512x1xf32>
    %add3A_2546 = arith.addf %sub3A_2541, %add3A_2545 : vector<512x1xf32>
    %rsqrt3A_2547 = math.rsqrt %add3A_2546 : vector<512x1xf32>
    %mul3A_2548 = vector.broadcast %rsqrt3A_2547 : vector<512x1xf32> to vector<512x256xf32>
    %mul3A_2549 = arith.mulf %sub3A_2543, %mul3A_2548 : vector<512x256xf32>
    %mul3A_2550 = vector.broadcast %get3A_2522 : vector<1x256xf32> to vector<512x256xf32>
    %mul3A_2551 = arith.mulf %mul3A_2549, %mul3A_2550 : vector<512x256xf32>
    %add3A_2552 = vector.broadcast %get3A_2525 : vector<1x256xf32> to vector<512x256xf32>
    %add3A_2553 = arith.addf %mul3A_2551, %add3A_2552 : vector<512x256xf32>
    %max3A_2554 = arith.constant 0.000000e+00 : f32
    %max3A_2555 = vector.broadcast %max3A_2554 : f32 to vector<512x256xf32>
    %max3A_2556 = arith.maximumf %add3A_2553, %max3A_2555 : vector<512x256xf32>
    %convert_element_type3A_2557 = arith.truncf %max3A_2556 : vector<512x256xf32> to vector<512x256xbf16>
    %get3A_2558 = arith.constant 0 : index
    %get3A_2559 = arith.constant 0 : index
    %get3A_2560 = vector.load %arg10[%get3A_2558, %get3A_2559] : memref<256x128xbf16, #tpu.memory_space<vmem>>, vector<256x128xbf16>
    %dot_general3A_2561 = arith.constant dense<0.000000e+00> : vector<512x128xf32>
    %dot_general3A_2562 = tpu.matmul %convert_element_type3A_2557, %get3A_2560, %dot_general3A_2561 {dimension_numbers = #tpu.dot_dimension_numbers<[1], [0], [0], [1], [0, 0, 1, 1], [], []>, transpose_lhs_hint = false} : vector<512x256xbf16>, vector<256x128xbf16>, vector<512x128xf32> -> vector<512x128xf32>
    %slice3A_2563 = vector.extract_strided_slice %dot_general3A_2562 {offsets = [0, 0], sizes = [512, 1], strides = [1, 1]} : vector<512x128xf32> to vector<512x1xf32>
    %get3A_2564 = arith.constant 0 : index
    %get3A_2565 = arith.constant 0 : index
    %get3A_2566 = vector.load %arg11[%get3A_2564, %get3A_2565] : memref<1x1xf32, #tpu.memory_space<vmem>>, vector<1x1xf32>
    %get3A_2567 = vector.extract %get3A_2566[0, 0] : f32 from vector<1x1xf32>
    %add3A_2568 = vector.broadcast %get3A_2567 : f32 to vector<512x1xf32>
    %add3A_2569 = arith.addf %slice3A_2563, %add3A_2568 : vector<512x1xf32>
    %max3A_2570 = arith.constant 0.000000e+00 : f32
    %max3A_2571 = vector.broadcast %max3A_2570 : f32 to vector<512x1xf32>
    %max3A_2572 = arith.maximumf %add3A_2569, %max3A_2571 : vector<512x1xf32>
    %reshape3A_2573 = vector.shape_cast %max3A_2572 : vector<512x1xf32> to vector<1x512xf32>
    %swap3A_2574 = arith.constant 15 : index
    %swap3A_2575 = arith.constant 0 : index
    %swap3A_2576 = arith.constant 0 : index
    %swap3A_2577 = vector.load %arg12[%swap3A_2574, %swap3A_2575, %swap3A_2576] : memref<16x1x512xf32, #tpu.memory_space<vmem>>, vector<1x1x512xf32>
    %swap3A_2578 = vector.shape_cast %swap3A_2577 : vector<1x1x512xf32> to vector<1x512xf32>
    %swap3A_2579 = vector.shape_cast %reshape3A_2573 : vector<1x512xf32> to vector<1x1x512xf32>
    tpu.vector_store %arg12[%swap3A_2574, %swap3A_2575, %swap3A_2576], %swap3A_2579 {strides = array<i32>} : memref<16x1x512xf32, #tpu.memory_space<vmem>>, vector<1x1x512xf32>,
    return
  }
  func.func @transform_0(%arg0: i32) -> (i32, i32, i32) {
    %c0_i32 = arith.constant 0 : i32
    %c0_i32_0 = arith.constant 0 : i32
    %c0_i32_1 = arith.constant 0 : i32
    return %arg0, %c0_i32, %c0_i32_0 : i32, i32, i32
  }
  func.func @transform_1(%arg0: i32) -> (i32, i32, i32) {
    %c0_i32 = arith.constant 0 : i32
    %c0_i32_0 = arith.constant 0 : i32
    %c0_i32_1 = arith.constant 0 : i32
    %c0_i32_2 = arith.constant 0 : i32
    return %c0_i32, %c0_i32_0, %c0_i32_1 : i32, i32, i32
  }
  func.func @transform_2(%arg0: i32) -> (i32, i32) {
    %c0_i32 = arith.constant 0 : i32
    %c0_i32_0 = arith.constant 0 : i32
    %c0_i32_1 = arith.constant 0 : i32
    return %c0_i32, %c0_i32_0 : i32, i32
  }
  func.func @transform_3(%arg0: i32) -> (i32, i32) {
    %c0_i32 = arith.constant 0 : i32
    %c0_i32_0 = arith.constant 0 : i32
    %c0_i32_1 = arith.constant 0 : i32
    return %c0_i32, %c0_i32_0 : i32, i32
  }
  func.func @transform_4(%arg0: i32) -> (i32, i32) {
    %c0_i32 = arith.constant 0 : i32
    %c0_i32_0 = arith.constant 0 : i32
    %c0_i32_1 = arith.constant 0 : i32
    return %c0_i32, %c0_i32_0 : i32, i32
  }
  func.func @transform_5(%arg0: i32) -> (i32, i32, i32) {
    %c0_i32 = arith.constant 0 : i32
    %c0_i32_0 = arith.constant 0 : i32
    %c0_i32_1 = arith.constant 0 : i32
    %c0_i32_2 = arith.constant 0 : i32
    return %c0_i32, %c0_i32_0, %c0_i32_1 : i32, i32, i32
  }
  func.func @transform_6(%arg0: i32) -> (i32, i32) {
    %c0_i32 = arith.constant 0 : i32
    %c0_i32_0 = arith.constant 0 : i32
    %c0_i32_1 = arith.constant 0 : i32
    return %c0_i32, %c0_i32_0 : i32, i32
  }
  func.func @transform_7(%arg0: i32) -> (i32, i32) {
    %c0_i32 = arith.constant 0 : i32
    %c0_i32_0 = arith.constant 0 : i32
    %c0_i32_1 = arith.constant 0 : i32
    return %c0_i32, %c0_i32_0 : i32, i32
  }
  func.func @transform_8(%arg0: i32) -> (i32, i32) {
    %c0_i32 = arith.constant 0 : i32
    %c0_i32_0 = arith.constant 0 : i32
    %c0_i32_1 = arith.constant 0 : i32
    return %c0_i32, %c0_i32_0 : i32, i32
  }
  func.func @transform_9(%arg0: i32) -> (i32, i32) {
    %c0_i32 = arith.constant 0 : i32
    %c0_i32_0 = arith.constant 0 : i32
    %c0_i32_1 = arith.constant 0 : i32
    return %c0_i32, %c0_i32_0 : i32, i32
  }
  func.func @transform_10(%arg0: i32) -> (i32, i32) {
    %c0_i32 = arith.constant 0 : i32
    %c0_i32_0 = arith.constant 0 : i32
    %c0_i32_1 = arith.constant 0 : i32
    return %c0_i32, %c0_i32_0 : i32, i32
  }
  func.func @transform_11(%arg0: i32) -> (i32, i32, i32) {
    %c0_i32 = arith.constant 0 : i32
    %c0_i32_0 = arith.constant 0 : i32
    %c0_i32_1 = arith.constant 0 : i32
    return %arg0, %c0_i32, %c0_i32_0 : i32, i32, i32
  }
}

</mosaic_0001>

<sc_bundles>
// kernel: kernel.4.cloned.1.call-start
scs
__scs_entry_jumppad:
0x0: {  	(pc) =	sbr.rel $0x88, $3  }
0x1: {  	(tag) =	ssettag $0x0;
	lr =	simm.s32 $0x1  }
0x2: {  	[smem:$0x3F94] =	sst lr;
	_ =	strace $0xD0000000  }
0x3: {  	_ = 	snop  }
0x4: {  	_ = 	snop  }
0x5: {  	_ = 	snop  }
0x6: {  	_ = 	snop  }
0x7: {  	_ = 	snop  }
__scs_overlays_trampoline_lowered:
0x8: {  	[smem:$0x3FA3] =	sst s0  }
0x9: {  	[smem:$0x3FA4] =	sst s1  }
0xa: {  	[smem:$0x3FA5] =	sst s2  }
0xb: {  	[smem:$0x3FA6] =	sst s3  }
0xc: {  	[smem:$0x3FA7] =	sst s4  }
0xd: {  	[smem:$0x3FA8] =	sst s5  }
0xe: {  	[smem:$0x3FA9] =	sst s6  }
0xf: {  	[smem:$0x3FAA] =	sst s7  }
0x10: {  	[smem:$0x3FAB] =	sst s8  }
0x11: {  	[smem:$0x3FAC] =	sst s9;
	s0 =	simm.s32 @!p0 $0x0  }
0x12: {  	s1 =	sld [smem:$0x3F92];
	s0 =	simm.s32 @p0 $0x1  }
0x13: {  	[smem:$0x3FAD] =	sst s0;
	s0 =	simm.s32 @!p1 $0x0  }
0x14: {  	s2 =	sld [smem:$0x3F91];
	s0 =	simm.s32 @p1 $0x1  }
0x15: {  	[smem:$0x3FAE] =	sst s0;
	s0 =	simm.s32 @!p2 $0x0  }
0x16: {  	s3 =	sld [smem:$0x3FDB];
	s0 =	simm.s32 @p2 $0x1  }
0x17: {  	s4 =	simm.s32 $0x1BF5;
	[smem:$0x3FB0] =	sst s0  }
0x18: {  	s0 =	sld [smem:$0x3F93];
	_ =	swait.ge [sflag:s4], $0x0  }
0x19: {  	s7 =	sld [smem:$0x3F94]  }
0x1a: {  	s8 =	sadd.s32 $0xFFFFE003, lr  }
0x1b: {  	s9 =	sadd.s32 $0xFFFFFEF7, lr;
	s5 =	simm.s32 $0xFFFFFFFF;
	p2 =	slt.u32 s8, $0xFFFFF086  }
0x1c: {  	p1 =	slt.u32 s9, $0xF7A;
	s5 =	simm.s32 @!p2 $0x0  }
0x1d: {  	s5 =	simm.s32 @p1 $0x1;
	p0 =	seq.s32 s7, s2  }
0x1e: {  	s7 =	smul.u32 @!p0 $0xF7A, s2;
	p2 =	seq.s32 @!p0 s5, $0x0  }
0x1f: {  	s9 =	smul.u32 $0xF7A, s1;
	s8 =	simm.s32 @!p0 $0x1BF5;
	p2 =	por !p2, p0  }
0x20: {  	[sflag:s8] =	ssyncset.s32 @!p0 $0xFFFFF086;
	s6 =	sadd.s32 @!p0 s3, s7;
	s7 =	simm.s32 @!p0 $0x108  }
0x21: {  	s3 =	sadd.s32 s3, s9;
	s6 =	sadd.s32 @!p0 $0x88, s6;
	s7 =	simm.s32 @p2 $0x1082  }
0x22: {  	[simem:s7], [sflag:s8] =	dma.local @!p0 [hbm:s6], $0xF7A  }
0x23: {  	s9 =	sor.u32 $0xD0000000, s2;
	s6 =	simm.s32 $0x108;
	_ =	swait.ge @!p0 [sflag:s8], $0x0  }
0x24: {  	s3 =	sadd.s32 $0x88, s3;
	s6 =	simm.s32 @!p1 $0x1082;
	[sflag:s4] =	ssyncset.s32 $0xFFFFF086  }
0x25: {  	[simem:s6], [sflag:s4] =	dma.local [hbm:s3], $0xF7A  }
0x26: {  	[smem:$0x3F94] =	sst s1;
	(tag) =	ssettag s2;
	_ =	strace s9  }
0x27: {  	s1 =	sld [smem:$0x3FA4]  }
0x28: {  	s2 =	sld [smem:$0x3FA5]  }
0x29: {  	s4 =	sld [smem:$0x3FA7]  }
0x2a: {  	p0 =	seq.s32 s5, $0x0;
	s5 =	sld [smem:$0x3FA8]  }
0x2b: {  	s6 =	sld [smem:$0x3FA9]  }
0x2c: {  	s7 =	sld [smem:$0x3FAA]  }
0x2d: {  	s3 =	simm.s32 $0x108;
	s8 =	sld [smem:$0x3FAB]  }
0x2e: {  	s3 =	simm.s32 @!p0 $0x1082;
	s9 =	sld [smem:$0x3FAC]  }
0x2f: {  	lr =	sadd.s32 s0, s3;
	s0 =	sld [smem:$0x3FA3]  }
0x30: {  	s3 =	sld [smem:$0x3FA6]  }
0x31: {  	[smem:$0x3FAF] =	sst s10  }
0x32: {  	s10 =	sld [smem:$0x3FAD];
	_ =	sdelay $0x3  }
0x33: {  	p0 =	seq.s32 s10, $0x1;
	s10 =	sld [smem:$0x3FAF];
	_ =	sdelay $0x3  }
0x34: {  	[smem:$0x3FAF] =	sst s10  }
0x35: {  	s10 =	sld [smem:$0x3FAE];
	_ =	sdelay $0x3  }
0x36: {  	p1 =	seq.s32 s10, $0x1;
	s10 =	sld [smem:$0x3FAF];
	_ =	sdelay $0x3  }
0x37: {  	[smem:$0x3FAF] =	sst s10  }
0x38: {  	s10 =	sld [smem:$0x3FB0]  }
0x39: {  	_ = 	snop;
	(pc) =	sbr.ind lr, $3  }
0x3a: {  	_ = 	snop  }
0x3b: {  	_ = 	snop  }
0x3c: {  	p2 =	seq.s32 s10, $0x1;
	s10 =	sld [smem:$0x3FAF]  }
0x3d: {  	_ =	shalt  }
0x3e: {  	_ =	shalt  }
0x3f: {  	_ =	shalt  }
0x40: {  	_ =	shalt  }
0x41: {  	_ =	shalt  }
0x42: {  	_ =	shalt  }
0x43: {  	_ =	shalt  }
0x44: {  	_ =	shalt  }
0x45: {  	_ =	shalt  }
0x46: {  	_ =	shalt  }
0x47: {  	_ =	shalt  }
0x48: {  	_ =	shalt  }
0x49: {  	_ =	shalt  }
0x4a: {  	_ =	shalt  }
0x4b: {  	_ =	shalt  }
0x4c: {  	_ =	shalt  }
0x4d: {  	_ =	shalt  }
0x4e: {  	_ =	shalt  }
0x4f: {  	_ =	shalt  }
0x50: {  	_ =	shalt  }
0x51: {  	_ =	shalt  }
0x52: {  	_ =	shalt  }
0x53: {  	_ =	shalt  }
0x54: {  	_ =	shalt  }
0x55: {  	_ =	shalt  }
0x56: {  	_ =	shalt  }
0x57: {  	_ =	shalt  }
0x58: {  	_ =	shalt  }
0x59: {  	_ =	shalt  }
0x5a: {  	_ =	shalt  }
0x5b: {  	_ =	shalt  }
0x5c: {  	_ =	shalt  }
0x5d: {  	_ =	shalt  }
0x5e: {  	_ =	shalt  }
0x5f: {  	_ =	shalt  }
0x60: {  	_ =	shalt  }
0x61: {  	_ =	shalt  }
0x62: {  	_ =	shalt  }
0x63: {  	_ =	shalt  }
0x64: {  	_ =	shalt  }
0x65: {  	_ =	shalt  }
0x66: {  	_ =	shalt  }
0x67: {  	_ =	shalt  }
0x68: {  	_ =	shalt  }
0x69: {  	_ =	shalt  }
0x6a: {  	_ =	shalt  }
0x6b: {  	_ =	shalt  }
0x6c: {  	_ =	shalt  }
0x6d: {  	_ =	shalt  }
0x6e: {  	_ =	shalt  }
0x6f: {  	_ =	shalt  }
0x70: {  	_ =	shalt  }
0x71: {  	_ =	shalt  }
0x72: {  	_ =	shalt  }
0x73: {  	_ =	shalt  }
0x74: {  	_ =	shalt  }
0x75: {  	_ =	shalt  }
0x76: {  	_ =	shalt  }
0x77: {  	_ =	shalt  }
0x78: {  	_ =	shalt  }
0x79: {  	_ =	shalt  }
0x7a: {  	_ =	shalt  }
0x7b: {  	_ =	shalt  }
0x7c: {  	_ =	shalt  }
0x7d: {  	_ =	shalt  }
0x7e: {  	_ =	shalt  }
0x7f: {  	_ =	shalt  }
0x80: {  	_ =	shalt  }
0x81: {  	_ =	shalt  }
0x82: {  	_ =	shalt  }
0x83: {  	_ =	shalt  }
0x84: {  	_ =	shalt  }
0x85: {  	_ =	shalt  }
0x86: {  	_ =	shalt  }
0x87: {  	_ =	shalt  }
.Lfunc_end0:
.L_simem_size_0:
called_computation_lowered:
.L_overlay_start_0:
0x88: {  	s2 =	sld [smem:$0x3FD9]  }
0x89: {  	s3 =	sld [smem:$0x3FFE];
	_ =	sdelay $0x1  }
0x8a: {  	s1 =	srdreg.scid  }
0x8b: {  	s0 =	sand.u32 $0x1, s1  }
0x8c: {  	s14 =	sshll.u32 s0, $0xA;
	s2 =	sadd.s32 s3, s2  }
0x8d: {  	s2 =	sadd.s32 s2, s14  }
0x8e: {  	[smem:$0x3FBB] =	sst s2  }
0x8f: {  	_ = 	snop  }
0x90: {  	s2 =	sld [smem:$0x3FD0];
	_ =	sdelay $0x1  }
0x91: {  	s15 =	sld [smem:$0x3FC9]  }
0x92: {  	s5 =	simm.s32 $0xA;
	s6 =	simm.s32 $0x10;
	s4 =	sld [smem:$0x3FC8]  }
0x93: {  	[smem:s6], [sflag:s5] =	dma.local [hbm:s2], $0x1  }
0x94: {  	_ =	swait.eq [sflag:s5], $0x1  }
0x95: {  	[sflag:s5] =	ssyncset.done $0x0  }
0x96: {  	[sflag:s5] =	ssyncadd.s32 $0xFFFFFFFF  }
0x97: {  	s16 =	sld [smem:$0x10];
	(tm) =	ssettm $0x1  }
0x98: {  	s17 =	sld [smem:$0x3FFB];
	_ =	sdelay $0x3  }
0x99: {  	_ =	strace s17  }
0x9a: {  	s5 =	sld [smem:$0x3FFC];
	_ =	sdelay $0x3  }
0x9b: {  	_ =	strace s5  }
0x9c: {  	s5 =	sld [smem:$0x3FFD];
	_ =	sdelay $0x3  }
0x9d: {  	_ =	strace s5  }
0x9e: {  	_ =	strace $0x8FFFFFFF  }
0x9f: {  	s18 =	sld [smem:$0x3FDB];
	_ =	sdelay $0x1  }
0xa0: {  	s19 =	simm.s32 $_scs_section_size  }
0xa1: {  	s7 =	simm.s32 $_size__tile_overlayer_lowered;
	s8 =	simm.s32 $_tile_overlayer_lowered  }
0xa2: {  	s22 =	simm.s32 $0x1BFF;
	s21 =	sshll.u32 s8, $0x1;
	s5 =	sadd.s32 s19, s18  }
0xa3: {  	s9 =	simm.s32 $0x0;
	s20 =	sshll.u32 s7, $0x1;
	s7 =	sadd.s32 s21, s5  }
0xa4: {  	[timem:s9], [sflag:s22] =	dma.local [hbm:s7], s20  }
0xa5: {  	_ =	swait.ge [sflag:s22], s20  }
0xa6: {  	s6 =	ssub.s32 $0x0, s20;
	[sflag:s22] =	ssyncset.done $0x0  }
0xa7: {  	[sflag:s22] =	ssyncadd.s32 s6;
	_ =	sdelay $0x1  }
0xa8: {  	s23 =	simm.s32 $0x1B8B  }
0xa9: {  	_ =	swait.ge [sflag:s23], $0x1  }
0xaa: {  	[sflag:s23] =	ssyncset.done $0x0  }
0xab: {  	s25 =	simm.s32 $0x1B8E;
	s24 =	sld [smem:$0x3FFE];
	[sflag:s23] =	ssyncadd.s32 $0xFFFFFFFF  }
0xac: {  	s26 =	simm.s32 $execute0_lowered;
	[smem:$0x3FD2] =	sst s25  }
0xad: {  	s7 =	sshll.u32 s26, $0x1;
	_ =	strace $0x80000046;
	[dreg:$0x1] =	wrdreg $0xFFFFFFFF  }
0xae: {  	s28 =	simm.s32 $_size_execute0_lowered;
	s5 =	sadd.s32 s5, s7;
	[dreg:$0x0] =	wrdreg $0x0  }
0xaf: {  	s7 =	sshll.u32 s28, $0x1;
	[dreg:$0x2] =	wrdreg s5  }
0xb0: {  	[dreg:$0x3] =	wrdreg s7  }
0xb1: {  	[dreg:$0x4] =	wrdreg $0xC0  }
0xb2: {  	_ =	task [dreg:s9], $0x5FFFF  }
0xb3: {  	[dreg:$0x1] =	wrdreg $0xFFFFFFFF  }
0xb4: {  	[dreg:$0x0] =	wrdreg $0x60  }
0xb5: {  	[dreg:$0x2] =	wrdreg s15  }
0xb6: {  	[dreg:$0x3] =	wrdreg s4  }
0xb7: {  	[dreg:$0x4] =	wrdreg s24  }
0xb8: {  	[dreg:$0x5] =	wrdreg s16  }
0xb9: {  	[dreg:$0x6] =	wrdreg $0x9  }
0xba: {  	_ =	task.clear_ibuf [dreg:s9], $0x7FFFF;
	_ =	strace $0x90000046  }
0xbb: {  	s29 =	simm.s32 $0x9;
	_ =	strace $0x80000048  }
0xbc: {  	_ =	swait.ge [sflag:s29], $0x1  }
0xbd: {  	[sflag:s29] =	ssyncadd.s32 $0xFFFFFFFF  }
0xbe: {  	_ =	strace $0x90000048  }
0xbf: {  	_ =	sfence  }
0xc0: {  	s30 =	sld [smem:$0x0];
	_ =	sdelay $0x2  }
0xc1: {  	s31 =	sshll.u32 s1, $0xD;
	s1 =	sshrl.u32 s1, $0x2  }
0xc2: {  	s3 =	sand.u32 $0x4000, s31;
	s1 =	sadd.s32 s1, s30  }
0xc3: {  	s0 =	sor.u32 s3, s0;
	s1 =	sshll.u32 s1, $0x11  }
0xc4: {  	s0 =	sor.u32 s1, s0  }
0xc5: {  	s0 =	sadd.s32 $0x8F2B, s0  }
0xc6: {  	[sflag:s0] =	ssyncadd.remote.s32 $0x1  }
0xc7: {  	_ =	sfence.sel $0xFFFF  }
0xc8: {  	[dreg:$0x0] =	wrdreg $0xFFFFFFFF;
	(pc) =	sbr.abs _section_cstart, $3  }
0xc9: {  	[dreg:$0x1] =	wrdreg $0xFFFFFFFF  }
0xca: {  	_ =	task.clear_ibuf [dreg:s9], $0x2FFFF;
	_ =	strace $0x9FFFFFFF  }
0xcb: {  	(tm) =	ssettm $0x7FFFFFFF  }
tec
execute0_lowered:
.L_overlay_start_1:
0x0: {  	(tag) =	ssettag $0x1  }
0x1: {  	s0 =	srdreg.scid  }
0x2: {  	s6 =	stileid.u32;
	s0 =	sand.u32 $0x1, s0  }
0x3: {  	s2 =	sor.u32 s0, s6  }
0x4: {  	s1 =	rddreg [dreg:$0x0];
	v0 =	vimm.s32 $0xEDCBA987;
	p1 =	seq.s32 s0, $0x1;
	p0 =	seq.s32 s2, $0x0  }
0x5: {  	s21 =	rddreg [dreg:$0x1];
	v0 =	vunpack.c.l.s4.s8 v0;
	p0 =	por !p0, !p1  }
0x6: {  	s5 =	rddreg [dreg:$0x2];
	s4 =	simm.s32 $0x1;
	v1 =	vimm.s32 $0x65432100;
	p0 =	por !p0, !p0  }
0x7: {  	s3 =	rddreg [dreg:$0x3];
	v2 =	vimm.s32 $0xDCBA9876;
	v1 =	vunpack.c.l.s4.s8 v1;
	v0 =	vunpack.c.0.s8.s32 v0;
	s4 =	simm.s32 @!p0 $0x0  }
0x8: {  	s20 =	simm.s32 $0xD;
	s28 =	simm.s32 $0x7;
	v2 =	vunpack.c.l.s4.s8 v2;
	s6 =	ssub.s32 s6, s4  }
0x9: {  	s29 =	simm.s32 $0x8;
	v1 =	vunpack.c.0.s8.s32 v1;
	v3 =	vand.u32 $0xF, v0;
	v0 =	vimm.s32 $0x54321000;
	s8 =	sshll.u32 s6, $0x9;
	s7 =	sshll.u32 s6, $0x7  }
0xa: {  	v5 =	vimm.s32 $0xE40000;
	v2 =	vunpack.c.0.s8.s32 v2;
	v4 =	vunpack.c.l.s4.s8 v0;
	s4 =	simm.s32 $0x0;
	s9 =	sand.u32 $0xFFFFF000, s8;
	s7 =	sand.u32 $0x380, s7  }
0xb: {  	s30 =	simm.s32 $0x9;
	v1 =	vcombine.low v1, v3;
	v3 =	vunpack.c.l.s2.s4 v5;
	[smem:$0x7FF] =	sst s4;
	s7 =	sor.u32 s7, s9  }
0xc: {  	s5 =	sadd.s32 $0x1800, s5;
	v5 =	vand.u32 $0xF, v2;
	v2 =	vimm.s32 $0xBA987654;
	v4 =	vunpack.c.0.s8.s32 v4;
	_ =	strace $0x80000047;
	s7 =	sshrl.u32 s7, $0x3  }
0xd: {  	v6 =	vimm.s32 $0x32100000;
	v7 =	vunpack.c.l.s4.s8 v2;
	v8 =	vunpack.c.l.s4.s8 v3;
	[dreg:$0x5] =	wrdreg s5;
	s2 =	sadd.s32 s21, s7;
	s7 =	sshll.u32 s0, $0x6  }
0xe: {  	s10 =	ssub.s32 $0x2, s0;
	v3 =	vcombine.low v4, v5;
	v4 =	vunpack.c.l.s4.s8 v6;
	[dreg:$0x6] =	wrdreg s2;
	s23 =	sor.u32 $0x80, s7  }
0xf: {  	v5 =	vunpack.c.0.s8.s32 v7;
	v6 =	vimm.s32 $0x7060504;
	v7 =	vunpack.c.0.s8.s32 v8;
	s0 =	scvt.s32.f32 s7;
	s24 =	sor.u32 $0x100, s7;
	[dreg:$0x8] =	wrdreg s23  }
0x10: {  	s31 =	simm.s32 $0xA;
	s22 =	sshrl.u32 s10, $0x1;
	v6 =	vunpack.c.0.s8.s32 v6;
	v4 =	vunpack.c.0.s8.s32 v4;
	[dreg:$0x9] =	wrdreg s24  }
0x11: {  	vm2 =	vcmask $0x3F30;
	s15 =	sshll.u32 s6, $0x13;
	s5 =	ssub.s32 s10, s22;
	v5 =	vand.u32 $0xF, v5;
	v7 =	vand.u32 $0x3, v7;
	[dreg:$0x7] =	wrdreg s0  }
.Ltmp0:
0x12: {  	s26 =	sor.u32 $0x180, s7;
	v4 =	vcombine.low v4, v5;
	v5 =	vsel vm2, v6, v7;
	v6 =	vimm.s32 $0xFF;
	s0 =	scvt.s32.f32 s23;
	(pc) =	sbr.rel .LBB2_1-.Ltmp0, $4  }
0x13: {  	vm0 =	vmmov $0x3;
	vm1 =	vmmov $0xf;
	v2 =	vlaneseq.u32;
	s22 =	simm.s32 $0x200;
	s25 =	scvt.s32.f32 s24;
	[dreg:$0xc] =	wrdreg s26  }
0x14: {  	vm3 =	vmmov $0xffff;
	v11 =	vimm.f32 $0.0e+00;
	v9 =	vshrl.u32 v2, $0x3;
	s16 =	smax.u32 s5, $0x1;
	[dreg:$0xa] =	wrdreg s0;
	s0 =	scvt.s32.f32 s26  }
0x15: {  	v10 =	vor.u32 $0x8, v2;
	v0 =	vmov s8;
	v9 =	vmul.u32 $0x8, v9;
	s19 =	sor.u32 $0x200, s7;
	s2 =	simm.s32 $0x0;
	[dreg:$0xb] =	wrdreg s25  }
0x16: {  	v8 =	vand.u32 $0x7, v2;
	vm2 =	vmmov $0xff;
	v7 =	vimm.s32 $0x0;
	s25 =	simm.s32 $0xB;
	s26 =	simm.s32 $0xC;
	[dreg:$0xd] =	wrdreg s0  }
.LBB2_35:
0x17: {  	_ =	swait.ge [sflag:s25], $0x4000  }
0x18: {  	[sflag:s25] =	ssyncset.done $0x0  }
0x19: {  	[sflag:s25] =	ssyncadd.s32 $0xFFFFC000  }
0x1a: {  	_ =	swait.ge [sflag:s26], $0x4000  }
0x1b: {  	[sflag:s26] =	ssyncset.done $0x0  }
0x1c: {  	[sflag:s26] =	ssyncadd.s32 $0xFFFFC000  }
0x1d: {  	_ =	swait.ge [sflag:s28], $0x4000  }
0x1e: {  	[sflag:s28] =	ssyncset.done $0x0  }
0x1f: {  	[sflag:s28] =	ssyncadd.s32 $0xFFFFC000  }
0x20: {  	_ =	swait.ge [sflag:s29], $0x4000  }
0x21: {  	[sflag:s29] =	ssyncset.done $0x0  }
0x22: {  	s2 =	sadd.s32 $0x1, s2;
	[sflag:s29] =	ssyncadd.s32 $0xFFFFC000  }
0x23: {  	p0 =	sne.s32 s2, s16;
	_ =	swait.ge [sflag:s30], $0x4000  }
.Ltmp1:
0x24: {  	[sflag:s30] =	ssyncset.done $0x0;
	(pc) =	sbr.rel @!p0 .LBB2_36-.Ltmp1, $4  }
0x25: {  	[sflag:s30] =	ssyncadd.s32 $0xFFFFC000  }
0x26: {  	_ =	swait.ge [sflag:s31], $0x4000  }
0x27: {  	[sflag:s31] =	ssyncset.done $0x0  }
0x28: {  	[sflag:s31] =	ssyncadd.s32 $0xFFFFC000  }
.LBB2_1:
0x29: {  	s0 =	rddreg [dreg:$0x6];
	s5 =	simm.s32 $0x80;
	s6 =	simm.s32 $0x400  }
0x2a: {  	[tilespmem:s4], [sflag:$0xD] =	stream.strided.gather [hbm4b:s0+s5], $0x200, s6, s5, $0x38;
	[tilespmem:$0x1C880] =	vst v63  }
0x2b: {  	_ =	swait.ge [sflag:s20], $0x200  }
0x2c: {  	[sflag:s20] =	ssyncset.done $0x0  }
0x2d: {  	s23 =	simm.s32 $0x800;
	s21 =	rddreg [dreg:$0x5];
	[sflag:s20] =	ssyncadd.s32 $0xFFFFFE00  }
0x2e: {  	[tilespmem:s23], [sflag:$0xD] =	stream.linear.gather [hbm4b:s21+s4], $0x80, $0x38;
	[tilespmem:$0x1C880] =	vst v63  }
0x2f: {  	_ =	swait.ge [sflag:s20], $0x80  }
0x30: {  	[sflag:s20] =	ssyncset.done $0x0  }
0x31: {  	[sflag:s20] =	ssyncadd.s32 $0xFFFFFF80  }
0x32: {  	v12 =	vld [tilespmem:s4+$0x0];
	_ =	sdelay $0x2  }
0x33: {  	v13 =	vor.u32 s4, v1;
	_ =	sdelay $0x1  }
0x34: {  	v14 =	vcvt.s32.f32 v12;
	_ =	sdelay $0x1  }
0x35: {  	v12 =	vld [tilespmem:$0x800];
	[tilespmem:s22+$0x0] =	vst v14  }
0x36: {  	v13 =	vld.idx.msk [tilespmem:v13+s22+$0x0], $0xffff;
	_ =	sdelay $0x3  }
0x37: {  	vm4 =	veq.s32 v2, $0x0;
	v15 =	vor.u32 s4, v3  }
0x38: {  	v13 =	vsel vm4, $0x0, v13  }
0x39: {  	v13 =	vadd.f32 v14, v13;
	_ =	sdelay $0x1  }
0x3a: {  	[tilespmem:s22+$0x0] =	vst v13  }
0x3b: {  	v14 =	vld.idx.msk [tilespmem:v15+s22+$0x0], $0xffff;
	_ =	sdelay $0x3  }
0x3c: {  	v15 =	vor.u32 s4, v4  }
0x3d: {  	v14 =	vsel vm0, $0x0, v14  }
0x3e: {  	v13 =	vadd.f32 v14, v13;
	_ =	sdelay $0x1  }
0x3f: {  	[tilespmem:s22+$0x0] =	vst v13  }
0x40: {  	v14 =	vld.idx.msk [tilespmem:v15+s22+$0x0], $0xffff;
	_ =	sdelay $0x3  }
0x41: {  	v15 =	vor.u32 s4, v5  }
0x42: {  	v14 =	vsel vm1, $0x0, v14  }
0x43: {  	v13 =	vadd.f32 v14, v13;
	_ =	sdelay $0x1  }
0x44: {  	[tilespmem:s22+$0x0] =	vst v13  }
0x45: {  	v14 =	vld.idx.msk [tilespmem:v15+s22+$0x0], $0xffff;
	_ =	sdelay $0x4  }
0x46: {  	v14 =	vsel vm2, $0x0, v14  }
0x47: {  	v13 =	vadd.f32 v14, v13  }
0x48: {  	s24 =	simm.f32 $0.0e+00  }
0x49: {  	s9 =	simm.s32 $0x200;
	s10 =	simm.s32 $0x0;
	s0 =	simm.s32 $0x10;
	v13 =	vadd.f32 s24, v13  }
.LBB2_2:
0x4a: {  	_ = 	snop  }
0x4b: {  	p0 =	sne.s32 s0, $0x1F0;
	s10 =	sadd.s32 $0x10, s10;
	[tilespmem:s9+$0x0] =	vst v13;
	s9 =	sadd.s32 $0x10, s9;
	(v2sf) =	vpush v13, $0xF  }
0x4c: {  	s5 =	smov.u32 s0;
	s0 =	sadd.s32 $0x10, s0;
	v13 =	vld [tilespmem:s10+$0x0];
	_ =	sdelay $0x2  }
0x4d: {  	v14 =	vor.u32 s5, v1;
	_ =	sdelay $0x1  }
0x4e: {  	v13 =	vcvt.s32.f32 v13;
	_ =	sdelay $0x1  }
0x4f: {  	[tilespmem:s9+$0x0] =	vst v13  }
0x50: {  	v14 =	vld.idx.msk [tilespmem:v14+s22+$0x0], $0xffff;
	_ =	sdelay $0x4  }
0x51: {  	v15 =	vor.u32 s5, v3  }
0x52: {  	v14 =	vsel vm4, $0x0, v14;
	s6 =	spop (v2sf)  }
0x53: {  	v13 =	vadd.f32 v13, v14;
	_ =	sdelay $0x1  }
0x54: {  	[tilespmem:s9+$0x0] =	vst v13  }
0x55: {  	v14 =	vld.idx.msk [tilespmem:v15+s22+$0x0], $0xffff;
	_ =	sdelay $0x4  }
0x56: {  	v15 =	vor.u32 s5, v4  }
0x57: {  	v14 =	vsel vm0, $0x0, v14  }
0x58: {  	v13 =	vadd.f32 v14, v13;
	_ =	sdelay $0x1  }
0x59: {  	[tilespmem:s9+$0x0] =	vst v13  }
0x5a: {  	v14 =	vld.idx.msk [tilespmem:v15+s22+$0x0], $0xffff;
	_ =	sdelay $0x4  }
0x5b: {  	v15 =	vor.u32 s5, v5  }
0x5c: {  	v14 =	vsel vm1, $0x0, v14  }
0x5d: {  	v13 =	vadd.f32 v14, v13;
	_ =	sdelay $0x1  }
0x5e: {  	[tilespmem:s9+$0x0] =	vst v13  }
0x5f: {  	v14 =	vld.idx.msk [tilespmem:v15+s22+$0x0], $0xffff;
	_ =	sdelay $0x4  }
.Ltmp2:
0x60: {  	(pc) =	sbr.rel @p0 .LBB2_2-.Ltmp2, $3  }
0x61: {  	v14 =	vsel vm2, $0x0, v14  }
0x62: {  	v13 =	vadd.f32 v14, v13;
	_ =	sdelay $0x1  }
0x63: {  	v13 =	vadd.f32 s6, v13  }
0x64: {  	_ = 	snop  }
0x65: {  	(v2sf) =	vpush v13, $0xF  }
0x66: {  	(v2sf) =	vpush v12, $0x0;
	_ =	sdelay $0xd  }
0x67: {  	s0 =	spop (v2sf)  }
0x68: {  	s5 =	spop (v2sf)  }
0x69: {  	s24 =	rddreg [dreg:$0x7];
	s5 =	sadd.s32 $0xFFFFFFFF, s5  }
0x6a: {  	s23 =	scvt.s32.f32 s5;
	s5 =	ssub.f32 s0, s24  }
0x6b: {  	_ = 	snop  }
0x6c: {  	p0 =	sgt.f32 s0, s23;
	s5 =	smax.f32 s5, $0.0e+00  }
0x6d: {  	s5 =	smin.f32 s5, $6.400000000e+01  }
0x6e: {  	s5 =	simm.s32 @p0 $0x42800000  }
0x6f: {  	s5 =	scvt.f32.s32 s5;
	_ =	sdelay $0x1  }
0x70: {  	p1 =	slt.s32 s5, $0x1  }
.Ltmp3:
0x71: {  	_ = 	snop;
	(pc) =	sbr.rel @p1 .LBB2_7-.Ltmp3, $2  }
0x72: {  	_ =	sdelay $0x2  }
0x73: {  	[tilespmem:s9+$0x0] =	vst v13;
	v12 =	vmov s23  }
0x74: {  	s5 =	simm.s32 $0x0;
	s6 =	smov.u32 s7  }
.LBB2_5:
0x75: {  	v13 =	vld.idx.msk [tilespmem:v6+s22+$0x0], $0xffff  }
0x76: {  	v14 =	vor.u32 s6, v2  }
0x77: {  	v14 =	vcvt.s32.f32 v14;
	_ =	sdelay $0x1  }
0x78: {  	v14 =	vmin.f32 v14, v12  }
0x79: {  	vm4 =	vle.f32 v13, v14  }
0x7a: {  	v13 =	vsel vm4, $0x100, v7  }
0x7b: {  	v15 =	vor.u32 $0x7F, v13;
	_ =	sdelay $0x4  }
0x7c: {  	v15 =	vld.idx.msk [tilespmem:v15+s22+$0x0], $0xffff;
	_ =	sdelay $0x4  }
0x7d: {  	vm4 =	vle.f32 v15, v14  }
0x7e: {  	v15 =	vsel vm4, $0x80, v7  }
0x7f: {  	v13 =	vor.u32 v13, v15  }
0x80: {  	v15 =	vor.u32 $0x3F, v13;
	_ =	sdelay $0x4  }
0x81: {  	v15 =	vld.idx.msk [tilespmem:v15+s22+$0x0], $0xffff;
	_ =	sdelay $0x4  }
0x82: {  	vm4 =	vle.f32 v15, v14  }
0x83: {  	v15 =	vsel vm4, $0x40, v7  }
0x84: {  	v16 =	vor.u32 v13, v15  }
0x85: {  	v16 =	vor.u32 $0x1F, v16;
	_ =	sdelay $0x4  }
0x86: {  	v16 =	vld.idx.msk [tilespmem:v16+s22+$0x0], $0xffff;
	_ =	sdelay $0x4  }
0x87: {  	vm4 =	vle.f32 v16, v14  }
0x88: {  	v16 =	vsel vm4, $0x20, v7  }
0x89: {  	v15 =	vor.u32 v15, v16  }
0x8a: {  	v16 =	vor.u32 v13, v15  }
0x8b: {  	v17 =	vor.u32 $0xF, v16;
	_ =	sdelay $0x4  }
0x8c: {  	v17 =	vld.idx.msk [tilespmem:v17+s22+$0x0], $0xffff;
	_ =	sdelay $0x4  }
0x8d: {  	vm4 =	vle.f32 v17, v14  }
0x8e: {  	v17 =	vsel vm4, $0x10, v7  }
0x8f: {  	v18 =	vor.u32 v17, v16  }
0x90: {  	v18 =	vor.u32 $0x7, v18;
	_ =	sdelay $0x4  }
0x91: {  	v18 =	vld.idx.msk [tilespmem:v18+s22+$0x0], $0xffff;
	_ =	sdelay $0x4  }
0x92: {  	vm4 =	vle.f32 v18, v14  }
0x93: {  	v18 =	vsel vm4, $0x8, v7  }
0x94: {  	v17 =	vor.u32 v17, v18  }
0x95: {  	v16 =	vor.u32 v17, v16  }
0x96: {  	v16 =	vor.u32 $0x3, v16;
	_ =	sdelay $0x4  }
0x97: {  	v16 =	vld.idx.msk [tilespmem:v16+s22+$0x0], $0xffff;
	_ =	sdelay $0x4  }
0x98: {  	vm4 =	vle.f32 v16, v14  }
0x99: {  	v16 =	vsel vm4, $0x4, v7  }
0x9a: {  	v16 =	vor.u32 v16, v13  }
0x9b: {  	v15 =	vor.u32 v15, v16  }
0x9c: {  	v15 =	vor.u32 v17, v15  }
0x9d: {  	v63 =	vand.u32 $0x7C, v15  }
0x9e: {  	v16 =	vor.u32 v63, v13  }
0x9f: {  	v16 =	vor.u32 $0x1, v16;
	_ =	sdelay $0x4  }
0xa0: {  	v16 =	vld.idx.msk [tilespmem:v16+s22+$0x0], $0xffff;
	_ =	sdelay $0x4  }
0xa1: {  	vm4 =	vle.f32 v16, v14  }
0xa2: {  	v16 =	vsel vm4, $0x2, v7  }
0xa3: {  	v15 =	vor.u32 v16, v15  }
0xa4: {  	v16 =	vand.u32 $0x7F, v15  }
0xa5: {  	v13 =	vor.u32 v13, v16;
	_ =	sdelay $0x4  }
0xa6: {  	v13 =	vld.idx.msk [tilespmem:v13+s22+$0x0], $0xffff;
	_ =	sdelay $0x3  }
0xa7: {  	p1 =	sne.s32 s5, $0xC0  }
.Ltmp4:
0xa8: {  	vm4 =	vle.f32 v13, v14;
	(pc) =	sbr.rel @p1 .LBB2_5-.Ltmp4, $4  }
0xa9: {  	v13 =	vsel vm4, $0x1, v7  }
0xaa: {  	v13 =	vor.u32 v13, v0  }
0xab: {  	s8 =	sshra.s32 s5, $0x2;
	v13 =	vor.u32 v15, v13  }
0xac: {  	s6 =	sadd.s32 $0x10, s6;
	s5 =	sadd.s32 $0x40, s5;
	[tilespmem:s8+$0x400] =	vst v13  }
0xad: {  	v13 =	vld [tilespmem:$0x400];
	_ =	sdelay $0x4  }
0xae: {  	v14 =	vshll.u32 v13, $0x1  }
0xaf: {  	v13 =	vand.u32 $0x7, v13;
	v14 =	vand.u32 $0xFFFFFFF0, v14  }
0xb0: {  	v13 =	vor.u32 v13, v14  }
0xb1: {  	v14 =	vperm.xlane v13, v8;
	_ =	sdelay $0x1  }
0xb2: {  	v13 =	vperm.xlane v13, v10;
	v14 =	vadd.s32 v9, v14;
	_ =	sdelay $0x1  }
0xb3: {  	v13 =	vadd.s32 v9, v13;
	_ =	sdelay $0x1  }
0xb4: {  	s5 =	simm.s32 $0x880  }
0xb5: {  	[tilespmem:s5], [sflag:$0x1] =	stream.indirect_vreg.gather [hbm4b:s1+s4], $0x80, v14, vm3, $0xb8;
	[tilespmem:$0x1C880] =	vst v63  }
0xb6: {  	s12 =	simm.s32 $0x1080  }
0xb7: {  	[tilespmem:s12], [sflag:$0x1] =	stream.indirect_vreg.gather [hbm4b:s1+s4], $0x80, v13, vm3, $0xb8;
	[tilespmem:$0x1C880] =	vst v63  }
0xb8: {  	v13 =	vld [tilespmem:$0x410];
	_ =	sdelay $0x4  }
0xb9: {  	v14 =	vshll.u32 v13, $0x1  }
0xba: {  	v13 =	vand.u32 $0x7, v13;
	v14 =	vand.u32 $0xFFFFFFF0, v14  }
0xbb: {  	v13 =	vor.u32 v13, v14  }
0xbc: {  	v14 =	vperm.xlane v13, v8;
	_ =	sdelay $0x1  }
0xbd: {  	v13 =	vperm.xlane v13, v10;
	v14 =	vadd.s32 v9, v14;
	_ =	sdelay $0x1  }
0xbe: {  	v13 =	vadd.s32 v9, v13;
	_ =	sdelay $0x1  }
0xbf: {  	s13 =	simm.s32 $0x1880  }
0xc0: {  	[tilespmem:s13], [sflag:$0x1] =	stream.indirect_vreg.gather [hbm4b:s1+s4], $0x80, v14, vm3, $0xb8;
	[tilespmem:$0x1C880] =	vst v63  }
0xc1: {  	s14 =	simm.s32 $0x2080  }
0xc2: {  	[tilespmem:s14], [sflag:$0x1] =	stream.indirect_vreg.gather [hbm4b:s1+s4], $0x80, v13, vm3, $0xb8;
	[tilespmem:$0x1C880] =	vst v63  }
0xc3: {  	v13 =	vld [tilespmem:$0x420];
	_ =	sdelay $0x4  }
0xc4: {  	v14 =	vshll.u32 v13, $0x1  }
0xc5: {  	v13 =	vand.u32 $0x7, v13;
	v14 =	vand.u32 $0xFFFFFFF0, v14  }
0xc6: {  	v13 =	vor.u32 v13, v14  }
0xc7: {  	v14 =	vperm.xlane v13, v8;
	_ =	sdelay $0x1  }
0xc8: {  	v13 =	vperm.xlane v13, v10;
	v14 =	vadd.s32 v9, v14;
	_ =	sdelay $0x1  }
0xc9: {  	v13 =	vadd.s32 v9, v13;
	_ =	sdelay $0x1  }
0xca: {  	s17 =	simm.s32 $0x2880  }
0xcb: {  	[tilespmem:s17], [sflag:$0x1] =	stream.indirect_vreg.gather [hbm4b:s1+s4], $0x80, v14, vm3, $0xb8;
	[tilespmem:$0x1C880] =	vst v63  }
0xcc: {  	s18 =	simm.s32 $0x3080  }
0xcd: {  	[tilespmem:s18], [sflag:$0x1] =	stream.indirect_vreg.gather [hbm4b:s1+s4], $0x80, v13, vm3, $0xb8;
	[tilespmem:$0x1C880] =	vst v63  }
0xce: {  	v13 =	vld [tilespmem:$0x430];
	_ =	sdelay $0x4  }
0xcf: {  	v14 =	vshll.u32 v13, $0x1  }
0xd0: {  	v13 =	vand.u32 $0x7, v13;
	v14 =	vand.u32 $0xFFFFFFF0, v14  }
0xd1: {  	v13 =	vor.u32 v13, v14  }
0xd2: {  	v14 =	vperm.xlane v13, v8;
	_ =	sdelay $0x1  }
0xd3: {  	v13 =	vperm.xlane v13, v10;
	v14 =	vadd.s32 v9, v14;
	_ =	sdelay $0x1  }
0xd4: {  	v13 =	vadd.s32 v9, v13;
	_ =	sdelay $0x1  }
0xd5: {  	s21 =	simm.s32 $0x3880  }
0xd6: {  	[tilespmem:s21], [sflag:$0x1] =	stream.indirect_vreg.gather [hbm4b:s1+s4], $0x80, v14, vm3, $0xb8;
	[tilespmem:$0x1C880] =	vst v63  }
0xd7: {  	s24 =	simm.s32 $0x4080  }
0xd8: {  	[tilespmem:s24], [sflag:$0x1] =	stream.indirect_vreg.gather [hbm4b:s1+s4], $0x80, v13, vm3, $0xb8;
	[tilespmem:$0x1C880] =	vst v63  }
.LBB2_7:
0xd9: {  	s5 =	rddreg [dreg:$0xa]  }
0xda: {  	s5 =	ssub.f32 s0, s5;
	_ =	sdelay $0x1  }
0xdb: {  	s5 =	smax.f32 s5, $0.0e+00  }
0xdc: {  	s5 =	smin.f32 s5, $6.400000000e+01  }
0xdd: {  	s5 =	simm.s32 @p0 $0x42800000  }
0xde: {  	s5 =	scvt.f32.s32 s5;
	_ =	sdelay $0x1  }
0xdf: {  	p1 =	slt.s32 s5, $0x1  }
.Ltmp5:
0xe0: {  	_ = 	snop;
	(pc) =	sbr.rel @p1 .LBB2_11-.Ltmp5, $1  }
0xe1: {  	_ =	sdelay $0x3  }
0xe2: {  	s5 =	simm.s32 $0x0;
	s6 =	rddreg [dreg:$0x8]  }
.LBB2_9:
0xe3: {  	v13 =	vld.idx.msk [tilespmem:v6+s22+$0x0], $0xffff  }
0xe4: {  	v14 =	vor.u32 s6, v2  }
0xe5: {  	v14 =	vcvt.s32.f32 v14;
	_ =	sdelay $0x1  }
0xe6: {  	v14 =	vmin.f32 v14, v12  }
0xe7: {  	vm4 =	vle.f32 v13, v14  }
0xe8: {  	v13 =	vsel vm4, $0x100, v7  }
0xe9: {  	v15 =	vor.u32 $0x7F, v13;
	_ =	sdelay $0x4  }
0xea: {  	v15 =	vld.idx.msk [tilespmem:v15+s22+$0x0], $0xffff;
	_ =	sdelay $0x4  }
0xeb: {  	vm4 =	vle.f32 v15, v14  }
0xec: {  	v15 =	vsel vm4, $0x80, v7  }
0xed: {  	v13 =	vor.u32 v13, v15  }
0xee: {  	v15 =	vor.u32 $0x3F, v13;
	_ =	sdelay $0x4  }
0xef: {  	v15 =	vld.idx.msk [tilespmem:v15+s22+$0x0], $0xffff;
	_ =	sdelay $0x4  }
0xf0: {  	vm4 =	vle.f32 v15, v14  }
0xf1: {  	v15 =	vsel vm4, $0x40, v7  }
0xf2: {  	v16 =	vor.u32 v13, v15  }
0xf3: {  	v16 =	vor.u32 $0x1F, v16;
	_ =	sdelay $0x4  }
0xf4: {  	v16 =	vld.idx.msk [tilespmem:v16+s22+$0x0], $0xffff;
	_ =	sdelay $0x4  }
0xf5: {  	vm4 =	vle.f32 v16, v14  }
0xf6: {  	v16 =	vsel vm4, $0x20, v7  }
0xf7: {  	v15 =	vor.u32 v15, v16  }
0xf8: {  	v16 =	vor.u32 v13, v15  }
0xf9: {  	v17 =	vor.u32 $0xF, v16;
	_ =	sdelay $0x4  }
0xfa: {  	v17 =	vld.idx.msk [tilespmem:v17+s22+$0x0], $0xffff;
	_ =	sdelay $0x4  }
0xfb: {  	vm4 =	vle.f32 v17, v14  }
0xfc: {  	v17 =	vsel vm4, $0x10, v7  }
0xfd: {  	v18 =	vor.u32 v17, v16  }
0xfe: {  	v18 =	vor.u32 $0x7, v18;
	_ =	sdelay $0x4  }
0xff: {  	v18 =	vld.idx.msk [tilespmem:v18+s22+$0x0], $0xffff;
	_ =	sdelay $0x4  }
0x100: {  	vm4 =	vle.f32 v18, v14  }
0x101: {  	v18 =	vsel vm4, $0x8, v7  }
0x102: {  	v17 =	vor.u32 v17, v18  }
0x103: {  	v16 =	vor.u32 v17, v16  }
0x104: {  	v16 =	vor.u32 $0x3, v16;
	_ =	sdelay $0x4  }
0x105: {  	v16 =	vld.idx.msk [tilespmem:v16+s22+$0x0], $0xffff;
	_ =	sdelay $0x4  }
0x106: {  	vm4 =	vle.f32 v16, v14  }
0x107: {  	v16 =	vsel vm4, $0x4, v7  }
0x108: {  	v16 =	vor.u32 v16, v13  }
0x109: {  	v15 =	vor.u32 v15, v16  }
0x10a: {  	v15 =	vor.u32 v17, v15  }
0x10b: {  	v63 =	vand.u32 $0x7C, v15  }
0x10c: {  	v16 =	vor.u32 v63, v13  }
0x10d: {  	v16 =	vor.u32 $0x1, v16;
	_ =	sdelay $0x4  }
0x10e: {  	v16 =	vld.idx.msk [tilespmem:v16+s22+$0x0], $0xffff;
	_ =	sdelay $0x4  }
0x10f: {  	vm4 =	vle.f32 v16, v14  }
0x110: {  	v16 =	vsel vm4, $0x2, v7  }
0x111: {  	v15 =	vor.u32 v16, v15  }
0x112: {  	v16 =	vand.u32 $0x7F, v15  }
0x113: {  	v13 =	vor.u32 v13, v16;
	_ =	sdelay $0x4  }
0x114: {  	v13 =	vld.idx.msk [tilespmem:v13+s22+$0x0], $0xffff;
	_ =	sdelay $0x3  }
0x115: {  	p1 =	sne.s32 s5, $0xC0  }
.Ltmp6:
0x116: {  	vm4 =	vle.f32 v13, v14;
	(pc) =	sbr.rel @p1 .LBB2_9-.Ltmp6, $4  }
0x117: {  	v13 =	vsel vm4, $0x1, v7  }
0x118: {  	v13 =	vor.u32 v13, v0  }
0x119: {  	s8 =	sshra.s32 s5, $0x2;
	v13 =	vor.u32 v15, v13  }
0x11a: {  	s6 =	sadd.s32 $0x10, s6;
	s5 =	sadd.s32 $0x40, s5;
	[tilespmem:s8+$0x440] =	vst v13  }
0x11b: {  	v13 =	vld [tilespmem:$0x440];
	_ =	sdelay $0x4  }
0x11c: {  	v14 =	vshll.u32 v13, $0x1  }
0x11d: {  	v13 =	vand.u32 $0x7, v13;
	v14 =	vand.u32 $0xFFFFFFF0, v14  }
0x11e: {  	v13 =	vor.u32 v13, v14  }
0x11f: {  	v14 =	vperm.xlane v13, v8;
	_ =	sdelay $0x1  }
0x120: {  	v13 =	vperm.xlane v13, v10;
	v14 =	vadd.s32 v9, v14;
	_ =	sdelay $0x1  }
0x121: {  	v13 =	vadd.s32 v9, v13;
	_ =	sdelay $0x1  }
0x122: {  	s5 =	simm.s32 $0x4880  }
0x123: {  	[tilespmem:s5], [sflag:$0x2] =	stream.indirect_vreg.gather [hbm4b:s1+s4], $0x80, v14, vm3, $0xb8;
	[tilespmem:$0x1C880] =	vst v63  }
0x124: {  	s12 =	simm.s32 $0x5080  }
0x125: {  	[tilespmem:s12], [sflag:$0x2] =	stream.indirect_vreg.gather [hbm4b:s1+s4], $0x80, v13, vm3, $0xb8;
	[tilespmem:$0x1C880] =	vst v63  }
0x126: {  	v13 =	vld [tilespmem:$0x450];
	_ =	sdelay $0x4  }
0x127: {  	v14 =	vshll.u32 v13, $0x1  }
0x128: {  	v13 =	vand.u32 $0x7, v13;
	v14 =	vand.u32 $0xFFFFFFF0, v14  }
0x129: {  	v13 =	vor.u32 v13, v14  }
0x12a: {  	v14 =	vperm.xlane v13, v8;
	_ =	sdelay $0x1  }
0x12b: {  	v13 =	vperm.xlane v13, v10;
	v14 =	vadd.s32 v9, v14;
	_ =	sdelay $0x1  }
0x12c: {  	v13 =	vadd.s32 v9, v13;
	_ =	sdelay $0x1  }
0x12d: {  	s13 =	simm.s32 $0x5880  }
0x12e: {  	[tilespmem:s13], [sflag:$0x2] =	stream.indirect_vreg.gather [hbm4b:s1+s4], $0x80, v14, vm3, $0xb8;
	[tilespmem:$0x1C880] =	vst v63  }
0x12f: {  	s14 =	simm.s32 $0x6080  }
0x130: {  	[tilespmem:s14], [sflag:$0x2] =	stream.indirect_vreg.gather [hbm4b:s1+s4], $0x80, v13, vm3, $0xb8;
	[tilespmem:$0x1C880] =	vst v63  }
0x131: {  	v13 =	vld [tilespmem:$0x460];
	_ =	sdelay $0x4  }
0x132: {  	v14 =	vshll.u32 v13, $0x1  }
0x133: {  	v13 =	vand.u32 $0x7, v13;
	v14 =	vand.u32 $0xFFFFFFF0, v14  }
0x134: {  	v13 =	vor.u32 v13, v14  }
0x135: {  	v14 =	vperm.xlane v13, v8;
	_ =	sdelay $0x1  }
0x136: {  	v13 =	vperm.xlane v13, v10;
	v14 =	vadd.s32 v9, v14;
	_ =	sdelay $0x1  }
0x137: {  	v13 =	vadd.s32 v9, v13;
	_ =	sdelay $0x1  }
0x138: {  	s17 =	simm.s32 $0x6880  }
0x139: {  	[tilespmem:s17], [sflag:$0x2] =	stream.indirect_vreg.gather [hbm4b:s1+s4], $0x80, v14, vm3, $0xb8;
	[tilespmem:$0x1C880] =	vst v63  }
0x13a: {  	s18 =	simm.s32 $0x7080  }
0x13b: {  	[tilespmem:s18], [sflag:$0x2] =	stream.indirect_vreg.gather [hbm4b:s1+s4], $0x80, v13, vm3, $0xb8;
	[tilespmem:$0x1C880] =	vst v63  }
0x13c: {  	v13 =	vld [tilespmem:$0x470];
	_ =	sdelay $0x4  }
0x13d: {  	v14 =	vshll.u32 v13, $0x1  }
0x13e: {  	v13 =	vand.u32 $0x7, v13;
	v14 =	vand.u32 $0xFFFFFFF0, v14  }
0x13f: {  	v13 =	vor.u32 v13, v14  }
0x140: {  	v14 =	vperm.xlane v13, v8;
	_ =	sdelay $0x1  }
0x141: {  	v13 =	vperm.xlane v13, v10;
	v14 =	vadd.s32 v9, v14;
	_ =	sdelay $0x1  }
0x142: {  	v13 =	vadd.s32 v9, v13;
	_ =	sdelay $0x1  }
0x143: {  	s21 =	simm.s32 $0x7880  }
0x144: {  	[tilespmem:s21], [sflag:$0x2] =	stream.indirect_vreg.gather [hbm4b:s1+s4], $0x80, v14, vm3, $0xb8;
	[tilespmem:$0x1C880] =	vst v63  }
0x145: {  	s24 =	simm.s32 $0x8080  }
0x146: {  	[tilespmem:s24], [sflag:$0x2] =	stream.indirect_vreg.gather [hbm4b:s1+s4], $0x80, v13, vm3, $0xb8;
	[tilespmem:$0x1C880] =	vst v63  }
.LBB2_11:
0x147: {  	s5 =	rddreg [dreg:$0xb]  }
0x148: {  	s5 =	ssub.f32 s0, s5;
	_ =	sdelay $0x1  }
0x149: {  	s5 =	smax.f32 s5, $0.0e+00  }
0x14a: {  	s5 =	smin.f32 s5, $6.400000000e+01  }
0x14b: {  	s5 =	simm.s32 @p0 $0x42800000  }
0x14c: {  	s5 =	scvt.f32.s32 s5;
	_ =	sdelay $0x1  }
0x14d: {  	p1 =	slt.s32 s5, $0x1  }
.Ltmp7:
0x14e: {  	_ = 	snop;
	(pc) =	sbr.rel @p1 .LBB2_15-.Ltmp7, $1  }
0x14f: {  	_ =	sdelay $0x3  }
0x150: {  	s5 =	simm.s32 $0x0;
	s6 =	rddreg [dreg:$0x9]  }
.LBB2_13:
0x151: {  	v13 =	vld.idx.msk [tilespmem:v6+s22+$0x0], $0xffff  }
0x152: {  	v14 =	vor.u32 s6, v2  }
0x153: {  	v14 =	vcvt.s32.f32 v14;
	_ =	sdelay $0x1  }
0x154: {  	v14 =	vmin.f32 v14, v12  }
0x155: {  	vm4 =	vle.f32 v13, v14  }
0x156: {  	v13 =	vsel vm4, $0x100, v7  }
0x157: {  	v15 =	vor.u32 $0x7F, v13;
	_ =	sdelay $0x4  }
0x158: {  	v15 =	vld.idx.msk [tilespmem:v15+s22+$0x0], $0xffff;
	_ =	sdelay $0x4  }
0x159: {  	vm4 =	vle.f32 v15, v14  }
0x15a: {  	v15 =	vsel vm4, $0x80, v7  }
0x15b: {  	v13 =	vor.u32 v13, v15  }
0x15c: {  	v15 =	vor.u32 $0x3F, v13;
	_ =	sdelay $0x4  }
0x15d: {  	v15 =	vld.idx.msk [tilespmem:v15+s22+$0x0], $0xffff;
	_ =	sdelay $0x4  }
0x15e: {  	vm4 =	vle.f32 v15, v14  }
0x15f: {  	v15 =	vsel vm4, $0x40, v7  }
0x160: {  	v16 =	vor.u32 v13, v15  }
0x161: {  	v16 =	vor.u32 $0x1F, v16;
	_ =	sdelay $0x4  }
0x162: {  	v16 =	vld.idx.msk [tilespmem:v16+s22+$0x0], $0xffff;
	_ =	sdelay $0x4  }
0x163: {  	vm4 =	vle.f32 v16, v14  }
0x164: {  	v16 =	vsel vm4, $0x20, v7  }
0x165: {  	v15 =	vor.u32 v15, v16  }
0x166: {  	v16 =	vor.u32 v13, v15  }
0x167: {  	v17 =	vor.u32 $0xF, v16;
	_ =	sdelay $0x4  }
0x168: {  	v17 =	vld.idx.msk [tilespmem:v17+s22+$0x0], $0xffff;
	_ =	sdelay $0x4  }
0x169: {  	vm4 =	vle.f32 v17, v14  }
0x16a: {  	v17 =	vsel vm4, $0x10, v7  }
0x16b: {  	v18 =	vor.u32 v17, v16  }
0x16c: {  	v18 =	vor.u32 $0x7, v18;
	_ =	sdelay $0x4  }
0x16d: {  	v18 =	vld.idx.msk [tilespmem:v18+s22+$0x0], $0xffff;
	_ =	sdelay $0x4  }
0x16e: {  	vm4 =	vle.f32 v18, v14  }
0x16f: {  	v18 =	vsel vm4, $0x8, v7  }
0x170: {  	v17 =	vor.u32 v17, v18  }
0x171: {  	v16 =	vor.u32 v17, v16  }
0x172: {  	v16 =	vor.u32 $0x3, v16;
	_ =	sdelay $0x4  }
0x173: {  	v16 =	vld.idx.msk [tilespmem:v16+s22+$0x0], $0xffff;
	_ =	sdelay $0x4  }
0x174: {  	vm4 =	vle.f32 v16, v14  }
0x175: {  	v16 =	vsel vm4, $0x4, v7  }
0x176: {  	v16 =	vor.u32 v16, v13  }
0x177: {  	v15 =	vor.u32 v15, v16  }
0x178: {  	v15 =	vor.u32 v17, v15  }
0x179: {  	v63 =	vand.u32 $0x7C, v15  }
0x17a: {  	v16 =	vor.u32 v63, v13  }
0x17b: {  	v16 =	vor.u32 $0x1, v16;
	_ =	sdelay $0x4  }
0x17c: {  	v16 =	vld.idx.msk [tilespmem:v16+s22+$0x0], $0xffff;
	_ =	sdelay $0x4  }
0x17d: {  	vm4 =	vle.f32 v16, v14  }
0x17e: {  	v16 =	vsel vm4, $0x2, v7  }
0x17f: {  	v15 =	vor.u32 v16, v15  }
0x180: {  	v16 =	vand.u32 $0x7F, v15  }
0x181: {  	v13 =	vor.u32 v13, v16;
	_ =	sdelay $0x4  }
0x182: {  	v13 =	vld.idx.msk [tilespmem:v13+s22+$0x0], $0xffff;
	_ =	sdelay $0x3  }
0x183: {  	p1 =	sne.s32 s5, $0xC0  }
.Ltmp8:
0x184: {  	vm4 =	vle.f32 v13, v14;
	(pc) =	sbr.rel @p1 .LBB2_13-.Ltmp8, $4  }
0x185: {  	v13 =	vsel vm4, $0x1, v7  }
0x186: {  	v13 =	vor.u32 v13, v0  }
0x187: {  	s8 =	sshra.s32 s5, $0x2;
	v13 =	vor.u32 v15, v13  }
0x188: {  	s6 =	sadd.s32 $0x10, s6;
	s5 =	sadd.s32 $0x40, s5;
	[tilespmem:s8+$0x480] =	vst v13  }
0x189: {  	v13 =	vld [tilespmem:$0x480];
	_ =	sdelay $0x4  }
0x18a: {  	v14 =	vshll.u32 v13, $0x1  }
0x18b: {  	v13 =	vand.u32 $0x7, v13;
	v14 =	vand.u32 $0xFFFFFFF0, v14  }
0x18c: {  	v13 =	vor.u32 v13, v14  }
0x18d: {  	v14 =	vperm.xlane v13, v8;
	_ =	sdelay $0x1  }
0x18e: {  	v13 =	vperm.xlane v13, v10;
	v14 =	vadd.s32 v9, v14;
	_ =	sdelay $0x1  }
0x18f: {  	v13 =	vadd.s32 v9, v13;
	_ =	sdelay $0x1  }
0x190: {  	s5 =	simm.s32 $0x8880  }
0x191: {  	[tilespmem:s5], [sflag:$0x3] =	stream.indirect_vreg.gather [hbm4b:s1+s4], $0x80, v14, vm3, $0xb8;
	[tilespmem:$0x1C880] =	vst v63  }
0x192: {  	s12 =	simm.s32 $0x9080  }
0x193: {  	[tilespmem:s12], [sflag:$0x3] =	stream.indirect_vreg.gather [hbm4b:s1+s4], $0x80, v13, vm3, $0xb8;
	[tilespmem:$0x1C880] =	vst v63  }
0x194: {  	v13 =	vld [tilespmem:$0x490];
	_ =	sdelay $0x4  }
0x195: {  	v14 =	vshll.u32 v13, $0x1  }
0x196: {  	v13 =	vand.u32 $0x7, v13;
	v14 =	vand.u32 $0xFFFFFFF0, v14  }
0x197: {  	v13 =	vor.u32 v13, v14  }
0x198: {  	v14 =	vperm.xlane v13, v8;
	_ =	sdelay $0x1  }
0x199: {  	v13 =	vperm.xlane v13, v10;
	v14 =	vadd.s32 v9, v14;
	_ =	sdelay $0x1  }
0x19a: {  	v13 =	vadd.s32 v9, v13;
	_ =	sdelay $0x1  }
0x19b: {  	s13 =	simm.s32 $0x9880  }
0x19c: {  	[tilespmem:s13], [sflag:$0x3] =	stream.indirect_vreg.gather [hbm4b:s1+s4], $0x80, v14, vm3, $0xb8;
	[tilespmem:$0x1C880] =	vst v63  }
0x19d: {  	s14 =	simm.s32 $0xA080  }
0x19e: {  	[tilespmem:s14], [sflag:$0x3] =	stream.indirect_vreg.gather [hbm4b:s1+s4], $0x80, v13, vm3, $0xb8;
	[tilespmem:$0x1C880] =	vst v63  }
0x19f: {  	v13 =	vld [tilespmem:$0x4A0];
	_ =	sdelay $0x4  }
0x1a0: {  	v14 =	vshll.u32 v13, $0x1  }
0x1a1: {  	v13 =	vand.u32 $0x7, v13;
	v14 =	vand.u32 $0xFFFFFFF0, v14  }
0x1a2: {  	v13 =	vor.u32 v13, v14  }
0x1a3: {  	v14 =	vperm.xlane v13, v8;
	_ =	sdelay $0x1  }
0x1a4: {  	v13 =	vperm.xlane v13, v10;
	v14 =	vadd.s32 v9, v14;
	_ =	sdelay $0x1  }
0x1a5: {  	v13 =	vadd.s32 v9, v13;
	_ =	sdelay $0x1  }
0x1a6: {  	s17 =	simm.s32 $0xA880  }
0x1a7: {  	[tilespmem:s17], [sflag:$0x3] =	stream.indirect_vreg.gather [hbm4b:s1+s4], $0x80, v14, vm3, $0xb8;
	[tilespmem:$0x1C880] =	vst v63  }
0x1a8: {  	s18 =	simm.s32 $0xB080  }
0x1a9: {  	[tilespmem:s18], [sflag:$0x3] =	stream.indirect_vreg.gather [hbm4b:s1+s4], $0x80, v13, vm3, $0xb8;
	[tilespmem:$0x1C880] =	vst v63  }
0x1aa: {  	v13 =	vld [tilespmem:$0x4B0];
	_ =	sdelay $0x4  }
0x1ab: {  	v14 =	vshll.u32 v13, $0x1  }
0x1ac: {  	v13 =	vand.u32 $0x7, v13;
	v14 =	vand.u32 $0xFFFFFFF0, v14  }
0x1ad: {  	v13 =	vor.u32 v13, v14  }
0x1ae: {  	v14 =	vperm.xlane v13, v8;
	_ =	sdelay $0x1  }
0x1af: {  	v13 =	vperm.xlane v13, v10;
	v14 =	vadd.s32 v9, v14;
	_ =	sdelay $0x1  }
0x1b0: {  	v13 =	vadd.s32 v9, v13;
	_ =	sdelay $0x1  }
0x1b1: {  	s21 =	simm.s32 $0xB880  }
0x1b2: {  	[tilespmem:s21], [sflag:$0x3] =	stream.indirect_vreg.gather [hbm4b:s1+s4], $0x80, v14, vm3, $0xb8;
	[tilespmem:$0x1C880] =	vst v63  }
0x1b3: {  	s24 =	simm.s32 $0xC080  }
0x1b4: {  	[tilespmem:s24], [sflag:$0x3] =	stream.indirect_vreg.gather [hbm4b:s1+s4], $0x80, v13, vm3, $0xb8;
	[tilespmem:$0x1C880] =	vst v63  }
.LBB2_15:
0x1b5: {  	s5 =	rddreg [dreg:$0xd]  }
0x1b6: {  	s5 =	ssub.f32 s0, s5;
	_ =	sdelay $0x1  }
0x1b7: {  	s5 =	smax.f32 s5, $0.0e+00  }
0x1b8: {  	s5 =	smin.f32 s5, $6.400000000e+01  }
0x1b9: {  	s5 =	simm.s32 @p0 $0x42800000  }
0x1ba: {  	s5 =	scvt.f32.s32 s5;
	_ =	sdelay $0x1  }
0x1bb: {  	p1 =	sgt.s32 s5, $0x0  }
.Ltmp9:
0x1bc: {  	_ = 	snop;
	(pc) =	sbr.rel @!p1 .LBB2_16-.Ltmp9, $1  }
0x1bd: {  	_ =	sdelay $0x3  }
0x1be: {  	s5 =	simm.s32 $0x0;
	s6 =	rddreg [dreg:$0xc]  }
.LBB2_26:
0x1bf: {  	v13 =	vld.idx.msk [tilespmem:v6+s22+$0x0], $0xffff  }
0x1c0: {  	v14 =	vor.u32 s6, v2  }
0x1c1: {  	v14 =	vcvt.s32.f32 v14;
	_ =	sdelay $0x1  }
0x1c2: {  	v14 =	vmin.f32 v14, v12  }
0x1c3: {  	vm4 =	vle.f32 v13, v14  }
0x1c4: {  	v13 =	vsel vm4, $0x100, v7  }
0x1c5: {  	v15 =	vor.u32 $0x7F, v13;
	_ =	sdelay $0x4  }
0x1c6: {  	v15 =	vld.idx.msk [tilespmem:v15+s22+$0x0], $0xffff;
	_ =	sdelay $0x4  }
0x1c7: {  	vm4 =	vle.f32 v15, v14  }
0x1c8: {  	v15 =	vsel vm4, $0x80, v7  }
0x1c9: {  	v13 =	vor.u32 v13, v15  }
0x1ca: {  	v15 =	vor.u32 $0x3F, v13;
	_ =	sdelay $0x4  }
0x1cb: {  	v15 =	vld.idx.msk [tilespmem:v15+s22+$0x0], $0xffff;
	_ =	sdelay $0x4  }
0x1cc: {  	vm4 =	vle.f32 v15, v14  }
0x1cd: {  	v15 =	vsel vm4, $0x40, v7  }
0x1ce: {  	v16 =	vor.u32 v13, v15  }
0x1cf: {  	v16 =	vor.u32 $0x1F, v16;
	_ =	sdelay $0x4  }
0x1d0: {  	v16 =	vld.idx.msk [tilespmem:v16+s22+$0x0], $0xffff;
	_ =	sdelay $0x4  }
0x1d1: {  	vm4 =	vle.f32 v16, v14  }
0x1d2: {  	v16 =	vsel vm4, $0x20, v7  }
0x1d3: {  	v15 =	vor.u32 v15, v16  }
0x1d4: {  	v16 =	vor.u32 v13, v15  }
0x1d5: {  	v17 =	vor.u32 $0xF, v16;
	_ =	sdelay $0x4  }
0x1d6: {  	v17 =	vld.idx.msk [tilespmem:v17+s22+$0x0], $0xffff;
	_ =	sdelay $0x4  }
0x1d7: {  	vm4 =	vle.f32 v17, v14  }
0x1d8: {  	v17 =	vsel vm4, $0x10, v7  }
0x1d9: {  	v18 =	vor.u32 v17, v16  }
0x1da: {  	v18 =	vor.u32 $0x7, v18;
	_ =	sdelay $0x4  }
0x1db: {  	v18 =	vld.idx.msk [tilespmem:v18+s22+$0x0], $0xffff;
	_ =	sdelay $0x4  }
0x1dc: {  	vm4 =	vle.f32 v18, v14  }
0x1dd: {  	v18 =	vsel vm4, $0x8, v7  }
0x1de: {  	v17 =	vor.u32 v17, v18  }
0x1df: {  	v16 =	vor.u32 v17, v16  }
0x1e0: {  	v16 =	vor.u32 $0x3, v16;
	_ =	sdelay $0x4  }
0x1e1: {  	v16 =	vld.idx.msk [tilespmem:v16+s22+$0x0], $0xffff;
	_ =	sdelay $0x4  }
0x1e2: {  	vm4 =	vle.f32 v16, v14  }
0x1e3: {  	v16 =	vsel vm4, $0x4, v7  }
0x1e4: {  	v16 =	vor.u32 v16, v13  }
0x1e5: {  	v15 =	vor.u32 v15, v16  }
0x1e6: {  	v15 =	vor.u32 v17, v15  }
0x1e7: {  	v63 =	vand.u32 $0x7C, v15  }
0x1e8: {  	v16 =	vor.u32 v63, v13  }
0x1e9: {  	v16 =	vor.u32 $0x1, v16;
	_ =	sdelay $0x4  }
0x1ea: {  	v16 =	vld.idx.msk [tilespmem:v16+s22+$0x0], $0xffff;
	_ =	sdelay $0x4  }
0x1eb: {  	vm4 =	vle.f32 v16, v14  }
0x1ec: {  	v16 =	vsel vm4, $0x2, v7  }
0x1ed: {  	v15 =	vor.u32 v16, v15  }
0x1ee: {  	v16 =	vand.u32 $0x7F, v15  }
0x1ef: {  	v13 =	vor.u32 v13, v16;
	_ =	sdelay $0x4  }
0x1f0: {  	v13 =	vld.idx.msk [tilespmem:v13+s22+$0x0], $0xffff;
	_ =	sdelay $0x3  }
0x1f1: {  	p1 =	sne.s32 s5, $0xC0  }
.Ltmp10:
0x1f2: {  	vm4 =	vle.f32 v13, v14;
	(pc) =	sbr.rel @p1 .LBB2_26-.Ltmp10, $4  }
0x1f3: {  	v13 =	vsel vm4, $0x1, v7  }
0x1f4: {  	v13 =	vor.u32 v13, v0  }
0x1f5: {  	s8 =	sshra.s32 s5, $0x2;
	v13 =	vor.u32 v15, v13  }
0x1f6: {  	s6 =	sadd.s32 $0x10, s6;
	s5 =	sadd.s32 $0x40, s5;
	[tilespmem:s8+$0x4C0] =	vst v13  }
0x1f7: {  	v13 =	vld [tilespmem:$0x4C0];
	_ =	sdelay $0x4  }
0x1f8: {  	v14 =	vshll.u32 v13, $0x1  }
0x1f9: {  	v13 =	vand.u32 $0x7, v13;
	v14 =	vand.u32 $0xFFFFFFF0, v14  }
0x1fa: {  	v13 =	vor.u32 v13, v14  }
0x1fb: {  	v14 =	vperm.xlane v13, v8;
	_ =	sdelay $0x1  }
0x1fc: {  	v13 =	vperm.xlane v13, v10;
	v14 =	vadd.s32 v9, v14;
	_ =	sdelay $0x1  }
0x1fd: {  	v13 =	vadd.s32 v9, v13;
	_ =	sdelay $0x1  }
0x1fe: {  	s5 =	simm.s32 $0xC880  }
0x1ff: {  	[tilespmem:s5], [sflag:$0x4] =	stream.indirect_vreg.gather [hbm4b:s1+s4], $0x80, v14, vm3, $0xb8;
	[tilespmem:$0x1C880] =	vst v63  }
0x200: {  	s12 =	simm.s32 $0xD080  }
0x201: {  	[tilespmem:s12], [sflag:$0x4] =	stream.indirect_vreg.gather [hbm4b:s1+s4], $0x80, v13, vm3, $0xb8;
	[tilespmem:$0x1C880] =	vst v63  }
0x202: {  	v13 =	vld [tilespmem:$0x4D0];
	_ =	sdelay $0x4  }
0x203: {  	v14 =	vshll.u32 v13, $0x1  }
0x204: {  	v13 =	vand.u32 $0x7, v13;
	v14 =	vand.u32 $0xFFFFFFF0, v14  }
0x205: {  	v13 =	vor.u32 v13, v14  }
0x206: {  	v14 =	vperm.xlane v13, v8;
	_ =	sdelay $0x1  }
0x207: {  	v13 =	vperm.xlane v13, v10;
	v14 =	vadd.s32 v9, v14;
	_ =	sdelay $0x1  }
0x208: {  	v13 =	vadd.s32 v9, v13;
	_ =	sdelay $0x1  }
0x209: {  	s13 =	simm.s32 $0xD880  }
0x20a: {  	[tilespmem:s13], [sflag:$0x4] =	stream.indirect_vreg.gather [hbm4b:s1+s4], $0x80, v14, vm3, $0xb8;
	[tilespmem:$0x1C880] =	vst v63  }
0x20b: {  	s14 =	simm.s32 $0xE080  }
0x20c: {  	[tilespmem:s14], [sflag:$0x4] =	stream.indirect_vreg.gather [hbm4b:s1+s4], $0x80, v13, vm3, $0xb8;
	[tilespmem:$0x1C880] =	vst v63  }
0x20d: {  	v13 =	vld [tilespmem:$0x4E0];
	_ =	sdelay $0x4  }
0x20e: {  	v14 =	vshll.u32 v13, $0x1  }
0x20f: {  	v13 =	vand.u32 $0x7, v13;
	v14 =	vand.u32 $0xFFFFFFF0, v14  }
0x210: {  	v13 =	vor.u32 v13, v14  }
0x211: {  	v14 =	vperm.xlane v13, v8;
	_ =	sdelay $0x1  }
0x212: {  	v13 =	vperm.xlane v13, v10;
	v14 =	vadd.s32 v9, v14;
	_ =	sdelay $0x1  }
0x213: {  	v13 =	vadd.s32 v9, v13;
	_ =	sdelay $0x1  }
0x214: {  	s17 =	simm.s32 $0xE880  }
0x215: {  	[tilespmem:s17], [sflag:$0x4] =	stream.indirect_vreg.gather [hbm4b:s1+s4], $0x80, v14, vm3, $0xb8;
	[tilespmem:$0x1C880] =	vst v63  }
0x216: {  	s18 =	simm.s32 $0xF080  }
0x217: {  	[tilespmem:s18], [sflag:$0x4] =	stream.indirect_vreg.gather [hbm4b:s1+s4], $0x80, v13, vm3, $0xb8;
	[tilespmem:$0x1C880] =	vst v63  }
0x218: {  	v13 =	vld [tilespmem:$0x4F0];
	_ =	sdelay $0x4  }
0x219: {  	v14 =	vshll.u32 v13, $0x1  }
0x21a: {  	v13 =	vand.u32 $0x7, v13;
	v14 =	vand.u32 $0xFFFFFFF0, v14  }
0x21b: {  	v13 =	vor.u32 v13, v14  }
0x21c: {  	v14 =	vperm.xlane v13, v8;
	_ =	sdelay $0x1  }
0x21d: {  	v13 =	vperm.xlane v13, v10;
	v14 =	vadd.s32 v9, v14;
	_ =	sdelay $0x1  }
0x21e: {  	v13 =	vadd.s32 v9, v13;
	_ =	sdelay $0x1  }
0x21f: {  	s21 =	simm.s32 $0xF880  }
0x220: {  	[tilespmem:s21], [sflag:$0x4] =	stream.indirect_vreg.gather [hbm4b:s1+s4], $0x80, v14, vm3, $0xb8;
	[tilespmem:$0x1C880] =	vst v63  }
0x221: {  	s24 =	simm.s32 $0x10080  }
0x222: {  	[tilespmem:s24], [sflag:$0x4] =	stream.indirect_vreg.gather [hbm4b:s1+s4], $0x80, v13, vm3, $0xb8;
	[tilespmem:$0x1C880] =	vst v63  }
.LBB2_16:
0x223: {  	s5 =	simm.s32 $0x0  }
0x224: {  	s6 =	sand.u32 $0x3800, s5;
	s5 =	sand.u32 $0x380, s5  }
0x225: {  	s6 =	sor.u32 s5, s6  }
0x226: {  	s5 =	sadd.s32 $0x18880, s6;
	[tilespmem:s6+$0x18880] =	vst v11  }
0x227: {  	[tilespmem:s5+$0x10] =	vst v11  }
0x228: {  	[tilespmem:s5+$0x20] =	vst v11  }
0x229: {  	[tilespmem:s5+$0x30] =	vst v11  }
0x22a: {  	[tilespmem:s5+$0x40] =	vst v11  }
0x22b: {  	[tilespmem:s5+$0x50] =	vst v11  }
0x22c: {  	[tilespmem:s5+$0x60] =	vst v11  }
0x22d: {  	[tilespmem:s5+$0x70] =	vst v11  }
0x22e: {  	[tilespmem:s5+$0x400] =	vst v11  }
0x22f: {  	[tilespmem:s5+$0x410] =	vst v11  }
0x230: {  	[tilespmem:s5+$0x420] =	vst v11  }
0x231: {  	[tilespmem:s5+$0x430] =	vst v11  }
0x232: {  	[tilespmem:s5+$0x440] =	vst v11  }
0x233: {  	s8 =	simm.s32 $0x100;
	s6 =	simm.s32 $0x80;
	[tilespmem:s5+$0x450] =	vst v11  }
0x234: {  	s9 =	sand.u32 $0x3800, s8;
	s8 =	simm.s32 $0x200;
	s10 =	sand.u32 $0x380, s6;
	[tilespmem:s5+$0x460] =	vst v11  }
.LBB2_17:
0x235: {  	p1 =	seq.s32 s8, $0x3F00;
	s9 =	sor.u32 s10, s9;
	[tilespmem:s5+$0x470] =	vst v11  }
0x236: {  	s5 =	sadd.s32 $0x18880, s9;
	[tilespmem:s9+$0x18880] =	vst v11  }
0x237: {  	[tilespmem:s5+$0x10] =	vst v11  }
0x238: {  	[tilespmem:s5+$0x20] =	vst v11  }
0x239: {  	[tilespmem:s5+$0x30] =	vst v11  }
0x23a: {  	[tilespmem:s5+$0x40] =	vst v11  }
0x23b: {  	[tilespmem:s5+$0x50] =	vst v11  }
0x23c: {  	[tilespmem:s5+$0x60] =	vst v11  }
0x23d: {  	[tilespmem:s5+$0x70] =	vst v11  }
0x23e: {  	[tilespmem:s5+$0x400] =	vst v11  }
0x23f: {  	[tilespmem:s5+$0x410] =	vst v11  }
.Ltmp11:
0x240: {  	[tilespmem:s5+$0x420] =	vst v11;
	(pc) =	sbr.rel @!p1 .LBB2_17-.Ltmp11, $4  }
0x241: {  	[tilespmem:s5+$0x430] =	vst v11  }
0x242: {  	[tilespmem:s5+$0x440] =	vst v11  }
0x243: {  	s6 =	sadd.s32 $0x80, s6;
	[tilespmem:s5+$0x450] =	vst v11  }
0x244: {  	s9 =	sand.u32 $0x3800, s8;
	s10 =	sand.u32 $0x380, s6;
	s8 =	sadd.s32 $0x100, s8;
	[tilespmem:s5+$0x460] =	vst v11  }
0x245: {  	s6 =	sor.u32 s10, s9;
	[tilespmem:s5+$0x470] =	vst v11  }
0x246: {  	s24 =	sadd.s32 $0x18880, s6;
	[tilespmem:s6+$0x18880] =	vst v11  }
0x247: {  	[tilespmem:s24+$0x10] =	vst v11  }
0x248: {  	[tilespmem:s24+$0x20] =	vst v11  }
0x249: {  	[tilespmem:s24+$0x30] =	vst v11  }
0x24a: {  	[tilespmem:s24+$0x40] =	vst v11  }
0x24b: {  	[tilespmem:s24+$0x50] =	vst v11  }
0x24c: {  	[tilespmem:s24+$0x60] =	vst v11  }
0x24d: {  	[tilespmem:s24+$0x70] =	vst v11  }
0x24e: {  	[tilespmem:s24+$0x400] =	vst v11  }
0x24f: {  	[tilespmem:s24+$0x410] =	vst v11  }
0x250: {  	[tilespmem:s24+$0x420] =	vst v11  }
.Ltmp12:
0x251: {  	[tilespmem:s24+$0x430] =	vst v11;
	(pc) =	sbr.rel .LBB2_19-.Ltmp12, $4  }
0x252: {  	[tilespmem:s24+$0x440] =	vst v11  }
0x253: {  	[tilespmem:s24+$0x450] =	vst v11  }
0x254: {  	[tilespmem:s24+$0x460] =	vst v11  }
0x255: {  	s18 =	simm.s32 $0x500;
	s17 =	smov.u32 s19;
	[tilespmem:s24+$0x470] =	vst v11;
	s24 =	simm.s32 $0x0  }
.LBB2_24:
0x256: {  	s10 =	simm.s32 $0x18880  }
.LBB2_34:
0x257: {  	s24 =	sadd.s32 $0x1, s24  }
0x258: {  	p1 =	sne.s32 s24, $0x10  }
.Ltmp13:
0x259: {  	s5 =	sshll.u32 s21, $0x8;
	(pc) =	sbr.rel @!p1 .LBB2_35-.Ltmp13, $4  }
0x25a: {  	s5 =	sadd.s32 s15, s5  }
0x25b: {  	s6 =	sadd.s32 $0x7, s9;
	s5 =	sshrl.u32 s5, $0x3  }
0x25c: {  	s17 =	sadd.s32 $0x80, s17;
	s18 =	sadd.s32 $0x40, s18;
	s5 =	sadd.s32 s3, s5  }
0x25d: {  	[hbm4b:s5+s4] =	stream.linear.scatter [tilespmem:s10], [sflag:s6], $0x4000, $0x38;
	[tilespmem:$0x1C880] =	vst v63  }
.LBB2_19:
0x25e: {  	s5 =	sadd.s32 $0x4, s24;
	p1 =	sgt.u32 s24, $0xB  }
0x25f: {  	s6 =	sshll.u32 @!p1 s5, $0x7  }
0x260: {  	s6 =	sor.u32 @!p1 s7, s6  }
0x261: {  	s6 =	scvt.s32.f32 @!p1 s6;
	_ =	sdelay $0x1  }
0x262: {  	p3 =	slt.u32 @!p1 s24, $0x2;
	s6 =	ssub.f32 @!p1 s0, s6  }
0x263: {  	p5 =	sgt.f32 @!p1 s0, s23;
	p2 =	por p3, p1  }
0x264: {  	p4 =	slt.u32 @!p2 s24, $0x8;
	s6 =	smax.f32 @!p1 s6, $0.0e+00  }
0x265: {  	p3 =	por @!p1 !p4, p3;
	p4 =	por !p5, p1;
	s6 =	smin.f32 @!p1 s6, $6.400000000e+01  }
0x266: {  	s6 =	simm.s32 @!p4 $0x42800000  }
0x267: {  	s6 =	scvt.f32.s32 @!p1 s6  }
0x268: {  	s8 =	simm.s32 @!p2 $0xFFFFFFFE;
	p3 =	por !p3, p1  }
0x269: {  	s8 =	simm.s32 @!p3 $0xFFFFFFF8;
	p3 =	slt.s32 @!p1 s6, $0x1  }
0x26a: {  	p3 =	por p1, p3  }
.Ltmp14:
0x26b: {  	s8 =	sadd.s32 @!p2 s8, s24;
	(pc) =	sbr.rel @p3 .LBB2_23-.Ltmp14, $4  }
0x26c: {  	s8 =	sadd.s32 @!p2 $0x7, s8  }
0x26d: {  	_ =	swait.ge @!p2 [sflag:s8], $0x4000  }
0x26e: {  	[sflag:s8] =	ssyncset.done @!p2 $0x0  }
0x26f: {  	[sflag:s8] =	ssyncadd.s32 @!p2 $0xFFFFC000  }
0x270: {  	s6 =	smul.u32 @!p1 $0xAB, s5;
	_ =	sdelay $0x1  }
0x271: {  	s6 =	sshrl.u32 @!p1 s6, $0xA  }
0x272: {  	s6 =	sand.u32 @!p1 $0x3F, s6  }
0x273: {  	s6 =	smul.u32 @!p1 $0x6, s6;
	_ =	sdelay $0x1  }
0x274: {  	s8 =	sshll.u32 s5, $0x6;
	s10 =	smov.u32 s17;
	s6 =	ssub.s32 @!p1 s5, s6  }
0x275: {  	v13 =	vmov s18;
	s9 =	sand.u32 $0x3FFFFFC0, s8;
	s5 =	sand.u32 @!p1 $0xFF, s6;
	s6 =	simm.s32 $0x0  }
.LBB2_21:
0x276: {  	v14 =	vld.idx.msk [tilespmem:v6+s22+$0x0], $0xffff  }
0x277: {  	v15 =	vor.u32 s10, v2  }
0x278: {  	v15 =	vcvt.s32.f32 v15;
	_ =	sdelay $0x1  }
0x279: {  	v15 =	vmin.f32 v15, v12  }
0x27a: {  	vm4 =	vle.f32 v14, v15  }
0x27b: {  	v14 =	vsel vm4, $0x100, v7  }
0x27c: {  	v16 =	vor.u32 $0x7F, v14;
	_ =	sdelay $0x4  }
0x27d: {  	v16 =	vld.idx.msk [tilespmem:v16+s22+$0x0], $0xffff;
	_ =	sdelay $0x4  }
0x27e: {  	vm4 =	vle.f32 v16, v15  }
0x27f: {  	v16 =	vsel vm4, $0x80, v7  }
0x280: {  	v14 =	vor.u32 v14, v16  }
0x281: {  	v16 =	vor.u32 $0x3F, v14;
	_ =	sdelay $0x4  }
0x282: {  	v16 =	vld.idx.msk [tilespmem:v16+s22+$0x0], $0xffff;
	_ =	sdelay $0x4  }
0x283: {  	vm4 =	vle.f32 v16, v15  }
0x284: {  	v16 =	vsel vm4, $0x40, v7  }
0x285: {  	v17 =	vor.u32 v14, v16  }
0x286: {  	v17 =	vor.u32 $0x1F, v17;
	_ =	sdelay $0x4  }
0x287: {  	v17 =	vld.idx.msk [tilespmem:v17+s22+$0x0], $0xffff;
	_ =	sdelay $0x4  }
0x288: {  	vm4 =	vle.f32 v17, v15  }
0x289: {  	v17 =	vsel vm4, $0x20, v7  }
0x28a: {  	v16 =	vor.u32 v16, v17  }
0x28b: {  	v17 =	vor.u32 v14, v16  }
0x28c: {  	v18 =	vor.u32 $0xF, v17;
	_ =	sdelay $0x4  }
0x28d: {  	v18 =	vld.idx.msk [tilespmem:v18+s22+$0x0], $0xffff;
	_ =	sdelay $0x4  }
0x28e: {  	vm4 =	vle.f32 v18, v15  }
0x28f: {  	v18 =	vsel vm4, $0x10, v7  }
0x290: {  	v19 =	vor.u32 v18, v17  }
0x291: {  	v19 =	vor.u32 $0x7, v19;
	_ =	sdelay $0x4  }
0x292: {  	v19 =	vld.idx.msk [tilespmem:v19+s22+$0x0], $0xffff;
	_ =	sdelay $0x4  }
0x293: {  	vm4 =	vle.f32 v19, v15  }
0x294: {  	v19 =	vsel vm4, $0x8, v7  }
0x295: {  	v18 =	vor.u32 v18, v19  }
0x296: {  	v17 =	vor.u32 v18, v17  }
0x297: {  	v17 =	vor.u32 $0x3, v17;
	_ =	sdelay $0x4  }
0x298: {  	v17 =	vld.idx.msk [tilespmem:v17+s22+$0x0], $0xffff;
	_ =	sdelay $0x4  }
0x299: {  	vm4 =	vle.f32 v17, v15  }
0x29a: {  	v17 =	vsel vm4, $0x4, v7  }
0x29b: {  	v17 =	vor.u32 v17, v14  }
0x29c: {  	v16 =	vor.u32 v16, v17  }
0x29d: {  	v16 =	vor.u32 v18, v16  }
0x29e: {  	v63 =	vand.u32 $0x7C, v16  }
0x29f: {  	v17 =	vor.u32 v63, v14  }
0x2a0: {  	v17 =	vor.u32 $0x1, v17;
	_ =	sdelay $0x4  }
0x2a1: {  	v17 =	vld.idx.msk [tilespmem:v17+s22+$0x0], $0xffff;
	_ =	sdelay $0x4  }
0x2a2: {  	vm4 =	vle.f32 v17, v15  }
0x2a3: {  	v17 =	vsel vm4, $0x2, v7  }
0x2a4: {  	v16 =	vor.u32 v17, v16  }
0x2a5: {  	v17 =	vand.u32 $0x7F, v16  }
0x2a6: {  	v14 =	vor.u32 v14, v17;
	_ =	sdelay $0x4  }
0x2a7: {  	v14 =	vld.idx.msk [tilespmem:v14+s22+$0x0], $0xffff;
	_ =	sdelay $0x3  }
0x2a8: {  	p1 =	sne.s32 s6, $0xC0  }
.Ltmp15:
0x2a9: {  	vm4 =	vle.f32 v14, v15;
	(pc) =	sbr.rel @p1 .LBB2_21-.Ltmp15, $4  }
0x2aa: {  	v14 =	vsel vm4, $0x1, v7  }
0x2ab: {  	v14 =	vor.u32 v14, v0  }
0x2ac: {  	s8 =	sshra.s32 s6, $0x2;
	v14 =	vor.u32 v16, v14  }
0x2ad: {  	s10 =	sadd.s32 $0x10, s10;
	s6 =	sadd.s32 $0x40, s6;
	[tilespmem:v13+s8+$0x0 ss:$0x1] =	vst.idx.msk $0xffff, v14  }
0x2ae: {  	v13 =	vld [tilespmem:s9+$0x400];
	_ =	sdelay $0x4  }
0x2af: {  	v14 =	vshll.u32 v13, $0x1  }
0x2b0: {  	v13 =	vand.u32 $0x7, v13;
	v14 =	vand.u32 $0xFFFFFFF0, v14  }
0x2b1: {  	v13 =	vor.u32 v13, v14  }
0x2b2: {  	v14 =	vperm.xlane v13, v8;
	_ =	sdelay $0x1  }
0x2b3: {  	v13 =	vperm.xlane v13, v10;
	v14 =	vadd.s32 v9, v14;
	_ =	sdelay $0x1  }
0x2b4: {  	v13 =	vadd.s32 v9, v13  }
0x2b5: {  	s6 =	sshll.u32 s5, $0xE  }
0x2b6: {  	s5 =	sadd.s32 $0x1, s5;
	s8 =	sor.u32 $0x880, s6  }
0x2b7: {  	[tilespmem:s8], [sflag:s5] =	stream.indirect_vreg.gather [hbm4b:s1+s4], $0x80, v14, vm3, $0xb8;
	[tilespmem:$0x1C880] =	vst v63  }
0x2b8: {  	s10 =	sor.u32 $0x1080, s6  }
0x2b9: {  	[tilespmem:s10], [sflag:s5] =	stream.indirect_vreg.gather [hbm4b:s1+s4], $0x80, v13, vm3, $0xb8;
	[tilespmem:$0x1C880] =	vst v63  }
0x2ba: {  	v13 =	vld [tilespmem:s9+$0x410];
	_ =	sdelay $0x4  }
0x2bb: {  	v14 =	vshll.u32 v13, $0x1  }
0x2bc: {  	v13 =	vand.u32 $0x7, v13;
	v14 =	vand.u32 $0xFFFFFFF0, v14  }
0x2bd: {  	v13 =	vor.u32 v13, v14  }
0x2be: {  	v14 =	vperm.xlane v13, v8;
	_ =	sdelay $0x1  }
0x2bf: {  	v13 =	vperm.xlane v13, v10;
	v14 =	vadd.s32 v9, v14;
	_ =	sdelay $0x1  }
0x2c0: {  	v13 =	vadd.s32 v9, v13;
	_ =	sdelay $0x1  }
0x2c1: {  	s11 =	sor.u32 $0x1880, s6  }
0x2c2: {  	[tilespmem:s11], [sflag:s5] =	stream.indirect_vreg.gather [hbm4b:s1+s4], $0x80, v14, vm3, $0xb8;
	[tilespmem:$0x1C880] =	vst v63  }
0x2c3: {  	s12 =	sor.u32 $0x2080, s6  }
0x2c4: {  	[tilespmem:s12], [sflag:s5] =	stream.indirect_vreg.gather [hbm4b:s1+s4], $0x80, v13, vm3, $0xb8;
	[tilespmem:$0x1C880] =	vst v63  }
0x2c5: {  	v13 =	vld [tilespmem:s9+$0x420];
	_ =	sdelay $0x4  }
0x2c6: {  	v14 =	vshll.u32 v13, $0x1  }
0x2c7: {  	v13 =	vand.u32 $0x7, v13;
	v14 =	vand.u32 $0xFFFFFFF0, v14  }
0x2c8: {  	v13 =	vor.u32 v13, v14  }
0x2c9: {  	v14 =	vperm.xlane v13, v8;
	_ =	sdelay $0x1  }
0x2ca: {  	v13 =	vperm.xlane v13, v10;
	v14 =	vadd.s32 v9, v14;
	_ =	sdelay $0x1  }
0x2cb: {  	v13 =	vadd.s32 v9, v13;
	_ =	sdelay $0x1  }
0x2cc: {  	s13 =	sor.u32 $0x2880, s6  }
0x2cd: {  	[tilespmem:s13], [sflag:s5] =	stream.indirect_vreg.gather [hbm4b:s1+s4], $0x80, v14, vm3, $0xb8;
	[tilespmem:$0x1C880] =	vst v63  }
0x2ce: {  	s14 =	sor.u32 $0x3080, s6  }
0x2cf: {  	[tilespmem:s14], [sflag:s5] =	stream.indirect_vreg.gather [hbm4b:s1+s4], $0x80, v13, vm3, $0xb8;
	[tilespmem:$0x1C880] =	vst v63  }
0x2d0: {  	v13 =	vld [tilespmem:s9+$0x430];
	_ =	sdelay $0x4  }
0x2d1: {  	v14 =	vshll.u32 v13, $0x1  }
0x2d2: {  	v13 =	vand.u32 $0x7, v13;
	v14 =	vand.u32 $0xFFFFFFF0, v14  }
0x2d3: {  	v13 =	vor.u32 v13, v14  }
0x2d4: {  	v14 =	vperm.xlane v13, v8;
	_ =	sdelay $0x1  }
0x2d5: {  	v13 =	vperm.xlane v13, v10;
	v14 =	vadd.s32 v9, v14;
	_ =	sdelay $0x1  }
0x2d6: {  	v13 =	vadd.s32 v9, v13;
	_ =	sdelay $0x1  }
0x2d7: {  	s21 =	sor.u32 $0x3880, s6  }
0x2d8: {  	[tilespmem:s21], [sflag:s5] =	stream.indirect_vreg.gather [hbm4b:s1+s4], $0x80, v14, vm3, $0xb8;
	[tilespmem:$0x1C880] =	vst v63  }
0x2d9: {  	s6 =	sadd.s32 $0x4080, s6  }
0x2da: {  	[tilespmem:s6], [sflag:s5] =	stream.indirect_vreg.gather [hbm4b:s1+s4], $0x80, v13, vm3, $0xb8;
	[tilespmem:$0x1C880] =	vst v63  }
.LBB2_23:
0x2db: {  	s5 =	sshll.u32 s24, $0x7  }
0x2dc: {  	s21 =	sor.u32 s7, s5  }
0x2dd: {  	s5 =	scvt.s32.f32 s21;
	_ =	sdelay $0x1  }
0x2de: {  	s5 =	ssub.f32 s0, s5  }
0x2df: {  	s6 =	smul.u32 $0xAB, s24  }
0x2e0: {  	s5 =	smax.f32 s5, $0.0e+00  }
0x2e1: {  	s6 =	sshrl.u32 s6, $0xA;
	s5 =	smin.f32 s5, $6.400000000e+01  }
0x2e2: {  	s6 =	sand.u32 $0x3F, s6;
	s5 =	simm.s32 @p0 $0x42800000  }
0x2e3: {  	s8 =	smul.u32 $0x6, s6;
	s6 =	scvt.f32.s32 s5  }
0x2e4: {  	_ = 	snop  }
0x2e5: {  	p1 =	slt.s32 s6, $0x1  }
.Ltmp16:
0x2e6: {  	_ = 	snop;
	(pc) =	sbr.rel @p1 .LBB2_24-.Ltmp16, $3  }
0x2e7: {  	_ =	sdelay $0x1  }
0x2e8: {  	s14 =	ssub.s32 s24, s8  }
0x2e9: {  	s9 =	sand.u32 $0xFF, s14  }
0x2ea: {  	p1 =	sgt.u32 s6, $0x3F  }
.Ltmp17:
0x2eb: {  	_ = 	snop;
	(pc) =	sbr.rel @p1 .LBB2_34-.Ltmp17, $4  }
0x2ec: {  	s8 =	sadd.s32 $0x1, s9  }
0x2ed: {  	s5 =	sshll.u32 s9, $0x10;
	_ =	swait.ge [sflag:s8], $0x4000  }
0x2ee: {  	s5 =	sshrl.u32 s5, $0x2;
	[sflag:s8] =	ssyncset.done $0x0  }
0x2ef: {  	s10 =	sadd.s32 $0x880, s5;
	[sflag:s8] =	ssyncadd.s32 $0xFFFFC000  }
0x2f0: {  	s11 =	ssub.s32 $0x40, s6  }
0x2f1: {  	p2 =	sne.s32 s11, $0x1  }
.Ltmp18:
0x2f2: {  	_ = 	snop;
	(pc) =	sbr.rel @!p2 .LBB2_30-.Ltmp18, $3  }
0x2f3: {  	_ =	sdelay $0x1  }
0x2f4: {  	s13 =	sadd.s32 $0x880, s5;
	s5 =	sshll.u32 s6, $0x7;
	s8 =	sshll.u32 s6, $0x8  }
0x2f5: {  	p1 =	por $0x0, $0x0;
	s12 =	sand.u32 $0x7FFFF800, s8;
	s11 =	sadd.s32 $0xFFFFFFFF, s11  }
0x2f6: {  	s6 =	sand.u32 $0x380, s5;
	s12 =	sadd.s32 s12, s13  }
0x2f7: {  	s6 =	sadd.s32 s6, s12  }
0x2f8: {  	[tilespmem:s6+$0x470] =	vst v11  }
0x2f9: {  	[tilespmem:s6+$0x0] =	vst v11  }
0x2fa: {  	[tilespmem:s6+$0x10] =	vst v11  }
0x2fb: {  	[tilespmem:s6+$0x20] =	vst v11  }
0x2fc: {  	[tilespmem:s6+$0x30] =	vst v11  }
0x2fd: {  	[tilespmem:s6+$0x40] =	vst v11  }
0x2fe: {  	[tilespmem:s6+$0x50] =	vst v11  }
0x2ff: {  	[tilespmem:s6+$0x60] =	vst v11  }
0x300: {  	p2 =	sne.s32 s11, $0x1;
	[tilespmem:s6+$0x70] =	vst v11  }
.Ltmp19:
0x301: {  	[tilespmem:s6+$0x400] =	vst v11;
	(pc) =	sbr.rel @!p2 .LBB2_33-.Ltmp19, $4  }
0x302: {  	[tilespmem:s6+$0x410] =	vst v11  }
0x303: {  	[tilespmem:s6+$0x420] =	vst v11  }
0x304: {  	s8 =	sadd.s32 $0x100, s8;
	s11 =	sadd.s32 $0xFFFFFFFF, s11;
	[tilespmem:s6+$0x430] =	vst v11  }
0x305: {  	s5 =	sadd.s32 $0x80, s5;
	p1 =	por $0x1, $0x1;
	s12 =	sand.u32 $0x7FFFF800, s8;
	[tilespmem:s6+$0x440] =	vst v11  }
.LBB2_32:
0x306: {  	p2 =	sne.s32 s11, $0x1;
	s14 =	sand.u32 $0x380, s5;
	s12 =	sadd.s32 s12, s13;
	[tilespmem:s6+$0x450] =	vst v11  }
0x307: {  	[tilespmem:s6+$0x460] =	vst v11;
	s6 =	sadd.s32 s14, s12  }
0x308: {  	[tilespmem:s6+$0x470] =	vst v11  }
0x309: {  	[tilespmem:s6+$0x0] =	vst v11  }
0x30a: {  	[tilespmem:s6+$0x10] =	vst v11  }
0x30b: {  	[tilespmem:s6+$0x20] =	vst v11  }
0x30c: {  	[tilespmem:s6+$0x30] =	vst v11  }
0x30d: {  	[tilespmem:s6+$0x40] =	vst v11  }
0x30e: {  	[tilespmem:s6+$0x50] =	vst v11  }
0x30f: {  	[tilespmem:s6+$0x60] =	vst v11  }
0x310: {  	[tilespmem:s6+$0x70] =	vst v11  }
.Ltmp20:
0x311: {  	[tilespmem:s6+$0x400] =	vst v11;
	(pc) =	sbr.rel @p2 .LBB2_32-.Ltmp20, $4  }
0x312: {  	[tilespmem:s6+$0x410] =	vst v11  }
0x313: {  	[tilespmem:s6+$0x420] =	vst v11  }
0x314: {  	s8 =	sadd.s32 $0x100, s8;
	[tilespmem:s6+$0x430] =	vst v11  }
0x315: {  	s11 =	sadd.s32 $0xFFFFFFFF, s11;
	s5 =	sadd.s32 $0x80, s5;
	s12 =	sand.u32 $0x7FFFF800, s8;
	[tilespmem:s6+$0x440] =	vst v11  }
.LBB2_33:
0x316: {  	s5 =	sand.u32 $0x380, s5;
	s8 =	sadd.s32 s12, s13;
	[tilespmem:s6+$0x450] =	vst @p1 v11  }
0x317: {  	[tilespmem:s6+$0x460] =	vst @p1 v11;
	s5 =	sadd.s32 s5, s8  }
0x318: {  	[tilespmem:s5+$0x470] =	vst v11  }
0x319: {  	[tilespmem:s5+$0x0] =	vst v11  }
0x31a: {  	[tilespmem:s5+$0x10] =	vst v11  }
0x31b: {  	[tilespmem:s5+$0x20] =	vst v11  }
0x31c: {  	[tilespmem:s5+$0x30] =	vst v11  }
0x31d: {  	[tilespmem:s5+$0x40] =	vst v11  }
0x31e: {  	[tilespmem:s5+$0x50] =	vst v11  }
0x31f: {  	[tilespmem:s5+$0x60] =	vst v11  }
0x320: {  	[tilespmem:s5+$0x70] =	vst v11  }
0x321: {  	[tilespmem:s5+$0x400] =	vst v11  }
0x322: {  	[tilespmem:s5+$0x410] =	vst v11  }
.Ltmp21:
0x323: {  	[tilespmem:s5+$0x420] =	vst v11;
	(pc) =	sbr.rel .LBB2_34-.Ltmp21, $4  }
0x324: {  	[tilespmem:s5+$0x430] =	vst v11  }
0x325: {  	[tilespmem:s5+$0x440] =	vst v11  }
0x326: {  	[tilespmem:s5+$0x450] =	vst v11  }
0x327: {  	[tilespmem:s5+$0x460] =	vst v11  }
.LBB2_30:
.Ltmp22:
0x328: {  	(pc) =	sbr.rel .LBB2_33-.Ltmp22, $2  }
0x329: {  	_ =	sdelay $0x2  }
0x32a: {  	_ = 	snop  }
.LBB2_36:
0x32b: {  	_ =	sfence.sel $0x180000  }
0x32c: {  	[bflag:$0x0] =	sbarrier.arrive $0xFFFF  }
0x32d: {  	_ =	strace $0x90000047  }
0x32e: {  	s0 =	stileid.u32;
	[bflag:$0x2] =	sbarrier.arrive $0xFFFF  }
0x32f: {  	p0 =	sne.s32 s0, $0x0;
	s0 =	rddreg [dreg:$0x4]  }
0x330: {  	s0 =	sadd.s32 @!p0 $0x100000, s0  }
0x331: {  	[sflag:s0] =	ssyncadd.tile.s32 @!p0 $0x1;
	_ =	shalt  }
.Lfunc_end2:
_tile_overlayer_lowered:
.L_overlay_start_2:
0x332: {  	(tag) =	ssettag $0x2  }
0x333: {  	s0 =	rddreg [dreg:$0x0];
	s2 =	stileid.u32  }
0x334: {  	s1 =	rddreg [dreg:$0x1];
	p0 =	sne.s32 s2, $0x0  }
0x335: {  	s3 =	rddreg [dreg:$0x2];
	[bflag:$0x3] =	sbarrier.arrive $0xFFFF;
	s2 =	simm.s32 @!p0 $0x1C0D  }
0x336: {  	[timem:s3], [sflag:s2] =	dma.local @!p0 [hbm:s0], s1  }
0x337: {  	s0 =	simm.s32 @!p0 $0xD  }
0x338: {  	_ =	swait.ge @!p0 [sflag:s0], s1  }
0x339: {  	s1 =	ssub.s32 @!p0 $0x0, s1;
	[sflag:s0] =	ssyncset.done @!p0 $0x0  }
0x33a: {  	[sflag:s0] =	ssyncadd.s32 @!p0 s1  }
0x33b: {  	[bflag:$0x3] =	sbarrier.arrive $0xFFFF  }
0x33c: {  	_ =	shalt  }

</sc_bundles>
